<compile_context>
chip_gen: v7x
topology: tpu7x:2x2x1
jax: 0.10.2.dev20260603
libtpu: 0.0.44.dev20260713+nightly
codegen_flags: <defaults>
</compile_context>

<pallas_src>
import functools

import jax
import jax.numpy as jnp
from jax import lax
from jax.experimental import pallas as pl
from jax.experimental.pallas import tpu as pltpu
from jax.experimental.pallas import tpu_sc as plsc

NC = 2
NS = 16
NW = NC * NS
LW = 16

CH = 80
ACH = 40
RB = 5
def _npad(n):
    return ((n + 2047) // 2048) * 2048


def _mesh():
    return plsc.VectorSubcoreMesh(core_axis_name="c", subcore_axis_name="s")


def _degrees_sc(edge_index, n):
    e = edge_index.shape[0] // 2
    ept = e // NW
    nch = ept // CH
    npad = _npad(n)
    npt = npad // NS
    assert nch % RB == 0 and npt % CH == 0

    def body(ei_hbm, out_hbm, ones_s, ones_d, zbuf, sbufs, dbufs, acc,
             isems, ssems, dsems):
        c = lax.axis_index("c")
        s = lax.axis_index("s")
        wid = s * NC + c
        e0 = wid * ept

        lane = lax.iota(jnp.int32, 16)
        one = jnp.ones((LW,), jnp.float32)
        zero = jnp.zeros((LW,), jnp.float32)

        def fill(i, carry):
            ones_s[i] = jnp.where(lane < 8, one, zero)
            ones_d[i] = jnp.where(lane < 8, zero, one)
            zbuf[i] = zero
            return carry

        lax.fori_loop(0, CH, fill, 0)

        r0 = s * npt

        def zrow(i, carry):
            pltpu.sync_copy(zbuf, acc.at[pl.ds(r0 + i * CH, CH)])
            return carry

        lax.fori_loop(0, npt // CH, zrow, 0)
        plsc.subcore_barrier()

        def fire_i(gi, b):
            pltpu.async_copy(ei_hbm.at[pl.ds(e0 + gi * CH, CH)], sbufs[b],
                             isems[b])
            pltpu.async_copy(ei_hbm.at[pl.ds(e + e0 + gi * CH, CH)], dbufs[b],
                             isems[b])

        def wait_i(gi, b):
            pltpu.make_async_copy(ei_hbm.at[pl.ds(e0 + gi * CH, CH)],
                                  sbufs[b], isems[b]).wait()
            pltpu.make_async_copy(ei_hbm.at[pl.ds(e + e0 + gi * CH, CH)],
                                  dbufs[b], isems[b]).wait()

        def fire_s(gi, b):
            pltpu.async_copy(ones_s, acc.at[sbufs[b]], ssems[b], add=True)
            pltpu.async_copy(ones_d, acc.at[dbufs[b]], dsems[b], add=True)

        def wait_s(gi, b):
            pltpu.make_async_copy(ones_s, acc.at[sbufs[b]], ssems[b]).wait()
            pltpu.make_async_copy(ones_d, acc.at[dbufs[b]], dsems[b]).wait()

        for b in range(RB):
            fire_i(b, b)

        def grp(gg, carry):
            g = RB * gg
            for b in range(RB):
                wait_i(g + b, b)
                fire_s(g + b, b)
            for b in range(RB):
                wait_s(g + b, b)
                fire_i(g + RB + b, b)
            return carry

        lax.fori_loop(0, nch // RB - 1, grp, 0)
        ge = nch - RB
        for b in range(RB):
            wait_i(ge + b, b)
            fire_s(ge + b, b)
        for b in range(RB):
            wait_s(ge + b, b)
        plsc.subcore_barrier()

        pltpu.sync_copy(acc.at[pl.ds(r0, npt)], out_hbm.at[c, pl.ds(r0, npt)])

    def wrapped(ei_hbm, out_hbm, ones_s, ones_d, zbuf, *rest):
        sbufs = rest[:RB]
        dbufs = rest[RB:2 * RB]
        acc = rest[2 * RB]
        isems = rest[2 * RB + 1:3 * RB + 1]
        ssems = rest[3 * RB + 1:4 * RB + 1]
        dsems = rest[4 * RB + 1:]
        return body(ei_hbm, out_hbm, ones_s, ones_d, zbuf, sbufs, dbufs, acc,
                    isems, ssems, dsems)

    f = pl.kernel(
        wrapped,
        out_type=jax.ShapeDtypeStruct((NC, npad, LW), jnp.float32),
        mesh=_mesh(),
        compiler_params=pltpu.CompilerParams(use_tc_tiling_on_sc=False),
        scratch_types=[
            pltpu.VMEM((CH, LW), jnp.float32),
            pltpu.VMEM((CH, LW), jnp.float32),
            pltpu.VMEM((CH, LW), jnp.float32),
        ] + [pltpu.VMEM((CH,), jnp.int32) for _ in range(2 * RB)]
          + [pltpu.VMEM_SHARED((npad, LW), jnp.float32)]
          + [pltpu.SemaphoreType.DMA for _ in range(3 * RB)],
    )
    return f(edge_index)


def _aggregate_sc(t, edge_index, n, d, tc_tiling, dtype):
    e = edge_index.shape[0] // 2
    ept = e // NW
    nch = ept // ACH
    npad = _npad(n)
    npt = npad // NS
    assert nch % RB == 0 and npt % ACH == 0

    def body(t_hbm, ei_hbm, out_hbm, sidx, didx, rows, acc,
             gsems, dsems, ssems):
        c = lax.axis_index("c")
        s = lax.axis_index("s")
        wid = s * NC + c
        e0 = wid * ept

        pltpu.sync_copy(ei_hbm.at[pl.ds(e0, ept)], sidx)

        vw = LW if dtype == jnp.float32 else 2 * LW

        def zfill(i, carry):
            for j in range(d // vw):
                rows[0][i, pl.ds(j * vw, vw)] = jnp.zeros((vw,), dtype)
            return carry

        lax.fori_loop(0, ACH, zfill, 0)

        r0 = s * npt

        def zrow(i, carry):
            pltpu.sync_copy(rows[0], acc.at[pl.ds(r0 + i * ACH, ACH)])
            return carry

        lax.fori_loop(0, npt // ACH, zrow, 0)
        plsc.subcore_barrier()

        def fire_g(gi, b):
            pltpu.async_copy(t_hbm.at[sidx.at[pl.ds(gi * ACH, ACH)]], rows[b],
                             gsems[b])
            pltpu.async_copy(ei_hbm.at[pl.ds(e + e0 + gi * ACH, ACH)], didx[b],
                             dsems[b])

        def wait_g(gi, b):
            pltpu.make_async_copy(t_hbm.at[sidx.at[pl.ds(gi * ACH, ACH)]],
                                  rows[b], gsems[b]).wait()
            pltpu.make_async_copy(ei_hbm.at[pl.ds(e + e0 + gi * ACH, ACH)],
                                  didx[b], dsems[b]).wait()

        def fire_s(gi, b):
            pltpu.async_copy(rows[b], acc.at[didx[b]], ssems[b], add=True)

        def wait_s(gi, b):
            pltpu.make_async_copy(rows[b], acc.at[didx[b]], ssems[b]).wait()

        for b in range(RB):
            fire_g(b, b)

        def grp(gg, carry):
            g = RB * gg
            for b in range(RB):
                wait_g(g + b, b)
                fire_s(g + b, b)
            for b in range(RB):
                wait_s(g + b, b)
                fire_g(g + RB + b, b)
            return carry

        lax.fori_loop(0, nch // RB - 1, grp, 0)
        ge = nch - RB
        for b in range(RB):
            wait_g(ge + b, b)
            fire_s(ge + b, b)
        for b in range(RB):
            wait_s(ge + b, b)
        plsc.subcore_barrier()

        pltpu.sync_copy(acc.at[pl.ds(r0, npt)], out_hbm.at[c, pl.ds(r0, npt)])

    def wrapped(t_hbm, ei_hbm, out_hbm, sidx, *rest):
        didx = rest[:RB]
        rows = rest[RB:2 * RB]
        acc = rest[2 * RB]
        gsems = rest[2 * RB + 1:3 * RB + 1]
        dsems = rest[3 * RB + 1:4 * RB + 1]
        ssems = rest[4 * RB + 1:]
        return body(t_hbm, ei_hbm, out_hbm, sidx, didx, rows, acc,
                    gsems, dsems, ssems)

    f = pl.kernel(
        wrapped,
        out_type=jax.ShapeDtypeStruct((NC, npad, d), dtype),
        mesh=_mesh(),
        compiler_params=pltpu.CompilerParams(use_tc_tiling_on_sc=tc_tiling),
        scratch_types=[pltpu.VMEM((ept,), jnp.int32)]
          + [pltpu.VMEM((ACH,), jnp.int32) for _ in range(RB)]
          + [pltpu.VMEM((ACH, d), dtype) for _ in range(RB)]
          + [pltpu.VMEM_SHARED((npad, d), dtype)]
          + [pltpu.SemaphoreType.DMA for _ in range(3 * RB)],
    )
    return f(t, edge_index)


def _k1_body(x_ref, w1_ref, degp_ref, t1_ref, ns_ref, nd_ref):
    dp = degp_ref[...]
    deg_out = dp[0, :, 0] + dp[1, :, 0]
    deg_in = dp[0, :, 8] + dp[1, :, 8]
    ns = jnp.where(deg_out > 0, lax.rsqrt(jnp.maximum(deg_out, 1.0)), 0.0)
    nd = jnp.where(deg_in > 0, lax.rsqrt(jnp.maximum(deg_in, 1.0)), 0.0)
    t1 = jnp.dot(x_ref[...], w1_ref[...], preferred_element_type=jnp.float32)
    t1_ref[...] = (t1 * ns[:, None]).astype(t1_ref.dtype)
    ns_ref[...] = ns[:, None]
    nd_ref[...] = nd[:, None]


def _k3_body(ap_ref, nd_ref, b1_ref, w2_ref, ns_ref, t2_ref):
    a = ap_ref[0].astype(jnp.float32) + ap_ref[1].astype(jnp.float32)
    h = jnp.maximum(a * nd_ref[...] + b1_ref[...], 0.0)
    t2 = jnp.dot(h, w2_ref[...], preferred_element_type=jnp.float32)
    t2_ref[...] = (t2 * ns_ref[...]).astype(t2_ref.dtype)


def _k5_body(ap_ref, nd_ref, b2_ref, o_ref):
    a = ap_ref[0].astype(jnp.float32) + ap_ref[1].astype(jnp.float32)
    o_ref[...] = a * nd_ref[...] + b2_ref[...]


def kernel(x, edge_index, W1, b1, W2, b2):
    n, d_in = x.shape
    d_h = W1.shape[1]
    d_out = W2.shape[1]
    ei_flat = edge_index.reshape(-1)

    degp = _degrees_sc(ei_flat, n)

    R = 1000
    grid = (n // R,)

    t1, nsrc, ndst = pl.pallas_call(
        _k1_body,
        grid=grid,
        in_specs=[
            pl.BlockSpec((R, d_in), lambda i: (i, 0)),
            pl.BlockSpec((d_in, d_h), lambda i: (0, 0)),
            pl.BlockSpec((NC, R, LW), lambda i: (0, i, 0)),
        ],
        out_specs=[
            pl.BlockSpec((R, d_h), lambda i: (i, 0)),
            pl.BlockSpec((R, 1), lambda i: (i, 0)),
            pl.BlockSpec((R, 1), lambda i: (i, 0)),
        ],
        out_shape=[
            jax.ShapeDtypeStruct((n, d_h), jnp.bfloat16),
            jax.ShapeDtypeStruct((n, 1), jnp.float32),
            jax.ShapeDtypeStruct((n, 1), jnp.float32),
        ],
    )(x, W1, degp)

    agg1 = _aggregate_sc(t1, ei_flat, n, d_h, tc_tiling=False, dtype=jnp.bfloat16)

    t2 = pl.pallas_call(
        _k3_body,
        grid=grid,
        in_specs=[
            pl.BlockSpec((NC, R, d_h), lambda i: (0, i, 0)),
            pl.BlockSpec((R, 1), lambda i: (i, 0)),
            pl.BlockSpec((1, d_h), lambda i: (0, 0)),
            pl.BlockSpec((d_h, d_out), lambda i: (0, 0)),
            pl.BlockSpec((R, 1), lambda i: (i, 0)),
        ],
        out_specs=pl.BlockSpec((R, d_out), lambda i: (i, 0)),
        out_shape=jax.ShapeDtypeStruct((n, d_out), jnp.bfloat16),
    )(agg1, ndst, b1[None, :], W2, nsrc)

    agg2 = _aggregate_sc(t2, ei_flat, n, d_out, tc_tiling=False, dtype=jnp.bfloat16)

    out = pl.pallas_call(
        _k5_body,
        grid=grid,
        in_specs=[
            pl.BlockSpec((NC, R, d_out), lambda i: (0, i, 0)),
            pl.BlockSpec((R, 1), lambda i: (i, 0)),
            pl.BlockSpec((1, d_out), lambda i: (0, 0)),
        ],
        out_specs=pl.BlockSpec((R, d_out), lambda i: (i, 0)),
        out_shape=jax.ShapeDtypeStruct((n, d_out), jnp.float32),
    )(agg2, ndst, b2[None, :])

    return out

# --- scband reference (transcript-rebuilt; emitter-appended) ---
"""Pipeline reference for scband-gcn-8555574853994 (READ-ONLY COPY).

The authoritative reference and input builder live on the scoring server;
editing this copy changes nothing except your own understanding.
"""

import jax, jax.numpy as jnp
import numpy as np

N = 10000
E = 320000
D_IN = 128
D_H = 128
D_OUT = 64


def setup_inputs(seed: int = 0) -> dict:
    key = jax.random.key(seed)
    k1, k2, k3, k4, k5, k6 = jax.random.split(key, 6)
    x = jax.random.normal(k1, (N, D_IN), dtype=jnp.float32)
    edge_index = jax.random.randint(k2, (2, E), 0, N)
    W1 = jax.random.normal(k3, (D_IN, D_H), dtype=jnp.float32) * (1.0 / np.sqrt(D_IN))
    b1 = jnp.zeros((D_H,), dtype=jnp.float32)
    W2 = jax.random.normal(k4, (D_H, D_OUT), dtype=jnp.float32) * (1.0 / np.sqrt(D_H))
    b2 = jnp.zeros((D_OUT,), dtype=jnp.float32)
    return {"x": x, "edge_index": edge_index, "W1": W1, "b1": b1, "W2": W2, "b2": b2}


def _graph_conv(x, src, dst, W, b, n):
    # DGL GraphConv with norm='both': h = D_in^{-1/2} A D_out^{-1/2} x W + b
    ones = jnp.ones((src.shape[0],), dtype=x.dtype)
    deg_out = jax.ops.segment_sum(ones, src, num_segments=n)
    deg_in = jax.ops.segment_sum(ones, dst, num_segments=n)
    norm_src = jnp.where(deg_out > 0, 1.0 / jnp.sqrt(jnp.maximum(deg_out, 1.0)), 0.0)
    norm_dst = jnp.where(deg_in > 0, 1.0 / jnp.sqrt(jnp.maximum(deg_in, 1.0)), 0.0)
    h = x * norm_src[:, None]
    msgs = jnp.take(h, src, axis=0)
    agg = jax.ops.segment_sum(msgs, dst, num_segments=n)
    agg = agg * norm_dst[:, None]
    return agg @ W + b


def reference(x, edge_index, W1, b1, W2, b2):
    src = edge_index[0]
    dst = edge_index[1]
    h = _graph_conv(x, src, dst, W1, b1, N)
    h = jax.nn.relu(h)
    h = _graph_conv(h, src, dst, W2, b2, N)
    return h

if __name__ == "__main__":
    import jax
    _d = setup_inputs()
    print(jax.jit(kernel)(*tuple(_d.values())))

</pallas_src>

<mosaic_0001>
#map = affine_map<(d0, d1) -> (0, 0)>
#map1 = affine_map<(d0, d1) -> (0)>
#map2 = affine_map<(d0, d1) -> (0, 0, 0)>
module attributes {stable_mosaic.version = 14 : i64} {
  func.func @wrapped(%arg0: i32, %arg1: i32, %arg2: memref<10000x128xbf16, #tpu.memory_space<hbm>>, %arg3: memref<640000xi32, #tpu.memory_space<hbm>>, %arg4: memref<2x10240x128xbf16, #tpu.memory_space<hbm>>, %arg5: memref<10000xi32, #tpu.memory_space<vmem>>, %arg6: memref<40xi32, #tpu.memory_space<vmem>>, %arg7: memref<40xi32, #tpu.memory_space<vmem>>, %arg8: memref<40xi32, #tpu.memory_space<vmem>>, %arg9: memref<40xi32, #tpu.memory_space<vmem>>, %arg10: memref<40xi32, #tpu.memory_space<vmem>>, %arg11: memref<40x128xbf16, #tpu.memory_space<vmem>>, %arg12: memref<40x128xbf16, #tpu.memory_space<vmem>>, %arg13: memref<40x128xbf16, #tpu.memory_space<vmem>>, %arg14: memref<40x128xbf16, #tpu.memory_space<vmem>>, %arg15: memref<40x128xbf16, #tpu.memory_space<vmem>>, %arg16: memref<10240x128xbf16, #tpu.memory_space<vmem_shared>>, %arg17: memref<!tpu.dma_semaphore, #tpu.memory_space<semaphore_mem>>, %arg18: memref<!tpu.dma_semaphore, #tpu.memory_space<semaphore_mem>>, %arg19: memref<!tpu.dma_semaphore, #tpu.memory_space<semaphore_mem>>, %arg20: memref<!tpu.dma_semaphore, #tpu.memory_space<semaphore_mem>>, %arg21: memref<!tpu.dma_semaphore, #tpu.memory_space<semaphore_mem>>, %arg22: memref<!tpu.dma_semaphore, #tpu.memory_space<semaphore_mem>>, %arg23: memref<!tpu.dma_semaphore, #tpu.memory_space<semaphore_mem>>, %arg24: memref<!tpu.dma_semaphore, #tpu.memory_space<semaphore_mem>>, %arg25: memref<!tpu.dma_semaphore, #tpu.memory_space<semaphore_mem>>, %arg26: memref<!tpu.dma_semaphore, #tpu.memory_space<semaphore_mem>>, %arg27: memref<!tpu.dma_semaphore, #tpu.memory_space<semaphore_mem>>, %arg28: memref<!tpu.dma_semaphore, #tpu.memory_space<semaphore_mem>>, %arg29: memref<!tpu.dma_semaphore, #tpu.memory_space<semaphore_mem>>, %arg30: memref<!tpu.dma_semaphore, #tpu.memory_space<semaphore_mem>>, %arg31: memref<!tpu.dma_semaphore, #tpu.memory_space<semaphore_mem>>) attributes {dimension_semantics = [#tpu.dimension_semantics<core_parallel>, #tpu.dimension_semantics<subcore_parallel>], iteration_bounds = array<i64: 2, 16>, scalar_prefetch = 0 : i64, scratch_operands = 27 : i64, tpu.core_type = #tpu.core_type<sc_vector_subcore>, window_params = [{transform_indices = #map}, {transform_indices = #map1}, {transform_indices = #map2}]} {
    %mul3A = arith.constant 2 : i32
    %mul3A_0 = arith.muli %arg1, %mul3A : i32
    %add3A = arith.addi %mul3A_0, %arg0 : i32
    %mul3A_1 = arith.constant 10000 : i32
    %mul3A_2 = arith.muli %add3A, %mul3A_1 : i32
    "tpu.region"() ({
      %run_scoped3A = tpu.sem_alloc : memref<!tpu.dma_semaphore, #tpu.memory_space<semaphore_mem>>
      %dma_start3A_161 = tpu.memref_slice %arg3[%mul3A_2] : memref<640000xi32, #tpu.memory_space<hbm>> -> memref<10000xi32, #tpu.memory_space<hbm>>
      %dma_start3A_162 = tpu.memref_slice %arg3[%mul3A_2] : memref<640000xi32, #tpu.memory_space<hbm>> -> memref<10000xi32, #tpu.memory_space<hbm>>
      tpu.enqueue_dma source(%dma_start3A_162 : memref<10000xi32, #tpu.memory_space<hbm>>) target(%arg5 : memref<10000xi32, #tpu.memory_space<vmem>>) target_semaphore(%run_scoped3A : memref<!tpu.dma_semaphore, #tpu.memory_space<semaphore_mem>>)
      %dma_wait3A_163 = tpu.memref_slice %arg3[%mul3A_2] : memref<640000xi32, #tpu.memory_space<hbm>> -> memref<10000xi32, #tpu.memory_space<hbm>>
      %dma_wait3A_164 = tpu.memref_slice %arg3[%mul3A_2] : memref<640000xi32, #tpu.memory_space<hbm>> -> memref<10000xi32, #tpu.memory_space<hbm>>
      tpu.wait_dma2 semaphore(%run_scoped3A : memref<!tpu.dma_semaphore, #tpu.memory_space<semaphore_mem>>) src(%dma_wait3A_164 : memref<10000xi32, #tpu.memory_space<hbm>>) dst(%arg5 : memref<10000xi32, #tpu.memory_space<vmem>>)
      tpu.yield
    }) : () -> ()
    %scan3A = arith.constant 0 : i32
    %scan3A_3 = arith.constant 0 : i32
    %scan3A_4 = arith.constant 40 : i32
    %scan3A_5 = arith.addi %scan3A_3, %scan3A_4 : i32
    %scan3A_6 = arith.constant 1 : i32
    scf.for %scan3A_161 = %scan3A_3 to %scan3A_5 step %scan3A_6  : i32 {
      %broadcast_in_dim3A = arith.constant 0.000000e+00 : bf16
      %broadcast_in_dim3A_162 = vector.broadcast %broadcast_in_dim3A : bf16 to vector<32xbf16>
      %swap3A = arith.index_cast %scan3A_161 : i32 to index
      %swap3A_163 = arith.constant 0 : index
      %swap3A_164 = tpu.vector_load %arg11[%swap3A, %swap3A_163] {strides = array<i32>} : memref<40x128xbf16, #tpu.memory_space<vmem>>, vector<1x32xbf16>,
      %swap3A_165 = vector.shape_cast %swap3A_164 : vector<1x32xbf16> to vector<32xbf16>
      %swap3A_166 = vector.shape_cast %broadcast_in_dim3A_162 : vector<32xbf16> to vector<1x32xbf16>
      tpu.vector_store %arg11[%swap3A, %swap3A_163], %swap3A_166 {strides = array<i32>} : memref<40x128xbf16, #tpu.memory_space<vmem>>, vector<1x32xbf16>,
      %broadcast_in_dim3A_167 = arith.constant 0.000000e+00 : bf16
      %broadcast_in_dim3A_168 = vector.broadcast %broadcast_in_dim3A_167 : bf16 to vector<32xbf16>
      %swap3A_169 = arith.index_cast %scan3A_161 : i32 to index
      %swap3A_170 = arith.constant 32 : index
      %swap3A_171 = tpu.vector_load %arg11[%swap3A_169, %swap3A_170] {strides = array<i32>} : memref<40x128xbf16, #tpu.memory_space<vmem>>, vector<1x32xbf16>,
      %swap3A_172 = vector.shape_cast %swap3A_171 : vector<1x32xbf16> to vector<32xbf16>
      %swap3A_173 = vector.shape_cast %broadcast_in_dim3A_168 : vector<32xbf16> to vector<1x32xbf16>
      tpu.vector_store %arg11[%swap3A_169, %swap3A_170], %swap3A_173 {strides = array<i32>} : memref<40x128xbf16, #tpu.memory_space<vmem>>, vector<1x32xbf16>,
      %broadcast_in_dim3A_174 = arith.constant 0.000000e+00 : bf16
      %broadcast_in_dim3A_175 = vector.broadcast %broadcast_in_dim3A_174 : bf16 to vector<32xbf16>
      %swap3A_176 = arith.index_cast %scan3A_161 : i32 to index
      %swap3A_177 = arith.constant 64 : index
      %swap3A_178 = tpu.vector_load %arg11[%swap3A_176, %swap3A_177] {strides = array<i32>} : memref<40x128xbf16, #tpu.memory_space<vmem>>, vector<1x32xbf16>,
      %swap3A_179 = vector.shape_cast %swap3A_178 : vector<1x32xbf16> to vector<32xbf16>
      %swap3A_180 = vector.shape_cast %broadcast_in_dim3A_175 : vector<32xbf16> to vector<1x32xbf16>
      tpu.vector_store %arg11[%swap3A_176, %swap3A_177], %swap3A_180 {strides = array<i32>} : memref<40x128xbf16, #tpu.memory_space<vmem>>, vector<1x32xbf16>,
      %broadcast_in_dim3A_181 = arith.constant 0.000000e+00 : bf16
      %broadcast_in_dim3A_182 = vector.broadcast %broadcast_in_dim3A_181 : bf16 to vector<32xbf16>
      %swap3A_183 = arith.index_cast %scan3A_161 : i32 to index
      %swap3A_184 = arith.constant 96 : index
      %swap3A_185 = tpu.vector_load %arg11[%swap3A_183, %swap3A_184] {strides = array<i32>} : memref<40x128xbf16, #tpu.memory_space<vmem>>, vector<1x32xbf16>,
      %swap3A_186 = vector.shape_cast %swap3A_185 : vector<1x32xbf16> to vector<32xbf16>
      %swap3A_187 = vector.shape_cast %broadcast_in_dim3A_182 : vector<32xbf16> to vector<1x32xbf16>
      tpu.vector_store %arg11[%swap3A_183, %swap3A_184], %swap3A_187 {strides = array<i32>} : memref<40x128xbf16, #tpu.memory_space<vmem>>, vector<1x32xbf16>,
    }
    %scan3A_7 = arith.constant 40 : i32
    %mul3A_8 = arith.constant 640 : i32
    %mul3A_9 = arith.muli %arg1, %mul3A_8 : i32
    %scan3A_10 = arith.constant 0 : i32
    %scan3A_11 = arith.constant 0 : i32
    %scan3A_12 = arith.constant 16 : i32
    %scan3A_13 = arith.addi %scan3A_11, %scan3A_12 : i32
    %scan3A_14 = arith.constant 1 : i32
    scf.for %scan3A_161 = %scan3A_11 to %scan3A_13 step %scan3A_14  : i32 {
      %mul3A_162 = arith.constant 40 : i32
      %mul3A_163 = arith.muli %scan3A_161, %mul3A_162 : i32
      %add3A_164 = arith.addi %mul3A_9, %mul3A_163 : i32
      "tpu.region"() ({
        %run_scoped3A = tpu.sem_alloc : memref<!tpu.dma_semaphore, #tpu.memory_space<semaphore_mem>>
        %dma_start3A_165 = arith.constant 0 : i32
        %dma_start3A_166 = tpu.memref_slice %arg16[%add3A_164, %dma_start3A_165] : memref<10240x128xbf16, #tpu.memory_space<vmem_shared>> -> memref<40x128xbf16, #tpu.memory_space<vmem_shared>>
        %dma_start3A_167 = arith.constant 0 : i32
        %dma_start3A_168 = tpu.memref_slice %arg16[%add3A_164, %dma_start3A_167] : memref<10240x128xbf16, #tpu.memory_space<vmem_shared>> -> memref<40x128xbf16, #tpu.memory_space<vmem_shared>>
        tpu.enqueue_dma source(%arg11 : memref<40x128xbf16, #tpu.memory_space<vmem>>) target(%dma_start3A_168 : memref<40x128xbf16, #tpu.memory_space<vmem_shared>>) target_semaphore(%run_scoped3A : memref<!tpu.dma_semaphore, #tpu.memory_space<semaphore_mem>>)
        %dma_wait3A_169 = arith.constant 0 : i32
        %dma_wait3A_170 = tpu.memref_slice %arg16[%add3A_164, %dma_wait3A_169] : memref<10240x128xbf16, #tpu.memory_space<vmem_shared>> -> memref<40x128xbf16, #tpu.memory_space<vmem_shared>>
        %dma_wait3A_171 = arith.constant 0 : i32
        %dma_wait3A_172 = tpu.memref_slice %arg16[%add3A_164, %dma_wait3A_171] : memref<10240x128xbf16, #tpu.memory_space<vmem_shared>> -> memref<40x128xbf16, #tpu.memory_space<vmem_shared>>
        tpu.wait_dma2 semaphore(%run_scoped3A : memref<!tpu.dma_semaphore, #tpu.memory_space<semaphore_mem>>) src(%arg11 : memref<40x128xbf16, #tpu.memory_space<vmem>>) dst(%dma_wait3A_172 : memref<40x128xbf16, #tpu.memory_space<vmem_shared>>)
        tpu.yield
      }) : () -> ()
    }
    %scan3A_15 = arith.constant 16 : i32
    %barrier3A = arith.constant 0 : index
    tpu.barrier barrier_id(%barrier3A)
    %dma_start3A = arith.constant 0 : i32
    %dma_start3A_16 = tpu.memref_slice %arg5[%dma_start3A] : memref<10000xi32, #tpu.memory_space<vmem>> -> memref<40xi32, #tpu.memory_space<vmem>>
    %dma_start3A_17 = arith.constant 0 : i32
    %dma_start3A_18 = arith.constant 0 : i32
    %dma_start3A_19 = tpu.memref_slice %arg2[%dma_start3A_17, %dma_start3A_18] : memref<10000x128xbf16, #tpu.memory_space<hbm>> -> memref<10000x128xbf16, #tpu.memory_space<hbm>>
    tpu.enqueue_indirect_dma source(%dma_start3A_19 : memref<10000x128xbf16, #tpu.memory_space<hbm>>) target(%arg11 : memref<40x128xbf16, #tpu.memory_space<vmem>>) offsets(%dma_start3A_16 : memref<40xi32, #tpu.memory_space<vmem>>) semaphore(%arg17 : memref<!tpu.dma_semaphore, #tpu.memory_space<semaphore_mem>>)
    %add3A_20 = arith.constant 320000 : i32
    %add3A_21 = arith.addi %add3A_20, %mul3A_2 : i32
    %add3A_22 = arith.constant 0 : i32
    %add3A_23 = arith.addi %add3A_21, %add3A_22 : i32
    %dma_start3A_24 = tpu.memref_slice %arg3[%add3A_23] : memref<640000xi32, #tpu.memory_space<hbm>> -> memref<40xi32, #tpu.memory_space<hbm>>
    %dma_start3A_25 = tpu.memref_slice %arg3[%add3A_23] : memref<640000xi32, #tpu.memory_space<hbm>> -> memref<40xi32, #tpu.memory_space<hbm>>
    tpu.enqueue_dma source(%dma_start3A_25 : memref<40xi32, #tpu.memory_space<hbm>>) target(%arg6 : memref<40xi32, #tpu.memory_space<vmem>>) target_semaphore(%arg22 : memref<!tpu.dma_semaphore, #tpu.memory_space<semaphore_mem>>)
    %dma_start3A_26 = arith.constant 40 : i32
    %dma_start3A_27 = tpu.memref_slice %arg5[%dma_start3A_26] : memref<10000xi32, #tpu.memory_space<vmem>> -> memref<40xi32, #tpu.memory_space<vmem>>
    %dma_start3A_28 = arith.constant 0 : i32
    %dma_start3A_29 = arith.constant 0 : i32
    %dma_start3A_30 = tpu.memref_slice %arg2[%dma_start3A_28, %dma_start3A_29] : memref<10000x128xbf16, #tpu.memory_space<hbm>> -> memref<10000x128xbf16, #tpu.memory_space<hbm>>
    tpu.enqueue_indirect_dma source(%dma_start3A_30 : memref<10000x128xbf16, #tpu.memory_space<hbm>>) target(%arg12 : memref<40x128xbf16, #tpu.memory_space<vmem>>) offsets(%dma_start3A_27 : memref<40xi32, #tpu.memory_space<vmem>>) semaphore(%arg18 : memref<!tpu.dma_semaphore, #tpu.memory_space<semaphore_mem>>)
    %add3A_31 = arith.constant 320000 : i32
    %add3A_32 = arith.addi %add3A_31, %mul3A_2 : i32
    %add3A_33 = arith.constant 40 : i32
    %add3A_34 = arith.addi %add3A_32, %add3A_33 : i32
    %dma_start3A_35 = tpu.memref_slice %arg3[%add3A_34] : memref<640000xi32, #tpu.memory_space<hbm>> -> memref<40xi32, #tpu.memory_space<hbm>>
    %dma_start3A_36 = tpu.memref_slice %arg3[%add3A_34] : memref<640000xi32, #tpu.memory_space<hbm>> -> memref<40xi32, #tpu.memory_space<hbm>>
    tpu.enqueue_dma source(%dma_start3A_36 : memref<40xi32, #tpu.memory_space<hbm>>) target(%arg7 : memref<40xi32, #tpu.memory_space<vmem>>) target_semaphore(%arg23 : memref<!tpu.dma_semaphore, #tpu.memory_space<semaphore_mem>>)
    %dma_start3A_37 = arith.constant 80 : i32
    %dma_start3A_38 = tpu.memref_slice %arg5[%dma_start3A_37] : memref<10000xi32, #tpu.memory_space<vmem>> -> memref<40xi32, #tpu.memory_space<vmem>>
    %dma_start3A_39 = arith.constant 0 : i32
    %dma_start3A_40 = arith.constant 0 : i32
    %dma_start3A_41 = tpu.memref_slice %arg2[%dma_start3A_39, %dma_start3A_40] : memref<10000x128xbf16, #tpu.memory_space<hbm>> -> memref<10000x128xbf16, #tpu.memory_space<hbm>>
    tpu.enqueue_indirect_dma source(%dma_start3A_41 : memref<10000x128xbf16, #tpu.memory_space<hbm>>) target(%arg13 : memref<40x128xbf16, #tpu.memory_space<vmem>>) offsets(%dma_start3A_38 : memref<40xi32, #tpu.memory_space<vmem>>) semaphore(%arg19 : memref<!tpu.dma_semaphore, #tpu.memory_space<semaphore_mem>>)
    %add3A_42 = arith.constant 320000 : i32
    %add3A_43 = arith.addi %add3A_42, %mul3A_2 : i32
    %add3A_44 = arith.constant 80 : i32
    %add3A_45 = arith.addi %add3A_43, %add3A_44 : i32
    %dma_start3A_46 = tpu.memref_slice %arg3[%add3A_45] : memref<640000xi32, #tpu.memory_space<hbm>> -> memref<40xi32, #tpu.memory_space<hbm>>
    %dma_start3A_47 = tpu.memref_slice %arg3[%add3A_45] : memref<640000xi32, #tpu.memory_space<hbm>> -> memref<40xi32, #tpu.memory_space<hbm>>
    tpu.enqueue_dma source(%dma_start3A_47 : memref<40xi32, #tpu.memory_space<hbm>>) target(%arg8 : memref<40xi32, #tpu.memory_space<vmem>>) target_semaphore(%arg24 : memref<!tpu.dma_semaphore, #tpu.memory_space<semaphore_mem>>)
    %dma_start3A_48 = arith.constant 120 : i32
    %dma_start3A_49 = tpu.memref_slice %arg5[%dma_start3A_48] : memref<10000xi32, #tpu.memory_space<vmem>> -> memref<40xi32, #tpu.memory_space<vmem>>
    %dma_start3A_50 = arith.constant 0 : i32
    %dma_start3A_51 = arith.constant 0 : i32
    %dma_start3A_52 = tpu.memref_slice %arg2[%dma_start3A_50, %dma_start3A_51] : memref<10000x128xbf16, #tpu.memory_space<hbm>> -> memref<10000x128xbf16, #tpu.memory_space<hbm>>
    tpu.enqueue_indirect_dma source(%dma_start3A_52 : memref<10000x128xbf16, #tpu.memory_space<hbm>>) target(%arg14 : memref<40x128xbf16, #tpu.memory_space<vmem>>) offsets(%dma_start3A_49 : memref<40xi32, #tpu.memory_space<vmem>>) semaphore(%arg20 : memref<!tpu.dma_semaphore, #tpu.memory_space<semaphore_mem>>)
    %add3A_53 = arith.constant 320000 : i32
    %add3A_54 = arith.addi %add3A_53, %mul3A_2 : i32
    %add3A_55 = arith.constant 120 : i32
    %add3A_56 = arith.addi %add3A_54, %add3A_55 : i32
    %dma_start3A_57 = tpu.memref_slice %arg3[%add3A_56] : memref<640000xi32, #tpu.memory_space<hbm>> -> memref<40xi32, #tpu.memory_space<hbm>>
    %dma_start3A_58 = tpu.memref_slice %arg3[%add3A_56] : memref<640000xi32, #tpu.memory_space<hbm>> -> memref<40xi32, #tpu.memory_space<hbm>>
    tpu.enqueue_dma source(%dma_start3A_58 : memref<40xi32, #tpu.memory_space<hbm>>) target(%arg9 : memref<40xi32, #tpu.memory_space<vmem>>) target_semaphore(%arg25 : memref<!tpu.dma_semaphore, #tpu.memory_space<semaphore_mem>>)
    %dma_start3A_59 = arith.constant 160 : i32
    %dma_start3A_60 = tpu.memref_slice %arg5[%dma_start3A_59] : memref<10000xi32, #tpu.memory_space<vmem>> -> memref<40xi32, #tpu.memory_space<vmem>>
    %dma_start3A_61 = arith.constant 0 : i32
    %dma_start3A_62 = arith.constant 0 : i32
    %dma_start3A_63 = tpu.memref_slice %arg2[%dma_start3A_61, %dma_start3A_62] : memref<10000x128xbf16, #tpu.memory_space<hbm>> -> memref<10000x128xbf16, #tpu.memory_space<hbm>>
    tpu.enqueue_indirect_dma source(%dma_start3A_63 : memref<10000x128xbf16, #tpu.memory_space<hbm>>) target(%arg15 : memref<40x128xbf16, #tpu.memory_space<vmem>>) offsets(%dma_start3A_60 : memref<40xi32, #tpu.memory_space<vmem>>) semaphore(%arg21 : memref<!tpu.dma_semaphore, #tpu.memory_space<semaphore_mem>>)
    %add3A_64 = arith.constant 320000 : i32
    %add3A_65 = arith.addi %add3A_64, %mul3A_2 : i32
    %add3A_66 = arith.constant 160 : i32
    %add3A_67 = arith.addi %add3A_65, %add3A_66 : i32
    %dma_start3A_68 = tpu.memref_slice %arg3[%add3A_67] : memref<640000xi32, #tpu.memory_space<hbm>> -> memref<40xi32, #tpu.memory_space<hbm>>
    %dma_start3A_69 = tpu.memref_slice %arg3[%add3A_67] : memref<640000xi32, #tpu.memory_space<hbm>> -> memref<40xi32, #tpu.memory_space<hbm>>
    tpu.enqueue_dma source(%dma_start3A_69 : memref<40xi32, #tpu.memory_space<hbm>>) target(%arg10 : memref<40xi32, #tpu.memory_space<vmem>>) target_semaphore(%arg26 : memref<!tpu.dma_semaphore, #tpu.memory_space<semaphore_mem>>)
    %scan3A_70 = arith.constant 0 : i32
    %scan3A_71 = arith.constant 0 : i32
    %scan3A_72 = arith.constant 49 : i32
    %scan3A_73 = arith.addi %scan3A_71, %scan3A_72 : i32
    %scan3A_74 = arith.constant 1 : i32
    scf.for %scan3A_161 = %scan3A_71 to %scan3A_73 step %scan3A_74  : i32 {
      %mul3A_162 = arith.constant 5 : i32
      %mul3A_163 = arith.muli %mul3A_162, %scan3A_161 : i32
      %add3A_164 = arith.constant 0 : i32
      %add3A_165 = arith.addi %mul3A_163, %add3A_164 : i32
      %mul3A_166 = arith.constant 40 : i32
      %mul3A_167 = arith.muli %add3A_165, %mul3A_166 : i32
      %dma_wait3A_168 = tpu.memref_slice %arg5[%mul3A_167] : memref<10000xi32, #tpu.memory_space<vmem>> -> memref<40xi32, #tpu.memory_space<vmem>>
      %dma_wait3A_169 = arith.constant 0 : i32
      %dma_wait3A_170 = arith.constant 0 : i32
      %dma_wait3A_171 = tpu.memref_slice %arg2[%dma_wait3A_169, %dma_wait3A_170] : memref<10000x128xbf16, #tpu.memory_space<hbm>> -> memref<10000x128xbf16, #tpu.memory_space<hbm>>
      tpu.wait_indirect_dma semaphore(%arg17 : memref<!tpu.dma_semaphore, #tpu.memory_space<semaphore_mem>>) src(%dma_wait3A_171 : memref<10000x128xbf16, #tpu.memory_space<hbm>>) dst(%arg11 : memref<40x128xbf16, #tpu.memory_space<vmem>>)
      %add3A_172 = arith.constant 320000 : i32
      %add3A_173 = arith.addi %add3A_172, %mul3A_2 : i32
      %mul3A_174 = arith.constant 40 : i32
      %mul3A_175 = arith.muli %add3A_165, %mul3A_174 : i32
      %add3A_176 = arith.addi %add3A_173, %mul3A_175 : i32
      %dma_wait3A_177 = tpu.memref_slice %arg3[%add3A_176] : memref<640000xi32, #tpu.memory_space<hbm>> -> memref<40xi32, #tpu.memory_space<hbm>>
      %dma_wait3A_178 = tpu.memref_slice %arg3[%add3A_176] : memref<640000xi32, #tpu.memory_space<hbm>> -> memref<40xi32, #tpu.memory_space<hbm>>
      tpu.wait_dma2 semaphore(%arg22 : memref<!tpu.dma_semaphore, #tpu.memory_space<semaphore_mem>>) src(%dma_wait3A_178 : memref<40xi32, #tpu.memory_space<hbm>>) dst(%arg6 : memref<40xi32, #tpu.memory_space<vmem>>)
      %add3A_179 = arith.constant 0 : i32
      %add3A_180 = arith.addi %mul3A_163, %add3A_179 : i32
      %dma_start3A_181 = arith.constant 0 : i32
      %dma_start3A_182 = arith.constant 0 : i32
      %dma_start3A_183 = tpu.memref_slice %arg16[%dma_start3A_181, %dma_start3A_182] : memref<10240x128xbf16, #tpu.memory_space<vmem_shared>> -> memref<10240x128xbf16, #tpu.memory_space<vmem_shared>>
      tpu.enqueue_indirect_dma source(%arg11 : memref<40x128xbf16, #tpu.memory_space<vmem>>) target(%dma_start3A_183 : memref<10240x128xbf16, #tpu.memory_space<vmem_shared>>) offsets(%arg6 : memref<40xi32, #tpu.memory_space<vmem>>) semaphore(%arg27 : memref<!tpu.dma_semaphore, #tpu.memory_space<semaphore_mem>>) {add = true}
      %add3A_184 = arith.constant 1 : i32
      %add3A_185 = arith.addi %mul3A_163, %add3A_184 : i32
      %mul3A_186 = arith.constant 40 : i32
      %mul3A_187 = arith.muli %add3A_185, %mul3A_186 : i32
      %dma_wait3A_188 = tpu.memref_slice %arg5[%mul3A_187] : memref<10000xi32, #tpu.memory_space<vmem>> -> memref<40xi32, #tpu.memory_space<vmem>>
      %dma_wait3A_189 = arith.constant 0 : i32
      %dma_wait3A_190 = arith.constant 0 : i32
      %dma_wait3A_191 = tpu.memref_slice %arg2[%dma_wait3A_189, %dma_wait3A_190] : memref<10000x128xbf16, #tpu.memory_space<hbm>> -> memref<10000x128xbf16, #tpu.memory_space<hbm>>
      tpu.wait_indirect_dma semaphore(%arg18 : memref<!tpu.dma_semaphore, #tpu.memory_space<semaphore_mem>>) src(%dma_wait3A_191 : memref<10000x128xbf16, #tpu.memory_space<hbm>>) dst(%arg12 : memref<40x128xbf16, #tpu.memory_space<vmem>>)
      %add3A_192 = arith.constant 320000 : i32
      %add3A_193 = arith.addi %add3A_192, %mul3A_2 : i32
      %mul3A_194 = arith.constant 40 : i32
      %mul3A_195 = arith.muli %add3A_185, %mul3A_194 : i32
      %add3A_196 = arith.addi %add3A_193, %mul3A_195 : i32
      %dma_wait3A_197 = tpu.memref_slice %arg3[%add3A_196] : memref<640000xi32, #tpu.memory_space<hbm>> -> memref<40xi32, #tpu.memory_space<hbm>>
      %dma_wait3A_198 = tpu.memref_slice %arg3[%add3A_196] : memref<640000xi32, #tpu.memory_space<hbm>> -> memref<40xi32, #tpu.memory_space<hbm>>
      tpu.wait_dma2 semaphore(%arg23 : memref<!tpu.dma_semaphore, #tpu.memory_space<semaphore_mem>>) src(%dma_wait3A_198 : memref<40xi32, #tpu.memory_space<hbm>>) dst(%arg7 : memref<40xi32, #tpu.memory_space<vmem>>)
      %add3A_199 = arith.constant 1 : i32
      %add3A_200 = arith.addi %mul3A_163, %add3A_199 : i32
      %dma_start3A_201 = arith.constant 0 : i32
      %dma_start3A_202 = arith.constant 0 : i32
      %dma_start3A_203 = tpu.memref_slice %arg16[%dma_start3A_201, %dma_start3A_202] : memref<10240x128xbf16, #tpu.memory_space<vmem_shared>> -> memref<10240x128xbf16, #tpu.memory_space<vmem_shared>>
      tpu.enqueue_indirect_dma source(%arg12 : memref<40x128xbf16, #tpu.memory_space<vmem>>) target(%dma_start3A_203 : memref<10240x128xbf16, #tpu.memory_space<vmem_shared>>) offsets(%arg7 : memref<40xi32, #tpu.memory_space<vmem>>) semaphore(%arg28 : memref<!tpu.dma_semaphore, #tpu.memory_space<semaphore_mem>>) {add = true}
      %add3A_204 = arith.constant 2 : i32
      %add3A_205 = arith.addi %mul3A_163, %add3A_204 : i32
      %mul3A_206 = arith.constant 40 : i32
      %mul3A_207 = arith.muli %add3A_205, %mul3A_206 : i32
      %dma_wait3A_208 = tpu.memref_slice %arg5[%mul3A_207] : memref<10000xi32, #tpu.memory_space<vmem>> -> memref<40xi32, #tpu.memory_space<vmem>>
      %dma_wait3A_209 = arith.constant 0 : i32
      %dma_wait3A_210 = arith.constant 0 : i32
      %dma_wait3A_211 = tpu.memref_slice %arg2[%dma_wait3A_209, %dma_wait3A_210] : memref<10000x128xbf16, #tpu.memory_space<hbm>> -> memref<10000x128xbf16, #tpu.memory_space<hbm>>
      tpu.wait_indirect_dma semaphore(%arg19 : memref<!tpu.dma_semaphore, #tpu.memory_space<semaphore_mem>>) src(%dma_wait3A_211 : memref<10000x128xbf16, #tpu.memory_space<hbm>>) dst(%arg13 : memref<40x128xbf16, #tpu.memory_space<vmem>>)
      %add3A_212 = arith.constant 320000 : i32
      %add3A_213 = arith.addi %add3A_212, %mul3A_2 : i32
      %mul3A_214 = arith.constant 40 : i32
      %mul3A_215 = arith.muli %add3A_205, %mul3A_214 : i32
      %add3A_216 = arith.addi %add3A_213, %mul3A_215 : i32
      %dma_wait3A_217 = tpu.memref_slice %arg3[%add3A_216] : memref<640000xi32, #tpu.memory_space<hbm>> -> memref<40xi32, #tpu.memory_space<hbm>>
      %dma_wait3A_218 = tpu.memref_slice %arg3[%add3A_216] : memref<640000xi32, #tpu.memory_space<hbm>> -> memref<40xi32, #tpu.memory_space<hbm>>
      tpu.wait_dma2 semaphore(%arg24 : memref<!tpu.dma_semaphore, #tpu.memory_space<semaphore_mem>>) src(%dma_wait3A_218 : memref<40xi32, #tpu.memory_space<hbm>>) dst(%arg8 : memref<40xi32, #tpu.memory_space<vmem>>)
      %add3A_219 = arith.constant 2 : i32
      %add3A_220 = arith.addi %mul3A_163, %add3A_219 : i32
      %dma_start3A_221 = arith.constant 0 : i32
      %dma_start3A_222 = arith.constant 0 : i32
      %dma_start3A_223 = tpu.memref_slice %arg16[%dma_start3A_221, %dma_start3A_222] : memref<10240x128xbf16, #tpu.memory_space<vmem_shared>> -> memref<10240x128xbf16, #tpu.memory_space<vmem_shared>>
      tpu.enqueue_indirect_dma source(%arg13 : memref<40x128xbf16, #tpu.memory_space<vmem>>) target(%dma_start3A_223 : memref<10240x128xbf16, #tpu.memory_space<vmem_shared>>) offsets(%arg8 : memref<40xi32, #tpu.memory_space<vmem>>) semaphore(%arg29 : memref<!tpu.dma_semaphore, #tpu.memory_space<semaphore_mem>>) {add = true}
      %add3A_224 = arith.constant 3 : i32
      %add3A_225 = arith.addi %mul3A_163, %add3A_224 : i32
      %mul3A_226 = arith.constant 40 : i32
      %mul3A_227 = arith.muli %add3A_225, %mul3A_226 : i32
      %dma_wait3A_228 = tpu.memref_slice %arg5[%mul3A_227] : memref<10000xi32, #tpu.memory_space<vmem>> -> memref<40xi32, #tpu.memory_space<vmem>>
      %dma_wait3A_229 = arith.constant 0 : i32
      %dma_wait3A_230 = arith.constant 0 : i32
      %dma_wait3A_231 = tpu.memref_slice %arg2[%dma_wait3A_229, %dma_wait3A_230] : memref<10000x128xbf16, #tpu.memory_space<hbm>> -> memref<10000x128xbf16, #tpu.memory_space<hbm>>
      tpu.wait_indirect_dma semaphore(%arg20 : memref<!tpu.dma_semaphore, #tpu.memory_space<semaphore_mem>>) src(%dma_wait3A_231 : memref<10000x128xbf16, #tpu.memory_space<hbm>>) dst(%arg14 : memref<40x128xbf16, #tpu.memory_space<vmem>>)
      %add3A_232 = arith.constant 320000 : i32
      %add3A_233 = arith.addi %add3A_232, %mul3A_2 : i32
      %mul3A_234 = arith.constant 40 : i32
      %mul3A_235 = arith.muli %add3A_225, %mul3A_234 : i32
      %add3A_236 = arith.addi %add3A_233, %mul3A_235 : i32
      %dma_wait3A_237 = tpu.memref_slice %arg3[%add3A_236] : memref<640000xi32, #tpu.memory_space<hbm>> -> memref<40xi32, #tpu.memory_space<hbm>>
      %dma_wait3A_238 = tpu.memref_slice %arg3[%add3A_236] : memref<640000xi32, #tpu.memory_space<hbm>> -> memref<40xi32, #tpu.memory_space<hbm>>
      tpu.wait_dma2 semaphore(%arg25 : memref<!tpu.dma_semaphore, #tpu.memory_space<semaphore_mem>>) src(%dma_wait3A_238 : memref<40xi32, #tpu.memory_space<hbm>>) dst(%arg9 : memref<40xi32, #tpu.memory_space<vmem>>)
      %add3A_239 = arith.constant 3 : i32
      %add3A_240 = arith.addi %mul3A_163, %add3A_239 : i32
      %dma_start3A_241 = arith.constant 0 : i32
      %dma_start3A_242 = arith.constant 0 : i32
      %dma_start3A_243 = tpu.memref_slice %arg16[%dma_start3A_241, %dma_start3A_242] : memref<10240x128xbf16, #tpu.memory_space<vmem_shared>> -> memref<10240x128xbf16, #tpu.memory_space<vmem_shared>>
      tpu.enqueue_indirect_dma source(%arg14 : memref<40x128xbf16, #tpu.memory_space<vmem>>) target(%dma_start3A_243 : memref<10240x128xbf16, #tpu.memory_space<vmem_shared>>) offsets(%arg9 : memref<40xi32, #tpu.memory_space<vmem>>) semaphore(%arg30 : memref<!tpu.dma_semaphore, #tpu.memory_space<semaphore_mem>>) {add = true}
      %add3A_244 = arith.constant 4 : i32
      %add3A_245 = arith.addi %mul3A_163, %add3A_244 : i32
      %mul3A_246 = arith.constant 40 : i32
      %mul3A_247 = arith.muli %add3A_245, %mul3A_246 : i32
      %dma_wait3A_248 = tpu.memref_slice %arg5[%mul3A_247] : memref<10000xi32, #tpu.memory_space<vmem>> -> memref<40xi32, #tpu.memory_space<vmem>>
      %dma_wait3A_249 = arith.constant 0 : i32
      %dma_wait3A_250 = arith.constant 0 : i32
      %dma_wait3A_251 = tpu.memref_slice %arg2[%dma_wait3A_249, %dma_wait3A_250] : memref<10000x128xbf16, #tpu.memory_space<hbm>> -> memref<10000x128xbf16, #tpu.memory_space<hbm>>
      tpu.wait_indirect_dma semaphore(%arg21 : memref<!tpu.dma_semaphore, #tpu.memory_space<semaphore_mem>>) src(%dma_wait3A_251 : memref<10000x128xbf16, #tpu.memory_space<hbm>>) dst(%arg15 : memref<40x128xbf16, #tpu.memory_space<vmem>>)
      %add3A_252 = arith.constant 320000 : i32
      %add3A_253 = arith.addi %add3A_252, %mul3A_2 : i32
      %mul3A_254 = arith.constant 40 : i32
      %mul3A_255 = arith.muli %add3A_245, %mul3A_254 : i32
      %add3A_256 = arith.addi %add3A_253, %mul3A_255 : i32
      %dma_wait3A_257 = tpu.memref_slice %arg3[%add3A_256] : memref<640000xi32, #tpu.memory_space<hbm>> -> memref<40xi32, #tpu.memory_space<hbm>>
      %dma_wait3A_258 = tpu.memref_slice %arg3[%add3A_256] : memref<640000xi32, #tpu.memory_space<hbm>> -> memref<40xi32, #tpu.memory_space<hbm>>
      tpu.wait_dma2 semaphore(%arg26 : memref<!tpu.dma_semaphore, #tpu.memory_space<semaphore_mem>>) src(%dma_wait3A_258 : memref<40xi32, #tpu.memory_space<hbm>>) dst(%arg10 : memref<40xi32, #tpu.memory_space<vmem>>)
      %add3A_259 = arith.constant 4 : i32
      %add3A_260 = arith.addi %mul3A_163, %add3A_259 : i32
      %dma_start3A_261 = arith.constant 0 : i32
      %dma_start3A_262 = arith.constant 0 : i32
      %dma_start3A_263 = tpu.memref_slice %arg16[%dma_start3A_261, %dma_start3A_262] : memref<10240x128xbf16, #tpu.memory_space<vmem_shared>> -> memref<10240x128xbf16, #tpu.memory_space<vmem_shared>>
      tpu.enqueue_indirect_dma source(%arg15 : memref<40x128xbf16, #tpu.memory_space<vmem>>) target(%dma_start3A_263 : memref<10240x128xbf16, #tpu.memory_space<vmem_shared>>) offsets(%arg10 : memref<40xi32, #tpu.memory_space<vmem>>) semaphore(%arg31 : memref<!tpu.dma_semaphore, #tpu.memory_space<semaphore_mem>>) {add = true}
      %add3A_264 = arith.constant 0 : i32
      %add3A_265 = arith.addi %mul3A_163, %add3A_264 : i32
      %dma_wait3A_266 = arith.constant 0 : i32
      %dma_wait3A_267 = arith.constant 0 : i32
      %dma_wait3A_268 = tpu.memref_slice %arg16[%dma_wait3A_266, %dma_wait3A_267] : memref<10240x128xbf16, #tpu.memory_space<vmem_shared>> -> memref<10240x128xbf16, #tpu.memory_space<vmem_shared>>
      tpu.wait_indirect_dma semaphore(%arg27 : memref<!tpu.dma_semaphore, #tpu.memory_space<semaphore_mem>>) src(%arg11 : memref<40x128xbf16, #tpu.memory_space<vmem>>) dst(%dma_wait3A_268 : memref<10240x128xbf16, #tpu.memory_space<vmem_shared>>)
      %add3A_269 = arith.constant 5 : i32
      %add3A_270 = arith.addi %mul3A_163, %add3A_269 : i32
      %add3A_271 = arith.constant 0 : i32
      %add3A_272 = arith.addi %add3A_270, %add3A_271 : i32
      %mul3A_273 = arith.constant 40 : i32
      %mul3A_274 = arith.muli %add3A_272, %mul3A_273 : i32
      %dma_start3A_275 = tpu.memref_slice %arg5[%mul3A_274] : memref<10000xi32, #tpu.memory_space<vmem>> -> memref<40xi32, #tpu.memory_space<vmem>>
      %dma_start3A_276 = arith.constant 0 : i32
      %dma_start3A_277 = arith.constant 0 : i32
      %dma_start3A_278 = tpu.memref_slice %arg2[%dma_start3A_276, %dma_start3A_277] : memref<10000x128xbf16, #tpu.memory_space<hbm>> -> memref<10000x128xbf16, #tpu.memory_space<hbm>>
      tpu.enqueue_indirect_dma source(%dma_start3A_278 : memref<10000x128xbf16, #tpu.memory_space<hbm>>) target(%arg11 : memref<40x128xbf16, #tpu.memory_space<vmem>>) offsets(%dma_start3A_275 : memref<40xi32, #tpu.memory_space<vmem>>) semaphore(%arg17 : memref<!tpu.dma_semaphore, #tpu.memory_space<semaphore_mem>>)
      %add3A_279 = arith.constant 320000 : i32
      %add3A_280 = arith.addi %add3A_279, %mul3A_2 : i32
      %mul3A_281 = arith.constant 40 : i32
      %mul3A_282 = arith.muli %add3A_272, %mul3A_281 : i32
      %add3A_283 = arith.addi %add3A_280, %mul3A_282 : i32
      %dma_start3A_284 = tpu.memref_slice %arg3[%add3A_283] : memref<640000xi32, #tpu.memory_space<hbm>> -> memref<40xi32, #tpu.memory_space<hbm>>
      %dma_start3A_285 = tpu.memref_slice %arg3[%add3A_283] : memref<640000xi32, #tpu.memory_space<hbm>> -> memref<40xi32, #tpu.memory_space<hbm>>
      tpu.enqueue_dma source(%dma_start3A_285 : memref<40xi32, #tpu.memory_space<hbm>>) target(%arg6 : memref<40xi32, #tpu.memory_space<vmem>>) target_semaphore(%arg22 : memref<!tpu.dma_semaphore, #tpu.memory_space<semaphore_mem>>)
      %add3A_286 = arith.constant 1 : i32
      %add3A_287 = arith.addi %mul3A_163, %add3A_286 : i32
      %dma_wait3A_288 = arith.constant 0 : i32
      %dma_wait3A_289 = arith.constant 0 : i32
      %dma_wait3A_290 = tpu.memref_slice %arg16[%dma_wait3A_288, %dma_wait3A_289] : memref<10240x128xbf16, #tpu.memory_space<vmem_shared>> -> memref<10240x128xbf16, #tpu.memory_space<vmem_shared>>
      tpu.wait_indirect_dma semaphore(%arg28 : memref<!tpu.dma_semaphore, #tpu.memory_space<semaphore_mem>>) src(%arg12 : memref<40x128xbf16, #tpu.memory_space<vmem>>) dst(%dma_wait3A_290 : memref<10240x128xbf16, #tpu.memory_space<vmem_shared>>)
      %add3A_291 = arith.constant 5 : i32
      %add3A_292 = arith.addi %mul3A_163, %add3A_291 : i32
      %add3A_293 = arith.constant 1 : i32
      %add3A_294 = arith.addi %add3A_292, %add3A_293 : i32
      %mul3A_295 = arith.constant 40 : i32
      %mul3A_296 = arith.muli %add3A_294, %mul3A_295 : i32
      %dma_start3A_297 = tpu.memref_slice %arg5[%mul3A_296] : memref<10000xi32, #tpu.memory_space<vmem>> -> memref<40xi32, #tpu.memory_space<vmem>>
      %dma_start3A_298 = arith.constant 0 : i32
      %dma_start3A_299 = arith.constant 0 : i32
      %dma_start3A_300 = tpu.memref_slice %arg2[%dma_start3A_298, %dma_start3A_299] : memref<10000x128xbf16, #tpu.memory_space<hbm>> -> memref<10000x128xbf16, #tpu.memory_space<hbm>>
      tpu.enqueue_indirect_dma source(%dma_start3A_300 : memref<10000x128xbf16, #tpu.memory_space<hbm>>) target(%arg12 : memref<40x128xbf16, #tpu.memory_space<vmem>>) offsets(%dma_start3A_297 : memref<40xi32, #tpu.memory_space<vmem>>) semaphore(%arg18 : memref<!tpu.dma_semaphore, #tpu.memory_space<semaphore_mem>>)
      %add3A_301 = arith.constant 320000 : i32
      %add3A_302 = arith.addi %add3A_301, %mul3A_2 : i32
      %mul3A_303 = arith.constant 40 : i32
      %mul3A_304 = arith.muli %add3A_294, %mul3A_303 : i32
      %add3A_305 = arith.addi %add3A_302, %mul3A_304 : i32
      %dma_start3A_306 = tpu.memref_slice %arg3[%add3A_305] : memref<640000xi32, #tpu.memory_space<hbm>> -> memref<40xi32, #tpu.memory_space<hbm>>
      %dma_start3A_307 = tpu.memref_slice %arg3[%add3A_305] : memref<640000xi32, #tpu.memory_space<hbm>> -> memref<40xi32, #tpu.memory_space<hbm>>
      tpu.enqueue_dma source(%dma_start3A_307 : memref<40xi32, #tpu.memory_space<hbm>>) target(%arg7 : memref<40xi32, #tpu.memory_space<vmem>>) target_semaphore(%arg23 : memref<!tpu.dma_semaphore, #tpu.memory_space<semaphore_mem>>)
      %add3A_308 = arith.constant 2 : i32
      %add3A_309 = arith.addi %mul3A_163, %add3A_308 : i32
      %dma_wait3A_310 = arith.constant 0 : i32
      %dma_wait3A_311 = arith.constant 0 : i32
      %dma_wait3A_312 = tpu.memref_slice %arg16[%dma_wait3A_310, %dma_wait3A_311] : memref<10240x128xbf16, #tpu.memory_space<vmem_shared>> -> memref<10240x128xbf16, #tpu.memory_space<vmem_shared>>
      tpu.wait_indirect_dma semaphore(%arg29 : memref<!tpu.dma_semaphore, #tpu.memory_space<semaphore_mem>>) src(%arg13 : memref<40x128xbf16, #tpu.memory_space<vmem>>) dst(%dma_wait3A_312 : memref<10240x128xbf16, #tpu.memory_space<vmem_shared>>)
      %add3A_313 = arith.constant 5 : i32
      %add3A_314 = arith.addi %mul3A_163, %add3A_313 : i32
      %add3A_315 = arith.constant 2 : i32
      %add3A_316 = arith.addi %add3A_314, %add3A_315 : i32
      %mul3A_317 = arith.constant 40 : i32
      %mul3A_318 = arith.muli %add3A_316, %mul3A_317 : i32
      %dma_start3A_319 = tpu.memref_slice %arg5[%mul3A_318] : memref<10000xi32, #tpu.memory_space<vmem>> -> memref<40xi32, #tpu.memory_space<vmem>>
      %dma_start3A_320 = arith.constant 0 : i32
      %dma_start3A_321 = arith.constant 0 : i32
      %dma_start3A_322 = tpu.memref_slice %arg2[%dma_start3A_320, %dma_start3A_321] : memref<10000x128xbf16, #tpu.memory_space<hbm>> -> memref<10000x128xbf16, #tpu.memory_space<hbm>>
      tpu.enqueue_indirect_dma source(%dma_start3A_322 : memref<10000x128xbf16, #tpu.memory_space<hbm>>) target(%arg13 : memref<40x128xbf16, #tpu.memory_space<vmem>>) offsets(%dma_start3A_319 : memref<40xi32, #tpu.memory_space<vmem>>) semaphore(%arg19 : memref<!tpu.dma_semaphore, #tpu.memory_space<semaphore_mem>>)
      %add3A_323 = arith.constant 320000 : i32
      %add3A_324 = arith.addi %add3A_323, %mul3A_2 : i32
      %mul3A_325 = arith.constant 40 : i32
      %mul3A_326 = arith.muli %add3A_316, %mul3A_325 : i32
      %add3A_327 = arith.addi %add3A_324, %mul3A_326 : i32
      %dma_start3A_328 = tpu.memref_slice %arg3[%add3A_327] : memref<640000xi32, #tpu.memory_space<hbm>> -> memref<40xi32, #tpu.memory_space<hbm>>
      %dma_start3A_329 = tpu.memref_slice %arg3[%add3A_327] : memref<640000xi32, #tpu.memory_space<hbm>> -> memref<40xi32, #tpu.memory_space<hbm>>
      tpu.enqueue_dma source(%dma_start3A_329 : memref<40xi32, #tpu.memory_space<hbm>>) target(%arg8 : memref<40xi32, #tpu.memory_space<vmem>>) target_semaphore(%arg24 : memref<!tpu.dma_semaphore, #tpu.memory_space<semaphore_mem>>)
      %add3A_330 = arith.constant 3 : i32
      %add3A_331 = arith.addi %mul3A_163, %add3A_330 : i32
      %dma_wait3A_332 = arith.constant 0 : i32
      %dma_wait3A_333 = arith.constant 0 : i32
      %dma_wait3A_334 = tpu.memref_slice %arg16[%dma_wait3A_332, %dma_wait3A_333] : memref<10240x128xbf16, #tpu.memory_space<vmem_shared>> -> memref<10240x128xbf16, #tpu.memory_space<vmem_shared>>
      tpu.wait_indirect_dma semaphore(%arg30 : memref<!tpu.dma_semaphore, #tpu.memory_space<semaphore_mem>>) src(%arg14 : memref<40x128xbf16, #tpu.memory_space<vmem>>) dst(%dma_wait3A_334 : memref<10240x128xbf16, #tpu.memory_space<vmem_shared>>)
      %add3A_335 = arith.constant 5 : i32
      %add3A_336 = arith.addi %mul3A_163, %add3A_335 : i32
      %add3A_337 = arith.constant 3 : i32
      %add3A_338 = arith.addi %add3A_336, %add3A_337 : i32
      %mul3A_339 = arith.constant 40 : i32
      %mul3A_340 = arith.muli %add3A_338, %mul3A_339 : i32
      %dma_start3A_341 = tpu.memref_slice %arg5[%mul3A_340] : memref<10000xi32, #tpu.memory_space<vmem>> -> memref<40xi32, #tpu.memory_space<vmem>>
      %dma_start3A_342 = arith.constant 0 : i32
      %dma_start3A_343 = arith.constant 0 : i32
      %dma_start3A_344 = tpu.memref_slice %arg2[%dma_start3A_342, %dma_start3A_343] : memref<10000x128xbf16, #tpu.memory_space<hbm>> -> memref<10000x128xbf16, #tpu.memory_space<hbm>>
      tpu.enqueue_indirect_dma source(%dma_start3A_344 : memref<10000x128xbf16, #tpu.memory_space<hbm>>) target(%arg14 : memref<40x128xbf16, #tpu.memory_space<vmem>>) offsets(%dma_start3A_341 : memref<40xi32, #tpu.memory_space<vmem>>) semaphore(%arg20 : memref<!tpu.dma_semaphore, #tpu.memory_space<semaphore_mem>>)
      %add3A_345 = arith.constant 320000 : i32
      %add3A_346 = arith.addi %add3A_345, %mul3A_2 : i32
      %mul3A_347 = arith.constant 40 : i32
      %mul3A_348 = arith.muli %add3A_338, %mul3A_347 : i32
      %add3A_349 = arith.addi %add3A_346, %mul3A_348 : i32
      %dma_start3A_350 = tpu.memref_slice %arg3[%add3A_349] : memref<640000xi32, #tpu.memory_space<hbm>> -> memref<40xi32, #tpu.memory_space<hbm>>
      %dma_start3A_351 = tpu.memref_slice %arg3[%add3A_349] : memref<640000xi32, #tpu.memory_space<hbm>> -> memref<40xi32, #tpu.memory_space<hbm>>
      tpu.enqueue_dma source(%dma_start3A_351 : memref<40xi32, #tpu.memory_space<hbm>>) target(%arg9 : memref<40xi32, #tpu.memory_space<vmem>>) target_semaphore(%arg25 : memref<!tpu.dma_semaphore, #tpu.memory_space<semaphore_mem>>)
      %add3A_352 = arith.constant 4 : i32
      %add3A_353 = arith.addi %mul3A_163, %add3A_352 : i32
      %dma_wait3A_354 = arith.constant 0 : i32
      %dma_wait3A_355 = arith.constant 0 : i32
      %dma_wait3A_356 = tpu.memref_slice %arg16[%dma_wait3A_354, %dma_wait3A_355] : memref<10240x128xbf16, #tpu.memory_space<vmem_shared>> -> memref<10240x128xbf16, #tpu.memory_space<vmem_shared>>
      tpu.wait_indirect_dma semaphore(%arg31 : memref<!tpu.dma_semaphore, #tpu.memory_space<semaphore_mem>>) src(%arg15 : memref<40x128xbf16, #tpu.memory_space<vmem>>) dst(%dma_wait3A_356 : memref<10240x128xbf16, #tpu.memory_space<vmem_shared>>)
      %add3A_357 = arith.constant 5 : i32
      %add3A_358 = arith.addi %mul3A_163, %add3A_357 : i32
      %add3A_359 = arith.constant 4 : i32
      %add3A_360 = arith.addi %add3A_358, %add3A_359 : i32
      %mul3A_361 = arith.constant 40 : i32
      %mul3A_362 = arith.muli %add3A_360, %mul3A_361 : i32
      %dma_start3A_363 = tpu.memref_slice %arg5[%mul3A_362] : memref<10000xi32, #tpu.memory_space<vmem>> -> memref<40xi32, #tpu.memory_space<vmem>>
      %dma_start3A_364 = arith.constant 0 : i32
      %dma_start3A_365 = arith.constant 0 : i32
      %dma_start3A_366 = tpu.memref_slice %arg2[%dma_start3A_364, %dma_start3A_365] : memref<10000x128xbf16, #tpu.memory_space<hbm>> -> memref<10000x128xbf16, #tpu.memory_space<hbm>>
      tpu.enqueue_indirect_dma source(%dma_start3A_366 : memref<10000x128xbf16, #tpu.memory_space<hbm>>) target(%arg15 : memref<40x128xbf16, #tpu.memory_space<vmem>>) offsets(%dma_start3A_363 : memref<40xi32, #tpu.memory_space<vmem>>) semaphore(%arg21 : memref<!tpu.dma_semaphore, #tpu.memory_space<semaphore_mem>>)
      %add3A_367 = arith.constant 320000 : i32
      %add3A_368 = arith.addi %add3A_367, %mul3A_2 : i32
      %mul3A_369 = arith.constant 40 : i32
      %mul3A_370 = arith.muli %add3A_360, %mul3A_369 : i32
      %add3A_371 = arith.addi %add3A_368, %mul3A_370 : i32
      %dma_start3A_372 = tpu.memref_slice %arg3[%add3A_371] : memref<640000xi32, #tpu.memory_space<hbm>> -> memref<40xi32, #tpu.memory_space<hbm>>
      %dma_start3A_373 = tpu.memref_slice %arg3[%add3A_371] : memref<640000xi32, #tpu.memory_space<hbm>> -> memref<40xi32, #tpu.memory_space<hbm>>
      tpu.enqueue_dma source(%dma_start3A_373 : memref<40xi32, #tpu.memory_space<hbm>>) target(%arg10 : memref<40xi32, #tpu.memory_space<vmem>>) target_semaphore(%arg26 : memref<!tpu.dma_semaphore, #tpu.memory_space<semaphore_mem>>)
    }
    %scan3A_75 = arith.constant 49 : i32
    %dma_wait3A = arith.constant 9800 : i32
    %dma_wait3A_76 = tpu.memref_slice %arg5[%dma_wait3A] : memref<10000xi32, #tpu.memory_space<vmem>> -> memref<40xi32, #tpu.memory_space<vmem>>
    %dma_wait3A_77 = arith.constant 0 : i32
    %dma_wait3A_78 = arith.constant 0 : i32
    %dma_wait3A_79 = tpu.memref_slice %arg2[%dma_wait3A_77, %dma_wait3A_78] : memref<10000x128xbf16, #tpu.memory_space<hbm>> -> memref<10000x128xbf16, #tpu.memory_space<hbm>>
    tpu.wait_indirect_dma semaphore(%arg17 : memref<!tpu.dma_semaphore, #tpu.memory_space<semaphore_mem>>) src(%dma_wait3A_79 : memref<10000x128xbf16, #tpu.memory_space<hbm>>) dst(%arg11 : memref<40x128xbf16, #tpu.memory_space<vmem>>)
    %add3A_80 = arith.constant 320000 : i32
    %add3A_81 = arith.addi %add3A_80, %mul3A_2 : i32
    %add3A_82 = arith.constant 9800 : i32
    %add3A_83 = arith.addi %add3A_81, %add3A_82 : i32
    %dma_wait3A_84 = tpu.memref_slice %arg3[%add3A_83] : memref<640000xi32, #tpu.memory_space<hbm>> -> memref<40xi32, #tpu.memory_space<hbm>>
    %dma_wait3A_85 = tpu.memref_slice %arg3[%add3A_83] : memref<640000xi32, #tpu.memory_space<hbm>> -> memref<40xi32, #tpu.memory_space<hbm>>
    tpu.wait_dma2 semaphore(%arg22 : memref<!tpu.dma_semaphore, #tpu.memory_space<semaphore_mem>>) src(%dma_wait3A_85 : memref<40xi32, #tpu.memory_space<hbm>>) dst(%arg6 : memref<40xi32, #tpu.memory_space<vmem>>)
    %dma_start3A_86 = arith.constant 0 : i32
    %dma_start3A_87 = arith.constant 0 : i32
    %dma_start3A_88 = tpu.memref_slice %arg16[%dma_start3A_86, %dma_start3A_87] : memref<10240x128xbf16, #tpu.memory_space<vmem_shared>> -> memref<10240x128xbf16, #tpu.memory_space<vmem_shared>>
    tpu.enqueue_indirect_dma source(%arg11 : memref<40x128xbf16, #tpu.memory_space<vmem>>) target(%dma_start3A_88 : memref<10240x128xbf16, #tpu.memory_space<vmem_shared>>) offsets(%arg6 : memref<40xi32, #tpu.memory_space<vmem>>) semaphore(%arg27 : memref<!tpu.dma_semaphore, #tpu.memory_space<semaphore_mem>>) {add = true}
    %dma_wait3A_89 = arith.constant 9840 : i32
    %dma_wait3A_90 = tpu.memref_slice %arg5[%dma_wait3A_89] : memref<10000xi32, #tpu.memory_space<vmem>> -> memref<40xi32, #tpu.memory_space<vmem>>
    %dma_wait3A_91 = arith.constant 0 : i32
    %dma_wait3A_92 = arith.constant 0 : i32
    %dma_wait3A_93 = tpu.memref_slice %arg2[%dma_wait3A_91, %dma_wait3A_92] : memref<10000x128xbf16, #tpu.memory_space<hbm>> -> memref<10000x128xbf16, #tpu.memory_space<hbm>>
    tpu.wait_indirect_dma semaphore(%arg18 : memref<!tpu.dma_semaphore, #tpu.memory_space<semaphore_mem>>) src(%dma_wait3A_93 : memref<10000x128xbf16, #tpu.memory_space<hbm>>) dst(%arg12 : memref<40x128xbf16, #tpu.memory_space<vmem>>)
    %add3A_94 = arith.constant 320000 : i32
    %add3A_95 = arith.addi %add3A_94, %mul3A_2 : i32
    %add3A_96 = arith.constant 9840 : i32
    %add3A_97 = arith.addi %add3A_95, %add3A_96 : i32
    %dma_wait3A_98 = tpu.memref_slice %arg3[%add3A_97] : memref<640000xi32, #tpu.memory_space<hbm>> -> memref<40xi32, #tpu.memory_space<hbm>>
    %dma_wait3A_99 = tpu.memref_slice %arg3[%add3A_97] : memref<640000xi32, #tpu.memory_space<hbm>> -> memref<40xi32, #tpu.memory_space<hbm>>
    tpu.wait_dma2 semaphore(%arg23 : memref<!tpu.dma_semaphore, #tpu.memory_space<semaphore_mem>>) src(%dma_wait3A_99 : memref<40xi32, #tpu.memory_space<hbm>>) dst(%arg7 : memref<40xi32, #tpu.memory_space<vmem>>)
    %dma_start3A_100 = arith.constant 0 : i32
    %dma_start3A_101 = arith.constant 0 : i32
    %dma_start3A_102 = tpu.memref_slice %arg16[%dma_start3A_100, %dma_start3A_101] : memref<10240x128xbf16, #tpu.memory_space<vmem_shared>> -> memref<10240x128xbf16, #tpu.memory_space<vmem_shared>>
    tpu.enqueue_indirect_dma source(%arg12 : memref<40x128xbf16, #tpu.memory_space<vmem>>) target(%dma_start3A_102 : memref<10240x128xbf16, #tpu.memory_space<vmem_shared>>) offsets(%arg7 : memref<40xi32, #tpu.memory_space<vmem>>) semaphore(%arg28 : memref<!tpu.dma_semaphore, #tpu.memory_space<semaphore_mem>>) {add = true}
    %dma_wait3A_103 = arith.constant 9880 : i32
    %dma_wait3A_104 = tpu.memref_slice %arg5[%dma_wait3A_103] : memref<10000xi32, #tpu.memory_space<vmem>> -> memref<40xi32, #tpu.memory_space<vmem>>
    %dma_wait3A_105 = arith.constant 0 : i32
    %dma_wait3A_106 = arith.constant 0 : i32
    %dma_wait3A_107 = tpu.memref_slice %arg2[%dma_wait3A_105, %dma_wait3A_106] : memref<10000x128xbf16, #tpu.memory_space<hbm>> -> memref<10000x128xbf16, #tpu.memory_space<hbm>>
    tpu.wait_indirect_dma semaphore(%arg19 : memref<!tpu.dma_semaphore, #tpu.memory_space<semaphore_mem>>) src(%dma_wait3A_107 : memref<10000x128xbf16, #tpu.memory_space<hbm>>) dst(%arg13 : memref<40x128xbf16, #tpu.memory_space<vmem>>)
    %add3A_108 = arith.constant 320000 : i32
    %add3A_109 = arith.addi %add3A_108, %mul3A_2 : i32
    %add3A_110 = arith.constant 9880 : i32
    %add3A_111 = arith.addi %add3A_109, %add3A_110 : i32
    %dma_wait3A_112 = tpu.memref_slice %arg3[%add3A_111] : memref<640000xi32, #tpu.memory_space<hbm>> -> memref<40xi32, #tpu.memory_space<hbm>>
    %dma_wait3A_113 = tpu.memref_slice %arg3[%add3A_111] : memref<640000xi32, #tpu.memory_space<hbm>> -> memref<40xi32, #tpu.memory_space<hbm>>
    tpu.wait_dma2 semaphore(%arg24 : memref<!tpu.dma_semaphore, #tpu.memory_space<semaphore_mem>>) src(%dma_wait3A_113 : memref<40xi32, #tpu.memory_space<hbm>>) dst(%arg8 : memref<40xi32, #tpu.memory_space<vmem>>)
    %dma_start3A_114 = arith.constant 0 : i32
    %dma_start3A_115 = arith.constant 0 : i32
    %dma_start3A_116 = tpu.memref_slice %arg16[%dma_start3A_114, %dma_start3A_115] : memref<10240x128xbf16, #tpu.memory_space<vmem_shared>> -> memref<10240x128xbf16, #tpu.memory_space<vmem_shared>>
    tpu.enqueue_indirect_dma source(%arg13 : memref<40x128xbf16, #tpu.memory_space<vmem>>) target(%dma_start3A_116 : memref<10240x128xbf16, #tpu.memory_space<vmem_shared>>) offsets(%arg8 : memref<40xi32, #tpu.memory_space<vmem>>) semaphore(%arg29 : memref<!tpu.dma_semaphore, #tpu.memory_space<semaphore_mem>>) {add = true}
    %dma_wait3A_117 = arith.constant 9920 : i32
    %dma_wait3A_118 = tpu.memref_slice %arg5[%dma_wait3A_117] : memref<10000xi32, #tpu.memory_space<vmem>> -> memref<40xi32, #tpu.memory_space<vmem>>
    %dma_wait3A_119 = arith.constant 0 : i32
    %dma_wait3A_120 = arith.constant 0 : i32
    %dma_wait3A_121 = tpu.memref_slice %arg2[%dma_wait3A_119, %dma_wait3A_120] : memref<10000x128xbf16, #tpu.memory_space<hbm>> -> memref<10000x128xbf16, #tpu.memory_space<hbm>>
    tpu.wait_indirect_dma semaphore(%arg20 : memref<!tpu.dma_semaphore, #tpu.memory_space<semaphore_mem>>) src(%dma_wait3A_121 : memref<10000x128xbf16, #tpu.memory_space<hbm>>) dst(%arg14 : memref<40x128xbf16, #tpu.memory_space<vmem>>)
    %add3A_122 = arith.constant 320000 : i32
    %add3A_123 = arith.addi %add3A_122, %mul3A_2 : i32
    %add3A_124 = arith.constant 9920 : i32
    %add3A_125 = arith.addi %add3A_123, %add3A_124 : i32
    %dma_wait3A_126 = tpu.memref_slice %arg3[%add3A_125] : memref<640000xi32, #tpu.memory_space<hbm>> -> memref<40xi32, #tpu.memory_space<hbm>>
    %dma_wait3A_127 = tpu.memref_slice %arg3[%add3A_125] : memref<640000xi32, #tpu.memory_space<hbm>> -> memref<40xi32, #tpu.memory_space<hbm>>
    tpu.wait_dma2 semaphore(%arg25 : memref<!tpu.dma_semaphore, #tpu.memory_space<semaphore_mem>>) src(%dma_wait3A_127 : memref<40xi32, #tpu.memory_space<hbm>>) dst(%arg9 : memref<40xi32, #tpu.memory_space<vmem>>)
    %dma_start3A_128 = arith.constant 0 : i32
    %dma_start3A_129 = arith.constant 0 : i32
    %dma_start3A_130 = tpu.memref_slice %arg16[%dma_start3A_128, %dma_start3A_129] : memref<10240x128xbf16, #tpu.memory_space<vmem_shared>> -> memref<10240x128xbf16, #tpu.memory_space<vmem_shared>>
    tpu.enqueue_indirect_dma source(%arg14 : memref<40x128xbf16, #tpu.memory_space<vmem>>) target(%dma_start3A_130 : memref<10240x128xbf16, #tpu.memory_space<vmem_shared>>) offsets(%arg9 : memref<40xi32, #tpu.memory_space<vmem>>) semaphore(%arg30 : memref<!tpu.dma_semaphore, #tpu.memory_space<semaphore_mem>>) {add = true}
    %dma_wait3A_131 = arith.constant 9960 : i32
    %dma_wait3A_132 = tpu.memref_slice %arg5[%dma_wait3A_131] : memref<10000xi32, #tpu.memory_space<vmem>> -> memref<40xi32, #tpu.memory_space<vmem>>
    %dma_wait3A_133 = arith.constant 0 : i32
    %dma_wait3A_134 = arith.constant 0 : i32
    %dma_wait3A_135 = tpu.memref_slice %arg2[%dma_wait3A_133, %dma_wait3A_134] : memref<10000x128xbf16, #tpu.memory_space<hbm>> -> memref<10000x128xbf16, #tpu.memory_space<hbm>>
    tpu.wait_indirect_dma semaphore(%arg21 : memref<!tpu.dma_semaphore, #tpu.memory_space<semaphore_mem>>) src(%dma_wait3A_135 : memref<10000x128xbf16, #tpu.memory_space<hbm>>) dst(%arg15 : memref<40x128xbf16, #tpu.memory_space<vmem>>)
    %add3A_136 = arith.constant 320000 : i32
    %add3A_137 = arith.addi %add3A_136, %mul3A_2 : i32
    %add3A_138 = arith.constant 9960 : i32
    %add3A_139 = arith.addi %add3A_137, %add3A_138 : i32
    %dma_wait3A_140 = tpu.memref_slice %arg3[%add3A_139] : memref<640000xi32, #tpu.memory_space<hbm>> -> memref<40xi32, #tpu.memory_space<hbm>>
    %dma_wait3A_141 = tpu.memref_slice %arg3[%add3A_139] : memref<640000xi32, #tpu.memory_space<hbm>> -> memref<40xi32, #tpu.memory_space<hbm>>
    tpu.wait_dma2 semaphore(%arg26 : memref<!tpu.dma_semaphore, #tpu.memory_space<semaphore_mem>>) src(%dma_wait3A_141 : memref<40xi32, #tpu.memory_space<hbm>>) dst(%arg10 : memref<40xi32, #tpu.memory_space<vmem>>)
    %dma_start3A_142 = arith.constant 0 : i32
    %dma_start3A_143 = arith.constant 0 : i32
    %dma_start3A_144 = tpu.memref_slice %arg16[%dma_start3A_142, %dma_start3A_143] : memref<10240x128xbf16, #tpu.memory_space<vmem_shared>> -> memref<10240x128xbf16, #tpu.memory_space<vmem_shared>>
    tpu.enqueue_indirect_dma source(%arg15 : memref<40x128xbf16, #tpu.memory_space<vmem>>) target(%dma_start3A_144 : memref<10240x128xbf16, #tpu.memory_space<vmem_shared>>) offsets(%arg10 : memref<40xi32, #tpu.memory_space<vmem>>) semaphore(%arg31 : memref<!tpu.dma_semaphore, #tpu.memory_space<semaphore_mem>>) {add = true}
    %dma_wait3A_145 = arith.constant 0 : i32
    %dma_wait3A_146 = arith.constant 0 : i32
    %dma_wait3A_147 = tpu.memref_slice %arg16[%dma_wait3A_145, %dma_wait3A_146] : memref<10240x128xbf16, #tpu.memory_space<vmem_shared>> -> memref<10240x128xbf16, #tpu.memory_space<vmem_shared>>
    tpu.wait_indirect_dma semaphore(%arg27 : memref<!tpu.dma_semaphore, #tpu.memory_space<semaphore_mem>>) src(%arg11 : memref<40x128xbf16, #tpu.memory_space<vmem>>) dst(%dma_wait3A_147 : memref<10240x128xbf16, #tpu.memory_space<vmem_shared>>)
    %dma_wait3A_148 = arith.constant 0 : i32
    %dma_wait3A_149 = arith.constant 0 : i32
    %dma_wait3A_150 = tpu.memref_slice %arg16[%dma_wait3A_148, %dma_wait3A_149] : memref<10240x128xbf16, #tpu.memory_space<vmem_shared>> -> memref<10240x128xbf16, #tpu.memory_space<vmem_shared>>
    tpu.wait_indirect_dma semaphore(%arg28 : memref<!tpu.dma_semaphore, #tpu.memory_space<semaphore_mem>>) src(%arg12 : memref<40x128xbf16, #tpu.memory_space<vmem>>) dst(%dma_wait3A_150 : memref<10240x128xbf16, #tpu.memory_space<vmem_shared>>)
    %dma_wait3A_151 = arith.constant 0 : i32
    %dma_wait3A_152 = arith.constant 0 : i32
    %dma_wait3A_153 = tpu.memref_slice %arg16[%dma_wait3A_151, %dma_wait3A_152] : memref<10240x128xbf16, #tpu.memory_space<vmem_shared>> -> memref<10240x128xbf16, #tpu.memory_space<vmem_shared>>
    tpu.wait_indirect_dma semaphore(%arg29 : memref<!tpu.dma_semaphore, #tpu.memory_space<semaphore_mem>>) src(%arg13 : memref<40x128xbf16, #tpu.memory_space<vmem>>) dst(%dma_wait3A_153 : memref<10240x128xbf16, #tpu.memory_space<vmem_shared>>)
    %dma_wait3A_154 = arith.constant 0 : i32
    %dma_wait3A_155 = arith.constant 0 : i32
    %dma_wait3A_156 = tpu.memref_slice %arg16[%dma_wait3A_154, %dma_wait3A_155] : memref<10240x128xbf16, #tpu.memory_space<vmem_shared>> -> memref<10240x128xbf16, #tpu.memory_space<vmem_shared>>
    tpu.wait_indirect_dma semaphore(%arg30 : memref<!tpu.dma_semaphore, #tpu.memory_space<semaphore_mem>>) src(%arg14 : memref<40x128xbf16, #tpu.memory_space<vmem>>) dst(%dma_wait3A_156 : memref<10240x128xbf16, #tpu.memory_space<vmem_shared>>)
    %dma_wait3A_157 = arith.constant 0 : i32
    %dma_wait3A_158 = arith.constant 0 : i32
    %dma_wait3A_159 = tpu.memref_slice %arg16[%dma_wait3A_157, %dma_wait3A_158] : memref<10240x128xbf16, #tpu.memory_space<vmem_shared>> -> memref<10240x128xbf16, #tpu.memory_space<vmem_shared>>
    tpu.wait_indirect_dma semaphore(%arg31 : memref<!tpu.dma_semaphore, #tpu.memory_space<semaphore_mem>>) src(%arg15 : memref<40x128xbf16, #tpu.memory_space<vmem>>) dst(%dma_wait3A_159 : memref<10240x128xbf16, #tpu.memory_space<vmem_shared>>)
    %barrier3A_160 = arith.constant 0 : index
    tpu.barrier barrier_id(%barrier3A_160)
    "tpu.region"() ({
      %run_scoped3A = tpu.sem_alloc : memref<!tpu.dma_semaphore, #tpu.memory_space<semaphore_mem>>
      %dma_start3A_161 = arith.constant 0 : i32
      %dma_start3A_162 = tpu.memref_slice %arg4[%arg0, %mul3A_9, %dma_start3A_161] : memref<2x10240x128xbf16, #tpu.memory_space<hbm>> -> memref<1x640x128xbf16, #tpu.memory_space<hbm>>
      %dma_start3A_163 = tpu.memref_squeeze %dma_start3A_162 : memref<1x640x128xbf16, #tpu.memory_space<hbm>> -> memref<640x128xbf16, #tpu.memory_space<hbm>>
      %dma_start3A_164 = arith.constant 0 : i32
      %dma_start3A_165 = tpu.memref_slice %arg16[%mul3A_9, %dma_start3A_164] : memref<10240x128xbf16, #tpu.memory_space<vmem_shared>> -> memref<640x128xbf16, #tpu.memory_space<vmem_shared>>
      tpu.enqueue_dma source(%dma_start3A_165 : memref<640x128xbf16, #tpu.memory_space<vmem_shared>>) target(%dma_start3A_163 : memref<640x128xbf16, #tpu.memory_space<hbm>>) target_semaphore(%run_scoped3A : memref<!tpu.dma_semaphore, #tpu.memory_space<semaphore_mem>>)
      %dma_wait3A_166 = arith.constant 0 : i32
      %dma_wait3A_167 = tpu.memref_slice %arg4[%arg0, %mul3A_9, %dma_wait3A_166] : memref<2x10240x128xbf16, #tpu.memory_space<hbm>> -> memref<1x640x128xbf16, #tpu.memory_space<hbm>>
      %dma_wait3A_168 = tpu.memref_squeeze %dma_wait3A_167 : memref<1x640x128xbf16, #tpu.memory_space<hbm>> -> memref<640x128xbf16, #tpu.memory_space<hbm>>
      %dma_wait3A_169 = arith.constant 0 : i32
      %dma_wait3A_170 = tpu.memref_slice %arg16[%mul3A_9, %dma_wait3A_169] : memref<10240x128xbf16, #tpu.memory_space<vmem_shared>> -> memref<640x128xbf16, #tpu.memory_space<vmem_shared>>
      tpu.wait_dma2 semaphore(%run_scoped3A : memref<!tpu.dma_semaphore, #tpu.memory_space<semaphore_mem>>) src(%dma_wait3A_170 : memref<640x128xbf16, #tpu.memory_space<vmem_shared>>) dst(%dma_wait3A_168 : memref<640x128xbf16, #tpu.memory_space<hbm>>)
      tpu.yield
    }) : () -> ()
    return
  }
}

#map = affine_map<(d0, d1) -> (0)>
#map1 = affine_map<(d0, d1) -> (0, 0, 0)>
module attributes {stable_mosaic.version = 14 : i64} {
  func.func @wrapped(%arg0: i32, %arg1: i32, %arg2: memref<640000xi32, #tpu.memory_space<hbm>>, %arg3: memref<2x10240x16xf32, #tpu.memory_space<hbm>>, %arg4: memref<80x16xf32, #tpu.memory_space<vmem>>, %arg5: memref<80x16xf32, #tpu.memory_space<vmem>>, %arg6: memref<80x16xf32, #tpu.memory_space<vmem>>, %arg7: memref<80xi32, #tpu.memory_space<vmem>>, %arg8: memref<80xi32, #tpu.memory_space<vmem>>, %arg9: memref<80xi32, #tpu.memory_space<vmem>>, %arg10: memref<80xi32, #tpu.memory_space<vmem>>, %arg11: memref<80xi32, #tpu.memory_space<vmem>>, %arg12: memref<80xi32, #tpu.memory_space<vmem>>, %arg13: memref<80xi32, #tpu.memory_space<vmem>>, %arg14: memref<80xi32, #tpu.memory_space<vmem>>, %arg15: memref<80xi32, #tpu.memory_space<vmem>>, %arg16: memref<80xi32, #tpu.memory_space<vmem>>, %arg17: memref<10240x16xf32, #tpu.memory_space<vmem_shared>>, %arg18: memref<!tpu.dma_semaphore, #tpu.memory_space<semaphore_mem>>, %arg19: memref<!tpu.dma_semaphore, #tpu.memory_space<semaphore_mem>>, %arg20: memref<!tpu.dma_semaphore, #tpu.memory_space<semaphore_mem>>, %arg21: memref<!tpu.dma_semaphore, #tpu.memory_space<semaphore_mem>>, %arg22: memref<!tpu.dma_semaphore, #tpu.memory_space<semaphore_mem>>, %arg23: memref<!tpu.dma_semaphore, #tpu.memory_space<semaphore_mem>>, %arg24: memref<!tpu.dma_semaphore, #tpu.memory_space<semaphore_mem>>, %arg25: memref<!tpu.dma_semaphore, #tpu.memory_space<semaphore_mem>>, %arg26: memref<!tpu.dma_semaphore, #tpu.memory_space<semaphore_mem>>, %arg27: memref<!tpu.dma_semaphore, #tpu.memory_space<semaphore_mem>>, %arg28: memref<!tpu.dma_semaphore, #tpu.memory_space<semaphore_mem>>, %arg29: memref<!tpu.dma_semaphore, #tpu.memory_space<semaphore_mem>>, %arg30: memref<!tpu.dma_semaphore, #tpu.memory_space<semaphore_mem>>, %arg31: memref<!tpu.dma_semaphore, #tpu.memory_space<semaphore_mem>>, %arg32: memref<!tpu.dma_semaphore, #tpu.memory_space<semaphore_mem>>) attributes {dimension_semantics = [#tpu.dimension_semantics<core_parallel>, #tpu.dimension_semantics<subcore_parallel>], iteration_bounds = array<i64: 2, 16>, scalar_prefetch = 0 : i64, scratch_operands = 29 : i64, tpu.core_type = #tpu.core_type<sc_vector_subcore>, window_params = [{transform_indices = #map}, {transform_indices = #map1}]} {
    %mul3A = arith.constant 2 : i32
    %mul3A_0 = arith.muli %arg1, %mul3A : i32
    %add3A = arith.addi %mul3A_0, %arg0 : i32
    %mul3A_1 = arith.constant 10000 : i32
    %mul3A_2 = arith.muli %add3A, %mul3A_1 : i32
    %iota3A = tpu.iota {dimensions = array<i32: 0>} : vector<16xi32>
    %broadcast_in_dim3A = arith.constant 1.000000e+00 : f32
    %broadcast_in_dim3A_3 = vector.broadcast %broadcast_in_dim3A : f32 to vector<16xf32>
    %broadcast_in_dim3A_4 = arith.constant 0.000000e+00 : f32
    %broadcast_in_dim3A_5 = vector.broadcast %broadcast_in_dim3A_4 : f32 to vector<16xf32>
    %scan3A = arith.constant 0 : i32
    %scan3A_6 = arith.constant 0 : i32
    %scan3A_7 = arith.constant 80 : i32
    %scan3A_8 = arith.addi %scan3A_6, %scan3A_7 : i32
    %scan3A_9 = arith.constant 1 : i32
    scf.for %scan3A_184 = %scan3A_6 to %scan3A_8 step %scan3A_9  : i32 {
      %lt3A = arith.constant 8 : i32
      %lt3A_185 = vector.broadcast %lt3A : i32 to vector<16xi32>
      %lt3A_186 = arith.cmpi slt, %iota3A, %lt3A_185 : vector<16xi32>
      %select_n3A = arith.select %lt3A_186, %broadcast_in_dim3A_3, %broadcast_in_dim3A_5 : vector<16xi1>, vector<16xf32>
      %swap3A = arith.index_cast %scan3A_184 : i32 to index
      %swap3A_187 = arith.constant 0 : index
      %swap3A_188 = tpu.vector_load %arg4[%swap3A, %swap3A_187] {strides = array<i32>} : memref<80x16xf32, #tpu.memory_space<vmem>>, vector<1x16xf32>,
      %swap3A_189 = vector.shape_cast %swap3A_188 : vector<1x16xf32> to vector<16xf32>
      %swap3A_190 = vector.shape_cast %select_n3A : vector<16xf32> to vector<1x16xf32>
      tpu.vector_store %arg4[%swap3A, %swap3A_187], %swap3A_190 {strides = array<i32>} : memref<80x16xf32, #tpu.memory_space<vmem>>, vector<1x16xf32>,
      %lt3A_191 = arith.constant 8 : i32
      %lt3A_192 = vector.broadcast %lt3A_191 : i32 to vector<16xi32>
      %lt3A_193 = arith.cmpi slt, %iota3A, %lt3A_192 : vector<16xi32>
      %select_n3A_194 = arith.select %lt3A_193, %broadcast_in_dim3A_5, %broadcast_in_dim3A_3 : vector<16xi1>, vector<16xf32>
      %swap3A_195 = arith.index_cast %scan3A_184 : i32 to index
      %swap3A_196 = arith.constant 0 : index
      %swap3A_197 = tpu.vector_load %arg5[%swap3A_195, %swap3A_196] {strides = array<i32>} : memref<80x16xf32, #tpu.memory_space<vmem>>, vector<1x16xf32>,
      %swap3A_198 = vector.shape_cast %swap3A_197 : vector<1x16xf32> to vector<16xf32>
      %swap3A_199 = vector.shape_cast %select_n3A_194 : vector<16xf32> to vector<1x16xf32>
      tpu.vector_store %arg5[%swap3A_195, %swap3A_196], %swap3A_199 {strides = array<i32>} : memref<80x16xf32, #tpu.memory_space<vmem>>, vector<1x16xf32>,
      %swap3A_200 = arith.index_cast %scan3A_184 : i32 to index
      %swap3A_201 = arith.constant 0 : index
      %swap3A_202 = tpu.vector_load %arg6[%swap3A_200, %swap3A_201] {strides = array<i32>} : memref<80x16xf32, #tpu.memory_space<vmem>>, vector<1x16xf32>,
      %swap3A_203 = vector.shape_cast %swap3A_202 : vector<1x16xf32> to vector<16xf32>
      %swap3A_204 = vector.shape_cast %broadcast_in_dim3A_5 : vector<16xf32> to vector<1x16xf32>
      tpu.vector_store %arg6[%swap3A_200, %swap3A_201], %swap3A_204 {strides = array<i32>} : memref<80x16xf32, #tpu.memory_space<vmem>>, vector<1x16xf32>,
    }
    %scan3A_10 = arith.constant 80 : i32
    %mul3A_11 = arith.constant 640 : i32
    %mul3A_12 = arith.muli %arg1, %mul3A_11 : i32
    %scan3A_13 = arith.constant 0 : i32
    %scan3A_14 = arith.constant 0 : i32
    %scan3A_15 = arith.constant 8 : i32
    %scan3A_16 = arith.addi %scan3A_14, %scan3A_15 : i32
    %scan3A_17 = arith.constant 1 : i32
    scf.for %scan3A_184 = %scan3A_14 to %scan3A_16 step %scan3A_17  : i32 {
      %mul3A_185 = arith.constant 80 : i32
      %mul3A_186 = arith.muli %scan3A_184, %mul3A_185 : i32
      %add3A_187 = arith.addi %mul3A_12, %mul3A_186 : i32
      "tpu.region"() ({
        %run_scoped3A = tpu.sem_alloc : memref<!tpu.dma_semaphore, #tpu.memory_space<semaphore_mem>>
        %dma_start3A_188 = arith.constant 0 : i32
        %dma_start3A_189 = tpu.memref_slice %arg17[%add3A_187, %dma_start3A_188] : memref<10240x16xf32, #tpu.memory_space<vmem_shared>> -> memref<80x16xf32, #tpu.memory_space<vmem_shared>>
        %dma_start3A_190 = arith.constant 0 : i32
        %dma_start3A_191 = tpu.memref_slice %arg17[%add3A_187, %dma_start3A_190] : memref<10240x16xf32, #tpu.memory_space<vmem_shared>> -> memref<80x16xf32, #tpu.memory_space<vmem_shared>>
        tpu.enqueue_dma source(%arg6 : memref<80x16xf32, #tpu.memory_space<vmem>>) target(%dma_start3A_191 : memref<80x16xf32, #tpu.memory_space<vmem_shared>>) target_semaphore(%run_scoped3A : memref<!tpu.dma_semaphore, #tpu.memory_space<semaphore_mem>>)
        %dma_wait3A_192 = arith.constant 0 : i32
        %dma_wait3A_193 = tpu.memref_slice %arg17[%add3A_187, %dma_wait3A_192] : memref<10240x16xf32, #tpu.memory_space<vmem_shared>> -> memref<80x16xf32, #tpu.memory_space<vmem_shared>>
        %dma_wait3A_194 = arith.constant 0 : i32
        %dma_wait3A_195 = tpu.memref_slice %arg17[%add3A_187, %dma_wait3A_194] : memref<10240x16xf32, #tpu.memory_space<vmem_shared>> -> memref<80x16xf32, #tpu.memory_space<vmem_shared>>
        tpu.wait_dma2 semaphore(%run_scoped3A : memref<!tpu.dma_semaphore, #tpu.memory_space<semaphore_mem>>) src(%arg6 : memref<80x16xf32, #tpu.memory_space<vmem>>) dst(%dma_wait3A_195 : memref<80x16xf32, #tpu.memory_space<vmem_shared>>)
        tpu.yield
      }) : () -> ()
    }
    %scan3A_18 = arith.constant 8 : i32
    %barrier3A = arith.constant 0 : index
    tpu.barrier barrier_id(%barrier3A)
    %add3A_19 = arith.constant 0 : i32
    %add3A_20 = arith.addi %mul3A_2, %add3A_19 : i32
    %dma_start3A = tpu.memref_slice %arg2[%add3A_20] : memref<640000xi32, #tpu.memory_space<hbm>> -> memref<80xi32, #tpu.memory_space<hbm>>
    %dma_start3A_21 = tpu.memref_slice %arg2[%add3A_20] : memref<640000xi32, #tpu.memory_space<hbm>> -> memref<80xi32, #tpu.memory_space<hbm>>
    tpu.enqueue_dma source(%dma_start3A_21 : memref<80xi32, #tpu.memory_space<hbm>>) target(%arg7 : memref<80xi32, #tpu.memory_space<vmem>>) target_semaphore(%arg18 : memref<!tpu.dma_semaphore, #tpu.memory_space<semaphore_mem>>)
    %add3A_22 = arith.constant 320000 : i32
    %add3A_23 = arith.addi %add3A_22, %mul3A_2 : i32
    %add3A_24 = arith.constant 0 : i32
    %add3A_25 = arith.addi %add3A_23, %add3A_24 : i32
    %dma_start3A_26 = tpu.memref_slice %arg2[%add3A_25] : memref<640000xi32, #tpu.memory_space<hbm>> -> memref<80xi32, #tpu.memory_space<hbm>>
    %dma_start3A_27 = tpu.memref_slice %arg2[%add3A_25] : memref<640000xi32, #tpu.memory_space<hbm>> -> memref<80xi32, #tpu.memory_space<hbm>>
    tpu.enqueue_dma source(%dma_start3A_27 : memref<80xi32, #tpu.memory_space<hbm>>) target(%arg12 : memref<80xi32, #tpu.memory_space<vmem>>) target_semaphore(%arg18 : memref<!tpu.dma_semaphore, #tpu.memory_space<semaphore_mem>>)
    %add3A_28 = arith.constant 80 : i32
    %add3A_29 = arith.addi %mul3A_2, %add3A_28 : i32
    %dma_start3A_30 = tpu.memref_slice %arg2[%add3A_29] : memref<640000xi32, #tpu.memory_space<hbm>> -> memref<80xi32, #tpu.memory_space<hbm>>
    %dma_start3A_31 = tpu.memref_slice %arg2[%add3A_29] : memref<640000xi32, #tpu.memory_space<hbm>> -> memref<80xi32, #tpu.memory_space<hbm>>
    tpu.enqueue_dma source(%dma_start3A_31 : memref<80xi32, #tpu.memory_space<hbm>>) target(%arg8 : memref<80xi32, #tpu.memory_space<vmem>>) target_semaphore(%arg19 : memref<!tpu.dma_semaphore, #tpu.memory_space<semaphore_mem>>)
    %add3A_32 = arith.constant 320000 : i32
    %add3A_33 = arith.addi %add3A_32, %mul3A_2 : i32
    %add3A_34 = arith.constant 80 : i32
    %add3A_35 = arith.addi %add3A_33, %add3A_34 : i32
    %dma_start3A_36 = tpu.memref_slice %arg2[%add3A_35] : memref<640000xi32, #tpu.memory_space<hbm>> -> memref<80xi32, #tpu.memory_space<hbm>>
    %dma_start3A_37 = tpu.memref_slice %arg2[%add3A_35] : memref<640000xi32, #tpu.memory_space<hbm>> -> memref<80xi32, #tpu.memory_space<hbm>>
    tpu.enqueue_dma source(%dma_start3A_37 : memref<80xi32, #tpu.memory_space<hbm>>) target(%arg13 : memref<80xi32, #tpu.memory_space<vmem>>) target_semaphore(%arg19 : memref<!tpu.dma_semaphore, #tpu.memory_space<semaphore_mem>>)
    %add3A_38 = arith.constant 160 : i32
    %add3A_39 = arith.addi %mul3A_2, %add3A_38 : i32
    %dma_start3A_40 = tpu.memref_slice %arg2[%add3A_39] : memref<640000xi32, #tpu.memory_space<hbm>> -> memref<80xi32, #tpu.memory_space<hbm>>
    %dma_start3A_41 = tpu.memref_slice %arg2[%add3A_39] : memref<640000xi32, #tpu.memory_space<hbm>> -> memref<80xi32, #tpu.memory_space<hbm>>
    tpu.enqueue_dma source(%dma_start3A_41 : memref<80xi32, #tpu.memory_space<hbm>>) target(%arg9 : memref<80xi32, #tpu.memory_space<vmem>>) target_semaphore(%arg20 : memref<!tpu.dma_semaphore, #tpu.memory_space<semaphore_mem>>)
    %add3A_42 = arith.constant 320000 : i32
    %add3A_43 = arith.addi %add3A_42, %mul3A_2 : i32
    %add3A_44 = arith.constant 160 : i32
    %add3A_45 = arith.addi %add3A_43, %add3A_44 : i32
    %dma_start3A_46 = tpu.memref_slice %arg2[%add3A_45] : memref<640000xi32, #tpu.memory_space<hbm>> -> memref<80xi32, #tpu.memory_space<hbm>>
    %dma_start3A_47 = tpu.memref_slice %arg2[%add3A_45] : memref<640000xi32, #tpu.memory_space<hbm>> -> memref<80xi32, #tpu.memory_space<hbm>>
    tpu.enqueue_dma source(%dma_start3A_47 : memref<80xi32, #tpu.memory_space<hbm>>) target(%arg14 : memref<80xi32, #tpu.memory_space<vmem>>) target_semaphore(%arg20 : memref<!tpu.dma_semaphore, #tpu.memory_space<semaphore_mem>>)
    %add3A_48 = arith.constant 240 : i32
    %add3A_49 = arith.addi %mul3A_2, %add3A_48 : i32
    %dma_start3A_50 = tpu.memref_slice %arg2[%add3A_49] : memref<640000xi32, #tpu.memory_space<hbm>> -> memref<80xi32, #tpu.memory_space<hbm>>
    %dma_start3A_51 = tpu.memref_slice %arg2[%add3A_49] : memref<640000xi32, #tpu.memory_space<hbm>> -> memref<80xi32, #tpu.memory_space<hbm>>
    tpu.enqueue_dma source(%dma_start3A_51 : memref<80xi32, #tpu.memory_space<hbm>>) target(%arg10 : memref<80xi32, #tpu.memory_space<vmem>>) target_semaphore(%arg21 : memref<!tpu.dma_semaphore, #tpu.memory_space<semaphore_mem>>)
    %add3A_52 = arith.constant 320000 : i32
    %add3A_53 = arith.addi %add3A_52, %mul3A_2 : i32
    %add3A_54 = arith.constant 240 : i32
    %add3A_55 = arith.addi %add3A_53, %add3A_54 : i32
    %dma_start3A_56 = tpu.memref_slice %arg2[%add3A_55] : memref<640000xi32, #tpu.memory_space<hbm>> -> memref<80xi32, #tpu.memory_space<hbm>>
    %dma_start3A_57 = tpu.memref_slice %arg2[%add3A_55] : memref<640000xi32, #tpu.memory_space<hbm>> -> memref<80xi32, #tpu.memory_space<hbm>>
    tpu.enqueue_dma source(%dma_start3A_57 : memref<80xi32, #tpu.memory_space<hbm>>) target(%arg15 : memref<80xi32, #tpu.memory_space<vmem>>) target_semaphore(%arg21 : memref<!tpu.dma_semaphore, #tpu.memory_space<semaphore_mem>>)
    %add3A_58 = arith.constant 320 : i32
    %add3A_59 = arith.addi %mul3A_2, %add3A_58 : i32
    %dma_start3A_60 = tpu.memref_slice %arg2[%add3A_59] : memref<640000xi32, #tpu.memory_space<hbm>> -> memref<80xi32, #tpu.memory_space<hbm>>
    %dma_start3A_61 = tpu.memref_slice %arg2[%add3A_59] : memref<640000xi32, #tpu.memory_space<hbm>> -> memref<80xi32, #tpu.memory_space<hbm>>
    tpu.enqueue_dma source(%dma_start3A_61 : memref<80xi32, #tpu.memory_space<hbm>>) target(%arg11 : memref<80xi32, #tpu.memory_space<vmem>>) target_semaphore(%arg22 : memref<!tpu.dma_semaphore, #tpu.memory_space<semaphore_mem>>)
    %add3A_62 = arith.constant 320000 : i32
    %add3A_63 = arith.addi %add3A_62, %mul3A_2 : i32
    %add3A_64 = arith.constant 320 : i32
    %add3A_65 = arith.addi %add3A_63, %add3A_64 : i32
    %dma_start3A_66 = tpu.memref_slice %arg2[%add3A_65] : memref<640000xi32, #tpu.memory_space<hbm>> -> memref<80xi32, #tpu.memory_space<hbm>>
    %dma_start3A_67 = tpu.memref_slice %arg2[%add3A_65] : memref<640000xi32, #tpu.memory_space<hbm>> -> memref<80xi32, #tpu.memory_space<hbm>>
    tpu.enqueue_dma source(%dma_start3A_67 : memref<80xi32, #tpu.memory_space<hbm>>) target(%arg16 : memref<80xi32, #tpu.memory_space<vmem>>) target_semaphore(%arg22 : memref<!tpu.dma_semaphore, #tpu.memory_space<semaphore_mem>>)
    %scan3A_68 = arith.constant 0 : i32
    %scan3A_69 = arith.constant 0 : i32
    %scan3A_70 = arith.constant 24 : i32
    %scan3A_71 = arith.addi %scan3A_69, %scan3A_70 : i32
    %scan3A_72 = arith.constant 1 : i32
    scf.for %scan3A_184 = %scan3A_69 to %scan3A_71 step %scan3A_72  : i32 {
      %mul3A_185 = arith.constant 5 : i32
      %mul3A_186 = arith.muli %mul3A_185, %scan3A_184 : i32
      %add3A_187 = arith.constant 0 : i32
      %add3A_188 = arith.addi %mul3A_186, %add3A_187 : i32
      %mul3A_189 = arith.constant 80 : i32
      %mul3A_190 = arith.muli %add3A_188, %mul3A_189 : i32
      %add3A_191 = arith.addi %mul3A_2, %mul3A_190 : i32
      %dma_wait3A_192 = tpu.memref_slice %arg2[%add3A_191] : memref<640000xi32, #tpu.memory_space<hbm>> -> memref<80xi32, #tpu.memory_space<hbm>>
      %dma_wait3A_193 = tpu.memref_slice %arg2[%add3A_191] : memref<640000xi32, #tpu.memory_space<hbm>> -> memref<80xi32, #tpu.memory_space<hbm>>
      tpu.wait_dma2 semaphore(%arg18 : memref<!tpu.dma_semaphore, #tpu.memory_space<semaphore_mem>>) src(%dma_wait3A_193 : memref<80xi32, #tpu.memory_space<hbm>>) dst(%arg7 : memref<80xi32, #tpu.memory_space<vmem>>)
      %add3A_194 = arith.constant 320000 : i32
      %add3A_195 = arith.addi %add3A_194, %mul3A_2 : i32
      %mul3A_196 = arith.constant 80 : i32
      %mul3A_197 = arith.muli %add3A_188, %mul3A_196 : i32
      %add3A_198 = arith.addi %add3A_195, %mul3A_197 : i32
      %dma_wait3A_199 = tpu.memref_slice %arg2[%add3A_198] : memref<640000xi32, #tpu.memory_space<hbm>> -> memref<80xi32, #tpu.memory_space<hbm>>
      %dma_wait3A_200 = tpu.memref_slice %arg2[%add3A_198] : memref<640000xi32, #tpu.memory_space<hbm>> -> memref<80xi32, #tpu.memory_space<hbm>>
      tpu.wait_dma2 semaphore(%arg18 : memref<!tpu.dma_semaphore, #tpu.memory_space<semaphore_mem>>) src(%dma_wait3A_200 : memref<80xi32, #tpu.memory_space<hbm>>) dst(%arg12 : memref<80xi32, #tpu.memory_space<vmem>>)
      %add3A_201 = arith.constant 0 : i32
      %add3A_202 = arith.addi %mul3A_186, %add3A_201 : i32
      %dma_start3A_203 = arith.constant 0 : i32
      %dma_start3A_204 = arith.constant 0 : i32
      %dma_start3A_205 = tpu.memref_slice %arg17[%dma_start3A_203, %dma_start3A_204] : memref<10240x16xf32, #tpu.memory_space<vmem_shared>> -> memref<10240x16xf32, #tpu.memory_space<vmem_shared>>
      tpu.enqueue_indirect_dma source(%arg4 : memref<80x16xf32, #tpu.memory_space<vmem>>) target(%dma_start3A_205 : memref<10240x16xf32, #tpu.memory_space<vmem_shared>>) offsets(%arg7 : memref<80xi32, #tpu.memory_space<vmem>>) semaphore(%arg23 : memref<!tpu.dma_semaphore, #tpu.memory_space<semaphore_mem>>) {add = true}
      %dma_start3A_206 = arith.constant 0 : i32
      %dma_start3A_207 = arith.constant 0 : i32
      %dma_start3A_208 = tpu.memref_slice %arg17[%dma_start3A_206, %dma_start3A_207] : memref<10240x16xf32, #tpu.memory_space<vmem_shared>> -> memref<10240x16xf32, #tpu.memory_space<vmem_shared>>
      tpu.enqueue_indirect_dma source(%arg5 : memref<80x16xf32, #tpu.memory_space<vmem>>) target(%dma_start3A_208 : memref<10240x16xf32, #tpu.memory_space<vmem_shared>>) offsets(%arg12 : memref<80xi32, #tpu.memory_space<vmem>>) semaphore(%arg28 : memref<!tpu.dma_semaphore, #tpu.memory_space<semaphore_mem>>) {add = true}
      %add3A_209 = arith.constant 1 : i32
      %add3A_210 = arith.addi %mul3A_186, %add3A_209 : i32
      %mul3A_211 = arith.constant 80 : i32
      %mul3A_212 = arith.muli %add3A_210, %mul3A_211 : i32
      %add3A_213 = arith.addi %mul3A_2, %mul3A_212 : i32
      %dma_wait3A_214 = tpu.memref_slice %arg2[%add3A_213] : memref<640000xi32, #tpu.memory_space<hbm>> -> memref<80xi32, #tpu.memory_space<hbm>>
      %dma_wait3A_215 = tpu.memref_slice %arg2[%add3A_213] : memref<640000xi32, #tpu.memory_space<hbm>> -> memref<80xi32, #tpu.memory_space<hbm>>
      tpu.wait_dma2 semaphore(%arg19 : memref<!tpu.dma_semaphore, #tpu.memory_space<semaphore_mem>>) src(%dma_wait3A_215 : memref<80xi32, #tpu.memory_space<hbm>>) dst(%arg8 : memref<80xi32, #tpu.memory_space<vmem>>)
      %add3A_216 = arith.constant 320000 : i32
      %add3A_217 = arith.addi %add3A_216, %mul3A_2 : i32
      %mul3A_218 = arith.constant 80 : i32
      %mul3A_219 = arith.muli %add3A_210, %mul3A_218 : i32
      %add3A_220 = arith.addi %add3A_217, %mul3A_219 : i32
      %dma_wait3A_221 = tpu.memref_slice %arg2[%add3A_220] : memref<640000xi32, #tpu.memory_space<hbm>> -> memref<80xi32, #tpu.memory_space<hbm>>
      %dma_wait3A_222 = tpu.memref_slice %arg2[%add3A_220] : memref<640000xi32, #tpu.memory_space<hbm>> -> memref<80xi32, #tpu.memory_space<hbm>>
      tpu.wait_dma2 semaphore(%arg19 : memref<!tpu.dma_semaphore, #tpu.memory_space<semaphore_mem>>) src(%dma_wait3A_222 : memref<80xi32, #tpu.memory_space<hbm>>) dst(%arg13 : memref<80xi32, #tpu.memory_space<vmem>>)
      %add3A_223 = arith.constant 1 : i32
      %add3A_224 = arith.addi %mul3A_186, %add3A_223 : i32
      %dma_start3A_225 = arith.constant 0 : i32
      %dma_start3A_226 = arith.constant 0 : i32
      %dma_start3A_227 = tpu.memref_slice %arg17[%dma_start3A_225, %dma_start3A_226] : memref<10240x16xf32, #tpu.memory_space<vmem_shared>> -> memref<10240x16xf32, #tpu.memory_space<vmem_shared>>
      tpu.enqueue_indirect_dma source(%arg4 : memref<80x16xf32, #tpu.memory_space<vmem>>) target(%dma_start3A_227 : memref<10240x16xf32, #tpu.memory_space<vmem_shared>>) offsets(%arg8 : memref<80xi32, #tpu.memory_space<vmem>>) semaphore(%arg24 : memref<!tpu.dma_semaphore, #tpu.memory_space<semaphore_mem>>) {add = true}
      %dma_start3A_228 = arith.constant 0 : i32
      %dma_start3A_229 = arith.constant 0 : i32
      %dma_start3A_230 = tpu.memref_slice %arg17[%dma_start3A_228, %dma_start3A_229] : memref<10240x16xf32, #tpu.memory_space<vmem_shared>> -> memref<10240x16xf32, #tpu.memory_space<vmem_shared>>
      tpu.enqueue_indirect_dma source(%arg5 : memref<80x16xf32, #tpu.memory_space<vmem>>) target(%dma_start3A_230 : memref<10240x16xf32, #tpu.memory_space<vmem_shared>>) offsets(%arg13 : memref<80xi32, #tpu.memory_space<vmem>>) semaphore(%arg29 : memref<!tpu.dma_semaphore, #tpu.memory_space<semaphore_mem>>) {add = true}
      %add3A_231 = arith.constant 2 : i32
      %add3A_232 = arith.addi %mul3A_186, %add3A_231 : i32
      %mul3A_233 = arith.constant 80 : i32
      %mul3A_234 = arith.muli %add3A_232, %mul3A_233 : i32
      %add3A_235 = arith.addi %mul3A_2, %mul3A_234 : i32
      %dma_wait3A_236 = tpu.memref_slice %arg2[%add3A_235] : memref<640000xi32, #tpu.memory_space<hbm>> -> memref<80xi32, #tpu.memory_space<hbm>>
      %dma_wait3A_237 = tpu.memref_slice %arg2[%add3A_235] : memref<640000xi32, #tpu.memory_space<hbm>> -> memref<80xi32, #tpu.memory_space<hbm>>
      tpu.wait_dma2 semaphore(%arg20 : memref<!tpu.dma_semaphore, #tpu.memory_space<semaphore_mem>>) src(%dma_wait3A_237 : memref<80xi32, #tpu.memory_space<hbm>>) dst(%arg9 : memref<80xi32, #tpu.memory_space<vmem>>)
      %add3A_238 = arith.constant 320000 : i32
      %add3A_239 = arith.addi %add3A_238, %mul3A_2 : i32
      %mul3A_240 = arith.constant 80 : i32
      %mul3A_241 = arith.muli %add3A_232, %mul3A_240 : i32
      %add3A_242 = arith.addi %add3A_239, %mul3A_241 : i32
      %dma_wait3A_243 = tpu.memref_slice %arg2[%add3A_242] : memref<640000xi32, #tpu.memory_space<hbm>> -> memref<80xi32, #tpu.memory_space<hbm>>
      %dma_wait3A_244 = tpu.memref_slice %arg2[%add3A_242] : memref<640000xi32, #tpu.memory_space<hbm>> -> memref<80xi32, #tpu.memory_space<hbm>>
      tpu.wait_dma2 semaphore(%arg20 : memref<!tpu.dma_semaphore, #tpu.memory_space<semaphore_mem>>) src(%dma_wait3A_244 : memref<80xi32, #tpu.memory_space<hbm>>) dst(%arg14 : memref<80xi32, #tpu.memory_space<vmem>>)
      %add3A_245 = arith.constant 2 : i32
      %add3A_246 = arith.addi %mul3A_186, %add3A_245 : i32
      %dma_start3A_247 = arith.constant 0 : i32
      %dma_start3A_248 = arith.constant 0 : i32
      %dma_start3A_249 = tpu.memref_slice %arg17[%dma_start3A_247, %dma_start3A_248] : memref<10240x16xf32, #tpu.memory_space<vmem_shared>> -> memref<10240x16xf32, #tpu.memory_space<vmem_shared>>
      tpu.enqueue_indirect_dma source(%arg4 : memref<80x16xf32, #tpu.memory_space<vmem>>) target(%dma_start3A_249 : memref<10240x16xf32, #tpu.memory_space<vmem_shared>>) offsets(%arg9 : memref<80xi32, #tpu.memory_space<vmem>>) semaphore(%arg25 : memref<!tpu.dma_semaphore, #tpu.memory_space<semaphore_mem>>) {add = true}
      %dma_start3A_250 = arith.constant 0 : i32
      %dma_start3A_251 = arith.constant 0 : i32
      %dma_start3A_252 = tpu.memref_slice %arg17[%dma_start3A_250, %dma_start3A_251] : memref<10240x16xf32, #tpu.memory_space<vmem_shared>> -> memref<10240x16xf32, #tpu.memory_space<vmem_shared>>
      tpu.enqueue_indirect_dma source(%arg5 : memref<80x16xf32, #tpu.memory_space<vmem>>) target(%dma_start3A_252 : memref<10240x16xf32, #tpu.memory_space<vmem_shared>>) offsets(%arg14 : memref<80xi32, #tpu.memory_space<vmem>>) semaphore(%arg30 : memref<!tpu.dma_semaphore, #tpu.memory_space<semaphore_mem>>) {add = true}
      %add3A_253 = arith.constant 3 : i32
      %add3A_254 = arith.addi %mul3A_186, %add3A_253 : i32
      %mul3A_255 = arith.constant 80 : i32
      %mul3A_256 = arith.muli %add3A_254, %mul3A_255 : i32
      %add3A_257 = arith.addi %mul3A_2, %mul3A_256 : i32
      %dma_wait3A_258 = tpu.memref_slice %arg2[%add3A_257] : memref<640000xi32, #tpu.memory_space<hbm>> -> memref<80xi32, #tpu.memory_space<hbm>>
      %dma_wait3A_259 = tpu.memref_slice %arg2[%add3A_257] : memref<640000xi32, #tpu.memory_space<hbm>> -> memref<80xi32, #tpu.memory_space<hbm>>
      tpu.wait_dma2 semaphore(%arg21 : memref<!tpu.dma_semaphore, #tpu.memory_space<semaphore_mem>>) src(%dma_wait3A_259 : memref<80xi32, #tpu.memory_space<hbm>>) dst(%arg10 : memref<80xi32, #tpu.memory_space<vmem>>)
      %add3A_260 = arith.constant 320000 : i32
      %add3A_261 = arith.addi %add3A_260, %mul3A_2 : i32
      %mul3A_262 = arith.constant 80 : i32
      %mul3A_263 = arith.muli %add3A_254, %mul3A_262 : i32
      %add3A_264 = arith.addi %add3A_261, %mul3A_263 : i32
      %dma_wait3A_265 = tpu.memref_slice %arg2[%add3A_264] : memref<640000xi32, #tpu.memory_space<hbm>> -> memref<80xi32, #tpu.memory_space<hbm>>
      %dma_wait3A_266 = tpu.memref_slice %arg2[%add3A_264] : memref<640000xi32, #tpu.memory_space<hbm>> -> memref<80xi32, #tpu.memory_space<hbm>>
      tpu.wait_dma2 semaphore(%arg21 : memref<!tpu.dma_semaphore, #tpu.memory_space<semaphore_mem>>) src(%dma_wait3A_266 : memref<80xi32, #tpu.memory_space<hbm>>) dst(%arg15 : memref<80xi32, #tpu.memory_space<vmem>>)
      %add3A_267 = arith.constant 3 : i32
      %add3A_268 = arith.addi %mul3A_186, %add3A_267 : i32
      %dma_start3A_269 = arith.constant 0 : i32
      %dma_start3A_270 = arith.constant 0 : i32
      %dma_start3A_271 = tpu.memref_slice %arg17[%dma_start3A_269, %dma_start3A_270] : memref<10240x16xf32, #tpu.memory_space<vmem_shared>> -> memref<10240x16xf32, #tpu.memory_space<vmem_shared>>
      tpu.enqueue_indirect_dma source(%arg4 : memref<80x16xf32, #tpu.memory_space<vmem>>) target(%dma_start3A_271 : memref<10240x16xf32, #tpu.memory_space<vmem_shared>>) offsets(%arg10 : memref<80xi32, #tpu.memory_space<vmem>>) semaphore(%arg26 : memref<!tpu.dma_semaphore, #tpu.memory_space<semaphore_mem>>) {add = true}
      %dma_start3A_272 = arith.constant 0 : i32
      %dma_start3A_273 = arith.constant 0 : i32
      %dma_start3A_274 = tpu.memref_slice %arg17[%dma_start3A_272, %dma_start3A_273] : memref<10240x16xf32, #tpu.memory_space<vmem_shared>> -> memref<10240x16xf32, #tpu.memory_space<vmem_shared>>
      tpu.enqueue_indirect_dma source(%arg5 : memref<80x16xf32, #tpu.memory_space<vmem>>) target(%dma_start3A_274 : memref<10240x16xf32, #tpu.memory_space<vmem_shared>>) offsets(%arg15 : memref<80xi32, #tpu.memory_space<vmem>>) semaphore(%arg31 : memref<!tpu.dma_semaphore, #tpu.memory_space<semaphore_mem>>) {add = true}
      %add3A_275 = arith.constant 4 : i32
      %add3A_276 = arith.addi %mul3A_186, %add3A_275 : i32
      %mul3A_277 = arith.constant 80 : i32
      %mul3A_278 = arith.muli %add3A_276, %mul3A_277 : i32
      %add3A_279 = arith.addi %mul3A_2, %mul3A_278 : i32
      %dma_wait3A_280 = tpu.memref_slice %arg2[%add3A_279] : memref<640000xi32, #tpu.memory_space<hbm>> -> memref<80xi32, #tpu.memory_space<hbm>>
      %dma_wait3A_281 = tpu.memref_slice %arg2[%add3A_279] : memref<640000xi32, #tpu.memory_space<hbm>> -> memref<80xi32, #tpu.memory_space<hbm>>
      tpu.wait_dma2 semaphore(%arg22 : memref<!tpu.dma_semaphore, #tpu.memory_space<semaphore_mem>>) src(%dma_wait3A_281 : memref<80xi32, #tpu.memory_space<hbm>>) dst(%arg11 : memref<80xi32, #tpu.memory_space<vmem>>)
      %add3A_282 = arith.constant 320000 : i32
      %add3A_283 = arith.addi %add3A_282, %mul3A_2 : i32
      %mul3A_284 = arith.constant 80 : i32
      %mul3A_285 = arith.muli %add3A_276, %mul3A_284 : i32
      %add3A_286 = arith.addi %add3A_283, %mul3A_285 : i32
      %dma_wait3A_287 = tpu.memref_slice %arg2[%add3A_286] : memref<640000xi32, #tpu.memory_space<hbm>> -> memref<80xi32, #tpu.memory_space<hbm>>
      %dma_wait3A_288 = tpu.memref_slice %arg2[%add3A_286] : memref<640000xi32, #tpu.memory_space<hbm>> -> memref<80xi32, #tpu.memory_space<hbm>>
      tpu.wait_dma2 semaphore(%arg22 : memref<!tpu.dma_semaphore, #tpu.memory_space<semaphore_mem>>) src(%dma_wait3A_288 : memref<80xi32, #tpu.memory_space<hbm>>) dst(%arg16 : memref<80xi32, #tpu.memory_space<vmem>>)
      %add3A_289 = arith.constant 4 : i32
      %add3A_290 = arith.addi %mul3A_186, %add3A_289 : i32
      %dma_start3A_291 = arith.constant 0 : i32
      %dma_start3A_292 = arith.constant 0 : i32
      %dma_start3A_293 = tpu.memref_slice %arg17[%dma_start3A_291, %dma_start3A_292] : memref<10240x16xf32, #tpu.memory_space<vmem_shared>> -> memref<10240x16xf32, #tpu.memory_space<vmem_shared>>
      tpu.enqueue_indirect_dma source(%arg4 : memref<80x16xf32, #tpu.memory_space<vmem>>) target(%dma_start3A_293 : memref<10240x16xf32, #tpu.memory_space<vmem_shared>>) offsets(%arg11 : memref<80xi32, #tpu.memory_space<vmem>>) semaphore(%arg27 : memref<!tpu.dma_semaphore, #tpu.memory_space<semaphore_mem>>) {add = true}
      %dma_start3A_294 = arith.constant 0 : i32
      %dma_start3A_295 = arith.constant 0 : i32
      %dma_start3A_296 = tpu.memref_slice %arg17[%dma_start3A_294, %dma_start3A_295] : memref<10240x16xf32, #tpu.memory_space<vmem_shared>> -> memref<10240x16xf32, #tpu.memory_space<vmem_shared>>
      tpu.enqueue_indirect_dma source(%arg5 : memref<80x16xf32, #tpu.memory_space<vmem>>) target(%dma_start3A_296 : memref<10240x16xf32, #tpu.memory_space<vmem_shared>>) offsets(%arg16 : memref<80xi32, #tpu.memory_space<vmem>>) semaphore(%arg32 : memref<!tpu.dma_semaphore, #tpu.memory_space<semaphore_mem>>) {add = true}
      %add3A_297 = arith.constant 0 : i32
      %add3A_298 = arith.addi %mul3A_186, %add3A_297 : i32
      %dma_wait3A_299 = arith.constant 0 : i32
      %dma_wait3A_300 = arith.constant 0 : i32
      %dma_wait3A_301 = tpu.memref_slice %arg17[%dma_wait3A_299, %dma_wait3A_300] : memref<10240x16xf32, #tpu.memory_space<vmem_shared>> -> memref<10240x16xf32, #tpu.memory_space<vmem_shared>>
      tpu.wait_indirect_dma semaphore(%arg23 : memref<!tpu.dma_semaphore, #tpu.memory_space<semaphore_mem>>) src(%arg4 : memref<80x16xf32, #tpu.memory_space<vmem>>) dst(%dma_wait3A_301 : memref<10240x16xf32, #tpu.memory_space<vmem_shared>>)
      %dma_wait3A_302 = arith.constant 0 : i32
      %dma_wait3A_303 = arith.constant 0 : i32
      %dma_wait3A_304 = tpu.memref_slice %arg17[%dma_wait3A_302, %dma_wait3A_303] : memref<10240x16xf32, #tpu.memory_space<vmem_shared>> -> memref<10240x16xf32, #tpu.memory_space<vmem_shared>>
      tpu.wait_indirect_dma semaphore(%arg28 : memref<!tpu.dma_semaphore, #tpu.memory_space<semaphore_mem>>) src(%arg5 : memref<80x16xf32, #tpu.memory_space<vmem>>) dst(%dma_wait3A_304 : memref<10240x16xf32, #tpu.memory_space<vmem_shared>>)
      %add3A_305 = arith.constant 5 : i32
      %add3A_306 = arith.addi %mul3A_186, %add3A_305 : i32
      %add3A_307 = arith.constant 0 : i32
      %add3A_308 = arith.addi %add3A_306, %add3A_307 : i32
      %mul3A_309 = arith.constant 80 : i32
      %mul3A_310 = arith.muli %add3A_308, %mul3A_309 : i32
      %add3A_311 = arith.addi %mul3A_2, %mul3A_310 : i32
      %dma_start3A_312 = tpu.memref_slice %arg2[%add3A_311] : memref<640000xi32, #tpu.memory_space<hbm>> -> memref<80xi32, #tpu.memory_space<hbm>>
      %dma_start3A_313 = tpu.memref_slice %arg2[%add3A_311] : memref<640000xi32, #tpu.memory_space<hbm>> -> memref<80xi32, #tpu.memory_space<hbm>>
      tpu.enqueue_dma source(%dma_start3A_313 : memref<80xi32, #tpu.memory_space<hbm>>) target(%arg7 : memref<80xi32, #tpu.memory_space<vmem>>) target_semaphore(%arg18 : memref<!tpu.dma_semaphore, #tpu.memory_space<semaphore_mem>>)
      %add3A_314 = arith.constant 320000 : i32
      %add3A_315 = arith.addi %add3A_314, %mul3A_2 : i32
      %mul3A_316 = arith.constant 80 : i32
      %mul3A_317 = arith.muli %add3A_308, %mul3A_316 : i32
      %add3A_318 = arith.addi %add3A_315, %mul3A_317 : i32
      %dma_start3A_319 = tpu.memref_slice %arg2[%add3A_318] : memref<640000xi32, #tpu.memory_space<hbm>> -> memref<80xi32, #tpu.memory_space<hbm>>
      %dma_start3A_320 = tpu.memref_slice %arg2[%add3A_318] : memref<640000xi32, #tpu.memory_space<hbm>> -> memref<80xi32, #tpu.memory_space<hbm>>
      tpu.enqueue_dma source(%dma_start3A_320 : memref<80xi32, #tpu.memory_space<hbm>>) target(%arg12 : memref<80xi32, #tpu.memory_space<vmem>>) target_semaphore(%arg18 : memref<!tpu.dma_semaphore, #tpu.memory_space<semaphore_mem>>)
      %add3A_321 = arith.constant 1 : i32
      %add3A_322 = arith.addi %mul3A_186, %add3A_321 : i32
      %dma_wait3A_323 = arith.constant 0 : i32
      %dma_wait3A_324 = arith.constant 0 : i32
      %dma_wait3A_325 = tpu.memref_slice %arg17[%dma_wait3A_323, %dma_wait3A_324] : memref<10240x16xf32, #tpu.memory_space<vmem_shared>> -> memref<10240x16xf32, #tpu.memory_space<vmem_shared>>
      tpu.wait_indirect_dma semaphore(%arg24 : memref<!tpu.dma_semaphore, #tpu.memory_space<semaphore_mem>>) src(%arg4 : memref<80x16xf32, #tpu.memory_space<vmem>>) dst(%dma_wait3A_325 : memref<10240x16xf32, #tpu.memory_space<vmem_shared>>)
      %dma_wait3A_326 = arith.constant 0 : i32
      %dma_wait3A_327 = arith.constant 0 : i32
      %dma_wait3A_328 = tpu.memref_slice %arg17[%dma_wait3A_326, %dma_wait3A_327] : memref<10240x16xf32, #tpu.memory_space<vmem_shared>> -> memref<10240x16xf32, #tpu.memory_space<vmem_shared>>
      tpu.wait_indirect_dma semaphore(%arg29 : memref<!tpu.dma_semaphore, #tpu.memory_space<semaphore_mem>>) src(%arg5 : memref<80x16xf32, #tpu.memory_space<vmem>>) dst(%dma_wait3A_328 : memref<10240x16xf32, #tpu.memory_space<vmem_shared>>)
      %add3A_329 = arith.constant 5 : i32
      %add3A_330 = arith.addi %mul3A_186, %add3A_329 : i32
      %add3A_331 = arith.constant 1 : i32
      %add3A_332 = arith.addi %add3A_330, %add3A_331 : i32
      %mul3A_333 = arith.constant 80 : i32
      %mul3A_334 = arith.muli %add3A_332, %mul3A_333 : i32
      %add3A_335 = arith.addi %mul3A_2, %mul3A_334 : i32
      %dma_start3A_336 = tpu.memref_slice %arg2[%add3A_335] : memref<640000xi32, #tpu.memory_space<hbm>> -> memref<80xi32, #tpu.memory_space<hbm>>
      %dma_start3A_337 = tpu.memref_slice %arg2[%add3A_335] : memref<640000xi32, #tpu.memory_space<hbm>> -> memref<80xi32, #tpu.memory_space<hbm>>
      tpu.enqueue_dma source(%dma_start3A_337 : memref<80xi32, #tpu.memory_space<hbm>>) target(%arg8 : memref<80xi32, #tpu.memory_space<vmem>>) target_semaphore(%arg19 : memref<!tpu.dma_semaphore, #tpu.memory_space<semaphore_mem>>)
      %add3A_338 = arith.constant 320000 : i32
      %add3A_339 = arith.addi %add3A_338, %mul3A_2 : i32
      %mul3A_340 = arith.constant 80 : i32
      %mul3A_341 = arith.muli %add3A_332, %mul3A_340 : i32
      %add3A_342 = arith.addi %add3A_339, %mul3A_341 : i32
      %dma_start3A_343 = tpu.memref_slice %arg2[%add3A_342] : memref<640000xi32, #tpu.memory_space<hbm>> -> memref<80xi32, #tpu.memory_space<hbm>>
      %dma_start3A_344 = tpu.memref_slice %arg2[%add3A_342] : memref<640000xi32, #tpu.memory_space<hbm>> -> memref<80xi32, #tpu.memory_space<hbm>>
      tpu.enqueue_dma source(%dma_start3A_344 : memref<80xi32, #tpu.memory_space<hbm>>) target(%arg13 : memref<80xi32, #tpu.memory_space<vmem>>) target_semaphore(%arg19 : memref<!tpu.dma_semaphore, #tpu.memory_space<semaphore_mem>>)
      %add3A_345 = arith.constant 2 : i32
      %add3A_346 = arith.addi %mul3A_186, %add3A_345 : i32
      %dma_wait3A_347 = arith.constant 0 : i32
      %dma_wait3A_348 = arith.constant 0 : i32
      %dma_wait3A_349 = tpu.memref_slice %arg17[%dma_wait3A_347, %dma_wait3A_348] : memref<10240x16xf32, #tpu.memory_space<vmem_shared>> -> memref<10240x16xf32, #tpu.memory_space<vmem_shared>>
      tpu.wait_indirect_dma semaphore(%arg25 : memref<!tpu.dma_semaphore, #tpu.memory_space<semaphore_mem>>) src(%arg4 : memref<80x16xf32, #tpu.memory_space<vmem>>) dst(%dma_wait3A_349 : memref<10240x16xf32, #tpu.memory_space<vmem_shared>>)
      %dma_wait3A_350 = arith.constant 0 : i32
      %dma_wait3A_351 = arith.constant 0 : i32
      %dma_wait3A_352 = tpu.memref_slice %arg17[%dma_wait3A_350, %dma_wait3A_351] : memref<10240x16xf32, #tpu.memory_space<vmem_shared>> -> memref<10240x16xf32, #tpu.memory_space<vmem_shared>>
      tpu.wait_indirect_dma semaphore(%arg30 : memref<!tpu.dma_semaphore, #tpu.memory_space<semaphore_mem>>) src(%arg5 : memref<80x16xf32, #tpu.memory_space<vmem>>) dst(%dma_wait3A_352 : memref<10240x16xf32, #tpu.memory_space<vmem_shared>>)
      %add3A_353 = arith.constant 5 : i32
      %add3A_354 = arith.addi %mul3A_186, %add3A_353 : i32
      %add3A_355 = arith.constant 2 : i32
      %add3A_356 = arith.addi %add3A_354, %add3A_355 : i32
      %mul3A_357 = arith.constant 80 : i32
      %mul3A_358 = arith.muli %add3A_356, %mul3A_357 : i32
      %add3A_359 = arith.addi %mul3A_2, %mul3A_358 : i32
      %dma_start3A_360 = tpu.memref_slice %arg2[%add3A_359] : memref<640000xi32, #tpu.memory_space<hbm>> -> memref<80xi32, #tpu.memory_space<hbm>>
      %dma_start3A_361 = tpu.memref_slice %arg2[%add3A_359] : memref<640000xi32, #tpu.memory_space<hbm>> -> memref<80xi32, #tpu.memory_space<hbm>>
      tpu.enqueue_dma source(%dma_start3A_361 : memref<80xi32, #tpu.memory_space<hbm>>) target(%arg9 : memref<80xi32, #tpu.memory_space<vmem>>) target_semaphore(%arg20 : memref<!tpu.dma_semaphore, #tpu.memory_space<semaphore_mem>>)
      %add3A_362 = arith.constant 320000 : i32
      %add3A_363 = arith.addi %add3A_362, %mul3A_2 : i32
      %mul3A_364 = arith.constant 80 : i32
      %mul3A_365 = arith.muli %add3A_356, %mul3A_364 : i32
      %add3A_366 = arith.addi %add3A_363, %mul3A_365 : i32
      %dma_start3A_367 = tpu.memref_slice %arg2[%add3A_366] : memref<640000xi32, #tpu.memory_space<hbm>> -> memref<80xi32, #tpu.memory_space<hbm>>
      %dma_start3A_368 = tpu.memref_slice %arg2[%add3A_366] : memref<640000xi32, #tpu.memory_space<hbm>> -> memref<80xi32, #tpu.memory_space<hbm>>
      tpu.enqueue_dma source(%dma_start3A_368 : memref<80xi32, #tpu.memory_space<hbm>>) target(%arg14 : memref<80xi32, #tpu.memory_space<vmem>>) target_semaphore(%arg20 : memref<!tpu.dma_semaphore, #tpu.memory_space<semaphore_mem>>)
      %add3A_369 = arith.constant 3 : i32
      %add3A_370 = arith.addi %mul3A_186, %add3A_369 : i32
      %dma_wait3A_371 = arith.constant 0 : i32
      %dma_wait3A_372 = arith.constant 0 : i32
      %dma_wait3A_373 = tpu.memref_slice %arg17[%dma_wait3A_371, %dma_wait3A_372] : memref<10240x16xf32, #tpu.memory_space<vmem_shared>> -> memref<10240x16xf32, #tpu.memory_space<vmem_shared>>
      tpu.wait_indirect_dma semaphore(%arg26 : memref<!tpu.dma_semaphore, #tpu.memory_space<semaphore_mem>>) src(%arg4 : memref<80x16xf32, #tpu.memory_space<vmem>>) dst(%dma_wait3A_373 : memref<10240x16xf32, #tpu.memory_space<vmem_shared>>)
      %dma_wait3A_374 = arith.constant 0 : i32
      %dma_wait3A_375 = arith.constant 0 : i32
      %dma_wait3A_376 = tpu.memref_slice %arg17[%dma_wait3A_374, %dma_wait3A_375] : memref<10240x16xf32, #tpu.memory_space<vmem_shared>> -> memref<10240x16xf32, #tpu.memory_space<vmem_shared>>
      tpu.wait_indirect_dma semaphore(%arg31 : memref<!tpu.dma_semaphore, #tpu.memory_space<semaphore_mem>>) src(%arg5 : memref<80x16xf32, #tpu.memory_space<vmem>>) dst(%dma_wait3A_376 : memref<10240x16xf32, #tpu.memory_space<vmem_shared>>)
      %add3A_377 = arith.constant 5 : i32
      %add3A_378 = arith.addi %mul3A_186, %add3A_377 : i32
      %add3A_379 = arith.constant 3 : i32
      %add3A_380 = arith.addi %add3A_378, %add3A_379 : i32
      %mul3A_381 = arith.constant 80 : i32
      %mul3A_382 = arith.muli %add3A_380, %mul3A_381 : i32
      %add3A_383 = arith.addi %mul3A_2, %mul3A_382 : i32
      %dma_start3A_384 = tpu.memref_slice %arg2[%add3A_383] : memref<640000xi32, #tpu.memory_space<hbm>> -> memref<80xi32, #tpu.memory_space<hbm>>
      %dma_start3A_385 = tpu.memref_slice %arg2[%add3A_383] : memref<640000xi32, #tpu.memory_space<hbm>> -> memref<80xi32, #tpu.memory_space<hbm>>
      tpu.enqueue_dma source(%dma_start3A_385 : memref<80xi32, #tpu.memory_space<hbm>>) target(%arg10 : memref<80xi32, #tpu.memory_space<vmem>>) target_semaphore(%arg21 : memref<!tpu.dma_semaphore, #tpu.memory_space<semaphore_mem>>)
      %add3A_386 = arith.constant 320000 : i32
      %add3A_387 = arith.addi %add3A_386, %mul3A_2 : i32
      %mul3A_388 = arith.constant 80 : i32
      %mul3A_389 = arith.muli %add3A_380, %mul3A_388 : i32
      %add3A_390 = arith.addi %add3A_387, %mul3A_389 : i32
      %dma_start3A_391 = tpu.memref_slice %arg2[%add3A_390] : memref<640000xi32, #tpu.memory_space<hbm>> -> memref<80xi32, #tpu.memory_space<hbm>>
      %dma_start3A_392 = tpu.memref_slice %arg2[%add3A_390] : memref<640000xi32, #tpu.memory_space<hbm>> -> memref<80xi32, #tpu.memory_space<hbm>>
      tpu.enqueue_dma source(%dma_start3A_392 : memref<80xi32, #tpu.memory_space<hbm>>) target(%arg15 : memref<80xi32, #tpu.memory_space<vmem>>) target_semaphore(%arg21 : memref<!tpu.dma_semaphore, #tpu.memory_space<semaphore_mem>>)
      %add3A_393 = arith.constant 4 : i32
      %add3A_394 = arith.addi %mul3A_186, %add3A_393 : i32
      %dma_wait3A_395 = arith.constant 0 : i32
      %dma_wait3A_396 = arith.constant 0 : i32
      %dma_wait3A_397 = tpu.memref_slice %arg17[%dma_wait3A_395, %dma_wait3A_396] : memref<10240x16xf32, #tpu.memory_space<vmem_shared>> -> memref<10240x16xf32, #tpu.memory_space<vmem_shared>>
      tpu.wait_indirect_dma semaphore(%arg27 : memref<!tpu.dma_semaphore, #tpu.memory_space<semaphore_mem>>) src(%arg4 : memref<80x16xf32, #tpu.memory_space<vmem>>) dst(%dma_wait3A_397 : memref<10240x16xf32, #tpu.memory_space<vmem_shared>>)
      %dma_wait3A_398 = arith.constant 0 : i32
      %dma_wait3A_399 = arith.constant 0 : i32
      %dma_wait3A_400 = tpu.memref_slice %arg17[%dma_wait3A_398, %dma_wait3A_399] : memref<10240x16xf32, #tpu.memory_space<vmem_shared>> -> memref<10240x16xf32, #tpu.memory_space<vmem_shared>>
      tpu.wait_indirect_dma semaphore(%arg32 : memref<!tpu.dma_semaphore, #tpu.memory_space<semaphore_mem>>) src(%arg5 : memref<80x16xf32, #tpu.memory_space<vmem>>) dst(%dma_wait3A_400 : memref<10240x16xf32, #tpu.memory_space<vmem_shared>>)
      %add3A_401 = arith.constant 5 : i32
      %add3A_402 = arith.addi %mul3A_186, %add3A_401 : i32
      %add3A_403 = arith.constant 4 : i32
      %add3A_404 = arith.addi %add3A_402, %add3A_403 : i32
      %mul3A_405 = arith.constant 80 : i32
      %mul3A_406 = arith.muli %add3A_404, %mul3A_405 : i32
      %add3A_407 = arith.addi %mul3A_2, %mul3A_406 : i32
      %dma_start3A_408 = tpu.memref_slice %arg2[%add3A_407] : memref<640000xi32, #tpu.memory_space<hbm>> -> memref<80xi32, #tpu.memory_space<hbm>>
      %dma_start3A_409 = tpu.memref_slice %arg2[%add3A_407] : memref<640000xi32, #tpu.memory_space<hbm>> -> memref<80xi32, #tpu.memory_space<hbm>>
      tpu.enqueue_dma source(%dma_start3A_409 : memref<80xi32, #tpu.memory_space<hbm>>) target(%arg11 : memref<80xi32, #tpu.memory_space<vmem>>) target_semaphore(%arg22 : memref<!tpu.dma_semaphore, #tpu.memory_space<semaphore_mem>>)
      %add3A_410 = arith.constant 320000 : i32
      %add3A_411 = arith.addi %add3A_410, %mul3A_2 : i32
      %mul3A_412 = arith.constant 80 : i32
      %mul3A_413 = arith.muli %add3A_404, %mul3A_412 : i32
      %add3A_414 = arith.addi %add3A_411, %mul3A_413 : i32
      %dma_start3A_415 = tpu.memref_slice %arg2[%add3A_414] : memref<640000xi32, #tpu.memory_space<hbm>> -> memref<80xi32, #tpu.memory_space<hbm>>
      %dma_start3A_416 = tpu.memref_slice %arg2[%add3A_414] : memref<640000xi32, #tpu.memory_space<hbm>> -> memref<80xi32, #tpu.memory_space<hbm>>
      tpu.enqueue_dma source(%dma_start3A_416 : memref<80xi32, #tpu.memory_space<hbm>>) target(%arg16 : memref<80xi32, #tpu.memory_space<vmem>>) target_semaphore(%arg22 : memref<!tpu.dma_semaphore, #tpu.memory_space<semaphore_mem>>)
    }
    %scan3A_73 = arith.constant 24 : i32
    %add3A_74 = arith.constant 9600 : i32
    %add3A_75 = arith.addi %mul3A_2, %add3A_74 : i32
    %dma_wait3A = tpu.memref_slice %arg2[%add3A_75] : memref<640000xi32, #tpu.memory_space<hbm>> -> memref<80xi32, #tpu.memory_space<hbm>>
    %dma_wait3A_76 = tpu.memref_slice %arg2[%add3A_75] : memref<640000xi32, #tpu.memory_space<hbm>> -> memref<80xi32, #tpu.memory_space<hbm>>
    tpu.wait_dma2 semaphore(%arg18 : memref<!tpu.dma_semaphore, #tpu.memory_space<semaphore_mem>>) src(%dma_wait3A_76 : memref<80xi32, #tpu.memory_space<hbm>>) dst(%arg7 : memref<80xi32, #tpu.memory_space<vmem>>)
    %add3A_77 = arith.constant 320000 : i32
    %add3A_78 = arith.addi %add3A_77, %mul3A_2 : i32
    %add3A_79 = arith.constant 9600 : i32
    %add3A_80 = arith.addi %add3A_78, %add3A_79 : i32
    %dma_wait3A_81 = tpu.memref_slice %arg2[%add3A_80] : memref<640000xi32, #tpu.memory_space<hbm>> -> memref<80xi32, #tpu.memory_space<hbm>>
    %dma_wait3A_82 = tpu.memref_slice %arg2[%add3A_80] : memref<640000xi32, #tpu.memory_space<hbm>> -> memref<80xi32, #tpu.memory_space<hbm>>
    tpu.wait_dma2 semaphore(%arg18 : memref<!tpu.dma_semaphore, #tpu.memory_space<semaphore_mem>>) src(%dma_wait3A_82 : memref<80xi32, #tpu.memory_space<hbm>>) dst(%arg12 : memref<80xi32, #tpu.memory_space<vmem>>)
    %dma_start3A_83 = arith.constant 0 : i32
    %dma_start3A_84 = arith.constant 0 : i32
    %dma_start3A_85 = tpu.memref_slice %arg17[%dma_start3A_83, %dma_start3A_84] : memref<10240x16xf32, #tpu.memory_space<vmem_shared>> -> memref<10240x16xf32, #tpu.memory_space<vmem_shared>>
    tpu.enqueue_indirect_dma source(%arg4 : memref<80x16xf32, #tpu.memory_space<vmem>>) target(%dma_start3A_85 : memref<10240x16xf32, #tpu.memory_space<vmem_shared>>) offsets(%arg7 : memref<80xi32, #tpu.memory_space<vmem>>) semaphore(%arg23 : memref<!tpu.dma_semaphore, #tpu.memory_space<semaphore_mem>>) {add = true}
    %dma_start3A_86 = arith.constant 0 : i32
    %dma_start3A_87 = arith.constant 0 : i32
    %dma_start3A_88 = tpu.memref_slice %arg17[%dma_start3A_86, %dma_start3A_87] : memref<10240x16xf32, #tpu.memory_space<vmem_shared>> -> memref<10240x16xf32, #tpu.memory_space<vmem_shared>>
    tpu.enqueue_indirect_dma source(%arg5 : memref<80x16xf32, #tpu.memory_space<vmem>>) target(%dma_start3A_88 : memref<10240x16xf32, #tpu.memory_space<vmem_shared>>) offsets(%arg12 : memref<80xi32, #tpu.memory_space<vmem>>) semaphore(%arg28 : memref<!tpu.dma_semaphore, #tpu.memory_space<semaphore_mem>>) {add = true}
    %add3A_89 = arith.constant 9680 : i32
    %add3A_90 = arith.addi %mul3A_2, %add3A_89 : i32
    %dma_wait3A_91 = tpu.memref_slice %arg2[%add3A_90] : memref<640000xi32, #tpu.memory_space<hbm>> -> memref<80xi32, #tpu.memory_space<hbm>>
    %dma_wait3A_92 = tpu.memref_slice %arg2[%add3A_90] : memref<640000xi32, #tpu.memory_space<hbm>> -> memref<80xi32, #tpu.memory_space<hbm>>
    tpu.wait_dma2 semaphore(%arg19 : memref<!tpu.dma_semaphore, #tpu.memory_space<semaphore_mem>>) src(%dma_wait3A_92 : memref<80xi32, #tpu.memory_space<hbm>>) dst(%arg8 : memref<80xi32, #tpu.memory_space<vmem>>)
    %add3A_93 = arith.constant 320000 : i32
    %add3A_94 = arith.addi %add3A_93, %mul3A_2 : i32
    %add3A_95 = arith.constant 9680 : i32
    %add3A_96 = arith.addi %add3A_94, %add3A_95 : i32
    %dma_wait3A_97 = tpu.memref_slice %arg2[%add3A_96] : memref<640000xi32, #tpu.memory_space<hbm>> -> memref<80xi32, #tpu.memory_space<hbm>>
    %dma_wait3A_98 = tpu.memref_slice %arg2[%add3A_96] : memref<640000xi32, #tpu.memory_space<hbm>> -> memref<80xi32, #tpu.memory_space<hbm>>
    tpu.wait_dma2 semaphore(%arg19 : memref<!tpu.dma_semaphore, #tpu.memory_space<semaphore_mem>>) src(%dma_wait3A_98 : memref<80xi32, #tpu.memory_space<hbm>>) dst(%arg13 : memref<80xi32, #tpu.memory_space<vmem>>)
    %dma_start3A_99 = arith.constant 0 : i32
    %dma_start3A_100 = arith.constant 0 : i32
    %dma_start3A_101 = tpu.memref_slice %arg17[%dma_start3A_99, %dma_start3A_100] : memref<10240x16xf32, #tpu.memory_space<vmem_shared>> -> memref<10240x16xf32, #tpu.memory_space<vmem_shared>>
    tpu.enqueue_indirect_dma source(%arg4 : memref<80x16xf32, #tpu.memory_space<vmem>>) target(%dma_start3A_101 : memref<10240x16xf32, #tpu.memory_space<vmem_shared>>) offsets(%arg8 : memref<80xi32, #tpu.memory_space<vmem>>) semaphore(%arg24 : memref<!tpu.dma_semaphore, #tpu.memory_space<semaphore_mem>>) {add = true}
    %dma_start3A_102 = arith.constant 0 : i32
    %dma_start3A_103 = arith.constant 0 : i32
    %dma_start3A_104 = tpu.memref_slice %arg17[%dma_start3A_102, %dma_start3A_103] : memref<10240x16xf32, #tpu.memory_space<vmem_shared>> -> memref<10240x16xf32, #tpu.memory_space<vmem_shared>>
    tpu.enqueue_indirect_dma source(%arg5 : memref<80x16xf32, #tpu.memory_space<vmem>>) target(%dma_start3A_104 : memref<10240x16xf32, #tpu.memory_space<vmem_shared>>) offsets(%arg13 : memref<80xi32, #tpu.memory_space<vmem>>) semaphore(%arg29 : memref<!tpu.dma_semaphore, #tpu.memory_space<semaphore_mem>>) {add = true}
    %add3A_105 = arith.constant 9760 : i32
    %add3A_106 = arith.addi %mul3A_2, %add3A_105 : i32
    %dma_wait3A_107 = tpu.memref_slice %arg2[%add3A_106] : memref<640000xi32, #tpu.memory_space<hbm>> -> memref<80xi32, #tpu.memory_space<hbm>>
    %dma_wait3A_108 = tpu.memref_slice %arg2[%add3A_106] : memref<640000xi32, #tpu.memory_space<hbm>> -> memref<80xi32, #tpu.memory_space<hbm>>
    tpu.wait_dma2 semaphore(%arg20 : memref<!tpu.dma_semaphore, #tpu.memory_space<semaphore_mem>>) src(%dma_wait3A_108 : memref<80xi32, #tpu.memory_space<hbm>>) dst(%arg9 : memref<80xi32, #tpu.memory_space<vmem>>)
    %add3A_109 = arith.constant 320000 : i32
    %add3A_110 = arith.addi %add3A_109, %mul3A_2 : i32
    %add3A_111 = arith.constant 9760 : i32
    %add3A_112 = arith.addi %add3A_110, %add3A_111 : i32
    %dma_wait3A_113 = tpu.memref_slice %arg2[%add3A_112] : memref<640000xi32, #tpu.memory_space<hbm>> -> memref<80xi32, #tpu.memory_space<hbm>>
    %dma_wait3A_114 = tpu.memref_slice %arg2[%add3A_112] : memref<640000xi32, #tpu.memory_space<hbm>> -> memref<80xi32, #tpu.memory_space<hbm>>
    tpu.wait_dma2 semaphore(%arg20 : memref<!tpu.dma_semaphore, #tpu.memory_space<semaphore_mem>>) src(%dma_wait3A_114 : memref<80xi32, #tpu.memory_space<hbm>>) dst(%arg14 : memref<80xi32, #tpu.memory_space<vmem>>)
    %dma_start3A_115 = arith.constant 0 : i32
    %dma_start3A_116 = arith.constant 0 : i32
    %dma_start3A_117 = tpu.memref_slice %arg17[%dma_start3A_115, %dma_start3A_116] : memref<10240x16xf32, #tpu.memory_space<vmem_shared>> -> memref<10240x16xf32, #tpu.memory_space<vmem_shared>>
    tpu.enqueue_indirect_dma source(%arg4 : memref<80x16xf32, #tpu.memory_space<vmem>>) target(%dma_start3A_117 : memref<10240x16xf32, #tpu.memory_space<vmem_shared>>) offsets(%arg9 : memref<80xi32, #tpu.memory_space<vmem>>) semaphore(%arg25 : memref<!tpu.dma_semaphore, #tpu.memory_space<semaphore_mem>>) {add = true}
    %dma_start3A_118 = arith.constant 0 : i32
    %dma_start3A_119 = arith.constant 0 : i32
    %dma_start3A_120 = tpu.memref_slice %arg17[%dma_start3A_118, %dma_start3A_119] : memref<10240x16xf32, #tpu.memory_space<vmem_shared>> -> memref<10240x16xf32, #tpu.memory_space<vmem_shared>>
    tpu.enqueue_indirect_dma source(%arg5 : memref<80x16xf32, #tpu.memory_space<vmem>>) target(%dma_start3A_120 : memref<10240x16xf32, #tpu.memory_space<vmem_shared>>) offsets(%arg14 : memref<80xi32, #tpu.memory_space<vmem>>) semaphore(%arg30 : memref<!tpu.dma_semaphore, #tpu.memory_space<semaphore_mem>>) {add = true}
    %add3A_121 = arith.constant 9840 : i32
    %add3A_122 = arith.addi %mul3A_2, %add3A_121 : i32
    %dma_wait3A_123 = tpu.memref_slice %arg2[%add3A_122] : memref<640000xi32, #tpu.memory_space<hbm>> -> memref<80xi32, #tpu.memory_space<hbm>>
    %dma_wait3A_124 = tpu.memref_slice %arg2[%add3A_122] : memref<640000xi32, #tpu.memory_space<hbm>> -> memref<80xi32, #tpu.memory_space<hbm>>
    tpu.wait_dma2 semaphore(%arg21 : memref<!tpu.dma_semaphore, #tpu.memory_space<semaphore_mem>>) src(%dma_wait3A_124 : memref<80xi32, #tpu.memory_space<hbm>>) dst(%arg10 : memref<80xi32, #tpu.memory_space<vmem>>)
    %add3A_125 = arith.constant 320000 : i32
    %add3A_126 = arith.addi %add3A_125, %mul3A_2 : i32
    %add3A_127 = arith.constant 9840 : i32
    %add3A_128 = arith.addi %add3A_126, %add3A_127 : i32
    %dma_wait3A_129 = tpu.memref_slice %arg2[%add3A_128] : memref<640000xi32, #tpu.memory_space<hbm>> -> memref<80xi32, #tpu.memory_space<hbm>>
    %dma_wait3A_130 = tpu.memref_slice %arg2[%add3A_128] : memref<640000xi32, #tpu.memory_space<hbm>> -> memref<80xi32, #tpu.memory_space<hbm>>
    tpu.wait_dma2 semaphore(%arg21 : memref<!tpu.dma_semaphore, #tpu.memory_space<semaphore_mem>>) src(%dma_wait3A_130 : memref<80xi32, #tpu.memory_space<hbm>>) dst(%arg15 : memref<80xi32, #tpu.memory_space<vmem>>)
    %dma_start3A_131 = arith.constant 0 : i32
    %dma_start3A_132 = arith.constant 0 : i32
    %dma_start3A_133 = tpu.memref_slice %arg17[%dma_start3A_131, %dma_start3A_132] : memref<10240x16xf32, #tpu.memory_space<vmem_shared>> -> memref<10240x16xf32, #tpu.memory_space<vmem_shared>>
    tpu.enqueue_indirect_dma source(%arg4 : memref<80x16xf32, #tpu.memory_space<vmem>>) target(%dma_start3A_133 : memref<10240x16xf32, #tpu.memory_space<vmem_shared>>) offsets(%arg10 : memref<80xi32, #tpu.memory_space<vmem>>) semaphore(%arg26 : memref<!tpu.dma_semaphore, #tpu.memory_space<semaphore_mem>>) {add = true}
    %dma_start3A_134 = arith.constant 0 : i32
    %dma_start3A_135 = arith.constant 0 : i32
    %dma_start3A_136 = tpu.memref_slice %arg17[%dma_start3A_134, %dma_start3A_135] : memref<10240x16xf32, #tpu.memory_space<vmem_shared>> -> memref<10240x16xf32, #tpu.memory_space<vmem_shared>>
    tpu.enqueue_indirect_dma source(%arg5 : memref<80x16xf32, #tpu.memory_space<vmem>>) target(%dma_start3A_136 : memref<10240x16xf32, #tpu.memory_space<vmem_shared>>) offsets(%arg15 : memref<80xi32, #tpu.memory_space<vmem>>) semaphore(%arg31 : memref<!tpu.dma_semaphore, #tpu.memory_space<semaphore_mem>>) {add = true}
    %add3A_137 = arith.constant 9920 : i32
    %add3A_138 = arith.addi %mul3A_2, %add3A_137 : i32
    %dma_wait3A_139 = tpu.memref_slice %arg2[%add3A_138] : memref<640000xi32, #tpu.memory_space<hbm>> -> memref<80xi32, #tpu.memory_space<hbm>>
    %dma_wait3A_140 = tpu.memref_slice %arg2[%add3A_138] : memref<640000xi32, #tpu.memory_space<hbm>> -> memref<80xi32, #tpu.memory_space<hbm>>
    tpu.wait_dma2 semaphore(%arg22 : memref<!tpu.dma_semaphore, #tpu.memory_space<semaphore_mem>>) src(%dma_wait3A_140 : memref<80xi32, #tpu.memory_space<hbm>>) dst(%arg11 : memref<80xi32, #tpu.memory_space<vmem>>)
    %add3A_141 = arith.constant 320000 : i32
    %add3A_142 = arith.addi %add3A_141, %mul3A_2 : i32
    %add3A_143 = arith.constant 9920 : i32
    %add3A_144 = arith.addi %add3A_142, %add3A_143 : i32
    %dma_wait3A_145 = tpu.memref_slice %arg2[%add3A_144] : memref<640000xi32, #tpu.memory_space<hbm>> -> memref<80xi32, #tpu.memory_space<hbm>>
    %dma_wait3A_146 = tpu.memref_slice %arg2[%add3A_144] : memref<640000xi32, #tpu.memory_space<hbm>> -> memref<80xi32, #tpu.memory_space<hbm>>
    tpu.wait_dma2 semaphore(%arg22 : memref<!tpu.dma_semaphore, #tpu.memory_space<semaphore_mem>>) src(%dma_wait3A_146 : memref<80xi32, #tpu.memory_space<hbm>>) dst(%arg16 : memref<80xi32, #tpu.memory_space<vmem>>)
    %dma_start3A_147 = arith.constant 0 : i32
    %dma_start3A_148 = arith.constant 0 : i32
    %dma_start3A_149 = tpu.memref_slice %arg17[%dma_start3A_147, %dma_start3A_148] : memref<10240x16xf32, #tpu.memory_space<vmem_shared>> -> memref<10240x16xf32, #tpu.memory_space<vmem_shared>>
    tpu.enqueue_indirect_dma source(%arg4 : memref<80x16xf32, #tpu.memory_space<vmem>>) target(%dma_start3A_149 : memref<10240x16xf32, #tpu.memory_space<vmem_shared>>) offsets(%arg11 : memref<80xi32, #tpu.memory_space<vmem>>) semaphore(%arg27 : memref<!tpu.dma_semaphore, #tpu.memory_space<semaphore_mem>>) {add = true}
    %dma_start3A_150 = arith.constant 0 : i32
    %dma_start3A_151 = arith.constant 0 : i32
    %dma_start3A_152 = tpu.memref_slice %arg17[%dma_start3A_150, %dma_start3A_151] : memref<10240x16xf32, #tpu.memory_space<vmem_shared>> -> memref<10240x16xf32, #tpu.memory_space<vmem_shared>>
    tpu.enqueue_indirect_dma source(%arg5 : memref<80x16xf32, #tpu.memory_space<vmem>>) target(%dma_start3A_152 : memref<10240x16xf32, #tpu.memory_space<vmem_shared>>) offsets(%arg16 : memref<80xi32, #tpu.memory_space<vmem>>) semaphore(%arg32 : memref<!tpu.dma_semaphore, #tpu.memory_space<semaphore_mem>>) {add = true}
    %dma_wait3A_153 = arith.constant 0 : i32
    %dma_wait3A_154 = arith.constant 0 : i32
    %dma_wait3A_155 = tpu.memref_slice %arg17[%dma_wait3A_153, %dma_wait3A_154] : memref<10240x16xf32, #tpu.memory_space<vmem_shared>> -> memref<10240x16xf32, #tpu.memory_space<vmem_shared>>
    tpu.wait_indirect_dma semaphore(%arg23 : memref<!tpu.dma_semaphore, #tpu.memory_space<semaphore_mem>>) src(%arg4 : memref<80x16xf32, #tpu.memory_space<vmem>>) dst(%dma_wait3A_155 : memref<10240x16xf32, #tpu.memory_space<vmem_shared>>)
    %dma_wait3A_156 = arith.constant 0 : i32
    %dma_wait3A_157 = arith.constant 0 : i32
    %dma_wait3A_158 = tpu.memref_slice %arg17[%dma_wait3A_156, %dma_wait3A_157] : memref<10240x16xf32, #tpu.memory_space<vmem_shared>> -> memref<10240x16xf32, #tpu.memory_space<vmem_shared>>
    tpu.wait_indirect_dma semaphore(%arg28 : memref<!tpu.dma_semaphore, #tpu.memory_space<semaphore_mem>>) src(%arg5 : memref<80x16xf32, #tpu.memory_space<vmem>>) dst(%dma_wait3A_158 : memref<10240x16xf32, #tpu.memory_space<vmem_shared>>)
    %dma_wait3A_159 = arith.constant 0 : i32
    %dma_wait3A_160 = arith.constant 0 : i32
    %dma_wait3A_161 = tpu.memref_slice %arg17[%dma_wait3A_159, %dma_wait3A_160] : memref<10240x16xf32, #tpu.memory_space<vmem_shared>> -> memref<10240x16xf32, #tpu.memory_space<vmem_shared>>
    tpu.wait_indirect_dma semaphore(%arg24 : memref<!tpu.dma_semaphore, #tpu.memory_space<semaphore_mem>>) src(%arg4 : memref<80x16xf32, #tpu.memory_space<vmem>>) dst(%dma_wait3A_161 : memref<10240x16xf32, #tpu.memory_space<vmem_shared>>)
    %dma_wait3A_162 = arith.constant 0 : i32
    %dma_wait3A_163 = arith.constant 0 : i32
    %dma_wait3A_164 = tpu.memref_slice %arg17[%dma_wait3A_162, %dma_wait3A_163] : memref<10240x16xf32, #tpu.memory_space<vmem_shared>> -> memref<10240x16xf32, #tpu.memory_space<vmem_shared>>
    tpu.wait_indirect_dma semaphore(%arg29 : memref<!tpu.dma_semaphore, #tpu.memory_space<semaphore_mem>>) src(%arg5 : memref<80x16xf32, #tpu.memory_space<vmem>>) dst(%dma_wait3A_164 : memref<10240x16xf32, #tpu.memory_space<vmem_shared>>)
    %dma_wait3A_165 = arith.constant 0 : i32
    %dma_wait3A_166 = arith.constant 0 : i32
    %dma_wait3A_167 = tpu.memref_slice %arg17[%dma_wait3A_165, %dma_wait3A_166] : memref<10240x16xf32, #tpu.memory_space<vmem_shared>> -> memref<10240x16xf32, #tpu.memory_space<vmem_shared>>
    tpu.wait_indirect_dma semaphore(%arg25 : memref<!tpu.dma_semaphore, #tpu.memory_space<semaphore_mem>>) src(%arg4 : memref<80x16xf32, #tpu.memory_space<vmem>>) dst(%dma_wait3A_167 : memref<10240x16xf32, #tpu.memory_space<vmem_shared>>)
    %dma_wait3A_168 = arith.constant 0 : i32
    %dma_wait3A_169 = arith.constant 0 : i32
    %dma_wait3A_170 = tpu.memref_slice %arg17[%dma_wait3A_168, %dma_wait3A_169] : memref<10240x16xf32, #tpu.memory_space<vmem_shared>> -> memref<10240x16xf32, #tpu.memory_space<vmem_shared>>
    tpu.wait_indirect_dma semaphore(%arg30 : memref<!tpu.dma_semaphore, #tpu.memory_space<semaphore_mem>>) src(%arg5 : memref<80x16xf32, #tpu.memory_space<vmem>>) dst(%dma_wait3A_170 : memref<10240x16xf32, #tpu.memory_space<vmem_shared>>)
    %dma_wait3A_171 = arith.constant 0 : i32
    %dma_wait3A_172 = arith.constant 0 : i32
    %dma_wait3A_173 = tpu.memref_slice %arg17[%dma_wait3A_171, %dma_wait3A_172] : memref<10240x16xf32, #tpu.memory_space<vmem_shared>> -> memref<10240x16xf32, #tpu.memory_space<vmem_shared>>
    tpu.wait_indirect_dma semaphore(%arg26 : memref<!tpu.dma_semaphore, #tpu.memory_space<semaphore_mem>>) src(%arg4 : memref<80x16xf32, #tpu.memory_space<vmem>>) dst(%dma_wait3A_173 : memref<10240x16xf32, #tpu.memory_space<vmem_shared>>)
    %dma_wait3A_174 = arith.constant 0 : i32
    %dma_wait3A_175 = arith.constant 0 : i32
    %dma_wait3A_176 = tpu.memref_slice %arg17[%dma_wait3A_174, %dma_wait3A_175] : memref<10240x16xf32, #tpu.memory_space<vmem_shared>> -> memref<10240x16xf32, #tpu.memory_space<vmem_shared>>
    tpu.wait_indirect_dma semaphore(%arg31 : memref<!tpu.dma_semaphore, #tpu.memory_space<semaphore_mem>>) src(%arg5 : memref<80x16xf32, #tpu.memory_space<vmem>>) dst(%dma_wait3A_176 : memref<10240x16xf32, #tpu.memory_space<vmem_shared>>)
    %dma_wait3A_177 = arith.constant 0 : i32
    %dma_wait3A_178 = arith.constant 0 : i32
    %dma_wait3A_179 = tpu.memref_slice %arg17[%dma_wait3A_177, %dma_wait3A_178] : memref<10240x16xf32, #tpu.memory_space<vmem_shared>> -> memref<10240x16xf32, #tpu.memory_space<vmem_shared>>
    tpu.wait_indirect_dma semaphore(%arg27 : memref<!tpu.dma_semaphore, #tpu.memory_space<semaphore_mem>>) src(%arg4 : memref<80x16xf32, #tpu.memory_space<vmem>>) dst(%dma_wait3A_179 : memref<10240x16xf32, #tpu.memory_space<vmem_shared>>)
    %dma_wait3A_180 = arith.constant 0 : i32
    %dma_wait3A_181 = arith.constant 0 : i32
    %dma_wait3A_182 = tpu.memref_slice %arg17[%dma_wait3A_180, %dma_wait3A_181] : memref<10240x16xf32, #tpu.memory_space<vmem_shared>> -> memref<10240x16xf32, #tpu.memory_space<vmem_shared>>
    tpu.wait_indirect_dma semaphore(%arg32 : memref<!tpu.dma_semaphore, #tpu.memory_space<semaphore_mem>>) src(%arg5 : memref<80x16xf32, #tpu.memory_space<vmem>>) dst(%dma_wait3A_182 : memref<10240x16xf32, #tpu.memory_space<vmem_shared>>)
    %barrier3A_183 = arith.constant 0 : index
    tpu.barrier barrier_id(%barrier3A_183)
    "tpu.region"() ({
      %run_scoped3A = tpu.sem_alloc : memref<!tpu.dma_semaphore, #tpu.memory_space<semaphore_mem>>
      %dma_start3A_184 = arith.constant 0 : i32
      %dma_start3A_185 = tpu.memref_slice %arg3[%arg0, %mul3A_12, %dma_start3A_184] : memref<2x10240x16xf32, #tpu.memory_space<hbm>> -> memref<1x640x16xf32, #tpu.memory_space<hbm>>
      %dma_start3A_186 = tpu.memref_squeeze %dma_start3A_185 : memref<1x640x16xf32, #tpu.memory_space<hbm>> -> memref<640x16xf32, #tpu.memory_space<hbm>>
      %dma_start3A_187 = arith.constant 0 : i32
      %dma_start3A_188 = tpu.memref_slice %arg17[%mul3A_12, %dma_start3A_187] : memref<10240x16xf32, #tpu.memory_space<vmem_shared>> -> memref<640x16xf32, #tpu.memory_space<vmem_shared>>
      tpu.enqueue_dma source(%dma_start3A_188 : memref<640x16xf32, #tpu.memory_space<vmem_shared>>) target(%dma_start3A_186 : memref<640x16xf32, #tpu.memory_space<hbm>>) target_semaphore(%run_scoped3A : memref<!tpu.dma_semaphore, #tpu.memory_space<semaphore_mem>>)
      %dma_wait3A_189 = arith.constant 0 : i32
      %dma_wait3A_190 = tpu.memref_slice %arg3[%arg0, %mul3A_12, %dma_wait3A_189] : memref<2x10240x16xf32, #tpu.memory_space<hbm>> -> memref<1x640x16xf32, #tpu.memory_space<hbm>>
      %dma_wait3A_191 = tpu.memref_squeeze %dma_wait3A_190 : memref<1x640x16xf32, #tpu.memory_space<hbm>> -> memref<640x16xf32, #tpu.memory_space<hbm>>
      %dma_wait3A_192 = arith.constant 0 : i32
      %dma_wait3A_193 = tpu.memref_slice %arg17[%mul3A_12, %dma_wait3A_192] : memref<10240x16xf32, #tpu.memory_space<vmem_shared>> -> memref<640x16xf32, #tpu.memory_space<vmem_shared>>
      tpu.wait_dma2 semaphore(%run_scoped3A : memref<!tpu.dma_semaphore, #tpu.memory_space<semaphore_mem>>) src(%dma_wait3A_193 : memref<640x16xf32, #tpu.memory_space<vmem_shared>>) dst(%dma_wait3A_191 : memref<640x16xf32, #tpu.memory_space<hbm>>)
      tpu.yield
    }) : () -> ()
    return
  }
}

#map = affine_map<(d0, d1) -> (0, 0)>
#map1 = affine_map<(d0, d1) -> (0)>
#map2 = affine_map<(d0, d1) -> (0, 0, 0)>
module attributes {stable_mosaic.version = 14 : i64} {
  func.func @wrapped(%arg0: i32, %arg1: i32, %arg2: memref<10000x64xbf16, #tpu.memory_space<hbm>>, %arg3: memref<640000xi32, #tpu.memory_space<hbm>>, %arg4: memref<2x10240x64xbf16, #tpu.memory_space<hbm>>, %arg5: memref<10000xi32, #tpu.memory_space<vmem>>, %arg6: memref<40xi32, #tpu.memory_space<vmem>>, %arg7: memref<40xi32, #tpu.memory_space<vmem>>, %arg8: memref<40xi32, #tpu.memory_space<vmem>>, %arg9: memref<40xi32, #tpu.memory_space<vmem>>, %arg10: memref<40xi32, #tpu.memory_space<vmem>>, %arg11: memref<40x64xbf16, #tpu.memory_space<vmem>>, %arg12: memref<40x64xbf16, #tpu.memory_space<vmem>>, %arg13: memref<40x64xbf16, #tpu.memory_space<vmem>>, %arg14: memref<40x64xbf16, #tpu.memory_space<vmem>>, %arg15: memref<40x64xbf16, #tpu.memory_space<vmem>>, %arg16: memref<10240x64xbf16, #tpu.memory_space<vmem_shared>>, %arg17: memref<!tpu.dma_semaphore, #tpu.memory_space<semaphore_mem>>, %arg18: memref<!tpu.dma_semaphore, #tpu.memory_space<semaphore_mem>>, %arg19: memref<!tpu.dma_semaphore, #tpu.memory_space<semaphore_mem>>, %arg20: memref<!tpu.dma_semaphore, #tpu.memory_space<semaphore_mem>>, %arg21: memref<!tpu.dma_semaphore, #tpu.memory_space<semaphore_mem>>, %arg22: memref<!tpu.dma_semaphore, #tpu.memory_space<semaphore_mem>>, %arg23: memref<!tpu.dma_semaphore, #tpu.memory_space<semaphore_mem>>, %arg24: memref<!tpu.dma_semaphore, #tpu.memory_space<semaphore_mem>>, %arg25: memref<!tpu.dma_semaphore, #tpu.memory_space<semaphore_mem>>, %arg26: memref<!tpu.dma_semaphore, #tpu.memory_space<semaphore_mem>>, %arg27: memref<!tpu.dma_semaphore, #tpu.memory_space<semaphore_mem>>, %arg28: memref<!tpu.dma_semaphore, #tpu.memory_space<semaphore_mem>>, %arg29: memref<!tpu.dma_semaphore, #tpu.memory_space<semaphore_mem>>, %arg30: memref<!tpu.dma_semaphore, #tpu.memory_space<semaphore_mem>>, %arg31: memref<!tpu.dma_semaphore, #tpu.memory_space<semaphore_mem>>) attributes {dimension_semantics = [#tpu.dimension_semantics<core_parallel>, #tpu.dimension_semantics<subcore_parallel>], iteration_bounds = array<i64: 2, 16>, scalar_prefetch = 0 : i64, scratch_operands = 27 : i64, tpu.core_type = #tpu.core_type<sc_vector_subcore>, window_params = [{transform_indices = #map}, {transform_indices = #map1}, {transform_indices = #map2}]} {
    %mul3A = arith.constant 2 : i32
    %mul3A_0 = arith.muli %arg1, %mul3A : i32
    %add3A = arith.addi %mul3A_0, %arg0 : i32
    %mul3A_1 = arith.constant 10000 : i32
    %mul3A_2 = arith.muli %add3A, %mul3A_1 : i32
    "tpu.region"() ({
      %run_scoped3A = tpu.sem_alloc : memref<!tpu.dma_semaphore, #tpu.memory_space<semaphore_mem>>
      %dma_start3A_161 = tpu.memref_slice %arg3[%mul3A_2] : memref<640000xi32, #tpu.memory_space<hbm>> -> memref<10000xi32, #tpu.memory_space<hbm>>
      %dma_start3A_162 = tpu.memref_slice %arg3[%mul3A_2] : memref<640000xi32, #tpu.memory_space<hbm>> -> memref<10000xi32, #tpu.memory_space<hbm>>
      tpu.enqueue_dma source(%dma_start3A_162 : memref<10000xi32, #tpu.memory_space<hbm>>) target(%arg5 : memref<10000xi32, #tpu.memory_space<vmem>>) target_semaphore(%run_scoped3A : memref<!tpu.dma_semaphore, #tpu.memory_space<semaphore_mem>>)
      %dma_wait3A_163 = tpu.memref_slice %arg3[%mul3A_2] : memref<640000xi32, #tpu.memory_space<hbm>> -> memref<10000xi32, #tpu.memory_space<hbm>>
      %dma_wait3A_164 = tpu.memref_slice %arg3[%mul3A_2] : memref<640000xi32, #tpu.memory_space<hbm>> -> memref<10000xi32, #tpu.memory_space<hbm>>
      tpu.wait_dma2 semaphore(%run_scoped3A : memref<!tpu.dma_semaphore, #tpu.memory_space<semaphore_mem>>) src(%dma_wait3A_164 : memref<10000xi32, #tpu.memory_space<hbm>>) dst(%arg5 : memref<10000xi32, #tpu.memory_space<vmem>>)
      tpu.yield
    }) : () -> ()
    %scan3A = arith.constant 0 : i32
    %scan3A_3 = arith.constant 0 : i32
    %scan3A_4 = arith.constant 40 : i32
    %scan3A_5 = arith.addi %scan3A_3, %scan3A_4 : i32
    %scan3A_6 = arith.constant 1 : i32
    scf.for %scan3A_161 = %scan3A_3 to %scan3A_5 step %scan3A_6  : i32 {
      %broadcast_in_dim3A = arith.constant 0.000000e+00 : bf16
      %broadcast_in_dim3A_162 = vector.broadcast %broadcast_in_dim3A : bf16 to vector<32xbf16>
      %swap3A = arith.index_cast %scan3A_161 : i32 to index
      %swap3A_163 = arith.constant 0 : index
      %swap3A_164 = tpu.vector_load %arg11[%swap3A, %swap3A_163] {strides = array<i32>} : memref<40x64xbf16, #tpu.memory_space<vmem>>, vector<1x32xbf16>,
      %swap3A_165 = vector.shape_cast %swap3A_164 : vector<1x32xbf16> to vector<32xbf16>
      %swap3A_166 = vector.shape_cast %broadcast_in_dim3A_162 : vector<32xbf16> to vector<1x32xbf16>
      tpu.vector_store %arg11[%swap3A, %swap3A_163], %swap3A_166 {strides = array<i32>} : memref<40x64xbf16, #tpu.memory_space<vmem>>, vector<1x32xbf16>,
      %broadcast_in_dim3A_167 = arith.constant 0.000000e+00 : bf16
      %broadcast_in_dim3A_168 = vector.broadcast %broadcast_in_dim3A_167 : bf16 to vector<32xbf16>
      %swap3A_169 = arith.index_cast %scan3A_161 : i32 to index
      %swap3A_170 = arith.constant 32 : index
      %swap3A_171 = tpu.vector_load %arg11[%swap3A_169, %swap3A_170] {strides = array<i32>} : memref<40x64xbf16, #tpu.memory_space<vmem>>, vector<1x32xbf16>,
      %swap3A_172 = vector.shape_cast %swap3A_171 : vector<1x32xbf16> to vector<32xbf16>
      %swap3A_173 = vector.shape_cast %broadcast_in_dim3A_168 : vector<32xbf16> to vector<1x32xbf16>
      tpu.vector_store %arg11[%swap3A_169, %swap3A_170], %swap3A_173 {strides = array<i32>} : memref<40x64xbf16, #tpu.memory_space<vmem>>, vector<1x32xbf16>,
    }
    %scan3A_7 = arith.constant 40 : i32
    %mul3A_8 = arith.constant 640 : i32
    %mul3A_9 = arith.muli %arg1, %mul3A_8 : i32
    %scan3A_10 = arith.constant 0 : i32
    %scan3A_11 = arith.constant 0 : i32
    %scan3A_12 = arith.constant 16 : i32
    %scan3A_13 = arith.addi %scan3A_11, %scan3A_12 : i32
    %scan3A_14 = arith.constant 1 : i32
    scf.for %scan3A_161 = %scan3A_11 to %scan3A_13 step %scan3A_14  : i32 {
      %mul3A_162 = arith.constant 40 : i32
      %mul3A_163 = arith.muli %scan3A_161, %mul3A_162 : i32
      %add3A_164 = arith.addi %mul3A_9, %mul3A_163 : i32
      "tpu.region"() ({
        %run_scoped3A = tpu.sem_alloc : memref<!tpu.dma_semaphore, #tpu.memory_space<semaphore_mem>>
        %dma_start3A_165 = arith.constant 0 : i32
        %dma_start3A_166 = tpu.memref_slice %arg16[%add3A_164, %dma_start3A_165] : memref<10240x64xbf16, #tpu.memory_space<vmem_shared>> -> memref<40x64xbf16, #tpu.memory_space<vmem_shared>>
        %dma_start3A_167 = arith.constant 0 : i32
        %dma_start3A_168 = tpu.memref_slice %arg16[%add3A_164, %dma_start3A_167] : memref<10240x64xbf16, #tpu.memory_space<vmem_shared>> -> memref<40x64xbf16, #tpu.memory_space<vmem_shared>>
        tpu.enqueue_dma source(%arg11 : memref<40x64xbf16, #tpu.memory_space<vmem>>) target(%dma_start3A_168 : memref<40x64xbf16, #tpu.memory_space<vmem_shared>>) target_semaphore(%run_scoped3A : memref<!tpu.dma_semaphore, #tpu.memory_space<semaphore_mem>>)
        %dma_wait3A_169 = arith.constant 0 : i32
        %dma_wait3A_170 = tpu.memref_slice %arg16[%add3A_164, %dma_wait3A_169] : memref<10240x64xbf16, #tpu.memory_space<vmem_shared>> -> memref<40x64xbf16, #tpu.memory_space<vmem_shared>>
        %dma_wait3A_171 = arith.constant 0 : i32
        %dma_wait3A_172 = tpu.memref_slice %arg16[%add3A_164, %dma_wait3A_171] : memref<10240x64xbf16, #tpu.memory_space<vmem_shared>> -> memref<40x64xbf16, #tpu.memory_space<vmem_shared>>
        tpu.wait_dma2 semaphore(%run_scoped3A : memref<!tpu.dma_semaphore, #tpu.memory_space<semaphore_mem>>) src(%arg11 : memref<40x64xbf16, #tpu.memory_space<vmem>>) dst(%dma_wait3A_172 : memref<40x64xbf16, #tpu.memory_space<vmem_shared>>)
        tpu.yield
      }) : () -> ()
    }
    %scan3A_15 = arith.constant 16 : i32
    %barrier3A = arith.constant 0 : index
    tpu.barrier barrier_id(%barrier3A)
    %dma_start3A = arith.constant 0 : i32
    %dma_start3A_16 = tpu.memref_slice %arg5[%dma_start3A] : memref<10000xi32, #tpu.memory_space<vmem>> -> memref<40xi32, #tpu.memory_space<vmem>>
    %dma_start3A_17 = arith.constant 0 : i32
    %dma_start3A_18 = arith.constant 0 : i32
    %dma_start3A_19 = tpu.memref_slice %arg2[%dma_start3A_17, %dma_start3A_18] : memref<10000x64xbf16, #tpu.memory_space<hbm>> -> memref<10000x64xbf16, #tpu.memory_space<hbm>>
    tpu.enqueue_indirect_dma source(%dma_start3A_19 : memref<10000x64xbf16, #tpu.memory_space<hbm>>) target(%arg11 : memref<40x64xbf16, #tpu.memory_space<vmem>>) offsets(%dma_start3A_16 : memref<40xi32, #tpu.memory_space<vmem>>) semaphore(%arg17 : memref<!tpu.dma_semaphore, #tpu.memory_space<semaphore_mem>>)
    %add3A_20 = arith.constant 320000 : i32
    %add3A_21 = arith.addi %add3A_20, %mul3A_2 : i32
    %add3A_22 = arith.constant 0 : i32
    %add3A_23 = arith.addi %add3A_21, %add3A_22 : i32
    %dma_start3A_24 = tpu.memref_slice %arg3[%add3A_23] : memref<640000xi32, #tpu.memory_space<hbm>> -> memref<40xi32, #tpu.memory_space<hbm>>
    %dma_start3A_25 = tpu.memref_slice %arg3[%add3A_23] : memref<640000xi32, #tpu.memory_space<hbm>> -> memref<40xi32, #tpu.memory_space<hbm>>
    tpu.enqueue_dma source(%dma_start3A_25 : memref<40xi32, #tpu.memory_space<hbm>>) target(%arg6 : memref<40xi32, #tpu.memory_space<vmem>>) target_semaphore(%arg22 : memref<!tpu.dma_semaphore, #tpu.memory_space<semaphore_mem>>)
    %dma_start3A_26 = arith.constant 40 : i32
    %dma_start3A_27 = tpu.memref_slice %arg5[%dma_start3A_26] : memref<10000xi32, #tpu.memory_space<vmem>> -> memref<40xi32, #tpu.memory_space<vmem>>
    %dma_start3A_28 = arith.constant 0 : i32
    %dma_start3A_29 = arith.constant 0 : i32
    %dma_start3A_30 = tpu.memref_slice %arg2[%dma_start3A_28, %dma_start3A_29] : memref<10000x64xbf16, #tpu.memory_space<hbm>> -> memref<10000x64xbf16, #tpu.memory_space<hbm>>
    tpu.enqueue_indirect_dma source(%dma_start3A_30 : memref<10000x64xbf16, #tpu.memory_space<hbm>>) target(%arg12 : memref<40x64xbf16, #tpu.memory_space<vmem>>) offsets(%dma_start3A_27 : memref<40xi32, #tpu.memory_space<vmem>>) semaphore(%arg18 : memref<!tpu.dma_semaphore, #tpu.memory_space<semaphore_mem>>)
    %add3A_31 = arith.constant 320000 : i32
    %add3A_32 = arith.addi %add3A_31, %mul3A_2 : i32
    %add3A_33 = arith.constant 40 : i32
    %add3A_34 = arith.addi %add3A_32, %add3A_33 : i32
    %dma_start3A_35 = tpu.memref_slice %arg3[%add3A_34] : memref<640000xi32, #tpu.memory_space<hbm>> -> memref<40xi32, #tpu.memory_space<hbm>>
    %dma_start3A_36 = tpu.memref_slice %arg3[%add3A_34] : memref<640000xi32, #tpu.memory_space<hbm>> -> memref<40xi32, #tpu.memory_space<hbm>>
    tpu.enqueue_dma source(%dma_start3A_36 : memref<40xi32, #tpu.memory_space<hbm>>) target(%arg7 : memref<40xi32, #tpu.memory_space<vmem>>) target_semaphore(%arg23 : memref<!tpu.dma_semaphore, #tpu.memory_space<semaphore_mem>>)
    %dma_start3A_37 = arith.constant 80 : i32
    %dma_start3A_38 = tpu.memref_slice %arg5[%dma_start3A_37] : memref<10000xi32, #tpu.memory_space<vmem>> -> memref<40xi32, #tpu.memory_space<vmem>>
    %dma_start3A_39 = arith.constant 0 : i32
    %dma_start3A_40 = arith.constant 0 : i32
    %dma_start3A_41 = tpu.memref_slice %arg2[%dma_start3A_39, %dma_start3A_40] : memref<10000x64xbf16, #tpu.memory_space<hbm>> -> memref<10000x64xbf16, #tpu.memory_space<hbm>>
    tpu.enqueue_indirect_dma source(%dma_start3A_41 : memref<10000x64xbf16, #tpu.memory_space<hbm>>) target(%arg13 : memref<40x64xbf16, #tpu.memory_space<vmem>>) offsets(%dma_start3A_38 : memref<40xi32, #tpu.memory_space<vmem>>) semaphore(%arg19 : memref<!tpu.dma_semaphore, #tpu.memory_space<semaphore_mem>>)
    %add3A_42 = arith.constant 320000 : i32
    %add3A_43 = arith.addi %add3A_42, %mul3A_2 : i32
    %add3A_44 = arith.constant 80 : i32
    %add3A_45 = arith.addi %add3A_43, %add3A_44 : i32
    %dma_start3A_46 = tpu.memref_slice %arg3[%add3A_45] : memref<640000xi32, #tpu.memory_space<hbm>> -> memref<40xi32, #tpu.memory_space<hbm>>
    %dma_start3A_47 = tpu.memref_slice %arg3[%add3A_45] : memref<640000xi32, #tpu.memory_space<hbm>> -> memref<40xi32, #tpu.memory_space<hbm>>
    tpu.enqueue_dma source(%dma_start3A_47 : memref<40xi32, #tpu.memory_space<hbm>>) target(%arg8 : memref<40xi32, #tpu.memory_space<vmem>>) target_semaphore(%arg24 : memref<!tpu.dma_semaphore, #tpu.memory_space<semaphore_mem>>)
    %dma_start3A_48 = arith.constant 120 : i32
    %dma_start3A_49 = tpu.memref_slice %arg5[%dma_start3A_48] : memref<10000xi32, #tpu.memory_space<vmem>> -> memref<40xi32, #tpu.memory_space<vmem>>
    %dma_start3A_50 = arith.constant 0 : i32
    %dma_start3A_51 = arith.constant 0 : i32
    %dma_start3A_52 = tpu.memref_slice %arg2[%dma_start3A_50, %dma_start3A_51] : memref<10000x64xbf16, #tpu.memory_space<hbm>> -> memref<10000x64xbf16, #tpu.memory_space<hbm>>
    tpu.enqueue_indirect_dma source(%dma_start3A_52 : memref<10000x64xbf16, #tpu.memory_space<hbm>>) target(%arg14 : memref<40x64xbf16, #tpu.memory_space<vmem>>) offsets(%dma_start3A_49 : memref<40xi32, #tpu.memory_space<vmem>>) semaphore(%arg20 : memref<!tpu.dma_semaphore, #tpu.memory_space<semaphore_mem>>)
    %add3A_53 = arith.constant 320000 : i32
    %add3A_54 = arith.addi %add3A_53, %mul3A_2 : i32
    %add3A_55 = arith.constant 120 : i32
    %add3A_56 = arith.addi %add3A_54, %add3A_55 : i32
    %dma_start3A_57 = tpu.memref_slice %arg3[%add3A_56] : memref<640000xi32, #tpu.memory_space<hbm>> -> memref<40xi32, #tpu.memory_space<hbm>>
    %dma_start3A_58 = tpu.memref_slice %arg3[%add3A_56] : memref<640000xi32, #tpu.memory_space<hbm>> -> memref<40xi32, #tpu.memory_space<hbm>>
    tpu.enqueue_dma source(%dma_start3A_58 : memref<40xi32, #tpu.memory_space<hbm>>) target(%arg9 : memref<40xi32, #tpu.memory_space<vmem>>) target_semaphore(%arg25 : memref<!tpu.dma_semaphore, #tpu.memory_space<semaphore_mem>>)
    %dma_start3A_59 = arith.constant 160 : i32
    %dma_start3A_60 = tpu.memref_slice %arg5[%dma_start3A_59] : memref<10000xi32, #tpu.memory_space<vmem>> -> memref<40xi32, #tpu.memory_space<vmem>>
    %dma_start3A_61 = arith.constant 0 : i32
    %dma_start3A_62 = arith.constant 0 : i32
    %dma_start3A_63 = tpu.memref_slice %arg2[%dma_start3A_61, %dma_start3A_62] : memref<10000x64xbf16, #tpu.memory_space<hbm>> -> memref<10000x64xbf16, #tpu.memory_space<hbm>>
    tpu.enqueue_indirect_dma source(%dma_start3A_63 : memref<10000x64xbf16, #tpu.memory_space<hbm>>) target(%arg15 : memref<40x64xbf16, #tpu.memory_space<vmem>>) offsets(%dma_start3A_60 : memref<40xi32, #tpu.memory_space<vmem>>) semaphore(%arg21 : memref<!tpu.dma_semaphore, #tpu.memory_space<semaphore_mem>>)
    %add3A_64 = arith.constant 320000 : i32
    %add3A_65 = arith.addi %add3A_64, %mul3A_2 : i32
    %add3A_66 = arith.constant 160 : i32
    %add3A_67 = arith.addi %add3A_65, %add3A_66 : i32
    %dma_start3A_68 = tpu.memref_slice %arg3[%add3A_67] : memref<640000xi32, #tpu.memory_space<hbm>> -> memref<40xi32, #tpu.memory_space<hbm>>
    %dma_start3A_69 = tpu.memref_slice %arg3[%add3A_67] : memref<640000xi32, #tpu.memory_space<hbm>> -> memref<40xi32, #tpu.memory_space<hbm>>
    tpu.enqueue_dma source(%dma_start3A_69 : memref<40xi32, #tpu.memory_space<hbm>>) target(%arg10 : memref<40xi32, #tpu.memory_space<vmem>>) target_semaphore(%arg26 : memref<!tpu.dma_semaphore, #tpu.memory_space<semaphore_mem>>)
    %scan3A_70 = arith.constant 0 : i32
    %scan3A_71 = arith.constant 0 : i32
    %scan3A_72 = arith.constant 49 : i32
    %scan3A_73 = arith.addi %scan3A_71, %scan3A_72 : i32
    %scan3A_74 = arith.constant 1 : i32
    scf.for %scan3A_161 = %scan3A_71 to %scan3A_73 step %scan3A_74  : i32 {
      %mul3A_162 = arith.constant 5 : i32
      %mul3A_163 = arith.muli %mul3A_162, %scan3A_161 : i32
      %add3A_164 = arith.constant 0 : i32
      %add3A_165 = arith.addi %mul3A_163, %add3A_164 : i32
      %mul3A_166 = arith.constant 40 : i32
      %mul3A_167 = arith.muli %add3A_165, %mul3A_166 : i32
      %dma_wait3A_168 = tpu.memref_slice %arg5[%mul3A_167] : memref<10000xi32, #tpu.memory_space<vmem>> -> memref<40xi32, #tpu.memory_space<vmem>>
      %dma_wait3A_169 = arith.constant 0 : i32
      %dma_wait3A_170 = arith.constant 0 : i32
      %dma_wait3A_171 = tpu.memref_slice %arg2[%dma_wait3A_169, %dma_wait3A_170] : memref<10000x64xbf16, #tpu.memory_space<hbm>> -> memref<10000x64xbf16, #tpu.memory_space<hbm>>
      tpu.wait_indirect_dma semaphore(%arg17 : memref<!tpu.dma_semaphore, #tpu.memory_space<semaphore_mem>>) src(%dma_wait3A_171 : memref<10000x64xbf16, #tpu.memory_space<hbm>>) dst(%arg11 : memref<40x64xbf16, #tpu.memory_space<vmem>>)
      %add3A_172 = arith.constant 320000 : i32
      %add3A_173 = arith.addi %add3A_172, %mul3A_2 : i32
      %mul3A_174 = arith.constant 40 : i32
      %mul3A_175 = arith.muli %add3A_165, %mul3A_174 : i32
      %add3A_176 = arith.addi %add3A_173, %mul3A_175 : i32
      %dma_wait3A_177 = tpu.memref_slice %arg3[%add3A_176] : memref<640000xi32, #tpu.memory_space<hbm>> -> memref<40xi32, #tpu.memory_space<hbm>>
      %dma_wait3A_178 = tpu.memref_slice %arg3[%add3A_176] : memref<640000xi32, #tpu.memory_space<hbm>> -> memref<40xi32, #tpu.memory_space<hbm>>
      tpu.wait_dma2 semaphore(%arg22 : memref<!tpu.dma_semaphore, #tpu.memory_space<semaphore_mem>>) src(%dma_wait3A_178 : memref<40xi32, #tpu.memory_space<hbm>>) dst(%arg6 : memref<40xi32, #tpu.memory_space<vmem>>)
      %add3A_179 = arith.constant 0 : i32
      %add3A_180 = arith.addi %mul3A_163, %add3A_179 : i32
      %dma_start3A_181 = arith.constant 0 : i32
      %dma_start3A_182 = arith.constant 0 : i32
      %dma_start3A_183 = tpu.memref_slice %arg16[%dma_start3A_181, %dma_start3A_182] : memref<10240x64xbf16, #tpu.memory_space<vmem_shared>> -> memref<10240x64xbf16, #tpu.memory_space<vmem_shared>>
      tpu.enqueue_indirect_dma source(%arg11 : memref<40x64xbf16, #tpu.memory_space<vmem>>) target(%dma_start3A_183 : memref<10240x64xbf16, #tpu.memory_space<vmem_shared>>) offsets(%arg6 : memref<40xi32, #tpu.memory_space<vmem>>) semaphore(%arg27 : memref<!tpu.dma_semaphore, #tpu.memory_space<semaphore_mem>>) {add = true}
      %add3A_184 = arith.constant 1 : i32
      %add3A_185 = arith.addi %mul3A_163, %add3A_184 : i32
      %mul3A_186 = arith.constant 40 : i32
      %mul3A_187 = arith.muli %add3A_185, %mul3A_186 : i32
      %dma_wait3A_188 = tpu.memref_slice %arg5[%mul3A_187] : memref<10000xi32, #tpu.memory_space<vmem>> -> memref<40xi32, #tpu.memory_space<vmem>>
      %dma_wait3A_189 = arith.constant 0 : i32
      %dma_wait3A_190 = arith.constant 0 : i32
      %dma_wait3A_191 = tpu.memref_slice %arg2[%dma_wait3A_189, %dma_wait3A_190] : memref<10000x64xbf16, #tpu.memory_space<hbm>> -> memref<10000x64xbf16, #tpu.memory_space<hbm>>
      tpu.wait_indirect_dma semaphore(%arg18 : memref<!tpu.dma_semaphore, #tpu.memory_space<semaphore_mem>>) src(%dma_wait3A_191 : memref<10000x64xbf16, #tpu.memory_space<hbm>>) dst(%arg12 : memref<40x64xbf16, #tpu.memory_space<vmem>>)
      %add3A_192 = arith.constant 320000 : i32
      %add3A_193 = arith.addi %add3A_192, %mul3A_2 : i32
      %mul3A_194 = arith.constant 40 : i32
      %mul3A_195 = arith.muli %add3A_185, %mul3A_194 : i32
      %add3A_196 = arith.addi %add3A_193, %mul3A_195 : i32
      %dma_wait3A_197 = tpu.memref_slice %arg3[%add3A_196] : memref<640000xi32, #tpu.memory_space<hbm>> -> memref<40xi32, #tpu.memory_space<hbm>>
      %dma_wait3A_198 = tpu.memref_slice %arg3[%add3A_196] : memref<640000xi32, #tpu.memory_space<hbm>> -> memref<40xi32, #tpu.memory_space<hbm>>
      tpu.wait_dma2 semaphore(%arg23 : memref<!tpu.dma_semaphore, #tpu.memory_space<semaphore_mem>>) src(%dma_wait3A_198 : memref<40xi32, #tpu.memory_space<hbm>>) dst(%arg7 : memref<40xi32, #tpu.memory_space<vmem>>)
      %add3A_199 = arith.constant 1 : i32
      %add3A_200 = arith.addi %mul3A_163, %add3A_199 : i32
      %dma_start3A_201 = arith.constant 0 : i32
      %dma_start3A_202 = arith.constant 0 : i32
      %dma_start3A_203 = tpu.memref_slice %arg16[%dma_start3A_201, %dma_start3A_202] : memref<10240x64xbf16, #tpu.memory_space<vmem_shared>> -> memref<10240x64xbf16, #tpu.memory_space<vmem_shared>>
      tpu.enqueue_indirect_dma source(%arg12 : memref<40x64xbf16, #tpu.memory_space<vmem>>) target(%dma_start3A_203 : memref<10240x64xbf16, #tpu.memory_space<vmem_shared>>) offsets(%arg7 : memref<40xi32, #tpu.memory_space<vmem>>) semaphore(%arg28 : memref<!tpu.dma_semaphore, #tpu.memory_space<semaphore_mem>>) {add = true}
      %add3A_204 = arith.constant 2 : i32
      %add3A_205 = arith.addi %mul3A_163, %add3A_204 : i32
      %mul3A_206 = arith.constant 40 : i32
      %mul3A_207 = arith.muli %add3A_205, %mul3A_206 : i32
      %dma_wait3A_208 = tpu.memref_slice %arg5[%mul3A_207] : memref<10000xi32, #tpu.memory_space<vmem>> -> memref<40xi32, #tpu.memory_space<vmem>>
      %dma_wait3A_209 = arith.constant 0 : i32
      %dma_wait3A_210 = arith.constant 0 : i32
      %dma_wait3A_211 = tpu.memref_slice %arg2[%dma_wait3A_209, %dma_wait3A_210] : memref<10000x64xbf16, #tpu.memory_space<hbm>> -> memref<10000x64xbf16, #tpu.memory_space<hbm>>
      tpu.wait_indirect_dma semaphore(%arg19 : memref<!tpu.dma_semaphore, #tpu.memory_space<semaphore_mem>>) src(%dma_wait3A_211 : memref<10000x64xbf16, #tpu.memory_space<hbm>>) dst(%arg13 : memref<40x64xbf16, #tpu.memory_space<vmem>>)
      %add3A_212 = arith.constant 320000 : i32
      %add3A_213 = arith.addi %add3A_212, %mul3A_2 : i32
      %mul3A_214 = arith.constant 40 : i32
      %mul3A_215 = arith.muli %add3A_205, %mul3A_214 : i32
      %add3A_216 = arith.addi %add3A_213, %mul3A_215 : i32
      %dma_wait3A_217 = tpu.memref_slice %arg3[%add3A_216] : memref<640000xi32, #tpu.memory_space<hbm>> -> memref<40xi32, #tpu.memory_space<hbm>>
      %dma_wait3A_218 = tpu.memref_slice %arg3[%add3A_216] : memref<640000xi32, #tpu.memory_space<hbm>> -> memref<40xi32, #tpu.memory_space<hbm>>
      tpu.wait_dma2 semaphore(%arg24 : memref<!tpu.dma_semaphore, #tpu.memory_space<semaphore_mem>>) src(%dma_wait3A_218 : memref<40xi32, #tpu.memory_space<hbm>>) dst(%arg8 : memref<40xi32, #tpu.memory_space<vmem>>)
      %add3A_219 = arith.constant 2 : i32
      %add3A_220 = arith.addi %mul3A_163, %add3A_219 : i32
      %dma_start3A_221 = arith.constant 0 : i32
      %dma_start3A_222 = arith.constant 0 : i32
      %dma_start3A_223 = tpu.memref_slice %arg16[%dma_start3A_221, %dma_start3A_222] : memref<10240x64xbf16, #tpu.memory_space<vmem_shared>> -> memref<10240x64xbf16, #tpu.memory_space<vmem_shared>>
      tpu.enqueue_indirect_dma source(%arg13 : memref<40x64xbf16, #tpu.memory_space<vmem>>) target(%dma_start3A_223 : memref<10240x64xbf16, #tpu.memory_space<vmem_shared>>) offsets(%arg8 : memref<40xi32, #tpu.memory_space<vmem>>) semaphore(%arg29 : memref<!tpu.dma_semaphore, #tpu.memory_space<semaphore_mem>>) {add = true}
      %add3A_224 = arith.constant 3 : i32
      %add3A_225 = arith.addi %mul3A_163, %add3A_224 : i32
      %mul3A_226 = arith.constant 40 : i32
      %mul3A_227 = arith.muli %add3A_225, %mul3A_226 : i32
      %dma_wait3A_228 = tpu.memref_slice %arg5[%mul3A_227] : memref<10000xi32, #tpu.memory_space<vmem>> -> memref<40xi32, #tpu.memory_space<vmem>>
      %dma_wait3A_229 = arith.constant 0 : i32
      %dma_wait3A_230 = arith.constant 0 : i32
      %dma_wait3A_231 = tpu.memref_slice %arg2[%dma_wait3A_229, %dma_wait3A_230] : memref<10000x64xbf16, #tpu.memory_space<hbm>> -> memref<10000x64xbf16, #tpu.memory_space<hbm>>
      tpu.wait_indirect_dma semaphore(%arg20 : memref<!tpu.dma_semaphore, #tpu.memory_space<semaphore_mem>>) src(%dma_wait3A_231 : memref<10000x64xbf16, #tpu.memory_space<hbm>>) dst(%arg14 : memref<40x64xbf16, #tpu.memory_space<vmem>>)
      %add3A_232 = arith.constant 320000 : i32
      %add3A_233 = arith.addi %add3A_232, %mul3A_2 : i32
      %mul3A_234 = arith.constant 40 : i32
      %mul3A_235 = arith.muli %add3A_225, %mul3A_234 : i32
      %add3A_236 = arith.addi %add3A_233, %mul3A_235 : i32
      %dma_wait3A_237 = tpu.memref_slice %arg3[%add3A_236] : memref<640000xi32, #tpu.memory_space<hbm>> -> memref<40xi32, #tpu.memory_space<hbm>>
      %dma_wait3A_238 = tpu.memref_slice %arg3[%add3A_236] : memref<640000xi32, #tpu.memory_space<hbm>> -> memref<40xi32, #tpu.memory_space<hbm>>
      tpu.wait_dma2 semaphore(%arg25 : memref<!tpu.dma_semaphore, #tpu.memory_space<semaphore_mem>>) src(%dma_wait3A_238 : memref<40xi32, #tpu.memory_space<hbm>>) dst(%arg9 : memref<40xi32, #tpu.memory_space<vmem>>)
      %add3A_239 = arith.constant 3 : i32
      %add3A_240 = arith.addi %mul3A_163, %add3A_239 : i32
      %dma_start3A_241 = arith.constant 0 : i32
      %dma_start3A_242 = arith.constant 0 : i32
      %dma_start3A_243 = tpu.memref_slice %arg16[%dma_start3A_241, %dma_start3A_242] : memref<10240x64xbf16, #tpu.memory_space<vmem_shared>> -> memref<10240x64xbf16, #tpu.memory_space<vmem_shared>>
      tpu.enqueue_indirect_dma source(%arg14 : memref<40x64xbf16, #tpu.memory_space<vmem>>) target(%dma_start3A_243 : memref<10240x64xbf16, #tpu.memory_space<vmem_shared>>) offsets(%arg9 : memref<40xi32, #tpu.memory_space<vmem>>) semaphore(%arg30 : memref<!tpu.dma_semaphore, #tpu.memory_space<semaphore_mem>>) {add = true}
      %add3A_244 = arith.constant 4 : i32
      %add3A_245 = arith.addi %mul3A_163, %add3A_244 : i32
      %mul3A_246 = arith.constant 40 : i32
      %mul3A_247 = arith.muli %add3A_245, %mul3A_246 : i32
      %dma_wait3A_248 = tpu.memref_slice %arg5[%mul3A_247] : memref<10000xi32, #tpu.memory_space<vmem>> -> memref<40xi32, #tpu.memory_space<vmem>>
      %dma_wait3A_249 = arith.constant 0 : i32
      %dma_wait3A_250 = arith.constant 0 : i32
      %dma_wait3A_251 = tpu.memref_slice %arg2[%dma_wait3A_249, %dma_wait3A_250] : memref<10000x64xbf16, #tpu.memory_space<hbm>> -> memref<10000x64xbf16, #tpu.memory_space<hbm>>
      tpu.wait_indirect_dma semaphore(%arg21 : memref<!tpu.dma_semaphore, #tpu.memory_space<semaphore_mem>>) src(%dma_wait3A_251 : memref<10000x64xbf16, #tpu.memory_space<hbm>>) dst(%arg15 : memref<40x64xbf16, #tpu.memory_space<vmem>>)
      %add3A_252 = arith.constant 320000 : i32
      %add3A_253 = arith.addi %add3A_252, %mul3A_2 : i32
      %mul3A_254 = arith.constant 40 : i32
      %mul3A_255 = arith.muli %add3A_245, %mul3A_254 : i32
      %add3A_256 = arith.addi %add3A_253, %mul3A_255 : i32
      %dma_wait3A_257 = tpu.memref_slice %arg3[%add3A_256] : memref<640000xi32, #tpu.memory_space<hbm>> -> memref<40xi32, #tpu.memory_space<hbm>>
      %dma_wait3A_258 = tpu.memref_slice %arg3[%add3A_256] : memref<640000xi32, #tpu.memory_space<hbm>> -> memref<40xi32, #tpu.memory_space<hbm>>
      tpu.wait_dma2 semaphore(%arg26 : memref<!tpu.dma_semaphore, #tpu.memory_space<semaphore_mem>>) src(%dma_wait3A_258 : memref<40xi32, #tpu.memory_space<hbm>>) dst(%arg10 : memref<40xi32, #tpu.memory_space<vmem>>)
      %add3A_259 = arith.constant 4 : i32
      %add3A_260 = arith.addi %mul3A_163, %add3A_259 : i32
      %dma_start3A_261 = arith.constant 0 : i32
      %dma_start3A_262 = arith.constant 0 : i32
      %dma_start3A_263 = tpu.memref_slice %arg16[%dma_start3A_261, %dma_start3A_262] : memref<10240x64xbf16, #tpu.memory_space<vmem_shared>> -> memref<10240x64xbf16, #tpu.memory_space<vmem_shared>>
      tpu.enqueue_indirect_dma source(%arg15 : memref<40x64xbf16, #tpu.memory_space<vmem>>) target(%dma_start3A_263 : memref<10240x64xbf16, #tpu.memory_space<vmem_shared>>) offsets(%arg10 : memref<40xi32, #tpu.memory_space<vmem>>) semaphore(%arg31 : memref<!tpu.dma_semaphore, #tpu.memory_space<semaphore_mem>>) {add = true}
      %add3A_264 = arith.constant 0 : i32
      %add3A_265 = arith.addi %mul3A_163, %add3A_264 : i32
      %dma_wait3A_266 = arith.constant 0 : i32
      %dma_wait3A_267 = arith.constant 0 : i32
      %dma_wait3A_268 = tpu.memref_slice %arg16[%dma_wait3A_266, %dma_wait3A_267] : memref<10240x64xbf16, #tpu.memory_space<vmem_shared>> -> memref<10240x64xbf16, #tpu.memory_space<vmem_shared>>
      tpu.wait_indirect_dma semaphore(%arg27 : memref<!tpu.dma_semaphore, #tpu.memory_space<semaphore_mem>>) src(%arg11 : memref<40x64xbf16, #tpu.memory_space<vmem>>) dst(%dma_wait3A_268 : memref<10240x64xbf16, #tpu.memory_space<vmem_shared>>)
      %add3A_269 = arith.constant 5 : i32
      %add3A_270 = arith.addi %mul3A_163, %add3A_269 : i32
      %add3A_271 = arith.constant 0 : i32
      %add3A_272 = arith.addi %add3A_270, %add3A_271 : i32
      %mul3A_273 = arith.constant 40 : i32
      %mul3A_274 = arith.muli %add3A_272, %mul3A_273 : i32
      %dma_start3A_275 = tpu.memref_slice %arg5[%mul3A_274] : memref<10000xi32, #tpu.memory_space<vmem>> -> memref<40xi32, #tpu.memory_space<vmem>>
      %dma_start3A_276 = arith.constant 0 : i32
      %dma_start3A_277 = arith.constant 0 : i32
      %dma_start3A_278 = tpu.memref_slice %arg2[%dma_start3A_276, %dma_start3A_277] : memref<10000x64xbf16, #tpu.memory_space<hbm>> -> memref<10000x64xbf16, #tpu.memory_space<hbm>>
      tpu.enqueue_indirect_dma source(%dma_start3A_278 : memref<10000x64xbf16, #tpu.memory_space<hbm>>) target(%arg11 : memref<40x64xbf16, #tpu.memory_space<vmem>>) offsets(%dma_start3A_275 : memref<40xi32, #tpu.memory_space<vmem>>) semaphore(%arg17 : memref<!tpu.dma_semaphore, #tpu.memory_space<semaphore_mem>>)
      %add3A_279 = arith.constant 320000 : i32
      %add3A_280 = arith.addi %add3A_279, %mul3A_2 : i32
      %mul3A_281 = arith.constant 40 : i32
      %mul3A_282 = arith.muli %add3A_272, %mul3A_281 : i32
      %add3A_283 = arith.addi %add3A_280, %mul3A_282 : i32
      %dma_start3A_284 = tpu.memref_slice %arg3[%add3A_283] : memref<640000xi32, #tpu.memory_space<hbm>> -> memref<40xi32, #tpu.memory_space<hbm>>
      %dma_start3A_285 = tpu.memref_slice %arg3[%add3A_283] : memref<640000xi32, #tpu.memory_space<hbm>> -> memref<40xi32, #tpu.memory_space<hbm>>
      tpu.enqueue_dma source(%dma_start3A_285 : memref<40xi32, #tpu.memory_space<hbm>>) target(%arg6 : memref<40xi32, #tpu.memory_space<vmem>>) target_semaphore(%arg22 : memref<!tpu.dma_semaphore, #tpu.memory_space<semaphore_mem>>)
      %add3A_286 = arith.constant 1 : i32
      %add3A_287 = arith.addi %mul3A_163, %add3A_286 : i32
      %dma_wait3A_288 = arith.constant 0 : i32
      %dma_wait3A_289 = arith.constant 0 : i32
      %dma_wait3A_290 = tpu.memref_slice %arg16[%dma_wait3A_288, %dma_wait3A_289] : memref<10240x64xbf16, #tpu.memory_space<vmem_shared>> -> memref<10240x64xbf16, #tpu.memory_space<vmem_shared>>
      tpu.wait_indirect_dma semaphore(%arg28 : memref<!tpu.dma_semaphore, #tpu.memory_space<semaphore_mem>>) src(%arg12 : memref<40x64xbf16, #tpu.memory_space<vmem>>) dst(%dma_wait3A_290 : memref<10240x64xbf16, #tpu.memory_space<vmem_shared>>)
      %add3A_291 = arith.constant 5 : i32
      %add3A_292 = arith.addi %mul3A_163, %add3A_291 : i32
      %add3A_293 = arith.constant 1 : i32
      %add3A_294 = arith.addi %add3A_292, %add3A_293 : i32
      %mul3A_295 = arith.constant 40 : i32
      %mul3A_296 = arith.muli %add3A_294, %mul3A_295 : i32
      %dma_start3A_297 = tpu.memref_slice %arg5[%mul3A_296] : memref<10000xi32, #tpu.memory_space<vmem>> -> memref<40xi32, #tpu.memory_space<vmem>>
      %dma_start3A_298 = arith.constant 0 : i32
      %dma_start3A_299 = arith.constant 0 : i32
      %dma_start3A_300 = tpu.memref_slice %arg2[%dma_start3A_298, %dma_start3A_299] : memref<10000x64xbf16, #tpu.memory_space<hbm>> -> memref<10000x64xbf16, #tpu.memory_space<hbm>>
      tpu.enqueue_indirect_dma source(%dma_start3A_300 : memref<10000x64xbf16, #tpu.memory_space<hbm>>) target(%arg12 : memref<40x64xbf16, #tpu.memory_space<vmem>>) offsets(%dma_start3A_297 : memref<40xi32, #tpu.memory_space<vmem>>) semaphore(%arg18 : memref<!tpu.dma_semaphore, #tpu.memory_space<semaphore_mem>>)
      %add3A_301 = arith.constant 320000 : i32
      %add3A_302 = arith.addi %add3A_301, %mul3A_2 : i32
      %mul3A_303 = arith.constant 40 : i32
      %mul3A_304 = arith.muli %add3A_294, %mul3A_303 : i32
      %add3A_305 = arith.addi %add3A_302, %mul3A_304 : i32
      %dma_start3A_306 = tpu.memref_slice %arg3[%add3A_305] : memref<640000xi32, #tpu.memory_space<hbm>> -> memref<40xi32, #tpu.memory_space<hbm>>
      %dma_start3A_307 = tpu.memref_slice %arg3[%add3A_305] : memref<640000xi32, #tpu.memory_space<hbm>> -> memref<40xi32, #tpu.memory_space<hbm>>
      tpu.enqueue_dma source(%dma_start3A_307 : memref<40xi32, #tpu.memory_space<hbm>>) target(%arg7 : memref<40xi32, #tpu.memory_space<vmem>>) target_semaphore(%arg23 : memref<!tpu.dma_semaphore, #tpu.memory_space<semaphore_mem>>)
      %add3A_308 = arith.constant 2 : i32
      %add3A_309 = arith.addi %mul3A_163, %add3A_308 : i32
      %dma_wait3A_310 = arith.constant 0 : i32
      %dma_wait3A_311 = arith.constant 0 : i32
      %dma_wait3A_312 = tpu.memref_slice %arg16[%dma_wait3A_310, %dma_wait3A_311] : memref<10240x64xbf16, #tpu.memory_space<vmem_shared>> -> memref<10240x64xbf16, #tpu.memory_space<vmem_shared>>
      tpu.wait_indirect_dma semaphore(%arg29 : memref<!tpu.dma_semaphore, #tpu.memory_space<semaphore_mem>>) src(%arg13 : memref<40x64xbf16, #tpu.memory_space<vmem>>) dst(%dma_wait3A_312 : memref<10240x64xbf16, #tpu.memory_space<vmem_shared>>)
      %add3A_313 = arith.constant 5 : i32
      %add3A_314 = arith.addi %mul3A_163, %add3A_313 : i32
      %add3A_315 = arith.constant 2 : i32
      %add3A_316 = arith.addi %add3A_314, %add3A_315 : i32
      %mul3A_317 = arith.constant 40 : i32
      %mul3A_318 = arith.muli %add3A_316, %mul3A_317 : i32
      %dma_start3A_319 = tpu.memref_slice %arg5[%mul3A_318] : memref<10000xi32, #tpu.memory_space<vmem>> -> memref<40xi32, #tpu.memory_space<vmem>>
      %dma_start3A_320 = arith.constant 0 : i32
      %dma_start3A_321 = arith.constant 0 : i32
      %dma_start3A_322 = tpu.memref_slice %arg2[%dma_start3A_320, %dma_start3A_321] : memref<10000x64xbf16, #tpu.memory_space<hbm>> -> memref<10000x64xbf16, #tpu.memory_space<hbm>>
      tpu.enqueue_indirect_dma source(%dma_start3A_322 : memref<10000x64xbf16, #tpu.memory_space<hbm>>) target(%arg13 : memref<40x64xbf16, #tpu.memory_space<vmem>>) offsets(%dma_start3A_319 : memref<40xi32, #tpu.memory_space<vmem>>) semaphore(%arg19 : memref<!tpu.dma_semaphore, #tpu.memory_space<semaphore_mem>>)
      %add3A_323 = arith.constant 320000 : i32
      %add3A_324 = arith.addi %add3A_323, %mul3A_2 : i32
      %mul3A_325 = arith.constant 40 : i32
      %mul3A_326 = arith.muli %add3A_316, %mul3A_325 : i32
      %add3A_327 = arith.addi %add3A_324, %mul3A_326 : i32
      %dma_start3A_328 = tpu.memref_slice %arg3[%add3A_327] : memref<640000xi32, #tpu.memory_space<hbm>> -> memref<40xi32, #tpu.memory_space<hbm>>
      %dma_start3A_329 = tpu.memref_slice %arg3[%add3A_327] : memref<640000xi32, #tpu.memory_space<hbm>> -> memref<40xi32, #tpu.memory_space<hbm>>
      tpu.enqueue_dma source(%dma_start3A_329 : memref<40xi32, #tpu.memory_space<hbm>>) target(%arg8 : memref<40xi32, #tpu.memory_space<vmem>>) target_semaphore(%arg24 : memref<!tpu.dma_semaphore, #tpu.memory_space<semaphore_mem>>)
      %add3A_330 = arith.constant 3 : i32
      %add3A_331 = arith.addi %mul3A_163, %add3A_330 : i32
      %dma_wait3A_332 = arith.constant 0 : i32
      %dma_wait3A_333 = arith.constant 0 : i32
      %dma_wait3A_334 = tpu.memref_slice %arg16[%dma_wait3A_332, %dma_wait3A_333] : memref<10240x64xbf16, #tpu.memory_space<vmem_shared>> -> memref<10240x64xbf16, #tpu.memory_space<vmem_shared>>
      tpu.wait_indirect_dma semaphore(%arg30 : memref<!tpu.dma_semaphore, #tpu.memory_space<semaphore_mem>>) src(%arg14 : memref<40x64xbf16, #tpu.memory_space<vmem>>) dst(%dma_wait3A_334 : memref<10240x64xbf16, #tpu.memory_space<vmem_shared>>)
      %add3A_335 = arith.constant 5 : i32
      %add3A_336 = arith.addi %mul3A_163, %add3A_335 : i32
      %add3A_337 = arith.constant 3 : i32
      %add3A_338 = arith.addi %add3A_336, %add3A_337 : i32
      %mul3A_339 = arith.constant 40 : i32
      %mul3A_340 = arith.muli %add3A_338, %mul3A_339 : i32
      %dma_start3A_341 = tpu.memref_slice %arg5[%mul3A_340] : memref<10000xi32, #tpu.memory_space<vmem>> -> memref<40xi32, #tpu.memory_space<vmem>>
      %dma_start3A_342 = arith.constant 0 : i32
      %dma_start3A_343 = arith.constant 0 : i32
      %dma_start3A_344 = tpu.memref_slice %arg2[%dma_start3A_342, %dma_start3A_343] : memref<10000x64xbf16, #tpu.memory_space<hbm>> -> memref<10000x64xbf16, #tpu.memory_space<hbm>>
      tpu.enqueue_indirect_dma source(%dma_start3A_344 : memref<10000x64xbf16, #tpu.memory_space<hbm>>) target(%arg14 : memref<40x64xbf16, #tpu.memory_space<vmem>>) offsets(%dma_start3A_341 : memref<40xi32, #tpu.memory_space<vmem>>) semaphore(%arg20 : memref<!tpu.dma_semaphore, #tpu.memory_space<semaphore_mem>>)
      %add3A_345 = arith.constant 320000 : i32
      %add3A_346 = arith.addi %add3A_345, %mul3A_2 : i32
      %mul3A_347 = arith.constant 40 : i32
      %mul3A_348 = arith.muli %add3A_338, %mul3A_347 : i32
      %add3A_349 = arith.addi %add3A_346, %mul3A_348 : i32
      %dma_start3A_350 = tpu.memref_slice %arg3[%add3A_349] : memref<640000xi32, #tpu.memory_space<hbm>> -> memref<40xi32, #tpu.memory_space<hbm>>
      %dma_start3A_351 = tpu.memref_slice %arg3[%add3A_349] : memref<640000xi32, #tpu.memory_space<hbm>> -> memref<40xi32, #tpu.memory_space<hbm>>
      tpu.enqueue_dma source(%dma_start3A_351 : memref<40xi32, #tpu.memory_space<hbm>>) target(%arg9 : memref<40xi32, #tpu.memory_space<vmem>>) target_semaphore(%arg25 : memref<!tpu.dma_semaphore, #tpu.memory_space<semaphore_mem>>)
      %add3A_352 = arith.constant 4 : i32
      %add3A_353 = arith.addi %mul3A_163, %add3A_352 : i32
      %dma_wait3A_354 = arith.constant 0 : i32
      %dma_wait3A_355 = arith.constant 0 : i32
      %dma_wait3A_356 = tpu.memref_slice %arg16[%dma_wait3A_354, %dma_wait3A_355] : memref<10240x64xbf16, #tpu.memory_space<vmem_shared>> -> memref<10240x64xbf16, #tpu.memory_space<vmem_shared>>
      tpu.wait_indirect_dma semaphore(%arg31 : memref<!tpu.dma_semaphore, #tpu.memory_space<semaphore_mem>>) src(%arg15 : memref<40x64xbf16, #tpu.memory_space<vmem>>) dst(%dma_wait3A_356 : memref<10240x64xbf16, #tpu.memory_space<vmem_shared>>)
      %add3A_357 = arith.constant 5 : i32
      %add3A_358 = arith.addi %mul3A_163, %add3A_357 : i32
      %add3A_359 = arith.constant 4 : i32
      %add3A_360 = arith.addi %add3A_358, %add3A_359 : i32
      %mul3A_361 = arith.constant 40 : i32
      %mul3A_362 = arith.muli %add3A_360, %mul3A_361 : i32
      %dma_start3A_363 = tpu.memref_slice %arg5[%mul3A_362] : memref<10000xi32, #tpu.memory_space<vmem>> -> memref<40xi32, #tpu.memory_space<vmem>>
      %dma_start3A_364 = arith.constant 0 : i32
      %dma_start3A_365 = arith.constant 0 : i32
      %dma_start3A_366 = tpu.memref_slice %arg2[%dma_start3A_364, %dma_start3A_365] : memref<10000x64xbf16, #tpu.memory_space<hbm>> -> memref<10000x64xbf16, #tpu.memory_space<hbm>>
      tpu.enqueue_indirect_dma source(%dma_start3A_366 : memref<10000x64xbf16, #tpu.memory_space<hbm>>) target(%arg15 : memref<40x64xbf16, #tpu.memory_space<vmem>>) offsets(%dma_start3A_363 : memref<40xi32, #tpu.memory_space<vmem>>) semaphore(%arg21 : memref<!tpu.dma_semaphore, #tpu.memory_space<semaphore_mem>>)
      %add3A_367 = arith.constant 320000 : i32
      %add3A_368 = arith.addi %add3A_367, %mul3A_2 : i32
      %mul3A_369 = arith.constant 40 : i32
      %mul3A_370 = arith.muli %add3A_360, %mul3A_369 : i32
      %add3A_371 = arith.addi %add3A_368, %mul3A_370 : i32
      %dma_start3A_372 = tpu.memref_slice %arg3[%add3A_371] : memref<640000xi32, #tpu.memory_space<hbm>> -> memref<40xi32, #tpu.memory_space<hbm>>
      %dma_start3A_373 = tpu.memref_slice %arg3[%add3A_371] : memref<640000xi32, #tpu.memory_space<hbm>> -> memref<40xi32, #tpu.memory_space<hbm>>
      tpu.enqueue_dma source(%dma_start3A_373 : memref<40xi32, #tpu.memory_space<hbm>>) target(%arg10 : memref<40xi32, #tpu.memory_space<vmem>>) target_semaphore(%arg26 : memref<!tpu.dma_semaphore, #tpu.memory_space<semaphore_mem>>)
    }
    %scan3A_75 = arith.constant 49 : i32
    %dma_wait3A = arith.constant 9800 : i32
    %dma_wait3A_76 = tpu.memref_slice %arg5[%dma_wait3A] : memref<10000xi32, #tpu.memory_space<vmem>> -> memref<40xi32, #tpu.memory_space<vmem>>
    %dma_wait3A_77 = arith.constant 0 : i32
    %dma_wait3A_78 = arith.constant 0 : i32
    %dma_wait3A_79 = tpu.memref_slice %arg2[%dma_wait3A_77, %dma_wait3A_78] : memref<10000x64xbf16, #tpu.memory_space<hbm>> -> memref<10000x64xbf16, #tpu.memory_space<hbm>>
    tpu.wait_indirect_dma semaphore(%arg17 : memref<!tpu.dma_semaphore, #tpu.memory_space<semaphore_mem>>) src(%dma_wait3A_79 : memref<10000x64xbf16, #tpu.memory_space<hbm>>) dst(%arg11 : memref<40x64xbf16, #tpu.memory_space<vmem>>)
    %add3A_80 = arith.constant 320000 : i32
    %add3A_81 = arith.addi %add3A_80, %mul3A_2 : i32
    %add3A_82 = arith.constant 9800 : i32
    %add3A_83 = arith.addi %add3A_81, %add3A_82 : i32
    %dma_wait3A_84 = tpu.memref_slice %arg3[%add3A_83] : memref<640000xi32, #tpu.memory_space<hbm>> -> memref<40xi32, #tpu.memory_space<hbm>>
    %dma_wait3A_85 = tpu.memref_slice %arg3[%add3A_83] : memref<640000xi32, #tpu.memory_space<hbm>> -> memref<40xi32, #tpu.memory_space<hbm>>
    tpu.wait_dma2 semaphore(%arg22 : memref<!tpu.dma_semaphore, #tpu.memory_space<semaphore_mem>>) src(%dma_wait3A_85 : memref<40xi32, #tpu.memory_space<hbm>>) dst(%arg6 : memref<40xi32, #tpu.memory_space<vmem>>)
    %dma_start3A_86 = arith.constant 0 : i32
    %dma_start3A_87 = arith.constant 0 : i32
    %dma_start3A_88 = tpu.memref_slice %arg16[%dma_start3A_86, %dma_start3A_87] : memref<10240x64xbf16, #tpu.memory_space<vmem_shared>> -> memref<10240x64xbf16, #tpu.memory_space<vmem_shared>>
    tpu.enqueue_indirect_dma source(%arg11 : memref<40x64xbf16, #tpu.memory_space<vmem>>) target(%dma_start3A_88 : memref<10240x64xbf16, #tpu.memory_space<vmem_shared>>) offsets(%arg6 : memref<40xi32, #tpu.memory_space<vmem>>) semaphore(%arg27 : memref<!tpu.dma_semaphore, #tpu.memory_space<semaphore_mem>>) {add = true}
    %dma_wait3A_89 = arith.constant 9840 : i32
    %dma_wait3A_90 = tpu.memref_slice %arg5[%dma_wait3A_89] : memref<10000xi32, #tpu.memory_space<vmem>> -> memref<40xi32, #tpu.memory_space<vmem>>
    %dma_wait3A_91 = arith.constant 0 : i32
    %dma_wait3A_92 = arith.constant 0 : i32
    %dma_wait3A_93 = tpu.memref_slice %arg2[%dma_wait3A_91, %dma_wait3A_92] : memref<10000x64xbf16, #tpu.memory_space<hbm>> -> memref<10000x64xbf16, #tpu.memory_space<hbm>>
    tpu.wait_indirect_dma semaphore(%arg18 : memref<!tpu.dma_semaphore, #tpu.memory_space<semaphore_mem>>) src(%dma_wait3A_93 : memref<10000x64xbf16, #tpu.memory_space<hbm>>) dst(%arg12 : memref<40x64xbf16, #tpu.memory_space<vmem>>)
    %add3A_94 = arith.constant 320000 : i32
    %add3A_95 = arith.addi %add3A_94, %mul3A_2 : i32
    %add3A_96 = arith.constant 9840 : i32
    %add3A_97 = arith.addi %add3A_95, %add3A_96 : i32
    %dma_wait3A_98 = tpu.memref_slice %arg3[%add3A_97] : memref<640000xi32, #tpu.memory_space<hbm>> -> memref<40xi32, #tpu.memory_space<hbm>>
    %dma_wait3A_99 = tpu.memref_slice %arg3[%add3A_97] : memref<640000xi32, #tpu.memory_space<hbm>> -> memref<40xi32, #tpu.memory_space<hbm>>
    tpu.wait_dma2 semaphore(%arg23 : memref<!tpu.dma_semaphore, #tpu.memory_space<semaphore_mem>>) src(%dma_wait3A_99 : memref<40xi32, #tpu.memory_space<hbm>>) dst(%arg7 : memref<40xi32, #tpu.memory_space<vmem>>)
    %dma_start3A_100 = arith.constant 0 : i32
    %dma_start3A_101 = arith.constant 0 : i32
    %dma_start3A_102 = tpu.memref_slice %arg16[%dma_start3A_100, %dma_start3A_101] : memref<10240x64xbf16, #tpu.memory_space<vmem_shared>> -> memref<10240x64xbf16, #tpu.memory_space<vmem_shared>>
    tpu.enqueue_indirect_dma source(%arg12 : memref<40x64xbf16, #tpu.memory_space<vmem>>) target(%dma_start3A_102 : memref<10240x64xbf16, #tpu.memory_space<vmem_shared>>) offsets(%arg7 : memref<40xi32, #tpu.memory_space<vmem>>) semaphore(%arg28 : memref<!tpu.dma_semaphore, #tpu.memory_space<semaphore_mem>>) {add = true}
    %dma_wait3A_103 = arith.constant 9880 : i32
    %dma_wait3A_104 = tpu.memref_slice %arg5[%dma_wait3A_103] : memref<10000xi32, #tpu.memory_space<vmem>> -> memref<40xi32, #tpu.memory_space<vmem>>
    %dma_wait3A_105 = arith.constant 0 : i32
    %dma_wait3A_106 = arith.constant 0 : i32
    %dma_wait3A_107 = tpu.memref_slice %arg2[%dma_wait3A_105, %dma_wait3A_106] : memref<10000x64xbf16, #tpu.memory_space<hbm>> -> memref<10000x64xbf16, #tpu.memory_space<hbm>>
    tpu.wait_indirect_dma semaphore(%arg19 : memref<!tpu.dma_semaphore, #tpu.memory_space<semaphore_mem>>) src(%dma_wait3A_107 : memref<10000x64xbf16, #tpu.memory_space<hbm>>) dst(%arg13 : memref<40x64xbf16, #tpu.memory_space<vmem>>)
    %add3A_108 = arith.constant 320000 : i32
    %add3A_109 = arith.addi %add3A_108, %mul3A_2 : i32
    %add3A_110 = arith.constant 9880 : i32
    %add3A_111 = arith.addi %add3A_109, %add3A_110 : i32
    %dma_wait3A_112 = tpu.memref_slice %arg3[%add3A_111] : memref<640000xi32, #tpu.memory_space<hbm>> -> memref<40xi32, #tpu.memory_space<hbm>>
    %dma_wait3A_113 = tpu.memref_slice %arg3[%add3A_111] : memref<640000xi32, #tpu.memory_space<hbm>> -> memref<40xi32, #tpu.memory_space<hbm>>
    tpu.wait_dma2 semaphore(%arg24 : memref<!tpu.dma_semaphore, #tpu.memory_space<semaphore_mem>>) src(%dma_wait3A_113 : memref<40xi32, #tpu.memory_space<hbm>>) dst(%arg8 : memref<40xi32, #tpu.memory_space<vmem>>)
    %dma_start3A_114 = arith.constant 0 : i32
    %dma_start3A_115 = arith.constant 0 : i32
    %dma_start3A_116 = tpu.memref_slice %arg16[%dma_start3A_114, %dma_start3A_115] : memref<10240x64xbf16, #tpu.memory_space<vmem_shared>> -> memref<10240x64xbf16, #tpu.memory_space<vmem_shared>>
    tpu.enqueue_indirect_dma source(%arg13 : memref<40x64xbf16, #tpu.memory_space<vmem>>) target(%dma_start3A_116 : memref<10240x64xbf16, #tpu.memory_space<vmem_shared>>) offsets(%arg8 : memref<40xi32, #tpu.memory_space<vmem>>) semaphore(%arg29 : memref<!tpu.dma_semaphore, #tpu.memory_space<semaphore_mem>>) {add = true}
    %dma_wait3A_117 = arith.constant 9920 : i32
    %dma_wait3A_118 = tpu.memref_slice %arg5[%dma_wait3A_117] : memref<10000xi32, #tpu.memory_space<vmem>> -> memref<40xi32, #tpu.memory_space<vmem>>
    %dma_wait3A_119 = arith.constant 0 : i32
    %dma_wait3A_120 = arith.constant 0 : i32
    %dma_wait3A_121 = tpu.memref_slice %arg2[%dma_wait3A_119, %dma_wait3A_120] : memref<10000x64xbf16, #tpu.memory_space<hbm>> -> memref<10000x64xbf16, #tpu.memory_space<hbm>>
    tpu.wait_indirect_dma semaphore(%arg20 : memref<!tpu.dma_semaphore, #tpu.memory_space<semaphore_mem>>) src(%dma_wait3A_121 : memref<10000x64xbf16, #tpu.memory_space<hbm>>) dst(%arg14 : memref<40x64xbf16, #tpu.memory_space<vmem>>)
    %add3A_122 = arith.constant 320000 : i32
    %add3A_123 = arith.addi %add3A_122, %mul3A_2 : i32
    %add3A_124 = arith.constant 9920 : i32
    %add3A_125 = arith.addi %add3A_123, %add3A_124 : i32
    %dma_wait3A_126 = tpu.memref_slice %arg3[%add3A_125] : memref<640000xi32, #tpu.memory_space<hbm>> -> memref<40xi32, #tpu.memory_space<hbm>>
    %dma_wait3A_127 = tpu.memref_slice %arg3[%add3A_125] : memref<640000xi32, #tpu.memory_space<hbm>> -> memref<40xi32, #tpu.memory_space<hbm>>
    tpu.wait_dma2 semaphore(%arg25 : memref<!tpu.dma_semaphore, #tpu.memory_space<semaphore_mem>>) src(%dma_wait3A_127 : memref<40xi32, #tpu.memory_space<hbm>>) dst(%arg9 : memref<40xi32, #tpu.memory_space<vmem>>)
    %dma_start3A_128 = arith.constant 0 : i32
    %dma_start3A_129 = arith.constant 0 : i32
    %dma_start3A_130 = tpu.memref_slice %arg16[%dma_start3A_128, %dma_start3A_129] : memref<10240x64xbf16, #tpu.memory_space<vmem_shared>> -> memref<10240x64xbf16, #tpu.memory_space<vmem_shared>>
    tpu.enqueue_indirect_dma source(%arg14 : memref<40x64xbf16, #tpu.memory_space<vmem>>) target(%dma_start3A_130 : memref<10240x64xbf16, #tpu.memory_space<vmem_shared>>) offsets(%arg9 : memref<40xi32, #tpu.memory_space<vmem>>) semaphore(%arg30 : memref<!tpu.dma_semaphore, #tpu.memory_space<semaphore_mem>>) {add = true}
    %dma_wait3A_131 = arith.constant 9960 : i32
    %dma_wait3A_132 = tpu.memref_slice %arg5[%dma_wait3A_131] : memref<10000xi32, #tpu.memory_space<vmem>> -> memref<40xi32, #tpu.memory_space<vmem>>
    %dma_wait3A_133 = arith.constant 0 : i32
    %dma_wait3A_134 = arith.constant 0 : i32
    %dma_wait3A_135 = tpu.memref_slice %arg2[%dma_wait3A_133, %dma_wait3A_134] : memref<10000x64xbf16, #tpu.memory_space<hbm>> -> memref<10000x64xbf16, #tpu.memory_space<hbm>>
    tpu.wait_indirect_dma semaphore(%arg21 : memref<!tpu.dma_semaphore, #tpu.memory_space<semaphore_mem>>) src(%dma_wait3A_135 : memref<10000x64xbf16, #tpu.memory_space<hbm>>) dst(%arg15 : memref<40x64xbf16, #tpu.memory_space<vmem>>)
    %add3A_136 = arith.constant 320000 : i32
    %add3A_137 = arith.addi %add3A_136, %mul3A_2 : i32
    %add3A_138 = arith.constant 9960 : i32
    %add3A_139 = arith.addi %add3A_137, %add3A_138 : i32
    %dma_wait3A_140 = tpu.memref_slice %arg3[%add3A_139] : memref<640000xi32, #tpu.memory_space<hbm>> -> memref<40xi32, #tpu.memory_space<hbm>>
    %dma_wait3A_141 = tpu.memref_slice %arg3[%add3A_139] : memref<640000xi32, #tpu.memory_space<hbm>> -> memref<40xi32, #tpu.memory_space<hbm>>
    tpu.wait_dma2 semaphore(%arg26 : memref<!tpu.dma_semaphore, #tpu.memory_space<semaphore_mem>>) src(%dma_wait3A_141 : memref<40xi32, #tpu.memory_space<hbm>>) dst(%arg10 : memref<40xi32, #tpu.memory_space<vmem>>)
    %dma_start3A_142 = arith.constant 0 : i32
    %dma_start3A_143 = arith.constant 0 : i32
    %dma_start3A_144 = tpu.memref_slice %arg16[%dma_start3A_142, %dma_start3A_143] : memref<10240x64xbf16, #tpu.memory_space<vmem_shared>> -> memref<10240x64xbf16, #tpu.memory_space<vmem_shared>>
    tpu.enqueue_indirect_dma source(%arg15 : memref<40x64xbf16, #tpu.memory_space<vmem>>) target(%dma_start3A_144 : memref<10240x64xbf16, #tpu.memory_space<vmem_shared>>) offsets(%arg10 : memref<40xi32, #tpu.memory_space<vmem>>) semaphore(%arg31 : memref<!tpu.dma_semaphore, #tpu.memory_space<semaphore_mem>>) {add = true}
    %dma_wait3A_145 = arith.constant 0 : i32
    %dma_wait3A_146 = arith.constant 0 : i32
    %dma_wait3A_147 = tpu.memref_slice %arg16[%dma_wait3A_145, %dma_wait3A_146] : memref<10240x64xbf16, #tpu.memory_space<vmem_shared>> -> memref<10240x64xbf16, #tpu.memory_space<vmem_shared>>
    tpu.wait_indirect_dma semaphore(%arg27 : memref<!tpu.dma_semaphore, #tpu.memory_space<semaphore_mem>>) src(%arg11 : memref<40x64xbf16, #tpu.memory_space<vmem>>) dst(%dma_wait3A_147 : memref<10240x64xbf16, #tpu.memory_space<vmem_shared>>)
    %dma_wait3A_148 = arith.constant 0 : i32
    %dma_wait3A_149 = arith.constant 0 : i32
    %dma_wait3A_150 = tpu.memref_slice %arg16[%dma_wait3A_148, %dma_wait3A_149] : memref<10240x64xbf16, #tpu.memory_space<vmem_shared>> -> memref<10240x64xbf16, #tpu.memory_space<vmem_shared>>
    tpu.wait_indirect_dma semaphore(%arg28 : memref<!tpu.dma_semaphore, #tpu.memory_space<semaphore_mem>>) src(%arg12 : memref<40x64xbf16, #tpu.memory_space<vmem>>) dst(%dma_wait3A_150 : memref<10240x64xbf16, #tpu.memory_space<vmem_shared>>)
    %dma_wait3A_151 = arith.constant 0 : i32
    %dma_wait3A_152 = arith.constant 0 : i32
    %dma_wait3A_153 = tpu.memref_slice %arg16[%dma_wait3A_151, %dma_wait3A_152] : memref<10240x64xbf16, #tpu.memory_space<vmem_shared>> -> memref<10240x64xbf16, #tpu.memory_space<vmem_shared>>
    tpu.wait_indirect_dma semaphore(%arg29 : memref<!tpu.dma_semaphore, #tpu.memory_space<semaphore_mem>>) src(%arg13 : memref<40x64xbf16, #tpu.memory_space<vmem>>) dst(%dma_wait3A_153 : memref<10240x64xbf16, #tpu.memory_space<vmem_shared>>)
    %dma_wait3A_154 = arith.constant 0 : i32
    %dma_wait3A_155 = arith.constant 0 : i32
    %dma_wait3A_156 = tpu.memref_slice %arg16[%dma_wait3A_154, %dma_wait3A_155] : memref<10240x64xbf16, #tpu.memory_space<vmem_shared>> -> memref<10240x64xbf16, #tpu.memory_space<vmem_shared>>
    tpu.wait_indirect_dma semaphore(%arg30 : memref<!tpu.dma_semaphore, #tpu.memory_space<semaphore_mem>>) src(%arg14 : memref<40x64xbf16, #tpu.memory_space<vmem>>) dst(%dma_wait3A_156 : memref<10240x64xbf16, #tpu.memory_space<vmem_shared>>)
    %dma_wait3A_157 = arith.constant 0 : i32
    %dma_wait3A_158 = arith.constant 0 : i32
    %dma_wait3A_159 = tpu.memref_slice %arg16[%dma_wait3A_157, %dma_wait3A_158] : memref<10240x64xbf16, #tpu.memory_space<vmem_shared>> -> memref<10240x64xbf16, #tpu.memory_space<vmem_shared>>
    tpu.wait_indirect_dma semaphore(%arg31 : memref<!tpu.dma_semaphore, #tpu.memory_space<semaphore_mem>>) src(%arg15 : memref<40x64xbf16, #tpu.memory_space<vmem>>) dst(%dma_wait3A_159 : memref<10240x64xbf16, #tpu.memory_space<vmem_shared>>)
    %barrier3A_160 = arith.constant 0 : index
    tpu.barrier barrier_id(%barrier3A_160)
    "tpu.region"() ({
      %run_scoped3A = tpu.sem_alloc : memref<!tpu.dma_semaphore, #tpu.memory_space<semaphore_mem>>
      %dma_start3A_161 = arith.constant 0 : i32
      %dma_start3A_162 = tpu.memref_slice %arg4[%arg0, %mul3A_9, %dma_start3A_161] : memref<2x10240x64xbf16, #tpu.memory_space<hbm>> -> memref<1x640x64xbf16, #tpu.memory_space<hbm>>
      %dma_start3A_163 = tpu.memref_squeeze %dma_start3A_162 : memref<1x640x64xbf16, #tpu.memory_space<hbm>> -> memref<640x64xbf16, #tpu.memory_space<hbm>>
      %dma_start3A_164 = arith.constant 0 : i32
      %dma_start3A_165 = tpu.memref_slice %arg16[%mul3A_9, %dma_start3A_164] : memref<10240x64xbf16, #tpu.memory_space<vmem_shared>> -> memref<640x64xbf16, #tpu.memory_space<vmem_shared>>
      tpu.enqueue_dma source(%dma_start3A_165 : memref<640x64xbf16, #tpu.memory_space<vmem_shared>>) target(%dma_start3A_163 : memref<640x64xbf16, #tpu.memory_space<hbm>>) target_semaphore(%run_scoped3A : memref<!tpu.dma_semaphore, #tpu.memory_space<semaphore_mem>>)
      %dma_wait3A_166 = arith.constant 0 : i32
      %dma_wait3A_167 = tpu.memref_slice %arg4[%arg0, %mul3A_9, %dma_wait3A_166] : memref<2x10240x64xbf16, #tpu.memory_space<hbm>> -> memref<1x640x64xbf16, #tpu.memory_space<hbm>>
      %dma_wait3A_168 = tpu.memref_squeeze %dma_wait3A_167 : memref<1x640x64xbf16, #tpu.memory_space<hbm>> -> memref<640x64xbf16, #tpu.memory_space<hbm>>
      %dma_wait3A_169 = arith.constant 0 : i32
      %dma_wait3A_170 = tpu.memref_slice %arg16[%mul3A_9, %dma_wait3A_169] : memref<10240x64xbf16, #tpu.memory_space<vmem_shared>> -> memref<640x64xbf16, #tpu.memory_space<vmem_shared>>
      tpu.wait_dma2 semaphore(%run_scoped3A : memref<!tpu.dma_semaphore, #tpu.memory_space<semaphore_mem>>) src(%dma_wait3A_170 : memref<640x64xbf16, #tpu.memory_space<vmem_shared>>) dst(%dma_wait3A_168 : memref<640x64xbf16, #tpu.memory_space<hbm>>)
      tpu.yield
    }) : () -> ()
    return
  }
}

module attributes {stable_mosaic.version = 14 : i64} {
  func.func @_k1_body(%arg0: i32, %arg1: memref<1000x128xf32, #tpu.memory_space<vmem>>, %arg2: memref<128x128xf32, #tpu.memory_space<vmem>>, %arg3: memref<2x1000x16xf32, #tpu.memory_space<vmem>>, %arg4: memref<1000x128xbf16, #tpu.memory_space<vmem>>, %arg5: memref<1000x1xf32, #tpu.memory_space<vmem>>, %arg6: memref<1000x1xf32, #tpu.memory_space<vmem>>) attributes {dimension_semantics = [#tpu.dimension_semantics<arbitrary>], iteration_bounds = array<i64: 10>, scalar_prefetch = 0 : i64, scratch_operands = 0 : i64, tpu.core_type = #tpu.core_type<tc>, window_params = [{transform_indices = @transform_0, window_bounds = array<i64: 1000, 128>}, {pipeline_mode = #tpu.pipeline_mode<synchronous>, transform_indices = @transform_1, window_bounds = array<i64: 128, 128>}, {transform_indices = @transform_2, window_bounds = array<i64: 2, 1000, 16>}, {transform_indices = @transform_3, window_bounds = array<i64: 1000, 128>}, {transform_indices = @transform_4, window_bounds = array<i64: 1000, 1>}, {transform_indices = @transform_5, window_bounds = array<i64: 1000, 1>}]} {
    %get3A = arith.constant 0 : index
    %get3A_0 = arith.constant 0 : index
    %get3A_1 = arith.constant 0 : index
    %get3A_2 = vector.load %arg3[%get3A, %get3A_0, %get3A_1] : memref<2x1000x16xf32, #tpu.memory_space<vmem>>, vector<2x1000x16xf32>
    %slice3A = vector.extract_strided_slice %get3A_2 {offsets = [0, 0, 0], sizes = [1, 1000, 1], strides = [1, 1, 1]} : vector<2x1000x16xf32> to vector<1x1000x1xf32>
    %squeeze3A = vector.shape_cast %slice3A : vector<1x1000x1xf32> to vector<1000xf32>
    %slice3A_3 = vector.extract_strided_slice %get3A_2 {offsets = [1, 0, 0], sizes = [1, 1000, 1], strides = [1, 1, 1]} : vector<2x1000x16xf32> to vector<1x1000x1xf32>
    %squeeze3A_4 = vector.shape_cast %slice3A_3 : vector<1x1000x1xf32> to vector<1000xf32>
    %add3A = arith.addf %squeeze3A, %squeeze3A_4 : vector<1000xf32>
    %slice3A_5 = vector.extract_strided_slice %get3A_2 {offsets = [0, 0, 8], sizes = [1, 1000, 1], strides = [1, 1, 1]} : vector<2x1000x16xf32> to vector<1x1000x1xf32>
    %squeeze3A_6 = vector.shape_cast %slice3A_5 : vector<1x1000x1xf32> to vector<1000xf32>
    %slice3A_7 = vector.extract_strided_slice %get3A_2 {offsets = [1, 0, 8], sizes = [1, 1000, 1], strides = [1, 1, 1]} : vector<2x1000x16xf32> to vector<1x1000x1xf32>
    %squeeze3A_8 = vector.shape_cast %slice3A_7 : vector<1x1000x1xf32> to vector<1000xf32>
    %add3A_9 = arith.addf %squeeze3A_6, %squeeze3A_8 : vector<1000xf32>
    %gt3A = arith.constant 0.000000e+00 : f32
    %gt3A_10 = vector.broadcast %gt3A : f32 to vector<1000xf32>
    %gt3A_11 = arith.cmpf ogt, %add3A, %gt3A_10 : vector<1000xf32>
    %max3A = arith.constant 1.000000e+00 : f32
    %max3A_12 = vector.broadcast %max3A : f32 to vector<1000xf32>
    %max3A_13 = arith.maximumf %add3A, %max3A_12 : vector<1000xf32>
    %rsqrt3A = math.rsqrt %max3A_13 : vector<1000xf32>
    %jit3A = arith.constant 0.000000e+00 : f32
    %broadcast_in_dim3A = vector.broadcast %jit3A : f32 to vector<1000xf32>
    %select_n3A = arith.select %gt3A_11, %rsqrt3A, %broadcast_in_dim3A : vector<1000xi1>, vector<1000xf32>
    %gt3A_14 = arith.constant 0.000000e+00 : f32
    %gt3A_15 = vector.broadcast %gt3A_14 : f32 to vector<1000xf32>
    %gt3A_16 = arith.cmpf ogt, %add3A_9, %gt3A_15 : vector<1000xf32>
    %max3A_17 = arith.constant 1.000000e+00 : f32
    %max3A_18 = vector.broadcast %max3A_17 : f32 to vector<1000xf32>
    %max3A_19 = arith.maximumf %add3A_9, %max3A_18 : vector<1000xf32>
    %rsqrt3A_20 = math.rsqrt %max3A_19 : vector<1000xf32>
    %jit3A_21 = arith.constant 0.000000e+00 : f32
    %broadcast_in_dim3A_22 = vector.broadcast %jit3A_21 : f32 to vector<1000xf32>
    %select_n3A_23 = arith.select %gt3A_16, %rsqrt3A_20, %broadcast_in_dim3A_22 : vector<1000xi1>, vector<1000xf32>
    %get3A_24 = arith.constant 0 : index
    %get3A_25 = arith.constant 0 : index
    %get3A_26 = vector.load %arg1[%get3A_24, %get3A_25] : memref<1000x128xf32, #tpu.memory_space<vmem>>, vector<1000x128xf32>
    %get3A_27 = arith.constant 0 : index
    %get3A_28 = arith.constant 0 : index
    %get3A_29 = vector.load %arg2[%get3A_27, %get3A_28] : memref<128x128xf32, #tpu.memory_space<vmem>>, vector<128x128xf32>
    %dot_general3A = arith.constant dense<0.000000e+00> : vector<1000x128xf32>
    %dot_general3A_30 = tpu.matmul %get3A_26, %get3A_29, %dot_general3A {dimension_numbers = #tpu.dot_dimension_numbers<[1], [0], [0], [1], [0, 0, 1, 1], [], []>, transpose_lhs_hint = false} : vector<1000x128xf32>, vector<128x128xf32>, vector<1000x128xf32> -> vector<1000x128xf32>
    %broadcast_in_dim3A_31 = vector.shape_cast %select_n3A : vector<1000xf32> to vector<1000x1xf32>
    %mul3A = vector.broadcast %broadcast_in_dim3A_31 : vector<1000x1xf32> to vector<1000x128xf32>
    %mul3A_32 = arith.mulf %dot_general3A_30, %mul3A : vector<1000x128xf32>
    %convert_element_type3A = arith.truncf %mul3A_32 : vector<1000x128xf32> to vector<1000x128xbf16>
    %swap3A = arith.constant 0 : index
    %swap3A_33 = arith.constant 0 : index
    %swap3A_34 = vector.load %arg4[%swap3A, %swap3A_33] : memref<1000x128xbf16, #tpu.memory_space<vmem>>, vector<1000x128xbf16>
    tpu.vector_store %arg4[%swap3A, %swap3A_33], %convert_element_type3A {strides = array<i32>} : memref<1000x128xbf16, #tpu.memory_space<vmem>>, vector<1000x128xbf16>,
    %broadcast_in_dim3A_35 = vector.shape_cast %select_n3A : vector<1000xf32> to vector<1000x1xf32>
    %swap3A_36 = arith.constant 0 : index
    %swap3A_37 = arith.constant 0 : index
    %swap3A_38 = vector.load %arg5[%swap3A_36, %swap3A_37] : memref<1000x1xf32, #tpu.memory_space<vmem>>, vector<1000x1xf32>
    tpu.vector_store %arg5[%swap3A_36, %swap3A_37], %broadcast_in_dim3A_35 {strides = array<i32>} : memref<1000x1xf32, #tpu.memory_space<vmem>>, vector<1000x1xf32>,
    %broadcast_in_dim3A_39 = vector.shape_cast %select_n3A_23 : vector<1000xf32> to vector<1000x1xf32>
    %swap3A_40 = arith.constant 0 : index
    %swap3A_41 = arith.constant 0 : index
    %swap3A_42 = vector.load %arg6[%swap3A_40, %swap3A_41] : memref<1000x1xf32, #tpu.memory_space<vmem>>, vector<1000x1xf32>
    tpu.vector_store %arg6[%swap3A_40, %swap3A_41], %broadcast_in_dim3A_39 {strides = array<i32>} : memref<1000x1xf32, #tpu.memory_space<vmem>>, vector<1000x1xf32>,
    return
  }
  func.func @transform_0(%arg0: i32) -> (i32, i32) {
    %c0_i32 = arith.constant 0 : i32
    %c0_i32_0 = arith.constant 0 : i32
    return %arg0, %c0_i32 : i32, i32
  }
  func.func @transform_1(%arg0: i32) -> (i32, i32) {
    %c0_i32 = arith.constant 0 : i32
    %c0_i32_0 = arith.constant 0 : i32
    %c0_i32_1 = arith.constant 0 : i32
    return %c0_i32, %c0_i32_0 : i32, i32
  }
  func.func @transform_2(%arg0: i32) -> (i32, i32, i32) {
    %c0_i32 = arith.constant 0 : i32
    %c0_i32_0 = arith.constant 0 : i32
    %c0_i32_1 = arith.constant 0 : i32
    return %c0_i32, %arg0, %c0_i32_0 : i32, i32, i32
  }
  func.func @transform_3(%arg0: i32) -> (i32, i32) {
    %c0_i32 = arith.constant 0 : i32
    %c0_i32_0 = arith.constant 0 : i32
    return %arg0, %c0_i32 : i32, i32
  }
  func.func @transform_4(%arg0: i32) -> (i32, i32) {
    %c0_i32 = arith.constant 0 : i32
    %c0_i32_0 = arith.constant 0 : i32
    return %arg0, %c0_i32 : i32, i32
  }
  func.func @transform_5(%arg0: i32) -> (i32, i32) {
    %c0_i32 = arith.constant 0 : i32
    %c0_i32_0 = arith.constant 0 : i32
    return %arg0, %c0_i32 : i32, i32
  }
}

module attributes {stable_mosaic.version = 14 : i64} {
  func.func @_k3_body(%arg0: i32, %arg1: memref<2x1000x128xbf16, #tpu.memory_space<vmem>>, %arg2: memref<1000x1xf32, #tpu.memory_space<vmem>>, %arg3: memref<1x128xf32, #tpu.memory_space<vmem>>, %arg4: memref<128x64xf32, #tpu.memory_space<vmem>>, %arg5: memref<1000x1xf32, #tpu.memory_space<vmem>>, %arg6: memref<1000x64xbf16, #tpu.memory_space<vmem>>) attributes {dimension_semantics = [#tpu.dimension_semantics<arbitrary>], iteration_bounds = array<i64: 10>, scalar_prefetch = 0 : i64, scratch_operands = 0 : i64, tpu.core_type = #tpu.core_type<tc>, window_params = [{transform_indices = @transform_0, window_bounds = array<i64: 2, 1000, 128>}, {transform_indices = @transform_1, window_bounds = array<i64: 1000, 1>}, {pipeline_mode = #tpu.pipeline_mode<synchronous>, transform_indices = @transform_2, window_bounds = array<i64: 1, 128>}, {pipeline_mode = #tpu.pipeline_mode<synchronous>, transform_indices = @transform_3, window_bounds = array<i64: 128, 64>}, {transform_indices = @transform_4, window_bounds = array<i64: 1000, 1>}, {transform_indices = @transform_5, window_bounds = array<i64: 1000, 64>}]} {
    %get3A = arith.constant 0 : index
    %get3A_0 = arith.constant 0 : index
    %get3A_1 = arith.constant 0 : index
    %get3A_2 = vector.load %arg1[%get3A, %get3A_0, %get3A_1] : memref<2x1000x128xbf16, #tpu.memory_space<vmem>>, vector<1x1000x128xbf16>
    %get3A_3 = vector.shape_cast %get3A_2 : vector<1x1000x128xbf16> to vector<1000x128xbf16>
    %convert_element_type3A = arith.extf %get3A_3 : vector<1000x128xbf16> to vector<1000x128xf32>
    %get3A_4 = arith.constant 1 : index
    %get3A_5 = arith.constant 0 : index
    %get3A_6 = arith.constant 0 : index
    %get3A_7 = vector.load %arg1[%get3A_4, %get3A_5, %get3A_6] : memref<2x1000x128xbf16, #tpu.memory_space<vmem>>, vector<1x1000x128xbf16>
    %get3A_8 = vector.shape_cast %get3A_7 : vector<1x1000x128xbf16> to vector<1000x128xbf16>
    %convert_element_type3A_9 = arith.extf %get3A_8 : vector<1000x128xbf16> to vector<1000x128xf32>
    %add3A = arith.addf %convert_element_type3A, %convert_element_type3A_9 : vector<1000x128xf32>
    %get3A_10 = arith.constant 0 : index
    %get3A_11 = arith.constant 0 : index
    %get3A_12 = vector.load %arg2[%get3A_10, %get3A_11] : memref<1000x1xf32, #tpu.memory_space<vmem>>, vector<1000x1xf32>
    %mul3A = vector.broadcast %get3A_12 : vector<1000x1xf32> to vector<1000x128xf32>
    %mul3A_13 = arith.mulf %add3A, %mul3A : vector<1000x128xf32>
    %get3A_14 = arith.constant 0 : index
    %get3A_15 = arith.constant 0 : index
    %get3A_16 = vector.load %arg3[%get3A_14, %get3A_15] : memref<1x128xf32, #tpu.memory_space<vmem>>, vector<1x128xf32>
    %add3A_17 = vector.broadcast %get3A_16 : vector<1x128xf32> to vector<1000x128xf32>
    %add3A_18 = arith.addf %mul3A_13, %add3A_17 : vector<1000x128xf32>
    %max3A = arith.constant 0.000000e+00 : f32
    %max3A_19 = vector.broadcast %max3A : f32 to vector<1000x128xf32>
    %max3A_20 = arith.maximumf %add3A_18, %max3A_19 : vector<1000x128xf32>
    %get3A_21 = arith.constant 0 : index
    %get3A_22 = arith.constant 0 : index
    %get3A_23 = vector.load %arg4[%get3A_21, %get3A_22] : memref<128x64xf32, #tpu.memory_space<vmem>>, vector<128x64xf32>
    %dot_general3A = arith.constant dense<0.000000e+00> : vector<1000x64xf32>
    %dot_general3A_24 = tpu.matmul %max3A_20, %get3A_23, %dot_general3A {dimension_numbers = #tpu.dot_dimension_numbers<[1], [0], [0], [1], [0, 0, 1, 1], [], []>, transpose_lhs_hint = false} : vector<1000x128xf32>, vector<128x64xf32>, vector<1000x64xf32> -> vector<1000x64xf32>
    %get3A_25 = arith.constant 0 : index
    %get3A_26 = arith.constant 0 : index
    %get3A_27 = vector.load %arg5[%get3A_25, %get3A_26] : memref<1000x1xf32, #tpu.memory_space<vmem>>, vector<1000x1xf32>
    %mul3A_28 = vector.broadcast %get3A_27 : vector<1000x1xf32> to vector<1000x64xf32>
    %mul3A_29 = arith.mulf %dot_general3A_24, %mul3A_28 : vector<1000x64xf32>
    %convert_element_type3A_30 = arith.truncf %mul3A_29 : vector<1000x64xf32> to vector<1000x64xbf16>
    %swap3A = arith.constant 0 : index
    %swap3A_31 = arith.constant 0 : index
    %swap3A_32 = vector.load %arg6[%swap3A, %swap3A_31] : memref<1000x64xbf16, #tpu.memory_space<vmem>>, vector<1000x64xbf16>
    tpu.vector_store %arg6[%swap3A, %swap3A_31], %convert_element_type3A_30 {strides = array<i32>} : memref<1000x64xbf16, #tpu.memory_space<vmem>>, vector<1000x64xbf16>,
    return
  }
  func.func @transform_0(%arg0: i32) -> (i32, i32, i32) {
    %c0_i32 = arith.constant 0 : i32
    %c0_i32_0 = arith.constant 0 : i32
    %c0_i32_1 = arith.constant 0 : i32
    return %c0_i32, %arg0, %c0_i32_0 : i32, i32, i32
  }
  func.func @transform_1(%arg0: i32) -> (i32, i32) {
    %c0_i32 = arith.constant 0 : i32
    %c0_i32_0 = arith.constant 0 : i32
    return %arg0, %c0_i32 : i32, i32
  }
  func.func @transform_2(%arg0: i32) -> (i32, i32) {
    %c0_i32 = arith.constant 0 : i32
    %c0_i32_0 = arith.constant 0 : i32
    %c0_i32_1 = arith.constant 0 : i32
    return %c0_i32, %c0_i32_0 : i32, i32
  }
  func.func @transform_3(%arg0: i32) -> (i32, i32) {
    %c0_i32 = arith.constant 0 : i32
    %c0_i32_0 = arith.constant 0 : i32
    %c0_i32_1 = arith.constant 0 : i32
    return %c0_i32, %c0_i32_0 : i32, i32
  }
  func.func @transform_4(%arg0: i32) -> (i32, i32) {
    %c0_i32 = arith.constant 0 : i32
    %c0_i32_0 = arith.constant 0 : i32
    return %arg0, %c0_i32 : i32, i32
  }
  func.func @transform_5(%arg0: i32) -> (i32, i32) {
    %c0_i32 = arith.constant 0 : i32
    %c0_i32_0 = arith.constant 0 : i32
    return %arg0, %c0_i32 : i32, i32
  }
}

module attributes {stable_mosaic.version = 14 : i64} {
  func.func @_k5_body(%arg0: i32, %arg1: memref<2x1000x64xbf16, #tpu.memory_space<vmem>>, %arg2: memref<1000x1xf32, #tpu.memory_space<vmem>>, %arg3: memref<1x64xf32, #tpu.memory_space<vmem>>, %arg4: memref<1000x64xf32, #tpu.memory_space<vmem>>) attributes {dimension_semantics = [#tpu.dimension_semantics<arbitrary>], iteration_bounds = array<i64: 10>, scalar_prefetch = 0 : i64, scratch_operands = 0 : i64, tpu.core_type = #tpu.core_type<tc>, window_params = [{transform_indices = @transform_0, window_bounds = array<i64: 2, 1000, 64>}, {transform_indices = @transform_1, window_bounds = array<i64: 1000, 1>}, {pipeline_mode = #tpu.pipeline_mode<synchronous>, transform_indices = @transform_2, window_bounds = array<i64: 1, 64>}, {transform_indices = @transform_3, window_bounds = array<i64: 1000, 64>}]} {
    %get3A = arith.constant 0 : index
    %get3A_0 = arith.constant 0 : index
    %get3A_1 = arith.constant 0 : index
    %get3A_2 = vector.load %arg1[%get3A, %get3A_0, %get3A_1] : memref<2x1000x64xbf16, #tpu.memory_space<vmem>>, vector<1x1000x64xbf16>
    %get3A_3 = vector.shape_cast %get3A_2 : vector<1x1000x64xbf16> to vector<1000x64xbf16>
    %convert_element_type3A = arith.extf %get3A_3 : vector<1000x64xbf16> to vector<1000x64xf32>
    %get3A_4 = arith.constant 1 : index
    %get3A_5 = arith.constant 0 : index
    %get3A_6 = arith.constant 0 : index
    %get3A_7 = vector.load %arg1[%get3A_4, %get3A_5, %get3A_6] : memref<2x1000x64xbf16, #tpu.memory_space<vmem>>, vector<1x1000x64xbf16>
    %get3A_8 = vector.shape_cast %get3A_7 : vector<1x1000x64xbf16> to vector<1000x64xbf16>
    %convert_element_type3A_9 = arith.extf %get3A_8 : vector<1000x64xbf16> to vector<1000x64xf32>
    %add3A = arith.addf %convert_element_type3A, %convert_element_type3A_9 : vector<1000x64xf32>
    %get3A_10 = arith.constant 0 : index
    %get3A_11 = arith.constant 0 : index
    %get3A_12 = vector.load %arg2[%get3A_10, %get3A_11] : memref<1000x1xf32, #tpu.memory_space<vmem>>, vector<1000x1xf32>
    %mul3A = vector.broadcast %get3A_12 : vector<1000x1xf32> to vector<1000x64xf32>
    %mul3A_13 = arith.mulf %add3A, %mul3A : vector<1000x64xf32>
    %get3A_14 = arith.constant 0 : index
    %get3A_15 = arith.constant 0 : index
    %get3A_16 = vector.load %arg3[%get3A_14, %get3A_15] : memref<1x64xf32, #tpu.memory_space<vmem>>, vector<1x64xf32>
    %add3A_17 = vector.broadcast %get3A_16 : vector<1x64xf32> to vector<1000x64xf32>
    %add3A_18 = arith.addf %mul3A_13, %add3A_17 : vector<1000x64xf32>
    %swap3A = arith.constant 0 : index
    %swap3A_19 = arith.constant 0 : index
    %swap3A_20 = vector.load %arg4[%swap3A, %swap3A_19] : memref<1000x64xf32, #tpu.memory_space<vmem>>, vector<1000x64xf32>
    tpu.vector_store %arg4[%swap3A, %swap3A_19], %add3A_18 {strides = array<i32>} : memref<1000x64xf32, #tpu.memory_space<vmem>>, vector<1000x64xf32>,
    return
  }
  func.func @transform_0(%arg0: i32) -> (i32, i32, i32) {
    %c0_i32 = arith.constant 0 : i32
    %c0_i32_0 = arith.constant 0 : i32
    %c0_i32_1 = arith.constant 0 : i32
    return %c0_i32, %arg0, %c0_i32_0 : i32, i32, i32
  }
  func.func @transform_1(%arg0: i32) -> (i32, i32) {
    %c0_i32 = arith.constant 0 : i32
    %c0_i32_0 = arith.constant 0 : i32
    return %arg0, %c0_i32 : i32, i32
  }
  func.func @transform_2(%arg0: i32) -> (i32, i32) {
    %c0_i32 = arith.constant 0 : i32
    %c0_i32_0 = arith.constant 0 : i32
    %c0_i32_1 = arith.constant 0 : i32
    return %c0_i32, %c0_i32_0 : i32, i32
  }
  func.func @transform_3(%arg0: i32) -> (i32, i32) {
    %c0_i32 = arith.constant 0 : i32
    %c0_i32_0 = arith.constant 0 : i32
    return %arg0, %c0_i32 : i32, i32
  }
}

</mosaic_0001>

<sc_bundles>
// kernel: kernel.11.cloned.1.call-start
scs
__scs_entry_jumppad:
0x0: {  	(pc) =	sbr.rel $0x88, $3  }
0x1: {  	(tag) =	ssettag $0x0;
	lr =	simm.s32 $0x1  }
0x2: {  	[smem:$0x3F9B] =	sst lr;
	_ =	strace $0xD0000000  }
0x3: {  	_ = 	snop  }
0x4: {  	_ = 	snop  }
0x5: {  	_ = 	snop  }
0x6: {  	_ = 	snop  }
0x7: {  	_ = 	snop  }
__scs_overlays_trampoline_lowered:
0x8: {  	[smem:$0x3FAA] =	sst s0  }
0x9: {  	[smem:$0x3FAB] =	sst s1  }
0xa: {  	[smem:$0x3FAC] =	sst s2  }
0xb: {  	[smem:$0x3FAD] =	sst s3  }
0xc: {  	[smem:$0x3FAE] =	sst s4  }
0xd: {  	[smem:$0x3FAF] =	sst s5  }
0xe: {  	[smem:$0x3FB0] =	sst s6  }
0xf: {  	[smem:$0x3FB1] =	sst s7  }
0x10: {  	[smem:$0x3FB2] =	sst s8  }
0x11: {  	[smem:$0x3FB3] =	sst s9;
	s0 =	simm.s32 @!p0 $0x0  }
0x12: {  	s1 =	sld [smem:$0x3F99];
	s0 =	simm.s32 @p0 $0x1  }
0x13: {  	[smem:$0x3FB4] =	sst s0;
	s0 =	simm.s32 @!p1 $0x0  }
0x14: {  	s2 =	sld [smem:$0x3F98];
	s0 =	simm.s32 @p1 $0x1  }
0x15: {  	[smem:$0x3FB5] =	sst s0;
	s0 =	simm.s32 @!p2 $0x0  }
0x16: {  	s3 =	sld [smem:$0x3FDB];
	s0 =	simm.s32 @p2 $0x1  }
0x17: {  	s4 =	simm.s32 $0x1BF5;
	[smem:$0x3FB7] =	sst s0  }
0x18: {  	s0 =	sld [smem:$0x3F9A];
	_ =	swait.ge [sflag:s4], $0x0  }
0x19: {  	s7 =	sld [smem:$0x3F9B]  }
0x1a: {  	s8 =	sadd.s32 $0xFFFFE003, lr  }
0x1b: {  	s9 =	sadd.s32 $0xFFFFFEF7, lr;
	s5 =	simm.s32 $0xFFFFFFFF;
	p2 =	slt.u32 s8, $0xFFFFF086  }
0x1c: {  	p1 =	slt.u32 s9, $0xF7A;
	s5 =	simm.s32 @!p2 $0x0  }
0x1d: {  	s5 =	simm.s32 @p1 $0x1;
	p0 =	seq.s32 s7, s2  }
0x1e: {  	s7 =	smul.u32 @!p0 $0xF7A, s2;
	p2 =	seq.s32 @!p0 s5, $0x0  }
0x1f: {  	s9 =	smul.u32 $0xF7A, s1;
	s8 =	simm.s32 @!p0 $0x1BF5;
	p2 =	por !p2, p0  }
0x20: {  	[sflag:s8] =	ssyncset.s32 @!p0 $0xFFFFF086;
	s6 =	sadd.s32 @!p0 s3, s7;
	s7 =	simm.s32 @!p0 $0x108  }
0x21: {  	s3 =	sadd.s32 s3, s9;
	s6 =	sadd.s32 @!p0 $0x88, s6;
	s7 =	simm.s32 @p2 $0x1082  }
0x22: {  	[simem:s7], [sflag:s8] =	dma.local @!p0 [hbm:s6], $0xF7A  }
0x23: {  	s9 =	sor.u32 $0xD0000000, s2;
	s6 =	simm.s32 $0x108;
	_ =	swait.ge @!p0 [sflag:s8], $0x0  }
0x24: {  	s3 =	sadd.s32 $0x88, s3;
	s6 =	simm.s32 @!p1 $0x1082;
	[sflag:s4] =	ssyncset.s32 $0xFFFFF086  }
0x25: {  	[simem:s6], [sflag:s4] =	dma.local [hbm:s3], $0xF7A  }
0x26: {  	[smem:$0x3F9B] =	sst s1;
	(tag) =	ssettag s2;
	_ =	strace s9  }
0x27: {  	s1 =	sld [smem:$0x3FAB]  }
0x28: {  	s2 =	sld [smem:$0x3FAC]  }
0x29: {  	s4 =	sld [smem:$0x3FAE]  }
0x2a: {  	p0 =	seq.s32 s5, $0x0;
	s5 =	sld [smem:$0x3FAF]  }
0x2b: {  	s6 =	sld [smem:$0x3FB0]  }
0x2c: {  	s7 =	sld [smem:$0x3FB1]  }
0x2d: {  	s3 =	simm.s32 $0x108;
	s8 =	sld [smem:$0x3FB2]  }
0x2e: {  	s3 =	simm.s32 @!p0 $0x1082;
	s9 =	sld [smem:$0x3FB3]  }
0x2f: {  	lr =	sadd.s32 s0, s3;
	s0 =	sld [smem:$0x3FAA]  }
0x30: {  	s3 =	sld [smem:$0x3FAD]  }
0x31: {  	[smem:$0x3FB6] =	sst s10  }
0x32: {  	s10 =	sld [smem:$0x3FB4];
	_ =	sdelay $0x3  }
0x33: {  	p0 =	seq.s32 s10, $0x1;
	s10 =	sld [smem:$0x3FB6];
	_ =	sdelay $0x3  }
0x34: {  	[smem:$0x3FB6] =	sst s10  }
0x35: {  	s10 =	sld [smem:$0x3FB5];
	_ =	sdelay $0x3  }
0x36: {  	p1 =	seq.s32 s10, $0x1;
	s10 =	sld [smem:$0x3FB6];
	_ =	sdelay $0x3  }
0x37: {  	[smem:$0x3FB6] =	sst s10  }
0x38: {  	s10 =	sld [smem:$0x3FB7]  }
0x39: {  	_ = 	snop;
	(pc) =	sbr.ind lr, $3  }
0x3a: {  	_ = 	snop  }
0x3b: {  	_ = 	snop  }
0x3c: {  	p2 =	seq.s32 s10, $0x1;
	s10 =	sld [smem:$0x3FB6]  }
0x3d: {  	_ =	shalt  }
0x3e: {  	_ =	shalt  }
0x3f: {  	_ =	shalt  }
0x40: {  	_ =	shalt  }
0x41: {  	_ =	shalt  }
0x42: {  	_ =	shalt  }
0x43: {  	_ =	shalt  }
0x44: {  	_ =	shalt  }
0x45: {  	_ =	shalt  }
0x46: {  	_ =	shalt  }
0x47: {  	_ =	shalt  }
0x48: {  	_ =	shalt  }
0x49: {  	_ =	shalt  }
0x4a: {  	_ =	shalt  }
0x4b: {  	_ =	shalt  }
0x4c: {  	_ =	shalt  }
0x4d: {  	_ =	shalt  }
0x4e: {  	_ =	shalt  }
0x4f: {  	_ =	shalt  }
0x50: {  	_ =	shalt  }
0x51: {  	_ =	shalt  }
0x52: {  	_ =	shalt  }
0x53: {  	_ =	shalt  }
0x54: {  	_ =	shalt  }
0x55: {  	_ =	shalt  }
0x56: {  	_ =	shalt  }
0x57: {  	_ =	shalt  }
0x58: {  	_ =	shalt  }
0x59: {  	_ =	shalt  }
0x5a: {  	_ =	shalt  }
0x5b: {  	_ =	shalt  }
0x5c: {  	_ =	shalt  }
0x5d: {  	_ =	shalt  }
0x5e: {  	_ =	shalt  }
0x5f: {  	_ =	shalt  }
0x60: {  	_ =	shalt  }
0x61: {  	_ =	shalt  }
0x62: {  	_ =	shalt  }
0x63: {  	_ =	shalt  }
0x64: {  	_ =	shalt  }
0x65: {  	_ =	shalt  }
0x66: {  	_ =	shalt  }
0x67: {  	_ =	shalt  }
0x68: {  	_ =	shalt  }
0x69: {  	_ =	shalt  }
0x6a: {  	_ =	shalt  }
0x6b: {  	_ =	shalt  }
0x6c: {  	_ =	shalt  }
0x6d: {  	_ =	shalt  }
0x6e: {  	_ =	shalt  }
0x6f: {  	_ =	shalt  }
0x70: {  	_ =	shalt  }
0x71: {  	_ =	shalt  }
0x72: {  	_ =	shalt  }
0x73: {  	_ =	shalt  }
0x74: {  	_ =	shalt  }
0x75: {  	_ =	shalt  }
0x76: {  	_ =	shalt  }
0x77: {  	_ =	shalt  }
0x78: {  	_ =	shalt  }
0x79: {  	_ =	shalt  }
0x7a: {  	_ =	shalt  }
0x7b: {  	_ =	shalt  }
0x7c: {  	_ =	shalt  }
0x7d: {  	_ =	shalt  }
0x7e: {  	_ =	shalt  }
0x7f: {  	_ =	shalt  }
0x80: {  	_ =	shalt  }
0x81: {  	_ =	shalt  }
0x82: {  	_ =	shalt  }
0x83: {  	_ =	shalt  }
0x84: {  	_ =	shalt  }
0x85: {  	_ =	shalt  }
0x86: {  	_ =	shalt  }
0x87: {  	_ =	shalt  }
.Lfunc_end0:
.L_simem_size_0:
called_computation.1_lowered:
.L_overlay_start_0:
0x88: {  	s2 =	sld [smem:$0x3FD9]  }
0x89: {  	s3 =	sld [smem:$0x3FFE];
	_ =	sdelay $0x1  }
0x8a: {  	s1 =	srdreg.scid  }
0x8b: {  	s0 =	sand.u32 $0x1, s1  }
0x8c: {  	s17 =	sshll.u32 s0, $0xA;
	s2 =	sadd.s32 s3, s2  }
0x8d: {  	s2 =	sadd.s32 s2, s17  }
0x8e: {  	[smem:$0x3FC2] =	sst s2  }
0x8f: {  	_ = 	snop  }
0x90: {  	s2 =	sld [smem:$0x3FD0];
	(tm) =	ssettm $0x1  }
0x91: {  	s18 =	sld [smem:$0x3FFB];
	_ =	sdelay $0x3  }
0x92: {  	_ =	strace s18  }
0x93: {  	s3 =	sld [smem:$0x3FFC];
	_ =	sdelay $0x3  }
0x94: {  	_ =	strace s3  }
0x95: {  	s3 =	sld [smem:$0x3FFD];
	_ =	sdelay $0x3  }
0x96: {  	_ =	strace s3  }
0x97: {  	_ =	strace $0x8FFFFFFF  }
0x98: {  	s19 =	sld [smem:$0x3FDB];
	_ =	sdelay $0x1  }
0x99: {  	s4 =	simm.s32 $_scs_section_size  }
0x9a: {  	s5 =	simm.s32 $_size__tile_overlayer_lowered;
	s6 =	simm.s32 $_tile_overlayer_lowered  }
0x9b: {  	s22 =	simm.s32 $0x1BFF;
	s21 =	sshll.u32 s6, $0x1;
	s3 =	sadd.s32 s4, s19  }
0x9c: {  	s7 =	simm.s32 $0x0;
	s20 =	sshll.u32 s5, $0x1;
	s5 =	sadd.s32 s21, s3  }
0x9d: {  	[timem:s7], [sflag:s22] =	dma.local [hbm:s5], s20  }
0x9e: {  	_ =	swait.ge [sflag:s22], s20  }
0x9f: {  	s4 =	ssub.s32 $0x0, s20;
	[sflag:s22] =	ssyncset.done $0x0  }
0xa0: {  	[sflag:s22] =	ssyncadd.s32 s4;
	_ =	sdelay $0x1  }
0xa1: {  	s23 =	simm.s32 $0x1B8B  }
0xa2: {  	_ =	swait.ge [sflag:s23], $0x1  }
0xa3: {  	[sflag:s23] =	ssyncset.done $0x0  }
0xa4: {  	s25 =	simm.s32 $0x1B8E;
	s24 =	sld [smem:$0x3FFE];
	[sflag:s23] =	ssyncadd.s32 $0xFFFFFFFF  }
0xa5: {  	s26 =	simm.s32 $execute0_lowered;
	[smem:$0x3FD2] =	sst s25  }
0xa6: {  	s5 =	sshll.u32 s26, $0x1;
	_ =	strace $0x80000049;
	[dreg:$0x1] =	wrdreg $0xFFFFFFFF  }
0xa7: {  	s28 =	simm.s32 $_size_execute0_lowered;
	s3 =	sadd.s32 s3, s5;
	[dreg:$0x0] =	wrdreg $0x0  }
0xa8: {  	s5 =	sshll.u32 s28, $0x1;
	[dreg:$0x2] =	wrdreg s3  }
0xa9: {  	[dreg:$0x3] =	wrdreg s5  }
0xaa: {  	[dreg:$0x4] =	wrdreg $0xC0  }
0xab: {  	_ =	task [dreg:s7], $0x5FFFF  }
0xac: {  	[dreg:$0x1] =	wrdreg $0xFFFFFFFF  }
0xad: {  	[dreg:$0x0] =	wrdreg $0x60  }
0xae: {  	[dreg:$0x2] =	wrdreg s24  }
0xaf: {  	[dreg:$0x3] =	wrdreg s2  }
0xb0: {  	[dreg:$0x4] =	wrdreg $0x59D80  }
0xb1: {  	[dreg:$0x5] =	wrdreg $0x9  }
0xb2: {  	_ =	task.clear_ibuf [dreg:s7], $0x6FFFF;
	_ =	strace $0x90000049  }
0xb3: {  	s29 =	simm.s32 $0x9;
	_ =	strace $0x8000004B  }
0xb4: {  	_ =	swait.ge [sflag:s29], $0x1  }
0xb5: {  	[sflag:s29] =	ssyncadd.s32 $0xFFFFFFFF  }
0xb6: {  	_ =	strace $0x9000004B  }
0xb7: {  	_ =	sfence  }
0xb8: {  	s30 =	sld [smem:$0x0];
	_ =	sdelay $0x2  }
0xb9: {  	s31 =	sshll.u32 s1, $0xD;
	s1 =	sshrl.u32 s1, $0x2  }
0xba: {  	s3 =	sand.u32 $0x4000, s31;
	s1 =	sadd.s32 s1, s30  }
0xbb: {  	s0 =	sor.u32 s3, s0;
	s1 =	sshll.u32 s1, $0x11  }
0xbc: {  	s0 =	sor.u32 s1, s0  }
0xbd: {  	s0 =	sadd.s32 $0x8F2B, s0  }
0xbe: {  	[sflag:s0] =	ssyncadd.remote.s32 $0x1  }
0xbf: {  	_ =	sfence.sel $0xFFFF  }
0xc0: {  	[dreg:$0x0] =	wrdreg $0xFFFFFFFF;
	(pc) =	sbr.abs _section_cstart, $3  }
0xc1: {  	[dreg:$0x1] =	wrdreg $0xFFFFFFFF  }
0xc2: {  	_ =	task.clear_ibuf [dreg:s7], $0x2FFFF;
	_ =	strace $0x9FFFFFFF  }
0xc3: {  	(tm) =	ssettm $0x7FFFFFFF  }
tec
execute0_lowered:
.L_overlay_start_1:
0x0: {  	(tag) =	ssettag $0x1  }
0x1: {  	s0 =	rddreg [dreg:$0x0]  }
0x2: {  	s1 =	rddreg [dreg:$0x1];
	s3 =	srdreg.scid  }
0x3: {  	s31 =	rddreg [dreg:$0x2];
	s11 =	stileid.u32  }
0x4: {  	s29 =	simm.s32 $0xA;
	s30 =	simm.s32 $0xB;
	s6 =	smul.u32 $0x14000, s11  }
0x5: {  	s28 =	simm.s32 $0xE;
	s5 =	sand.u32 $0x1, s3;
	s21 =	smul.u32 $0x28000, s11  }
0x6: {  	s3 =	simm.s32 $0x0;
	s7 =	sshll.u32 s11, $0x1;
	s4 =	smul.u32 $0x140000, s5  }
0x7: {  	[smem:$0x7FF] =	sst s3;
	s7 =	sor.u32 s5, s7;
	s9 =	ssub.s32 $0x2, s5  }
0x8: {  	_ =	strace $0x8000004A;
	s7 =	smul.u32 $0x2710, s7;
	s4 =	sadd.s32 s6, s4  }
0x9: {  	s16 =	sshrl.u32 s9, $0x1;
	s6 =	sshrl.u32 s6, $0x1;
	s8 =	sshrl.u32 s4, $0x4  }
0xa: {  	s4 =	sadd.s32 $0x1E00, s0;
	s17 =	sshrl.u32 s7, $0x3;
	s10 =	sadd.s32 $0x4E228, s7  }
0xb: {  	s7 =	sadd.s32 $0x4E278, s7;
	s6 =	sadd.s32 s6, s31;
	s12 =	sadd.s32 s1, s17  }
0xc: {  	s0 =	sadd.s32 s8, s0;
	s17 =	sshrl.u32 s6, $0x3;
	[dreg:$0x4] =	wrdreg s12  }
0xd: {  	s18 =	sshrl.u32 s10, $0x3;
	s19 =	sadd.s32 $0x9C40, s12;
	[dreg:$0x18] =	wrdreg s17  }
0xe: {  	s8 =	ssub.s32 s9, s16;
	s9 =	sadd.s32 s1, s18;
	[dreg:$0x5] =	wrdreg s19  }
0xf: {  	s7 =	sshrl.u32 s7, $0x3;
	s20 =	sadd.s32 $0x9C4A, s12;
	[dreg:$0x6] =	wrdreg s9  }
0x10: {  	s23 =	smul.u32 $0x4E20, s11;
	s7 =	sadd.s32 s1, s7;
	[dreg:$0x7] =	wrdreg s20  }
0x11: {  	s5 =	smul.u32 $0x2710, s5;
	s22 =	sadd.s32 $0x9C54, s12;
	[dreg:$0x8] =	wrdreg s7  }
0x12: {  	s6 =	simm.s32 $0x4FD8;
	s0 =	sadd.s32 $0x15800, s0;
	[dreg:$0x9] =	wrdreg s22  }
0x13: {  	s8 =	smax.u32 s8, $0x1;
	[dreg:$0xa] =	wrdreg s0;
	s7 =	sshrl.u32 s21, $0x2  }
0x14: {  	s17 =	simm.s32 $0x2738;
	[dreg:$0xb] =	wrdreg s8;
	s8 =	sadd.s32 s7, s31  }
0x15: {  	s0 =	sadd.s32 s5, s23;
	s7 =	sadd.s32 $0xA00, s8;
	[dreg:$0xc] =	wrdreg s8  }
0x16: {  	s26 =	sadd.s32 $0x4E368, s0;
	s24 =	sadd.s32 $0x1400, s8;
	[dreg:$0xd] =	wrdreg s7  }
0x17: {  	s2 =	sadd.s32 $0x4E340, s0;
	s25 =	sadd.s32 $0x1E00, s8;
	[dreg:$0xe] =	wrdreg s24  }
0x18: {  	s13 =	sadd.s32 $0x4E318, s0;
	s10 =	sadd.s32 $0x2800, s8;
	[dreg:$0xf] =	wrdreg s25  }
0x19: {  	s14 =	sadd.s32 $0x4E2F0, s0;
	s11 =	sadd.s32 $0x3200, s8;
	[dreg:$0x10] =	wrdreg s10  }
0x1a: {  	s0 =	sadd.s32 $0x4E2C8, s0;
	s16 =	sadd.s32 $0x3C00, s8;
	[dreg:$0x11] =	wrdreg s11  }
0x1b: {  	s5 =	sshrl.u32 s26, $0x3;
	s18 =	sadd.s32 $0x4600, s8;
	[dreg:$0x17] =	wrdreg s16  }
0x1c: {  	s0 =	sshrl.u32 s0, $0x3;
	s19 =	sadd.s32 $0x5000, s8;
	[dreg:$0x19] =	wrdreg s18  }
0x1d: {  	s20 =	sadd.s32 $0x5A00, s8;
	s21 =	sadd.s32 $0x6400, s8;
	[dreg:$0x1a] =	wrdreg s19  }
0x1e: {  	s22 =	sadd.s32 $0x6E00, s8;
	s23 =	sadd.s32 $0x7800, s8;
	[dreg:$0x1b] =	wrdreg s20  }
0x1f: {  	s26 =	sadd.s32 $0x9600, s8;
	s7 =	sshrl.u32 s2, $0x3;
	[dreg:$0x1c] =	wrdreg s21  }
0x20: {  	s5 =	sadd.s32 s5, s1;
	s0 =	sadd.s32 s0, s1;
	[dreg:$0x1d] =	wrdreg s22  }
0x21: {  	[dreg:$0x1e] =	wrdreg s23;
	s24 =	sadd.s32 $0x8200, s8;
	s25 =	sadd.s32 $0x8C00, s8  }
0x22: {  	[smem:$0x7FD] =	sst s26;
	s10 =	simm.s32 $0x28;
	s16 =	simm.s32 $0x31D8  }
0x23: {  	s18 =	simm.s32 $0x3BD8;
	s23 =	simm.s32 $0x2760;
	s21 =	simm.s32 $0x4  }
0x24: {  	s22 =	simm.s32 $0x9;
	s26 =	simm.s32 $0x5;
	[dreg:$0x12] =	wrdreg s5  }
0x25: {  	s2 =	simm.s32 $0xC;
	s19 =	simm.s32 $0x27D8;
	[dreg:$0x16] =	wrdreg s0  }
0x26: {  	s12 =	sadd.s32 s7, s1;
	s5 =	sshrl.u32 s13, $0x3;
	[dreg:$0x1f] =	wrdreg s24  }
0x27: {  	s7 =	sshrl.u32 s14, $0x3;
	[smem:$0x7FC] =	sst s25;
	s14 =	simm.s32 $0x27D8  }
0x28: {  	s24 =	simm.s32 $0x45D8;
	s25 =	simm.s32 $0x2788;
	s0 =	simm.s32 $0x27B0  }
0x29: {  	s13 =	simm.s32 $0x2788;
	[dreg:$0x13] =	wrdreg s12;
	s5 =	sadd.s32 s5, s1  }
0x2a: {  	s15 =	sadd.s32 s7, s1;
	s12 =	simm.s32 $0x10;
	[dreg:$0x14] =	wrdreg s5  }
0x2b: {  	v0 =	vimm.bf16 $0.0e+00;
	s1 =	simm.s32 $0x0;
	[dreg:$0x15] =	wrdreg s15;
	s15 =	simm.s32 $0x2710  }
.LBB2_1:
0x2c: {  	[smem:$0x7FB] =	sst s1  }
0x2d: {  	s8 =	rddreg [dreg:$0x4]  }
0x2e: {  	[tilespmem:s3], [sflag:$0x10] =	stream.linear.gather [hbm4b:s8+s3], $0x2710, $0x38;
	[tilespmem:$0xF9D8] =	vst v63  }
0x2f: {  	_ =	swait.ge [sflag:s12], $0x2710  }
0x30: {  	[sflag:s12] =	ssyncset.done $0x0  }
0x31: {  	s9 =	simm.s32 $0x100;
	s8 =	simm.s32 $0x0;
	[sflag:s12] =	ssyncadd.s32 $0xFFFFD8F0  }
.LBB2_2:
0x32: {  	p0 =	sne.s32 s9, $0x2700;
	[tilespmem:s8+$0x2808] =	vst v0;
	s11 =	smov.u32 s9;
	s9 =	sadd.s32 $0x100, s9  }
.Ltmp0:
0x33: {  	[tilespmem:s8+$0x27F8] =	vst v0;
	(pc) =	sbr.rel @p0 .LBB2_2-.Ltmp0, $3  }
0x34: {  	[tilespmem:s8+$0x27D8] =	vst v0  }
0x35: {  	[tilespmem:s8+$0x27E8] =	vst v0;
	_ =	sdelay $0x1  }
0x36: {  	s8 =	sshra.s32 s11, $0x2  }
0x37: {  	[tilespmem:s8+$0x2808] =	vst v0  }
0x38: {  	[tilespmem:s8+$0x27F8] =	vst v0  }
0x39: {  	[tilespmem:s8+$0x27D8] =	vst v0  }
0x3a: {  	[tilespmem:s8+$0x27E8] =	vst v0;
	s11 =	rddreg [dreg:$0xc]  }
0x3b: {  	[spmem:s11] =	stream.linear.scatter [tilespmem:s14], [sflag:$0x10], $0xA00, $0x38;
	[tilespmem:$0xF9D8] =	vst v63  }
0x3c: {  	_ =	swait.ge [sflag:s12], $0xA00  }
0x3d: {  	[sflag:s12] =	ssyncset.done $0x0  }
0x3e: {  	s20 =	rddreg [dreg:$0xd];
	[sflag:s12] =	ssyncadd.s32 $0xFFFFF600  }
0x3f: {  	[spmem:s20] =	stream.linear.scatter [tilespmem:s14], [sflag:$0x10], $0xA00, $0x38;
	[tilespmem:$0xF9D8] =	vst v63  }
0x40: {  	_ =	swait.ge [sflag:s12], $0xA00  }
0x41: {  	[sflag:s12] =	ssyncset.done $0x0  }
0x42: {  	s1 =	rddreg [dreg:$0xe];
	[sflag:s12] =	ssyncadd.s32 $0xFFFFF600  }
0x43: {  	[spmem:s1] =	stream.linear.scatter [tilespmem:s14], [sflag:$0x10], $0xA00, $0x38;
	[tilespmem:$0xF9D8] =	vst v63  }
0x44: {  	_ =	swait.ge [sflag:s12], $0xA00  }
0x45: {  	[sflag:s12] =	ssyncset.done $0x0  }
0x46: {  	s5 =	rddreg [dreg:$0xf];
	[sflag:s12] =	ssyncadd.s32 $0xFFFFF600  }
0x47: {  	[spmem:s5] =	stream.linear.scatter [tilespmem:s14], [sflag:$0x10], $0xA00, $0x38;
	[tilespmem:$0xF9D8] =	vst v63  }
0x48: {  	_ =	swait.ge [sflag:s12], $0xA00  }
0x49: {  	[sflag:s12] =	ssyncset.done $0x0  }
0x4a: {  	s7 =	rddreg [dreg:$0x10];
	[sflag:s12] =	ssyncadd.s32 $0xFFFFF600  }
0x4b: {  	[spmem:s7] =	stream.linear.scatter [tilespmem:s14], [sflag:$0x10], $0xA00, $0x38;
	[tilespmem:$0xF9D8] =	vst v63  }
0x4c: {  	_ =	swait.ge [sflag:s12], $0xA00  }
0x4d: {  	[sflag:s12] =	ssyncset.done $0x0  }
0x4e: {  	s9 =	rddreg [dreg:$0x11];
	[sflag:s12] =	ssyncadd.s32 $0xFFFFF600  }
0x4f: {  	[spmem:s9] =	stream.linear.scatter [tilespmem:s14], [sflag:$0x10], $0xA00, $0x38;
	[tilespmem:$0xF9D8] =	vst v63  }
0x50: {  	_ =	swait.ge [sflag:s12], $0xA00  }
0x51: {  	[sflag:s12] =	ssyncset.done $0x0  }
0x52: {  	s11 =	rddreg [dreg:$0x17];
	[sflag:s12] =	ssyncadd.s32 $0xFFFFF600  }
0x53: {  	[spmem:s11] =	stream.linear.scatter [tilespmem:s14], [sflag:$0x10], $0xA00, $0x38;
	[tilespmem:$0xF9D8] =	vst v63  }
0x54: {  	_ =	swait.ge [sflag:s12], $0xA00  }
0x55: {  	[sflag:s12] =	ssyncset.done $0x0  }
0x56: {  	s20 =	rddreg [dreg:$0x19];
	[sflag:s12] =	ssyncadd.s32 $0xFFFFF600  }
0x57: {  	[spmem:s20] =	stream.linear.scatter [tilespmem:s14], [sflag:$0x10], $0xA00, $0x38;
	[tilespmem:$0xF9D8] =	vst v63  }
0x58: {  	_ =	swait.ge [sflag:s12], $0xA00  }
0x59: {  	[sflag:s12] =	ssyncset.done $0x0  }
0x5a: {  	s1 =	rddreg [dreg:$0x1a];
	[sflag:s12] =	ssyncadd.s32 $0xFFFFF600  }
0x5b: {  	[spmem:s1] =	stream.linear.scatter [tilespmem:s14], [sflag:$0x10], $0xA00, $0x38;
	[tilespmem:$0xF9D8] =	vst v63  }
0x5c: {  	_ =	swait.ge [sflag:s12], $0xA00  }
0x5d: {  	[sflag:s12] =	ssyncset.done $0x0  }
0x5e: {  	s5 =	rddreg [dreg:$0x1b];
	[sflag:s12] =	ssyncadd.s32 $0xFFFFF600  }
0x5f: {  	[spmem:s5] =	stream.linear.scatter [tilespmem:s14], [sflag:$0x10], $0xA00, $0x38;
	[tilespmem:$0xF9D8] =	vst v63  }
0x60: {  	_ =	swait.ge [sflag:s12], $0xA00  }
0x61: {  	[sflag:s12] =	ssyncset.done $0x0  }
0x62: {  	s7 =	rddreg [dreg:$0x1c];
	[sflag:s12] =	ssyncadd.s32 $0xFFFFF600  }
0x63: {  	[spmem:s7] =	stream.linear.scatter [tilespmem:s14], [sflag:$0x10], $0xA00, $0x38;
	[tilespmem:$0xF9D8] =	vst v63  }
0x64: {  	_ =	swait.ge [sflag:s12], $0xA00  }
0x65: {  	[sflag:s12] =	ssyncset.done $0x0  }
0x66: {  	s9 =	rddreg [dreg:$0x1d];
	[sflag:s12] =	ssyncadd.s32 $0xFFFFF600  }
0x67: {  	[spmem:s9] =	stream.linear.scatter [tilespmem:s14], [sflag:$0x10], $0xA00, $0x38;
	[tilespmem:$0xF9D8] =	vst v63  }
0x68: {  	_ =	swait.ge [sflag:s12], $0xA00  }
0x69: {  	[sflag:s12] =	ssyncset.done $0x0  }
0x6a: {  	s11 =	rddreg [dreg:$0x1e];
	[sflag:s12] =	ssyncadd.s32 $0xFFFFF600  }
0x6b: {  	[spmem:s11] =	stream.linear.scatter [tilespmem:s14], [sflag:$0x10], $0xA00, $0x38;
	[tilespmem:$0xF9D8] =	vst v63  }
0x6c: {  	_ =	swait.ge [sflag:s12], $0xA00  }
0x6d: {  	[sflag:s12] =	ssyncset.done $0x0  }
0x6e: {  	s20 =	rddreg [dreg:$0x1f];
	[sflag:s12] =	ssyncadd.s32 $0xFFFFF600  }
0x6f: {  	[spmem:s20] =	stream.linear.scatter [tilespmem:s14], [sflag:$0x10], $0xA00, $0x38;
	[tilespmem:$0xF9D8] =	vst v63  }
0x70: {  	_ =	swait.ge [sflag:s12], $0xA00  }
0x71: {  	s1 =	sld [smem:$0x7FC]  }
0x72: {  	[sflag:s12] =	ssyncset.done $0x0  }
0x73: {  	[sflag:s12] =	ssyncadd.s32 $0xFFFFF600  }
0x74: {  	[spmem:s1] =	stream.linear.scatter [tilespmem:s14], [sflag:$0x10], $0xA00, $0x38;
	[tilespmem:$0xF9D8] =	vst v63  }
0x75: {  	_ =	swait.ge [sflag:s12], $0xA00  }
0x76: {  	s5 =	sld [smem:$0x7FD]  }
0x77: {  	[sflag:s12] =	ssyncset.done $0x0  }
0x78: {  	[sflag:s12] =	ssyncadd.s32 $0xFFFFF600  }
0x79: {  	[spmem:s5] =	stream.linear.scatter [tilespmem:s14], [sflag:$0x10], $0xA00, $0x38;
	[tilespmem:$0xF9D8] =	vst v63  }
0x7a: {  	_ =	swait.ge [sflag:s12], $0xA00  }
0x7b: {  	[sflag:s12] =	ssyncset.done $0x0  }
0x7c: {  	[sflag:s12] =	ssyncadd.s32 $0xFFFFF600  }
0x7d: {  	s8 =	simm.s32 $0x0;
	[bflag:$0x0] =	sbarrier.arrive $0xFFFF  }
0x7e: {  	[tilespmem:s14], [sflag:$0x1] =	stream.indirect.gather [hbm4b:s4+s10], $0x40, s8, s10, $0xb8;
	[tilespmem:$0xF9D8] =	vst v63  }
0x7f: {  	s9 =	rddreg [dreg:$0x5]  }
0x80: {  	[tilespmem:s15], [sflag:$0x6] =	stream.linear.gather [hbm4b:s9+s8], $0x28, $0x38;
	[tilespmem:$0xF9D8] =	vst v63  }
0x81: {  	_ = 	snop  }
0x82: {  	[tilespmem:s16], [sflag:$0x2] =	stream.indirect.gather [hbm4b:s4+s10], $0x40, s10, s10, $0xb8;
	[tilespmem:$0xF9D8] =	vst v63  }
0x83: {  	s7 =	rddreg [dreg:$0x6]  }
0x84: {  	[tilespmem:s17], [sflag:$0x7] =	stream.linear.gather [hbm4b:s7+s8], $0x28, $0x38;
	[tilespmem:$0xF9D8] =	vst v63  }
0x85: {  	s5 =	simm.s32 $0x50  }
0x86: {  	[tilespmem:s18], [sflag:$0x3] =	stream.indirect.gather [hbm4b:s4+s10], $0x40, s5, s10, $0xb8;
	[tilespmem:$0xF9D8] =	vst v63  }
0x87: {  	s11 =	rddreg [dreg:$0x7]  }
0x88: {  	[tilespmem:s23], [sflag:$0x8] =	stream.linear.gather [hbm4b:s11+s8], $0x28, $0x38;
	[tilespmem:$0xF9D8] =	vst v63  }
0x89: {  	s12 =	simm.s32 $0x78  }
0x8a: {  	[tilespmem:s24], [sflag:$0x4] =	stream.indirect.gather [hbm4b:s4+s10], $0x40, s12, s10, $0xb8;
	[tilespmem:$0xF9D8] =	vst v63  }
0x8b: {  	s20 =	rddreg [dreg:$0x8]  }
0x8c: {  	[tilespmem:s25], [sflag:$0x9] =	stream.linear.gather [hbm4b:s20+s8], $0x28, $0x38;
	[tilespmem:$0xF9D8] =	vst v63  }
0x8d: {  	s1 =	simm.s32 $0xA0  }
0x8e: {  	[tilespmem:s6], [sflag:$0x5] =	stream.indirect.gather [hbm4b:s4+s10], $0x40, s1, s10, $0xb8;
	[tilespmem:$0xF9D8] =	vst v63  }
0x8f: {  	s5 =	rddreg [dreg:$0x9];
	s1 =	simm.s32 $0x1  }
0x90: {  	[tilespmem:s0], [sflag:$0xA] =	stream.linear.gather [hbm4b:s5+s8], $0x28, $0x38;
	[tilespmem:$0xF9D8] =	vst v63  }
0x91: {  	_ =	swait.ge [sflag:s1], $0xA00  }
0x92: {  	[sflag:s1] =	ssyncset.done $0x0  }
0x93: {  	s6 =	simm.s32 $0x6;
	[sflag:s1] =	ssyncadd.s32 $0xFFFFF600  }
0x94: {  	_ =	swait.ge [sflag:s6], $0x28  }
0x95: {  	[sflag:s6] =	ssyncset.done $0x0  }
0x96: {  	s7 =	simm.s32 $0x2;
	[sflag:s6] =	ssyncadd.s32 $0xFFFFFFD8  }
0x97: {  	[spmem:s31] =	stream.indirect.scatter.add.bf16 [tilespmem:s14], [sflag:$0xB], $0x40, s15, s10, $0xb8;
	[tilespmem:$0xF9D8] =	vst v63  }
0x98: {  	_ =	swait.ge [sflag:s7], $0xA00  }
0x99: {  	[sflag:s7] =	ssyncset.done $0x0  }
0x9a: {  	s8 =	simm.s32 $0x7;
	[sflag:s7] =	ssyncadd.s32 $0xFFFFF600  }
0x9b: {  	_ =	swait.ge [sflag:s8], $0x28  }
0x9c: {  	[sflag:s8] =	ssyncset.done $0x0  }
0x9d: {  	s9 =	simm.s32 $0x3;
	[sflag:s8] =	ssyncadd.s32 $0xFFFFFFD8  }
0x9e: {  	[spmem:s31] =	stream.indirect.scatter.add.bf16 [tilespmem:s16], [sflag:$0xC], $0x40, s17, s10, $0xb8;
	[tilespmem:$0xF9D8] =	vst v63  }
0x9f: {  	_ =	swait.ge [sflag:s9], $0xA00  }
0xa0: {  	[sflag:s9] =	ssyncset.done $0x0  }
0xa1: {  	s11 =	simm.s32 $0x8;
	[sflag:s9] =	ssyncadd.s32 $0xFFFFF600  }
0xa2: {  	_ =	swait.ge [sflag:s11], $0x28  }
0xa3: {  	[sflag:s11] =	ssyncset.done $0x0  }
0xa4: {  	[sflag:s11] =	ssyncadd.s32 $0xFFFFFFD8  }
0xa5: {  	[spmem:s31] =	stream.indirect.scatter.add.bf16 [tilespmem:s18], [sflag:$0xD], $0x40, s23, s10, $0xb8;
	[tilespmem:$0xF9D8] =	vst v63  }
0xa6: {  	_ =	swait.ge [sflag:s21], $0xA00  }
0xa7: {  	[sflag:s21] =	ssyncset.done $0x0  }
0xa8: {  	[sflag:s21] =	ssyncadd.s32 $0xFFFFF600  }
0xa9: {  	_ =	swait.ge [sflag:s22], $0x28  }
0xaa: {  	[sflag:s22] =	ssyncset.done $0x0  }
0xab: {  	[sflag:s22] =	ssyncadd.s32 $0xFFFFFFD8  }
0xac: {  	[spmem:s31] =	stream.indirect.scatter.add.bf16 [tilespmem:s24], [sflag:$0xE], $0x40, s25, s10, $0xb8;
	[tilespmem:$0xF9D8] =	vst v63  }
0xad: {  	_ =	swait.ge [sflag:s26], $0xA00  }
0xae: {  	[sflag:s26] =	ssyncset.done $0x0  }
0xaf: {  	[sflag:s26] =	ssyncadd.s32 $0xFFFFF600  }
0xb0: {  	_ =	swait.ge [sflag:s29], $0x28  }
0xb1: {  	[sflag:s29] =	ssyncset.done $0x0  }
0xb2: {  	s5 =	simm.s32 $0x4FD8;
	[sflag:s29] =	ssyncadd.s32 $0xFFFFFFD8  }
0xb3: {  	[spmem:s31] =	stream.indirect.scatter.add.bf16 [tilespmem:s5], [sflag:$0xF], $0x40, s0, s10, $0xb8;
	[tilespmem:$0xF9D8] =	vst v63  }
0xb4: {  	_ =	swait.ge [sflag:s30], $0xA00  }
0xb5: {  	[sflag:s30] =	ssyncset.done $0x0  }
0xb6: {  	s12 =	simm.s32 $0xC8;
	[sflag:s30] =	ssyncadd.s32 $0xFFFFF600  }
0xb7: {  	[tilespmem:s14], [sflag:$0x1] =	stream.indirect.gather [hbm4b:s4+s10], $0x40, s12, s10, $0xb8;
	[tilespmem:$0xF9D8] =	vst v63  }
0xb8: {  	s14 =	rddreg [dreg:$0x16]  }
0xb9: {  	[tilespmem:s15], [sflag:$0x6] =	stream.linear.gather [hbm4b:s14+s3], $0x28, $0x38;
	[tilespmem:$0xF9D8] =	vst v63  }
0xba: {  	_ =	swait.ge [sflag:s2], $0xA00  }
0xbb: {  	[sflag:s2] =	ssyncset.done $0x0  }
0xbc: {  	s15 =	simm.s32 $0xF0;
	[sflag:s2] =	ssyncadd.s32 $0xFFFFF600  }
0xbd: {  	[tilespmem:s16], [sflag:$0x2] =	stream.indirect.gather [hbm4b:s4+s10], $0x40, s15, s10, $0xb8;
	[tilespmem:$0xF9D8] =	vst v63  }
0xbe: {  	s11 =	rddreg [dreg:$0x15];
	s16 =	simm.s32 $0xD  }
0xbf: {  	[tilespmem:s17], [sflag:$0x7] =	stream.linear.gather [hbm4b:s11+s3], $0x28, $0x38;
	[tilespmem:$0xF9D8] =	vst v63  }
0xc0: {  	_ =	swait.ge [sflag:s16], $0xA00  }
0xc1: {  	[sflag:s16] =	ssyncset.done $0x0  }
0xc2: {  	s17 =	simm.s32 $0x118;
	[sflag:s16] =	ssyncadd.s32 $0xFFFFF600  }
0xc3: {  	[tilespmem:s18], [sflag:$0x3] =	stream.indirect.gather [hbm4b:s4+s10], $0x40, s17, s10, $0xb8;
	[tilespmem:$0xF9D8] =	vst v63  }
0xc4: {  	s29 =	simm.s32 $0x0;
	s20 =	rddreg [dreg:$0x14]  }
0xc5: {  	[tilespmem:s23], [sflag:$0x8] =	stream.linear.gather [hbm4b:s20+s29], $0x28, $0x38;
	[tilespmem:$0xF9D8] =	vst v63  }
0xc6: {  	s21 =	simm.s32 $0x4;
	_ =	swait.ge [sflag:s28], $0xA00  }
0xc7: {  	s22 =	simm.s32 $0x9;
	s26 =	simm.s32 $0xF;
	[sflag:s28] =	ssyncset.done $0x0  }
0xc8: {  	s0 =	simm.s32 $0x5;
	s23 =	simm.s32 $0x140;
	[sflag:s28] =	ssyncadd.s32 $0xFFFFF600  }
0xc9: {  	[tilespmem:s24], [sflag:$0x4] =	stream.indirect.gather [hbm4b:s4+s10], $0x40, s23, s10, $0xb8;
	[tilespmem:$0xF9D8] =	vst v63  }
0xca: {  	s30 =	simm.s32 $0x168;
	s8 =	sadd.s32 $0x19, s14;
	s24 =	rddreg [dreg:$0x13]  }
0xcb: {  	[tilespmem:s25], [sflag:$0x9] =	stream.linear.gather [hbm4b:s24+s29], $0x28, $0x38;
	[tilespmem:$0xF9D8] =	vst v63  }
0xcc: {  	s2 =	simm.s32 $0xC;
	s11 =	sadd.s32 $0x19, s11;
	_ =	swait.ge [sflag:s26], $0xA00  }
0xcd: {  	s14 =	sadd.s32 $0x19, s20;
	s23 =	simm.s32 $0x320;
	[sflag:s26] =	ssyncset.done $0x0  }
0xce: {  	s9 =	sadd.s32 $0x19, s24;
	s15 =	rddreg [dreg:$0x12];
	[sflag:s26] =	ssyncadd.s32 $0xFFFFF600  }
0xcf: {  	[tilespmem:s5], [sflag:$0x5] =	stream.indirect.gather [hbm4b:s4+s10], $0x40, s30, s10, $0xb8;
	[tilespmem:$0xF9D8] =	vst v63  }
0xd0: {  	s12 =	sadd.s32 $0x19, s15;
	s26 =	simm.s32 $0xB;
	s5 =	simm.s32 $0xA  }
.LBB2_4:
0xd1: {  	s17 =	simm.s32 $0x27B0  }
0xd2: {  	[tilespmem:s17], [sflag:$0xA] =	stream.linear.gather [hbm4b:s15+s29], $0x28, $0x38;
	[tilespmem:$0xF9D8] =	vst v63  }
0xd3: {  	s16 =	smov.u32 s23;
	s1 =	simm.s32 $0x1;
	s15 =	smov.u32 s12  }
0xd4: {  	p0 =	sne.s32 s23, $0x9600;
	s23 =	sadd.s32 $0x320, s23;
	_ =	swait.ge [sflag:s1], $0xA00  }
0xd5: {  	[sflag:s1] =	ssyncset.done $0x0  }
0xd6: {  	[sflag:s1] =	ssyncadd.s32 $0xFFFFF600;
	s1 =	simm.s32 $0x6  }
0xd7: {  	_ =	swait.ge [sflag:s1], $0x28  }
0xd8: {  	s7 =	simm.s32 $0x27D8;
	[sflag:s1] =	ssyncset.done $0x0  }
0xd9: {  	s20 =	simm.s32 $0x2710;
	[sflag:s1] =	ssyncadd.s32 $0xFFFFFFD8;
	s1 =	simm.s32 $0x2  }
0xda: {  	[spmem:s31] =	stream.indirect.scatter.add.bf16 [tilespmem:s7], [sflag:$0xB], $0x40, s20, s10, $0xb8;
	[tilespmem:$0xF9D8] =	vst v63  }
0xdb: {  	_ =	swait.ge [sflag:s1], $0xA00  }
0xdc: {  	[sflag:s1] =	ssyncset.done $0x0  }
0xdd: {  	[sflag:s1] =	ssyncadd.s32 $0xFFFFF600;
	s1 =	simm.s32 $0x7  }
0xde: {  	_ =	swait.ge [sflag:s1], $0x28  }
0xdf: {  	s25 =	simm.s32 $0x2738;
	[sflag:s1] =	ssyncset.done $0x0  }
0xe0: {  	s24 =	simm.s32 $0x31D8;
	[sflag:s1] =	ssyncadd.s32 $0xFFFFFFD8;
	s1 =	simm.s32 $0x3  }
0xe1: {  	[spmem:s31] =	stream.indirect.scatter.add.bf16 [tilespmem:s24], [sflag:$0xC], $0x40, s25, s10, $0xb8;
	[tilespmem:$0xF9D8] =	vst v63  }
0xe2: {  	_ =	swait.ge [sflag:s1], $0xA00  }
0xe3: {  	[sflag:s1] =	ssyncset.done $0x0  }
0xe4: {  	[sflag:s1] =	ssyncadd.s32 $0xFFFFF600;
	s1 =	simm.s32 $0x8  }
0xe5: {  	_ =	swait.ge [sflag:s1], $0x28  }
0xe6: {  	[sflag:s1] =	ssyncset.done $0x0  }
0xe7: {  	s30 =	simm.s32 $0x3BD8;
	[sflag:s1] =	ssyncadd.s32 $0xFFFFFFD8;
	s1 =	simm.s32 $0x2760  }
0xe8: {  	[spmem:s31] =	stream.indirect.scatter.add.bf16 [tilespmem:s30], [sflag:$0xD], $0x40, s1, s10, $0xb8;
	[tilespmem:$0xF9D8] =	vst v63  }
0xe9: {  	_ =	swait.ge [sflag:s21], $0xA00  }
0xea: {  	[sflag:s21] =	ssyncset.done $0x0  }
0xeb: {  	[sflag:s21] =	ssyncadd.s32 $0xFFFFF600  }
0xec: {  	_ =	swait.ge [sflag:s22], $0x28  }
0xed: {  	[sflag:s22] =	ssyncset.done $0x0  }
0xee: {  	s6 =	simm.s32 $0x45D8;
	[sflag:s22] =	ssyncadd.s32 $0xFFFFFFD8  }
0xef: {  	[spmem:s31] =	stream.indirect.scatter.add.bf16 [tilespmem:s6], [sflag:$0xE], $0x40, s13, s10, $0xb8;
	[tilespmem:$0xF9D8] =	vst v63  }
0xf0: {  	_ =	swait.ge [sflag:s0], $0xA00  }
0xf1: {  	[sflag:s0] =	ssyncset.done $0x0  }
0xf2: {  	[sflag:s0] =	ssyncadd.s32 $0xFFFFF600  }
0xf3: {  	_ =	swait.ge [sflag:s5], $0x28  }
0xf4: {  	[sflag:s5] =	ssyncset.done $0x0  }
0xf5: {  	s18 =	simm.s32 $0x4FD8;
	[sflag:s5] =	ssyncadd.s32 $0xFFFFFFD8  }
0xf6: {  	[spmem:s31] =	stream.indirect.scatter.add.bf16 [tilespmem:s18], [sflag:$0xF], $0x40, s17, s10, $0xb8;
	[tilespmem:$0xF9D8] =	vst v63  }
0xf7: {  	_ =	swait.ge [sflag:s26], $0xA00  }
0xf8: {  	s16 =	sshra.s32 s16, $0x2;
	[sflag:s26] =	ssyncset.done $0x0  }
0xf9: {  	s17 =	sadd.s32 $0xC8, s16;
	[sflag:s26] =	ssyncadd.s32 $0xFFFFF600  }
0xfa: {  	[tilespmem:s7], [sflag:$0x1] =	stream.indirect.gather [hbm4b:s4+s10], $0x40, s17, s10, $0xb8;
	[tilespmem:$0xF9D8] =	vst v63  }
0xfb: {  	s3 =	simm.s32 $0x2710  }
0xfc: {  	[tilespmem:s20], [sflag:$0x6] =	stream.linear.gather [hbm4b:s8+s29], $0x28, $0x38;
	[tilespmem:$0xF9D8] =	vst v63  }
0xfd: {  	_ =	swait.ge [sflag:s2], $0xA00  }
0xfe: {  	[sflag:s2] =	ssyncset.done $0x0  }
0xff: {  	s17 =	sadd.s32 $0xF0, s16;
	s20 =	simm.s32 $0x31D8;
	[sflag:s2] =	ssyncadd.s32 $0xFFFFF600  }
0x100: {  	[tilespmem:s24], [sflag:$0x2] =	stream.indirect.gather [hbm4b:s4+s10], $0x40, s17, s10, $0xb8;
	[tilespmem:$0xF9D8] =	vst v63  }
0x101: {  	s7 =	simm.s32 $0xD;
	s24 =	simm.s32 $0x2738  }
0x102: {  	[tilespmem:s25], [sflag:$0x7] =	stream.linear.gather [hbm4b:s11+s29], $0x28, $0x38;
	[tilespmem:$0xF9D8] =	vst v63  }
0x103: {  	_ =	swait.ge [sflag:s7], $0xA00  }
0x104: {  	[sflag:s7] =	ssyncset.done $0x0  }
0x105: {  	s17 =	sadd.s32 $0x118, s16;
	s25 =	simm.s32 $0x3BD8;
	[sflag:s7] =	ssyncadd.s32 $0xFFFFF600  }
0x106: {  	[tilespmem:s30], [sflag:$0x3] =	stream.indirect.gather [hbm4b:s4+s10], $0x40, s17, s10, $0xb8;
	[tilespmem:$0xF9D8] =	vst v63  }
0x107: {  	s7 =	simm.s32 $0x2760  }
0x108: {  	[tilespmem:s1], [sflag:$0x8] =	stream.linear.gather [hbm4b:s14+s29], $0x28, $0x38;
	[tilespmem:$0xF9D8] =	vst v63  }
0x109: {  	_ =	swait.ge [sflag:s28], $0xA00  }
0x10a: {  	[sflag:s28] =	ssyncset.done $0x0  }
0x10b: {  	s17 =	sadd.s32 $0x140, s16;
	[sflag:s28] =	ssyncadd.s32 $0xFFFFF600  }
0x10c: {  	[tilespmem:s6], [sflag:$0x4] =	stream.indirect.gather [hbm4b:s4+s10], $0x40, s17, s10, $0xb8;
	[tilespmem:$0xF9D8] =	vst v63  }
0x10d: {  	s1 =	simm.s32 $0x45D8;
	s17 =	simm.s32 $0xF  }
0x10e: {  	s6 =	simm.s32 $0x2788  }
0x10f: {  	[tilespmem:s13], [sflag:$0x9] =	stream.linear.gather [hbm4b:s9+s29], $0x28, $0x38;
	[tilespmem:$0xF9D8] =	vst v63  }
.Ltmp1:
0x110: {  	_ =	swait.ge [sflag:s17], $0xA00;
	(pc) =	sbr.rel @p0 .LBB2_4-.Ltmp1, $4  }
0x111: {  	s8 =	sadd.s32 $0x19, s8;
	s11 =	sadd.s32 $0x19, s11;
	[sflag:s17] =	ssyncset.done $0x0  }
0x112: {  	s16 =	sadd.s32 $0x168, s16;
	s30 =	simm.s32 $0x4FD8;
	[sflag:s17] =	ssyncadd.s32 $0xFFFFF600  }
0x113: {  	[tilespmem:s18], [sflag:$0x5] =	stream.indirect.gather [hbm4b:s4+s10], $0x40, s16, s10, $0xb8;
	[tilespmem:$0xF9D8] =	vst v63  }
0x114: {  	s12 =	sadd.s32 $0x19, s12;
	s14 =	sadd.s32 $0x19, s14;
	s9 =	sadd.s32 $0x19, s9  }
0x115: {  	s8 =	simm.s32 $0x27B0;
	s9 =	simm.s32 $0x1  }
0x116: {  	[tilespmem:s8], [sflag:$0xA] =	stream.linear.gather [hbm4b:s15+s29], $0x28, $0x38;
	[tilespmem:$0xF9D8] =	vst v63  }
0x117: {  	_ =	swait.ge [sflag:s9], $0xA00  }
0x118: {  	[sflag:s9] =	ssyncset.done $0x0  }
0x119: {  	s14 =	simm.s32 $0x6;
	[sflag:s9] =	ssyncadd.s32 $0xFFFFF600  }
0x11a: {  	_ =	swait.ge [sflag:s14], $0x28  }
0x11b: {  	[sflag:s14] =	ssyncset.done $0x0  }
0x11c: {  	s15 =	simm.s32 $0x2;
	[sflag:s14] =	ssyncadd.s32 $0xFFFFFFD8  }
0x11d: {  	[spmem:s31] =	stream.indirect.scatter.add.bf16 [tilespmem:s19], [sflag:$0xB], $0x40, s3, s10, $0xb8;
	[tilespmem:$0xF9D8] =	vst v63  }
0x11e: {  	_ =	swait.ge [sflag:s15], $0xA00  }
0x11f: {  	[sflag:s15] =	ssyncset.done $0x0  }
0x120: {  	s16 =	simm.s32 $0x7;
	[sflag:s15] =	ssyncadd.s32 $0xFFFFF600  }
0x121: {  	_ =	swait.ge [sflag:s16], $0x28  }
0x122: {  	[sflag:s16] =	ssyncset.done $0x0  }
0x123: {  	s18 =	simm.s32 $0x3;
	[sflag:s16] =	ssyncadd.s32 $0xFFFFFFD8  }
0x124: {  	[spmem:s31] =	stream.indirect.scatter.add.bf16 [tilespmem:s20], [sflag:$0xC], $0x40, s24, s10, $0xb8;
	[tilespmem:$0xF9D8] =	vst v63  }
0x125: {  	_ =	swait.ge [sflag:s18], $0xA00  }
0x126: {  	[sflag:s18] =	ssyncset.done $0x0  }
0x127: {  	s20 =	simm.s32 $0x8;
	[sflag:s18] =	ssyncadd.s32 $0xFFFFF600  }
0x128: {  	_ =	swait.ge [sflag:s20], $0x28  }
0x129: {  	[sflag:s20] =	ssyncset.done $0x0  }
0x12a: {  	[sflag:s20] =	ssyncadd.s32 $0xFFFFFFD8  }
0x12b: {  	[spmem:s31] =	stream.indirect.scatter.add.bf16 [tilespmem:s25], [sflag:$0xD], $0x40, s7, s10, $0xb8;
	[tilespmem:$0xF9D8] =	vst v63  }
0x12c: {  	_ =	swait.ge [sflag:s21], $0xA00  }
0x12d: {  	[sflag:s21] =	ssyncset.done $0x0  }
0x12e: {  	[sflag:s21] =	ssyncadd.s32 $0xFFFFF600  }
0x12f: {  	_ =	swait.ge [sflag:s22], $0x28  }
0x130: {  	[sflag:s22] =	ssyncset.done $0x0  }
0x131: {  	[sflag:s22] =	ssyncadd.s32 $0xFFFFFFD8  }
0x132: {  	[spmem:s31] =	stream.indirect.scatter.add.bf16 [tilespmem:s1], [sflag:$0xE], $0x40, s6, s10, $0xb8;
	[tilespmem:$0xF9D8] =	vst v63  }
0x133: {  	_ =	swait.ge [sflag:s0], $0xA00  }
0x134: {  	[sflag:s0] =	ssyncset.done $0x0  }
0x135: {  	[sflag:s0] =	ssyncadd.s32 $0xFFFFF600  }
0x136: {  	_ =	swait.ge [sflag:s5], $0x28  }
0x137: {  	[sflag:s5] =	ssyncset.done $0x0  }
0x138: {  	[sflag:s5] =	ssyncadd.s32 $0xFFFFFFD8  }
0x139: {  	[spmem:s31] =	stream.indirect.scatter.add.bf16 [tilespmem:s30], [sflag:$0xF], $0x40, s8, s10, $0xb8;
	[tilespmem:$0xF9D8] =	vst v63  }
0x13a: {  	_ =	swait.ge [sflag:s26], $0xA00  }
0x13b: {  	[sflag:s26] =	ssyncset.done $0x0  }
0x13c: {  	[sflag:s26] =	ssyncadd.s32 $0xFFFFF600  }
0x13d: {  	_ =	swait.ge [sflag:s2], $0xA00  }
0x13e: {  	[sflag:s2] =	ssyncset.done $0x0  }
0x13f: {  	s22 =	simm.s32 $0xD;
	[sflag:s2] =	ssyncadd.s32 $0xFFFFF600  }
0x140: {  	_ =	swait.ge [sflag:s22], $0xA00  }
0x141: {  	[sflag:s22] =	ssyncset.done $0x0  }
0x142: {  	[sflag:s22] =	ssyncadd.s32 $0xFFFFF600  }
0x143: {  	_ =	swait.ge [sflag:s28], $0xA00  }
0x144: {  	[sflag:s28] =	ssyncset.done $0x0  }
0x145: {  	[sflag:s28] =	ssyncadd.s32 $0xFFFFF600  }
0x146: {  	_ =	swait.ge [sflag:s17], $0xA00  }
0x147: {  	[sflag:s17] =	ssyncset.done $0x0  }
0x148: {  	[sflag:s17] =	ssyncadd.s32 $0xFFFFF600  }
0x149: {  	s23 =	stileid.u32;
	[bflag:$0x0] =	sbarrier.arrive $0xFFFF  }
0x14a: {  	s8 =	sshll.u32 s23, $0x6;
	s24 =	rddreg [dreg:$0xa]  }
0x14b: {  	s12 =	simm.s32 $0x10;
	s8 =	sor.u32 $0x1C10, s8;
	s11 =	rddreg [dreg:$0x18]  }
0x14c: {  	[hbm:s24], [sflag:s8] =	dma.local [spmem:s11], $0x1400  }
0x14d: {  	_ =	swait.ge [sflag:s12], $0x1400  }
0x14e: {  	s25 =	sld [smem:$0x7FB];
	_ =	sdelay $0x1  }
0x14f: {  	s29 =	simm.s32 $0xA;
	s14 =	simm.s32 $0x27D8  }
0x150: {  	s3 =	simm.s32 $0x0;
	s26 =	rddreg [dreg:$0xb];
	s1 =	sadd.s32 $0x1, s25  }
0x151: {  	s15 =	simm.s32 $0x2710;
	s16 =	simm.s32 $0x31D8;
	p0 =	sne.s32 s1, s26  }
.Ltmp2:
0x152: {  	s18 =	simm.s32 $0x3BD8;
	s21 =	simm.s32 $0x4;
	(pc) =	sbr.rel @p0 .LBB2_1-.Ltmp2, $4  }
0x153: {  	s6 =	simm.s32 $0x4FD8;
	s0 =	simm.s32 $0x27B0;
	s23 =	simm.s32 $0x2760  }
0x154: {  	s30 =	simm.s32 $0xB;
	s2 =	simm.s32 $0xC;
	s22 =	simm.s32 $0x9  }
0x155: {  	s17 =	simm.s32 $0x2738;
	s24 =	simm.s32 $0x45D8;
	[sflag:s12] =	ssyncset.done $0x0  }
0x156: {  	[sflag:s12] =	ssyncadd.s32 $0xFFFFEC00;
	s25 =	simm.s32 $0x2788;
	s26 =	simm.s32 $0x5  }
0x157: {  	_ =	sfence.sel $0x180000  }
0x158: {  	[bflag:$0x0] =	sbarrier.arrive $0xFFFF  }
0x159: {  	_ =	strace $0x9000004A  }
0x15a: {  	s0 =	stileid.u32;
	[bflag:$0x2] =	sbarrier.arrive $0xFFFF  }
0x15b: {  	p0 =	sne.s32 s0, $0x0;
	s0 =	rddreg [dreg:$0x3]  }
0x15c: {  	s0 =	sadd.s32 @!p0 $0x100000, s0  }
0x15d: {  	[sflag:s0] =	ssyncadd.tile.s32 @!p0 $0x1;
	_ =	shalt  }
.Lfunc_end2:
_tile_overlayer_lowered:
.L_overlay_start_2:
0x15e: {  	(tag) =	ssettag $0x2  }
0x15f: {  	s0 =	rddreg [dreg:$0x0];
	s2 =	stileid.u32  }
0x160: {  	s1 =	rddreg [dreg:$0x1];
	p0 =	sne.s32 s2, $0x0  }
0x161: {  	s3 =	rddreg [dreg:$0x2];
	[bflag:$0x3] =	sbarrier.arrive $0xFFFF;
	s2 =	simm.s32 @!p0 $0x1C10  }
0x162: {  	[timem:s3], [sflag:s2] =	dma.local @!p0 [hbm:s0], s1  }
0x163: {  	s0 =	simm.s32 @!p0 $0x10  }
0x164: {  	_ =	swait.ge @!p0 [sflag:s0], s1  }
0x165: {  	s1 =	ssub.s32 @!p0 $0x0, s1;
	[sflag:s0] =	ssyncset.done @!p0 $0x0  }
0x166: {  	[sflag:s0] =	ssyncadd.s32 @!p0 s1  }
0x167: {  	[bflag:$0x3] =	sbarrier.arrive $0xFFFF  }
0x168: {  	_ =	shalt  }

// kernel: kernel.14.cloned.1.call-start
scs
__scs_entry_jumppad:
0x0: {  	(pc) =	sbr.rel $0x88, $3  }
0x1: {  	(tag) =	ssettag $0x0;
	lr =	simm.s32 $0x1  }
0x2: {  	[smem:$0x3F9B] =	sst lr;
	_ =	strace $0xD0000000  }
0x3: {  	_ = 	snop  }
0x4: {  	_ = 	snop  }
0x5: {  	_ = 	snop  }
0x6: {  	_ = 	snop  }
0x7: {  	_ = 	snop  }
__scs_overlays_trampoline_lowered:
0x8: {  	[smem:$0x3FAA] =	sst s0  }
0x9: {  	[smem:$0x3FAB] =	sst s1  }
0xa: {  	[smem:$0x3FAC] =	sst s2  }
0xb: {  	[smem:$0x3FAD] =	sst s3  }
0xc: {  	[smem:$0x3FAE] =	sst s4  }
0xd: {  	[smem:$0x3FAF] =	sst s5  }
0xe: {  	[smem:$0x3FB0] =	sst s6  }
0xf: {  	[smem:$0x3FB1] =	sst s7  }
0x10: {  	[smem:$0x3FB2] =	sst s8  }
0x11: {  	[smem:$0x3FB3] =	sst s9;
	s0 =	simm.s32 @!p0 $0x0  }
0x12: {  	s1 =	sld [smem:$0x3F99];
	s0 =	simm.s32 @p0 $0x1  }
0x13: {  	[smem:$0x3FB4] =	sst s0;
	s0 =	simm.s32 @!p1 $0x0  }
0x14: {  	s2 =	sld [smem:$0x3F98];
	s0 =	simm.s32 @p1 $0x1  }
0x15: {  	[smem:$0x3FB5] =	sst s0;
	s0 =	simm.s32 @!p2 $0x0  }
0x16: {  	s3 =	sld [smem:$0x3FDB];
	s0 =	simm.s32 @p2 $0x1  }
0x17: {  	s4 =	simm.s32 $0x1BF5;
	[smem:$0x3FB7] =	sst s0  }
0x18: {  	s0 =	sld [smem:$0x3F9A];
	_ =	swait.ge [sflag:s4], $0x0  }
0x19: {  	s7 =	sld [smem:$0x3F9B]  }
0x1a: {  	s8 =	sadd.s32 $0xFFFFE003, lr  }
0x1b: {  	s9 =	sadd.s32 $0xFFFFFEF7, lr;
	s5 =	simm.s32 $0xFFFFFFFF;
	p2 =	slt.u32 s8, $0xFFFFF086  }
0x1c: {  	p1 =	slt.u32 s9, $0xF7A;
	s5 =	simm.s32 @!p2 $0x0  }
0x1d: {  	s5 =	simm.s32 @p1 $0x1;
	p0 =	seq.s32 s7, s2  }
0x1e: {  	s7 =	smul.u32 @!p0 $0xF7A, s2;
	p2 =	seq.s32 @!p0 s5, $0x0  }
0x1f: {  	s9 =	smul.u32 $0xF7A, s1;
	s8 =	simm.s32 @!p0 $0x1BF5;
	p2 =	por !p2, p0  }
0x20: {  	[sflag:s8] =	ssyncset.s32 @!p0 $0xFFFFF086;
	s6 =	sadd.s32 @!p0 s3, s7;
	s7 =	simm.s32 @!p0 $0x108  }
0x21: {  	s3 =	sadd.s32 s3, s9;
	s6 =	sadd.s32 @!p0 $0x88, s6;
	s7 =	simm.s32 @p2 $0x1082  }
0x22: {  	[simem:s7], [sflag:s8] =	dma.local @!p0 [hbm:s6], $0xF7A  }
0x23: {  	s9 =	sor.u32 $0xD0000000, s2;
	s6 =	simm.s32 $0x108;
	_ =	swait.ge @!p0 [sflag:s8], $0x0  }
0x24: {  	s3 =	sadd.s32 $0x88, s3;
	s6 =	simm.s32 @!p1 $0x1082;
	[sflag:s4] =	ssyncset.s32 $0xFFFFF086  }
0x25: {  	[simem:s6], [sflag:s4] =	dma.local [hbm:s3], $0xF7A  }
0x26: {  	[smem:$0x3F9B] =	sst s1;
	(tag) =	ssettag s2;
	_ =	strace s9  }
0x27: {  	s1 =	sld [smem:$0x3FAB]  }
0x28: {  	s2 =	sld [smem:$0x3FAC]  }
0x29: {  	s4 =	sld [smem:$0x3FAE]  }
0x2a: {  	p0 =	seq.s32 s5, $0x0;
	s5 =	sld [smem:$0x3FAF]  }
0x2b: {  	s6 =	sld [smem:$0x3FB0]  }
0x2c: {  	s7 =	sld [smem:$0x3FB1]  }
0x2d: {  	s3 =	simm.s32 $0x108;
	s8 =	sld [smem:$0x3FB2]  }
0x2e: {  	s3 =	simm.s32 @!p0 $0x1082;
	s9 =	sld [smem:$0x3FB3]  }
0x2f: {  	lr =	sadd.s32 s0, s3;
	s0 =	sld [smem:$0x3FAA]  }
0x30: {  	s3 =	sld [smem:$0x3FAD]  }
0x31: {  	[smem:$0x3FB6] =	sst s10  }
0x32: {  	s10 =	sld [smem:$0x3FB4];
	_ =	sdelay $0x3  }
0x33: {  	p0 =	seq.s32 s10, $0x1;
	s10 =	sld [smem:$0x3FB6];
	_ =	sdelay $0x3  }
0x34: {  	[smem:$0x3FB6] =	sst s10  }
0x35: {  	s10 =	sld [smem:$0x3FB5];
	_ =	sdelay $0x3  }
0x36: {  	p1 =	seq.s32 s10, $0x1;
	s10 =	sld [smem:$0x3FB6];
	_ =	sdelay $0x3  }
0x37: {  	[smem:$0x3FB6] =	sst s10  }
0x38: {  	s10 =	sld [smem:$0x3FB7]  }
0x39: {  	_ = 	snop;
	(pc) =	sbr.ind lr, $3  }
0x3a: {  	_ = 	snop  }
0x3b: {  	_ = 	snop  }
0x3c: {  	p2 =	seq.s32 s10, $0x1;
	s10 =	sld [smem:$0x3FB6]  }
0x3d: {  	_ =	shalt  }
0x3e: {  	_ =	shalt  }
0x3f: {  	_ =	shalt  }
0x40: {  	_ =	shalt  }
0x41: {  	_ =	shalt  }
0x42: {  	_ =	shalt  }
0x43: {  	_ =	shalt  }
0x44: {  	_ =	shalt  }
0x45: {  	_ =	shalt  }
0x46: {  	_ =	shalt  }
0x47: {  	_ =	shalt  }
0x48: {  	_ =	shalt  }
0x49: {  	_ =	shalt  }
0x4a: {  	_ =	shalt  }
0x4b: {  	_ =	shalt  }
0x4c: {  	_ =	shalt  }
0x4d: {  	_ =	shalt  }
0x4e: {  	_ =	shalt  }
0x4f: {  	_ =	shalt  }
0x50: {  	_ =	shalt  }
0x51: {  	_ =	shalt  }
0x52: {  	_ =	shalt  }
0x53: {  	_ =	shalt  }
0x54: {  	_ =	shalt  }
0x55: {  	_ =	shalt  }
0x56: {  	_ =	shalt  }
0x57: {  	_ =	shalt  }
0x58: {  	_ =	shalt  }
0x59: {  	_ =	shalt  }
0x5a: {  	_ =	shalt  }
0x5b: {  	_ =	shalt  }
0x5c: {  	_ =	shalt  }
0x5d: {  	_ =	shalt  }
0x5e: {  	_ =	shalt  }
0x5f: {  	_ =	shalt  }
0x60: {  	_ =	shalt  }
0x61: {  	_ =	shalt  }
0x62: {  	_ =	shalt  }
0x63: {  	_ =	shalt  }
0x64: {  	_ =	shalt  }
0x65: {  	_ =	shalt  }
0x66: {  	_ =	shalt  }
0x67: {  	_ =	shalt  }
0x68: {  	_ =	shalt  }
0x69: {  	_ =	shalt  }
0x6a: {  	_ =	shalt  }
0x6b: {  	_ =	shalt  }
0x6c: {  	_ =	shalt  }
0x6d: {  	_ =	shalt  }
0x6e: {  	_ =	shalt  }
0x6f: {  	_ =	shalt  }
0x70: {  	_ =	shalt  }
0x71: {  	_ =	shalt  }
0x72: {  	_ =	shalt  }
0x73: {  	_ =	shalt  }
0x74: {  	_ =	shalt  }
0x75: {  	_ =	shalt  }
0x76: {  	_ =	shalt  }
0x77: {  	_ =	shalt  }
0x78: {  	_ =	shalt  }
0x79: {  	_ =	shalt  }
0x7a: {  	_ =	shalt  }
0x7b: {  	_ =	shalt  }
0x7c: {  	_ =	shalt  }
0x7d: {  	_ =	shalt  }
0x7e: {  	_ =	shalt  }
0x7f: {  	_ =	shalt  }
0x80: {  	_ =	shalt  }
0x81: {  	_ =	shalt  }
0x82: {  	_ =	shalt  }
0x83: {  	_ =	shalt  }
0x84: {  	_ =	shalt  }
0x85: {  	_ =	shalt  }
0x86: {  	_ =	shalt  }
0x87: {  	_ =	shalt  }
.Lfunc_end0:
.L_simem_size_0:
called_computation.2_lowered:
.L_overlay_start_0:
0x88: {  	s2 =	sld [smem:$0x3FD9]  }
0x89: {  	s3 =	sld [smem:$0x3FFE];
	_ =	sdelay $0x1  }
0x8a: {  	s1 =	srdreg.scid  }
0x8b: {  	s0 =	sand.u32 $0x1, s1  }
0x8c: {  	s17 =	sshll.u32 s0, $0xA;
	s2 =	sadd.s32 s3, s2  }
0x8d: {  	s2 =	sadd.s32 s2, s17  }
0x8e: {  	[smem:$0x3FC2] =	sst s2  }
0x8f: {  	_ = 	snop  }
0x90: {  	s2 =	sld [smem:$0x3FD0];
	(tm) =	ssettm $0x1  }
0x91: {  	s18 =	sld [smem:$0x3FFB];
	_ =	sdelay $0x3  }
0x92: {  	_ =	strace s18  }
0x93: {  	s3 =	sld [smem:$0x3FFC];
	_ =	sdelay $0x3  }
0x94: {  	_ =	strace s3  }
0x95: {  	s3 =	sld [smem:$0x3FFD];
	_ =	sdelay $0x3  }
0x96: {  	_ =	strace s3  }
0x97: {  	_ =	strace $0x8FFFFFFF  }
0x98: {  	s19 =	sld [smem:$0x3FDB];
	_ =	sdelay $0x1  }
0x99: {  	s4 =	simm.s32 $_scs_section_size  }
0x9a: {  	s5 =	simm.s32 $_size__tile_overlayer_lowered;
	s6 =	simm.s32 $_tile_overlayer_lowered  }
0x9b: {  	s22 =	simm.s32 $0x1BFF;
	s21 =	sshll.u32 s6, $0x1;
	s3 =	sadd.s32 s4, s19  }
0x9c: {  	s7 =	simm.s32 $0x0;
	s20 =	sshll.u32 s5, $0x1;
	s5 =	sadd.s32 s21, s3  }
0x9d: {  	[timem:s7], [sflag:s22] =	dma.local [hbm:s5], s20  }
0x9e: {  	_ =	swait.ge [sflag:s22], s20  }
0x9f: {  	s4 =	ssub.s32 $0x0, s20;
	[sflag:s22] =	ssyncset.done $0x0  }
0xa0: {  	[sflag:s22] =	ssyncadd.s32 s4;
	_ =	sdelay $0x1  }
0xa1: {  	s23 =	simm.s32 $0x1B8B  }
0xa2: {  	_ =	swait.ge [sflag:s23], $0x1  }
0xa3: {  	[sflag:s23] =	ssyncset.done $0x0  }
0xa4: {  	s25 =	simm.s32 $0x1B8E;
	s24 =	sld [smem:$0x3FFE];
	[sflag:s23] =	ssyncadd.s32 $0xFFFFFFFF  }
0xa5: {  	s26 =	simm.s32 $execute0_lowered;
	[smem:$0x3FD2] =	sst s25  }
0xa6: {  	s5 =	sshll.u32 s26, $0x1;
	_ =	strace $0x8000004C;
	[dreg:$0x1] =	wrdreg $0xFFFFFFFF  }
0xa7: {  	s28 =	simm.s32 $_size_execute0_lowered;
	s3 =	sadd.s32 s3, s5;
	[dreg:$0x0] =	wrdreg $0x0  }
0xa8: {  	s5 =	sshll.u32 s28, $0x1;
	[dreg:$0x2] =	wrdreg s3  }
0xa9: {  	[dreg:$0x3] =	wrdreg s5  }
0xaa: {  	[dreg:$0x4] =	wrdreg $0xC0  }
0xab: {  	_ =	task [dreg:s7], $0x5FFFF  }
0xac: {  	[dreg:$0x1] =	wrdreg $0xFFFFFFFF  }
0xad: {  	[dreg:$0x0] =	wrdreg $0x60  }
0xae: {  	[dreg:$0x2] =	wrdreg s24  }
0xaf: {  	[dreg:$0x3] =	wrdreg s2  }
0xb0: {  	[dreg:$0x4] =	wrdreg $0x40D80  }
0xb1: {  	[dreg:$0x5] =	wrdreg $0x9  }
0xb2: {  	_ =	task.clear_ibuf [dreg:s7], $0x6FFFF;
	_ =	strace $0x9000004C  }
0xb3: {  	s29 =	simm.s32 $0x9;
	_ =	strace $0x8000004E  }
0xb4: {  	_ =	swait.ge [sflag:s29], $0x1  }
0xb5: {  	[sflag:s29] =	ssyncadd.s32 $0xFFFFFFFF  }
0xb6: {  	_ =	strace $0x9000004E  }
0xb7: {  	_ =	sfence  }
0xb8: {  	s30 =	sld [smem:$0x0];
	_ =	sdelay $0x2  }
0xb9: {  	s31 =	sshll.u32 s1, $0xD;
	s1 =	sshrl.u32 s1, $0x2  }
0xba: {  	s3 =	sand.u32 $0x4000, s31;
	s1 =	sadd.s32 s1, s30  }
0xbb: {  	s0 =	sor.u32 s3, s0;
	s1 =	sshll.u32 s1, $0x11  }
0xbc: {  	s0 =	sor.u32 s1, s0  }
0xbd: {  	s0 =	sadd.s32 $0x8F2B, s0  }
0xbe: {  	[sflag:s0] =	ssyncadd.remote.s32 $0x1  }
0xbf: {  	_ =	sfence.sel $0xFFFF  }
0xc0: {  	[dreg:$0x0] =	wrdreg $0xFFFFFFFF;
	(pc) =	sbr.abs _section_cstart, $3  }
0xc1: {  	[dreg:$0x1] =	wrdreg $0xFFFFFFFF  }
0xc2: {  	_ =	task.clear_ibuf [dreg:s7], $0x2FFFF;
	_ =	strace $0x9FFFFFFF  }
0xc3: {  	(tm) =	ssettm $0x7FFFFFFF  }
tec
execute0_lowered:
.L_overlay_start_1:
0x0: {  	(tag) =	ssettag $0x1  }
0x1: {  	s0 =	rddreg [dreg:$0x0]  }
0x2: {  	s1 =	rddreg [dreg:$0x1];
	s3 =	srdreg.scid  }
0x3: {  	s31 =	rddreg [dreg:$0x2];
	s11 =	stileid.u32  }
0x4: {  	s29 =	simm.s32 $0xB;
	s30 =	simm.s32 $0xC;
	s6 =	smul.u32 $0xA000, s11  }
0x5: {  	s28 =	simm.s32 $0x0;
	s5 =	sand.u32 $0x1, s3;
	s21 =	smul.u32 $0x14000, s11  }
0x6: {  	s3 =	simm.s32 $0x0;
	s7 =	sshll.u32 s11, $0x1;
	s4 =	smul.u32 $0xA0000, s5  }
0x7: {  	[smem:$0x7FF] =	sst s3;
	s7 =	sor.u32 s5, s7;
	s9 =	ssub.s32 $0x2, s5  }
0x8: {  	_ =	strace $0x8000004D;
	s7 =	smul.u32 $0x2710, s7;
	s4 =	sadd.s32 s6, s4  }
0x9: {  	s16 =	sshrl.u32 s9, $0x1;
	s6 =	sshrl.u32 s6, $0x1;
	s8 =	sshrl.u32 s4, $0x4  }
0xa: {  	s4 =	sadd.s32 $0x1E00, s0;
	s17 =	sshrl.u32 s7, $0x3;
	s10 =	sadd.s32 $0x4E228, s7  }
0xb: {  	s7 =	sadd.s32 $0x4E278, s7;
	s6 =	sadd.s32 s6, s31;
	s12 =	sadd.s32 s1, s17  }
0xc: {  	s0 =	sadd.s32 s8, s0;
	s17 =	sshrl.u32 s6, $0x3;
	[dreg:$0x4] =	wrdreg s12  }
0xd: {  	s18 =	sshrl.u32 s10, $0x3;
	s19 =	sadd.s32 $0x9C40, s12;
	[dreg:$0x18] =	wrdreg s17  }
0xe: {  	s8 =	ssub.s32 s9, s16;
	s9 =	sadd.s32 s1, s18;
	[dreg:$0x5] =	wrdreg s19  }
0xf: {  	s7 =	sshrl.u32 s7, $0x3;
	s20 =	sadd.s32 $0x9C4A, s12;
	[dreg:$0x6] =	wrdreg s9  }
0x10: {  	s23 =	smul.u32 $0x4E20, s11;
	s7 =	sadd.s32 s1, s7;
	[dreg:$0x7] =	wrdreg s20  }
0x11: {  	s5 =	smul.u32 $0x2710, s5;
	s22 =	sadd.s32 $0x9C54, s12;
	[dreg:$0x8] =	wrdreg s7  }
0x12: {  	s6 =	simm.s32 $0x3BD8;
	s0 =	sadd.s32 $0xBC00, s0;
	[dreg:$0x9] =	wrdreg s22  }
0x13: {  	s8 =	smax.u32 s8, $0x1;
	[dreg:$0xa] =	wrdreg s0;
	s7 =	sshrl.u32 s21, $0x2  }
0x14: {  	s17 =	simm.s32 $0x31D8;
	[dreg:$0xb] =	wrdreg s8;
	s8 =	sadd.s32 s7, s31  }
0x15: {  	s0 =	sadd.s32 s5, s23;
	s7 =	sadd.s32 $0x500, s8;
	[dreg:$0xc] =	wrdreg s8  }
0x16: {  	s26 =	sadd.s32 $0x4E368, s0;
	s24 =	sadd.s32 $0xA00, s8;
	[dreg:$0xd] =	wrdreg s7  }
0x17: {  	s2 =	sadd.s32 $0x4E340, s0;
	s25 =	sadd.s32 $0xF00, s8;
	[dreg:$0xe] =	wrdreg s24  }
0x18: {  	s13 =	sadd.s32 $0x4E318, s0;
	s10 =	sadd.s32 $0x1400, s8;
	[dreg:$0xf] =	wrdreg s25  }
0x19: {  	s14 =	sadd.s32 $0x4E2F0, s0;
	s11 =	sadd.s32 $0x1900, s8;
	[dreg:$0x10] =	wrdreg s10  }
0x1a: {  	s0 =	sadd.s32 $0x4E2C8, s0;
	s16 =	sadd.s32 $0x1E00, s8;
	[dreg:$0x11] =	wrdreg s11  }
0x1b: {  	s5 =	sshrl.u32 s26, $0x3;
	s18 =	sadd.s32 $0x2300, s8;
	[dreg:$0x17] =	wrdreg s16  }
0x1c: {  	s0 =	sshrl.u32 s0, $0x3;
	s19 =	sadd.s32 $0x2800, s8;
	[dreg:$0x19] =	wrdreg s18  }
0x1d: {  	s20 =	sadd.s32 $0x2D00, s8;
	s21 =	sadd.s32 $0x3200, s8;
	[dreg:$0x1a] =	wrdreg s19  }
0x1e: {  	s22 =	sadd.s32 $0x3700, s8;
	s23 =	sadd.s32 $0x3C00, s8;
	[dreg:$0x1b] =	wrdreg s20  }
0x1f: {  	s26 =	sadd.s32 $0x4B00, s8;
	s7 =	sshrl.u32 s2, $0x3;
	[dreg:$0x1c] =	wrdreg s21  }
0x20: {  	s5 =	sadd.s32 s5, s1;
	s0 =	sadd.s32 s0, s1;
	[dreg:$0x1d] =	wrdreg s22  }
0x21: {  	[dreg:$0x1e] =	wrdreg s23;
	s24 =	sadd.s32 $0x4100, s8;
	s25 =	sadd.s32 $0x4600, s8  }
0x22: {  	[smem:$0x7FD] =	sst s26;
	s10 =	simm.s32 $0x28;
	s16 =	simm.s32 $0x2CD8  }
0x23: {  	s23 =	simm.s32 $0x2760;
	s18 =	simm.s32 $0x3;
	s19 =	simm.s32 $0x8  }
0x24: {  	s20 =	simm.s32 $0x4;
	s21 =	simm.s32 $0x9;
	[dreg:$0x12] =	wrdreg s5  }
0x25: {  	s22 =	simm.s32 $0x5;
	s26 =	simm.s32 $0xA;
	[dreg:$0x16] =	wrdreg s0  }
0x26: {  	s2 =	simm.s32 $0xD;
	s12 =	sadd.s32 s7, s1;
	[dreg:$0x1f] =	wrdreg s24  }
0x27: {  	s5 =	sshrl.u32 s13, $0x3;
	s7 =	sshrl.u32 s14, $0x3;
	[smem:$0x7FC] =	sst s25  }
0x28: {  	s14 =	simm.s32 $0x27D8;
	s24 =	simm.s32 $0x36D8;
	s25 =	simm.s32 $0x2788  }
0x29: {  	s0 =	simm.s32 $0x27B0;
	s13 =	simm.s32 $0x7;
	[dreg:$0x13] =	wrdreg s12  }
0x2a: {  	s5 =	sadd.s32 s5, s1;
	s15 =	sadd.s32 s7, s1;
	s12 =	simm.s32 $0x10  }
0x2b: {  	s7 =	simm.s32 $0x2;
	s1 =	simm.s32 $0x0;
	[dreg:$0x14] =	wrdreg s5  }
0x2c: {  	v0 =	vimm.bf16 $0.0e+00;
	[dreg:$0x15] =	wrdreg s15;
	s15 =	simm.s32 $0x2710;
	s5 =	simm.s32 $0x2738  }
.LBB2_1:
0x2d: {  	[smem:$0x7FB] =	sst s1  }
0x2e: {  	s8 =	rddreg [dreg:$0x4]  }
0x2f: {  	[tilespmem:s3], [sflag:$0x10] =	stream.linear.gather [hbm4b:s8+s3], $0x2710, $0x38;
	[tilespmem:$0x90D8] =	vst v63  }
0x30: {  	_ =	swait.ge [sflag:s12], $0x2710  }
0x31: {  	[sflag:s12] =	ssyncset.done $0x0  }
0x32: {  	s9 =	simm.s32 $0x0;
	s8 =	simm.s32 $0x80;
	[sflag:s12] =	ssyncadd.s32 $0xFFFFD8F0  }
.LBB2_2:
0x33: {  	p0 =	sne.s32 s8, $0x1380;
	[tilespmem:s9+$0x27D8] =	vst v0;
	s11 =	smov.u32 s8;
	s8 =	sadd.s32 $0x80, s8  }
.Ltmp0:
0x34: {  	[tilespmem:s9+$0x27E8] =	vst v0;
	(pc) =	sbr.rel @p0 .LBB2_2-.Ltmp0, $2  }
0x35: {  	_ =	sdelay $0x2  }
0x36: {  	s9 =	sshra.s32 s11, $0x2  }
0x37: {  	[tilespmem:s9+$0x27D8] =	vst v0  }
0x38: {  	[tilespmem:s9+$0x27E8] =	vst v0;
	s8 =	rddreg [dreg:$0xc]  }
0x39: {  	[spmem:s8] =	stream.linear.scatter [tilespmem:s14], [sflag:$0x10], $0x500, $0x38;
	[tilespmem:$0x90D8] =	vst v63  }
0x3a: {  	_ =	swait.ge [sflag:s12], $0x500  }
0x3b: {  	[sflag:s12] =	ssyncset.done $0x0  }
0x3c: {  	s1 =	rddreg [dreg:$0xd];
	[sflag:s12] =	ssyncadd.s32 $0xFFFFFB00  }
0x3d: {  	[spmem:s1] =	stream.linear.scatter [tilespmem:s14], [sflag:$0x10], $0x500, $0x38;
	[tilespmem:$0x90D8] =	vst v63  }
0x3e: {  	_ =	swait.ge [sflag:s12], $0x500  }
0x3f: {  	[sflag:s12] =	ssyncset.done $0x0  }
0x40: {  	s9 =	rddreg [dreg:$0xe];
	[sflag:s12] =	ssyncadd.s32 $0xFFFFFB00  }
0x41: {  	[spmem:s9] =	stream.linear.scatter [tilespmem:s14], [sflag:$0x10], $0x500, $0x38;
	[tilespmem:$0x90D8] =	vst v63  }
0x42: {  	_ =	swait.ge [sflag:s12], $0x500  }
0x43: {  	[sflag:s12] =	ssyncset.done $0x0  }
0x44: {  	s11 =	rddreg [dreg:$0xf];
	[sflag:s12] =	ssyncadd.s32 $0xFFFFFB00  }
0x45: {  	[spmem:s11] =	stream.linear.scatter [tilespmem:s14], [sflag:$0x10], $0x500, $0x38;
	[tilespmem:$0x90D8] =	vst v63  }
0x46: {  	_ =	swait.ge [sflag:s12], $0x500  }
0x47: {  	[sflag:s12] =	ssyncset.done $0x0  }
0x48: {  	s1 =	rddreg [dreg:$0x10];
	[sflag:s12] =	ssyncadd.s32 $0xFFFFFB00  }
0x49: {  	[spmem:s1] =	stream.linear.scatter [tilespmem:s14], [sflag:$0x10], $0x500, $0x38;
	[tilespmem:$0x90D8] =	vst v63  }
0x4a: {  	_ =	swait.ge [sflag:s12], $0x500  }
0x4b: {  	[sflag:s12] =	ssyncset.done $0x0  }
0x4c: {  	s9 =	rddreg [dreg:$0x11];
	[sflag:s12] =	ssyncadd.s32 $0xFFFFFB00  }
0x4d: {  	[spmem:s9] =	stream.linear.scatter [tilespmem:s14], [sflag:$0x10], $0x500, $0x38;
	[tilespmem:$0x90D8] =	vst v63  }
0x4e: {  	_ =	swait.ge [sflag:s12], $0x500  }
0x4f: {  	[sflag:s12] =	ssyncset.done $0x0  }
0x50: {  	s11 =	rddreg [dreg:$0x17];
	[sflag:s12] =	ssyncadd.s32 $0xFFFFFB00  }
0x51: {  	[spmem:s11] =	stream.linear.scatter [tilespmem:s14], [sflag:$0x10], $0x500, $0x38;
	[tilespmem:$0x90D8] =	vst v63  }
0x52: {  	_ =	swait.ge [sflag:s12], $0x500  }
0x53: {  	[sflag:s12] =	ssyncset.done $0x0  }
0x54: {  	s1 =	rddreg [dreg:$0x19];
	[sflag:s12] =	ssyncadd.s32 $0xFFFFFB00  }
0x55: {  	[spmem:s1] =	stream.linear.scatter [tilespmem:s14], [sflag:$0x10], $0x500, $0x38;
	[tilespmem:$0x90D8] =	vst v63  }
0x56: {  	_ =	swait.ge [sflag:s12], $0x500  }
0x57: {  	[sflag:s12] =	ssyncset.done $0x0  }
0x58: {  	s9 =	rddreg [dreg:$0x1a];
	[sflag:s12] =	ssyncadd.s32 $0xFFFFFB00  }
0x59: {  	[spmem:s9] =	stream.linear.scatter [tilespmem:s14], [sflag:$0x10], $0x500, $0x38;
	[tilespmem:$0x90D8] =	vst v63  }
0x5a: {  	_ =	swait.ge [sflag:s12], $0x500  }
0x5b: {  	[sflag:s12] =	ssyncset.done $0x0  }
0x5c: {  	s11 =	rddreg [dreg:$0x1b];
	[sflag:s12] =	ssyncadd.s32 $0xFFFFFB00  }
0x5d: {  	[spmem:s11] =	stream.linear.scatter [tilespmem:s14], [sflag:$0x10], $0x500, $0x38;
	[tilespmem:$0x90D8] =	vst v63  }
0x5e: {  	_ =	swait.ge [sflag:s12], $0x500  }
0x5f: {  	[sflag:s12] =	ssyncset.done $0x0  }
0x60: {  	s1 =	rddreg [dreg:$0x1c];
	[sflag:s12] =	ssyncadd.s32 $0xFFFFFB00  }
0x61: {  	[spmem:s1] =	stream.linear.scatter [tilespmem:s14], [sflag:$0x10], $0x500, $0x38;
	[tilespmem:$0x90D8] =	vst v63  }
0x62: {  	_ =	swait.ge [sflag:s12], $0x500  }
0x63: {  	[sflag:s12] =	ssyncset.done $0x0  }
0x64: {  	s9 =	rddreg [dreg:$0x1d];
	[sflag:s12] =	ssyncadd.s32 $0xFFFFFB00  }
0x65: {  	[spmem:s9] =	stream.linear.scatter [tilespmem:s14], [sflag:$0x10], $0x500, $0x38;
	[tilespmem:$0x90D8] =	vst v63  }
0x66: {  	_ =	swait.ge [sflag:s12], $0x500  }
0x67: {  	[sflag:s12] =	ssyncset.done $0x0  }
0x68: {  	s11 =	rddreg [dreg:$0x1e];
	[sflag:s12] =	ssyncadd.s32 $0xFFFFFB00  }
0x69: {  	[spmem:s11] =	stream.linear.scatter [tilespmem:s14], [sflag:$0x10], $0x500, $0x38;
	[tilespmem:$0x90D8] =	vst v63  }
0x6a: {  	_ =	swait.ge [sflag:s12], $0x500  }
0x6b: {  	[sflag:s12] =	ssyncset.done $0x0  }
0x6c: {  	s1 =	rddreg [dreg:$0x1f];
	[sflag:s12] =	ssyncadd.s32 $0xFFFFFB00  }
0x6d: {  	[spmem:s1] =	stream.linear.scatter [tilespmem:s14], [sflag:$0x10], $0x500, $0x38;
	[tilespmem:$0x90D8] =	vst v63  }
0x6e: {  	_ =	swait.ge [sflag:s12], $0x500  }
0x6f: {  	s9 =	sld [smem:$0x7FC]  }
0x70: {  	[sflag:s12] =	ssyncset.done $0x0  }
0x71: {  	[sflag:s12] =	ssyncadd.s32 $0xFFFFFB00  }
0x72: {  	[spmem:s9] =	stream.linear.scatter [tilespmem:s14], [sflag:$0x10], $0x500, $0x38;
	[tilespmem:$0x90D8] =	vst v63  }
0x73: {  	_ =	swait.ge [sflag:s12], $0x500  }
0x74: {  	s11 =	sld [smem:$0x7FD]  }
0x75: {  	[sflag:s12] =	ssyncset.done $0x0  }
0x76: {  	[sflag:s12] =	ssyncadd.s32 $0xFFFFFB00  }
0x77: {  	[spmem:s11] =	stream.linear.scatter [tilespmem:s14], [sflag:$0x10], $0x500, $0x38;
	[tilespmem:$0x90D8] =	vst v63  }
0x78: {  	_ =	swait.ge [sflag:s12], $0x500  }
0x79: {  	[sflag:s12] =	ssyncset.done $0x0  }
0x7a: {  	[sflag:s12] =	ssyncadd.s32 $0xFFFFFB00  }
0x7b: {  	s8 =	simm.s32 $0x0;
	[bflag:$0x0] =	sbarrier.arrive $0xFFFF  }
0x7c: {  	[tilespmem:s14], [sflag:$0x1] =	stream.indirect.gather [hbm4b:s4+s10], $0x20, s8, s10, $0xb8;
	[tilespmem:$0x90D8] =	vst v63  }
0x7d: {  	s1 =	rddreg [dreg:$0x5]  }
0x7e: {  	[tilespmem:s15], [sflag:$0x6] =	stream.linear.gather [hbm4b:s1+s8], $0x28, $0x38;
	[tilespmem:$0x90D8] =	vst v63  }
0x7f: {  	_ = 	snop  }
0x80: {  	[tilespmem:s16], [sflag:$0x2] =	stream.indirect.gather [hbm4b:s4+s10], $0x20, s10, s10, $0xb8;
	[tilespmem:$0x90D8] =	vst v63  }
0x81: {  	s11 =	rddreg [dreg:$0x6]  }
0x82: {  	[tilespmem:s5], [sflag:$0x7] =	stream.linear.gather [hbm4b:s11+s8], $0x28, $0x38;
	[tilespmem:$0x90D8] =	vst v63  }
0x83: {  	s12 =	simm.s32 $0x50  }
0x84: {  	[tilespmem:s17], [sflag:$0x3] =	stream.indirect.gather [hbm4b:s4+s10], $0x20, s12, s10, $0xb8;
	[tilespmem:$0x90D8] =	vst v63  }
0x85: {  	s1 =	rddreg [dreg:$0x7]  }
0x86: {  	[tilespmem:s23], [sflag:$0x8] =	stream.linear.gather [hbm4b:s1+s8], $0x28, $0x38;
	[tilespmem:$0x90D8] =	vst v63  }
0x87: {  	s11 =	simm.s32 $0x78  }
0x88: {  	[tilespmem:s24], [sflag:$0x4] =	stream.indirect.gather [hbm4b:s4+s10], $0x20, s11, s10, $0xb8;
	[tilespmem:$0x90D8] =	vst v63  }
0x89: {  	s12 =	rddreg [dreg:$0x8]  }
0x8a: {  	[tilespmem:s25], [sflag:$0x9] =	stream.linear.gather [hbm4b:s12+s8], $0x28, $0x38;
	[tilespmem:$0x90D8] =	vst v63  }
0x8b: {  	s1 =	simm.s32 $0xA0  }
0x8c: {  	[tilespmem:s6], [sflag:$0x5] =	stream.indirect.gather [hbm4b:s4+s10], $0x20, s1, s10, $0xb8;
	[tilespmem:$0x90D8] =	vst v63  }
0x8d: {  	s6 =	rddreg [dreg:$0x9];
	s1 =	simm.s32 $0x1  }
0x8e: {  	[tilespmem:s0], [sflag:$0xA] =	stream.linear.gather [hbm4b:s6+s8], $0x28, $0x38;
	[tilespmem:$0x90D8] =	vst v63  }
0x8f: {  	_ =	swait.ge [sflag:s1], $0x500  }
0x90: {  	[sflag:s1] =	ssyncset.done $0x0  }
0x91: {  	s12 =	simm.s32 $0x6;
	[sflag:s1] =	ssyncadd.s32 $0xFFFFFB00  }
0x92: {  	_ =	swait.ge [sflag:s12], $0x28  }
0x93: {  	[sflag:s12] =	ssyncset.done $0x0  }
0x94: {  	[sflag:s12] =	ssyncadd.s32 $0xFFFFFFD8  }
0x95: {  	[spmem:s31] =	stream.indirect.scatter.add.bf16 [tilespmem:s14], [sflag:$0xB], $0x20, s15, s10, $0xb8;
	[tilespmem:$0x90D8] =	vst v63  }
0x96: {  	_ =	swait.ge [sflag:s7], $0x500  }
0x97: {  	[sflag:s7] =	ssyncset.done $0x0  }
0x98: {  	[sflag:s7] =	ssyncadd.s32 $0xFFFFFB00  }
0x99: {  	_ =	swait.ge [sflag:s13], $0x28  }
0x9a: {  	[sflag:s13] =	ssyncset.done $0x0  }
0x9b: {  	[sflag:s13] =	ssyncadd.s32 $0xFFFFFFD8  }
0x9c: {  	[spmem:s31] =	stream.indirect.scatter.add.bf16 [tilespmem:s16], [sflag:$0xC], $0x20, s5, s10, $0xb8;
	[tilespmem:$0x90D8] =	vst v63  }
0x9d: {  	_ =	swait.ge [sflag:s18], $0x500  }
0x9e: {  	[sflag:s18] =	ssyncset.done $0x0  }
0x9f: {  	[sflag:s18] =	ssyncadd.s32 $0xFFFFFB00  }
0xa0: {  	_ =	swait.ge [sflag:s19], $0x28  }
0xa1: {  	[sflag:s19] =	ssyncset.done $0x0  }
0xa2: {  	[sflag:s19] =	ssyncadd.s32 $0xFFFFFFD8  }
0xa3: {  	[spmem:s31] =	stream.indirect.scatter.add.bf16 [tilespmem:s17], [sflag:$0xD], $0x20, s23, s10, $0xb8;
	[tilespmem:$0x90D8] =	vst v63  }
0xa4: {  	_ =	swait.ge [sflag:s20], $0x500  }
0xa5: {  	[sflag:s20] =	ssyncset.done $0x0  }
0xa6: {  	[sflag:s20] =	ssyncadd.s32 $0xFFFFFB00  }
0xa7: {  	_ =	swait.ge [sflag:s21], $0x28  }
0xa8: {  	[sflag:s21] =	ssyncset.done $0x0  }
0xa9: {  	[sflag:s21] =	ssyncadd.s32 $0xFFFFFFD8  }
0xaa: {  	[spmem:s31] =	stream.indirect.scatter.add.bf16 [tilespmem:s24], [sflag:$0xE], $0x20, s25, s10, $0xb8;
	[tilespmem:$0x90D8] =	vst v63  }
0xab: {  	_ =	swait.ge [sflag:s22], $0x500  }
0xac: {  	[sflag:s22] =	ssyncset.done $0x0  }
0xad: {  	[sflag:s22] =	ssyncadd.s32 $0xFFFFFB00  }
0xae: {  	_ =	swait.ge [sflag:s26], $0x28  }
0xaf: {  	[sflag:s26] =	ssyncset.done $0x0  }
0xb0: {  	s9 =	simm.s32 $0x3BD8;
	[sflag:s26] =	ssyncadd.s32 $0xFFFFFFD8  }
0xb1: {  	[spmem:s31] =	stream.indirect.scatter.add.bf16 [tilespmem:s9], [sflag:$0xF], $0x20, s0, s10, $0xb8;
	[tilespmem:$0x90D8] =	vst v63  }
0xb2: {  	_ =	swait.ge [sflag:s29], $0x500  }
0xb3: {  	[sflag:s29] =	ssyncset.done $0x0  }
0xb4: {  	s13 =	simm.s32 $0xC8;
	[sflag:s29] =	ssyncadd.s32 $0xFFFFFB00  }
0xb5: {  	[tilespmem:s14], [sflag:$0x1] =	stream.indirect.gather [hbm4b:s4+s10], $0x20, s13, s10, $0xb8;
	[tilespmem:$0x90D8] =	vst v63  }
0xb6: {  	s18 =	rddreg [dreg:$0x16]  }
0xb7: {  	[tilespmem:s15], [sflag:$0x6] =	stream.linear.gather [hbm4b:s18+s3], $0x28, $0x38;
	[tilespmem:$0x90D8] =	vst v63  }
0xb8: {  	_ =	swait.ge [sflag:s30], $0x500  }
0xb9: {  	[sflag:s30] =	ssyncset.done $0x0  }
0xba: {  	s19 =	simm.s32 $0xF0;
	[sflag:s30] =	ssyncadd.s32 $0xFFFFFB00  }
0xbb: {  	[tilespmem:s16], [sflag:$0x2] =	stream.indirect.gather [hbm4b:s4+s10], $0x20, s19, s10, $0xb8;
	[tilespmem:$0x90D8] =	vst v63  }
0xbc: {  	s11 =	rddreg [dreg:$0x15]  }
0xbd: {  	[tilespmem:s5], [sflag:$0x7] =	stream.linear.gather [hbm4b:s11+s3], $0x28, $0x38;
	[tilespmem:$0x90D8] =	vst v63  }
0xbe: {  	_ =	swait.ge [sflag:s2], $0x500  }
0xbf: {  	[sflag:s2] =	ssyncset.done $0x0  }
0xc0: {  	s20 =	simm.s32 $0x118;
	[sflag:s2] =	ssyncadd.s32 $0xFFFFFB00  }
0xc1: {  	[tilespmem:s17], [sflag:$0x3] =	stream.indirect.gather [hbm4b:s4+s10], $0x20, s20, s10, $0xb8;
	[tilespmem:$0x90D8] =	vst v63  }
0xc2: {  	s22 =	simm.s32 $0xE;
	s21 =	rddreg [dreg:$0x14]  }
0xc3: {  	[tilespmem:s23], [sflag:$0x8] =	stream.linear.gather [hbm4b:s21+s3], $0x28, $0x38;
	[tilespmem:$0x90D8] =	vst v63  }
0xc4: {  	s7 =	simm.s32 $0x2;
	_ =	swait.ge [sflag:s22], $0x500  }
0xc5: {  	s26 =	simm.s32 $0xB;
	s29 =	simm.s32 $0xF;
	[sflag:s22] =	ssyncset.done $0x0  }
0xc6: {  	s8 =	sadd.s32 $0x19, s18;
	s23 =	simm.s32 $0x140;
	[sflag:s22] =	ssyncadd.s32 $0xFFFFFB00  }
0xc7: {  	[tilespmem:s24], [sflag:$0x4] =	stream.indirect.gather [hbm4b:s4+s10], $0x20, s23, s10, $0xb8;
	[tilespmem:$0x90D8] =	vst v63  }
0xc8: {  	s13 =	simm.s32 $0x7;
	s30 =	simm.s32 $0x168;
	s24 =	rddreg [dreg:$0x13]  }
0xc9: {  	[tilespmem:s25], [sflag:$0x9] =	stream.linear.gather [hbm4b:s24+s28], $0x28, $0x38;
	[tilespmem:$0x90D8] =	vst v63  }
0xca: {  	s19 =	simm.s32 $0x8;
	s11 =	sadd.s32 $0x19, s11;
	_ =	swait.ge [sflag:s29], $0x500  }
0xcb: {  	s5 =	simm.s32 $0xC;
	s14 =	sadd.s32 $0x19, s21;
	[sflag:s29] =	ssyncset.done $0x0  }
0xcc: {  	s20 =	simm.s32 $0x3;
	s15 =	rddreg [dreg:$0x12];
	[sflag:s29] =	ssyncadd.s32 $0xFFFFFB00  }
0xcd: {  	[tilespmem:s9], [sflag:$0x5] =	stream.indirect.gather [hbm4b:s4+s10], $0x20, s30, s10, $0xb8;
	[tilespmem:$0x90D8] =	vst v63  }
0xce: {  	s23 =	simm.s32 $0x320;
	s12 =	sadd.s32 $0x19, s15;
	s9 =	sadd.s32 $0x19, s24  }
.LBB2_4:
0xcf: {  	s17 =	simm.s32 $0x27B0  }
0xd0: {  	[tilespmem:s17], [sflag:$0xA] =	stream.linear.gather [hbm4b:s15+s28], $0x28, $0x38;
	[tilespmem:$0x90D8] =	vst v63  }
0xd1: {  	s16 =	smov.u32 s23;
	s1 =	simm.s32 $0x1;
	s15 =	smov.u32 s12  }
0xd2: {  	p0 =	sne.s32 s23, $0x9600;
	s23 =	sadd.s32 $0x320, s23;
	_ =	swait.ge [sflag:s1], $0x500  }
0xd3: {  	[sflag:s1] =	ssyncset.done $0x0  }
0xd4: {  	[sflag:s1] =	ssyncadd.s32 $0xFFFFFB00;
	s1 =	simm.s32 $0x6  }
0xd5: {  	_ =	swait.ge [sflag:s1], $0x28  }
0xd6: {  	[sflag:s1] =	ssyncset.done $0x0  }
0xd7: {  	s2 =	simm.s32 $0x27D8;
	s22 =	simm.s32 $0x2710;
	[sflag:s1] =	ssyncadd.s32 $0xFFFFFFD8  }
0xd8: {  	[spmem:s31] =	stream.indirect.scatter.add.bf16 [tilespmem:s2], [sflag:$0xB], $0x20, s22, s10, $0xb8;
	[tilespmem:$0x90D8] =	vst v63  }
0xd9: {  	_ =	swait.ge [sflag:s7], $0x500  }
0xda: {  	[sflag:s7] =	ssyncset.done $0x0  }
0xdb: {  	[sflag:s7] =	ssyncadd.s32 $0xFFFFFB00  }
0xdc: {  	_ =	swait.ge [sflag:s13], $0x28  }
0xdd: {  	[sflag:s13] =	ssyncset.done $0x0  }
0xde: {  	s25 =	simm.s32 $0x2738;
	s24 =	simm.s32 $0x2CD8;
	[sflag:s13] =	ssyncadd.s32 $0xFFFFFFD8  }
0xdf: {  	[spmem:s31] =	stream.indirect.scatter.add.bf16 [tilespmem:s24], [sflag:$0xC], $0x20, s25, s10, $0xb8;
	[tilespmem:$0x90D8] =	vst v63  }
0xe0: {  	_ =	swait.ge [sflag:s20], $0x500  }
0xe1: {  	[sflag:s20] =	ssyncset.done $0x0  }
0xe2: {  	[sflag:s20] =	ssyncadd.s32 $0xFFFFFB00  }
0xe3: {  	_ =	swait.ge [sflag:s19], $0x28  }
0xe4: {  	s30 =	simm.s32 $0x31D8;
	[sflag:s19] =	ssyncset.done $0x0  }
0xe5: {  	s0 =	simm.s32 $0x4;
	s1 =	simm.s32 $0x2760;
	[sflag:s19] =	ssyncadd.s32 $0xFFFFFFD8  }
0xe6: {  	[spmem:s31] =	stream.indirect.scatter.add.bf16 [tilespmem:s30], [sflag:$0xD], $0x20, s1, s10, $0xb8;
	[tilespmem:$0x90D8] =	vst v63  }
0xe7: {  	_ =	swait.ge [sflag:s0], $0x500  }
0xe8: {  	[sflag:s0] =	ssyncset.done $0x0  }
0xe9: {  	[sflag:s0] =	ssyncadd.s32 $0xFFFFFB00;
	s0 =	simm.s32 $0x9  }
0xea: {  	_ =	swait.ge [sflag:s0], $0x28  }
0xeb: {  	s6 =	simm.s32 $0x36D8;
	[sflag:s0] =	ssyncset.done $0x0  }
0xec: {  	s3 =	simm.s32 $0x2788;
	[sflag:s0] =	ssyncadd.s32 $0xFFFFFFD8;
	s0 =	simm.s32 $0x5  }
0xed: {  	[spmem:s31] =	stream.indirect.scatter.add.bf16 [tilespmem:s6], [sflag:$0xE], $0x20, s3, s10, $0xb8;
	[tilespmem:$0x90D8] =	vst v63  }
0xee: {  	_ =	swait.ge [sflag:s0], $0x500  }
0xef: {  	[sflag:s0] =	ssyncset.done $0x0  }
0xf0: {  	s18 =	simm.s32 $0xA;
	[sflag:s0] =	ssyncadd.s32 $0xFFFFFB00  }
0xf1: {  	_ =	swait.ge [sflag:s18], $0x28  }
0xf2: {  	[sflag:s18] =	ssyncset.done $0x0  }
0xf3: {  	[sflag:s18] =	ssyncadd.s32 $0xFFFFFFD8;
	s18 =	simm.s32 $0x3BD8  }
0xf4: {  	[spmem:s31] =	stream.indirect.scatter.add.bf16 [tilespmem:s18], [sflag:$0xF], $0x20, s17, s10, $0xb8;
	[tilespmem:$0x90D8] =	vst v63  }
0xf5: {  	_ =	swait.ge [sflag:s26], $0x500  }
0xf6: {  	s16 =	sshra.s32 s16, $0x2;
	[sflag:s26] =	ssyncset.done $0x0  }
0xf7: {  	s29 =	simm.s32 $0x27D8;
	s17 =	sadd.s32 $0xC8, s16;
	[sflag:s26] =	ssyncadd.s32 $0xFFFFFB00  }
0xf8: {  	[tilespmem:s2], [sflag:$0x1] =	stream.indirect.gather [hbm4b:s4+s10], $0x20, s17, s10, $0xb8;
	[tilespmem:$0x90D8] =	vst v63  }
0xf9: {  	s21 =	simm.s32 $0x2710  }
0xfa: {  	[tilespmem:s22], [sflag:$0x6] =	stream.linear.gather [hbm4b:s8+s28], $0x28, $0x38;
	[tilespmem:$0x90D8] =	vst v63  }
0xfb: {  	_ =	swait.ge [sflag:s5], $0x500  }
0xfc: {  	[sflag:s5] =	ssyncset.done $0x0  }
0xfd: {  	s0 =	simm.s32 $0x2CD8;
	s17 =	sadd.s32 $0xF0, s16;
	[sflag:s5] =	ssyncadd.s32 $0xFFFFFB00  }
0xfe: {  	[tilespmem:s24], [sflag:$0x2] =	stream.indirect.gather [hbm4b:s4+s10], $0x20, s17, s10, $0xb8;
	[tilespmem:$0x90D8] =	vst v63  }
0xff: {  	s2 =	simm.s32 $0xD;
	s24 =	simm.s32 $0x2738  }
0x100: {  	[tilespmem:s25], [sflag:$0x7] =	stream.linear.gather [hbm4b:s11+s28], $0x28, $0x38;
	[tilespmem:$0x90D8] =	vst v63  }
0x101: {  	_ =	swait.ge [sflag:s2], $0x500  }
0x102: {  	[sflag:s2] =	ssyncset.done $0x0  }
0x103: {  	s17 =	sadd.s32 $0x118, s16;
	s25 =	simm.s32 $0x31D8;
	[sflag:s2] =	ssyncadd.s32 $0xFFFFFB00  }
0x104: {  	[tilespmem:s30], [sflag:$0x3] =	stream.indirect.gather [hbm4b:s4+s10], $0x20, s17, s10, $0xb8;
	[tilespmem:$0x90D8] =	vst v63  }
0x105: {  	_ = 	snop  }
0x106: {  	[tilespmem:s1], [sflag:$0x8] =	stream.linear.gather [hbm4b:s14+s28], $0x28, $0x38;
	[tilespmem:$0x90D8] =	vst v63  }
0x107: {  	s2 =	simm.s32 $0x2760;
	s1 =	simm.s32 $0xE  }
0x108: {  	_ =	swait.ge [sflag:s1], $0x500  }
0x109: {  	[sflag:s1] =	ssyncset.done $0x0  }
0x10a: {  	s17 =	sadd.s32 $0x140, s16;
	[sflag:s1] =	ssyncadd.s32 $0xFFFFFB00  }
0x10b: {  	[tilespmem:s6], [sflag:$0x4] =	stream.indirect.gather [hbm4b:s4+s10], $0x20, s17, s10, $0xb8;
	[tilespmem:$0x90D8] =	vst v63  }
0x10c: {  	s1 =	simm.s32 $0x36D8;
	s17 =	simm.s32 $0xF  }
0x10d: {  	s6 =	simm.s32 $0x2788  }
0x10e: {  	[tilespmem:s3], [sflag:$0x9] =	stream.linear.gather [hbm4b:s9+s28], $0x28, $0x38;
	[tilespmem:$0x90D8] =	vst v63  }
.Ltmp1:
0x10f: {  	_ =	swait.ge [sflag:s17], $0x500;
	(pc) =	sbr.rel @p0 .LBB2_4-.Ltmp1, $4  }
0x110: {  	s8 =	sadd.s32 $0x19, s8;
	s11 =	sadd.s32 $0x19, s11;
	[sflag:s17] =	ssyncset.done $0x0  }
0x111: {  	s16 =	sadd.s32 $0x168, s16;
	s30 =	simm.s32 $0x3BD8;
	[sflag:s17] =	ssyncadd.s32 $0xFFFFFB00  }
0x112: {  	[tilespmem:s18], [sflag:$0x5] =	stream.indirect.gather [hbm4b:s4+s10], $0x20, s16, s10, $0xb8;
	[tilespmem:$0x90D8] =	vst v63  }
0x113: {  	s12 =	sadd.s32 $0x19, s12;
	s14 =	sadd.s32 $0x19, s14;
	s9 =	sadd.s32 $0x19, s9  }
0x114: {  	s8 =	simm.s32 $0x27B0;
	s3 =	simm.s32 $0x1  }
0x115: {  	[tilespmem:s8], [sflag:$0xA] =	stream.linear.gather [hbm4b:s15+s28], $0x28, $0x38;
	[tilespmem:$0x90D8] =	vst v63  }
0x116: {  	_ =	swait.ge [sflag:s3], $0x500  }
0x117: {  	[sflag:s3] =	ssyncset.done $0x0  }
0x118: {  	s16 =	simm.s32 $0x6;
	[sflag:s3] =	ssyncadd.s32 $0xFFFFFB00  }
0x119: {  	_ =	swait.ge [sflag:s16], $0x28  }
0x11a: {  	[sflag:s16] =	ssyncset.done $0x0  }
0x11b: {  	[sflag:s16] =	ssyncadd.s32 $0xFFFFFFD8  }
0x11c: {  	[spmem:s31] =	stream.indirect.scatter.add.bf16 [tilespmem:s29], [sflag:$0xB], $0x20, s21, s10, $0xb8;
	[tilespmem:$0x90D8] =	vst v63  }
0x11d: {  	_ =	swait.ge [sflag:s7], $0x500  }
0x11e: {  	[sflag:s7] =	ssyncset.done $0x0  }
0x11f: {  	[sflag:s7] =	ssyncadd.s32 $0xFFFFFB00  }
0x120: {  	_ =	swait.ge [sflag:s13], $0x28  }
0x121: {  	[sflag:s13] =	ssyncset.done $0x0  }
0x122: {  	[sflag:s13] =	ssyncadd.s32 $0xFFFFFFD8  }
0x123: {  	[spmem:s31] =	stream.indirect.scatter.add.bf16 [tilespmem:s0], [sflag:$0xC], $0x20, s24, s10, $0xb8;
	[tilespmem:$0x90D8] =	vst v63  }
0x124: {  	_ =	swait.ge [sflag:s20], $0x500  }
0x125: {  	[sflag:s20] =	ssyncset.done $0x0  }
0x126: {  	[sflag:s20] =	ssyncadd.s32 $0xFFFFFB00  }
0x127: {  	_ =	swait.ge [sflag:s19], $0x28  }
0x128: {  	[sflag:s19] =	ssyncset.done $0x0  }
0x129: {  	s18 =	simm.s32 $0x4;
	[sflag:s19] =	ssyncadd.s32 $0xFFFFFFD8  }
0x12a: {  	[spmem:s31] =	stream.indirect.scatter.add.bf16 [tilespmem:s25], [sflag:$0xD], $0x20, s2, s10, $0xb8;
	[tilespmem:$0x90D8] =	vst v63  }
0x12b: {  	_ =	swait.ge [sflag:s18], $0x500  }
0x12c: {  	[sflag:s18] =	ssyncset.done $0x0  }
0x12d: {  	s19 =	simm.s32 $0x9;
	[sflag:s18] =	ssyncadd.s32 $0xFFFFFB00  }
0x12e: {  	_ =	swait.ge [sflag:s19], $0x28  }
0x12f: {  	[sflag:s19] =	ssyncset.done $0x0  }
0x130: {  	s20 =	simm.s32 $0x5;
	[sflag:s19] =	ssyncadd.s32 $0xFFFFFFD8  }
0x131: {  	[spmem:s31] =	stream.indirect.scatter.add.bf16 [tilespmem:s1], [sflag:$0xE], $0x20, s6, s10, $0xb8;
	[tilespmem:$0x90D8] =	vst v63  }
0x132: {  	_ =	swait.ge [sflag:s20], $0x500  }
0x133: {  	[sflag:s20] =	ssyncset.done $0x0  }
0x134: {  	s21 =	simm.s32 $0xA;
	[sflag:s20] =	ssyncadd.s32 $0xFFFFFB00  }
0x135: {  	_ =	swait.ge [sflag:s21], $0x28  }
0x136: {  	[sflag:s21] =	ssyncset.done $0x0  }
0x137: {  	[sflag:s21] =	ssyncadd.s32 $0xFFFFFFD8  }
0x138: {  	[spmem:s31] =	stream.indirect.scatter.add.bf16 [tilespmem:s30], [sflag:$0xF], $0x20, s8, s10, $0xb8;
	[tilespmem:$0x90D8] =	vst v63  }
0x139: {  	_ =	swait.ge [sflag:s26], $0x500  }
0x13a: {  	[sflag:s26] =	ssyncset.done $0x0  }
0x13b: {  	[sflag:s26] =	ssyncadd.s32 $0xFFFFFB00  }
0x13c: {  	_ =	swait.ge [sflag:s5], $0x500  }
0x13d: {  	[sflag:s5] =	ssyncset.done $0x0  }
0x13e: {  	s22 =	simm.s32 $0xD;
	[sflag:s5] =	ssyncadd.s32 $0xFFFFFB00  }
0x13f: {  	_ =	swait.ge [sflag:s22], $0x500  }
0x140: {  	[sflag:s22] =	ssyncset.done $0x0  }
0x141: {  	s23 =	simm.s32 $0xE;
	[sflag:s22] =	ssyncadd.s32 $0xFFFFFB00  }
0x142: {  	_ =	swait.ge [sflag:s23], $0x500  }
0x143: {  	[sflag:s23] =	ssyncset.done $0x0  }
0x144: {  	[sflag:s23] =	ssyncadd.s32 $0xFFFFFB00  }
0x145: {  	_ =	swait.ge [sflag:s17], $0x500  }
0x146: {  	[sflag:s17] =	ssyncset.done $0x0  }
0x147: {  	[sflag:s17] =	ssyncadd.s32 $0xFFFFFB00  }
0x148: {  	s24 =	stileid.u32;
	[bflag:$0x0] =	sbarrier.arrive $0xFFFF  }
0x149: {  	s8 =	sshll.u32 s24, $0x6;
	s9 =	rddreg [dreg:$0xa]  }
0x14a: {  	s12 =	simm.s32 $0x10;
	s8 =	sor.u32 $0x1C10, s8;
	s11 =	rddreg [dreg:$0x18]  }
0x14b: {  	[hbm:s9], [sflag:s8] =	dma.local [spmem:s11], $0xA00  }
0x14c: {  	_ =	swait.ge [sflag:s12], $0xA00  }
0x14d: {  	s14 =	simm.s32 $0x27D8;
	s25 =	sld [smem:$0x7FB]  }
0x14e: {  	s15 =	simm.s32 $0x2710;
	s3 =	simm.s32 $0x0;
	s16 =	simm.s32 $0x2CD8  }
0x14f: {  	s29 =	simm.s32 $0xB;
	s7 =	simm.s32 $0x2;
	s13 =	simm.s32 $0x7  }
0x150: {  	s0 =	simm.s32 $0x27B0;
	s26 =	rddreg [dreg:$0xb];
	s1 =	sadd.s32 $0x1, s25  }
0x151: {  	s2 =	simm.s32 $0xD;
	s18 =	simm.s32 $0x3;
	p0 =	sne.s32 s1, s26  }
.Ltmp2:
0x152: {  	s19 =	simm.s32 $0x8;
	s6 =	simm.s32 $0x3BD8;
	(pc) =	sbr.rel @p0 .LBB2_1-.Ltmp2, $4  }
0x153: {  	s20 =	simm.s32 $0x4;
	s21 =	simm.s32 $0x9;
	s24 =	simm.s32 $0x36D8  }
0x154: {  	s30 =	simm.s32 $0xC;
	s5 =	simm.s32 $0x2738;
	s22 =	simm.s32 $0x5  }
0x155: {  	s23 =	simm.s32 $0x2760;
	s17 =	simm.s32 $0x31D8;
	[sflag:s12] =	ssyncset.done $0x0  }
0x156: {  	[sflag:s12] =	ssyncadd.s32 $0xFFFFF600;
	s25 =	simm.s32 $0x2788;
	s26 =	simm.s32 $0xA  }
0x157: {  	_ =	sfence.sel $0x180000  }
0x158: {  	[bflag:$0x0] =	sbarrier.arrive $0xFFFF  }
0x159: {  	_ =	strace $0x9000004D  }
0x15a: {  	s0 =	stileid.u32;
	[bflag:$0x2] =	sbarrier.arrive $0xFFFF  }
0x15b: {  	p0 =	sne.s32 s0, $0x0;
	s0 =	rddreg [dreg:$0x3]  }
0x15c: {  	s0 =	sadd.s32 @!p0 $0x100000, s0  }
0x15d: {  	[sflag:s0] =	ssyncadd.tile.s32 @!p0 $0x1;
	_ =	shalt  }
.Lfunc_end2:
_tile_overlayer_lowered:
.L_overlay_start_2:
0x15e: {  	(tag) =	ssettag $0x2  }
0x15f: {  	s0 =	rddreg [dreg:$0x0];
	s2 =	stileid.u32  }
0x160: {  	s1 =	rddreg [dreg:$0x1];
	p0 =	sne.s32 s2, $0x0  }
0x161: {  	s3 =	rddreg [dreg:$0x2];
	[bflag:$0x3] =	sbarrier.arrive $0xFFFF;
	s2 =	simm.s32 @!p0 $0x1C10  }
0x162: {  	[timem:s3], [sflag:s2] =	dma.local @!p0 [hbm:s0], s1  }
0x163: {  	s0 =	simm.s32 @!p0 $0x10  }
0x164: {  	_ =	swait.ge @!p0 [sflag:s0], s1  }
0x165: {  	s1 =	ssub.s32 @!p0 $0x0, s1;
	[sflag:s0] =	ssyncset.done @!p0 $0x0  }
0x166: {  	[sflag:s0] =	ssyncadd.s32 @!p0 s1  }
0x167: {  	[bflag:$0x3] =	sbarrier.arrive $0xFFFF  }
0x168: {  	_ =	shalt  }

// kernel: kernel.8.cloned.1.call-start
scs
__scs_entry_jumppad:
0x0: {  	(pc) =	sbr.rel $0x88, $3  }
0x1: {  	(tag) =	ssettag $0x0;
	lr =	simm.s32 $0x1  }
0x2: {  	[smem:$0x3F9B] =	sst lr;
	_ =	strace $0xD0000000  }
0x3: {  	_ = 	snop  }
0x4: {  	_ = 	snop  }
0x5: {  	_ = 	snop  }
0x6: {  	_ = 	snop  }
0x7: {  	_ = 	snop  }
__scs_overlays_trampoline_lowered:
0x8: {  	[smem:$0x3FAA] =	sst s0  }
0x9: {  	[smem:$0x3FAB] =	sst s1  }
0xa: {  	[smem:$0x3FAC] =	sst s2  }
0xb: {  	[smem:$0x3FAD] =	sst s3  }
0xc: {  	[smem:$0x3FAE] =	sst s4  }
0xd: {  	[smem:$0x3FAF] =	sst s5  }
0xe: {  	[smem:$0x3FB0] =	sst s6  }
0xf: {  	[smem:$0x3FB1] =	sst s7  }
0x10: {  	[smem:$0x3FB2] =	sst s8  }
0x11: {  	[smem:$0x3FB3] =	sst s9;
	s0 =	simm.s32 @!p0 $0x0  }
0x12: {  	s1 =	sld [smem:$0x3F99];
	s0 =	simm.s32 @p0 $0x1  }
0x13: {  	[smem:$0x3FB4] =	sst s0;
	s0 =	simm.s32 @!p1 $0x0  }
0x14: {  	s2 =	sld [smem:$0x3F98];
	s0 =	simm.s32 @p1 $0x1  }
0x15: {  	[smem:$0x3FB5] =	sst s0;
	s0 =	simm.s32 @!p2 $0x0  }
0x16: {  	s3 =	sld [smem:$0x3FDB];
	s0 =	simm.s32 @p2 $0x1  }
0x17: {  	s4 =	simm.s32 $0x1BF5;
	[smem:$0x3FB7] =	sst s0  }
0x18: {  	s0 =	sld [smem:$0x3F9A];
	_ =	swait.ge [sflag:s4], $0x0  }
0x19: {  	s7 =	sld [smem:$0x3F9B]  }
0x1a: {  	s8 =	sadd.s32 $0xFFFFE003, lr  }
0x1b: {  	s9 =	sadd.s32 $0xFFFFFEF7, lr;
	s5 =	simm.s32 $0xFFFFFFFF;
	p2 =	slt.u32 s8, $0xFFFFF086  }
0x1c: {  	p1 =	slt.u32 s9, $0xF7A;
	s5 =	simm.s32 @!p2 $0x0  }
0x1d: {  	s5 =	simm.s32 @p1 $0x1;
	p0 =	seq.s32 s7, s2  }
0x1e: {  	s7 =	smul.u32 @!p0 $0xF7A, s2;
	p2 =	seq.s32 @!p0 s5, $0x0  }
0x1f: {  	s9 =	smul.u32 $0xF7A, s1;
	s8 =	simm.s32 @!p0 $0x1BF5;
	p2 =	por !p2, p0  }
0x20: {  	[sflag:s8] =	ssyncset.s32 @!p0 $0xFFFFF086;
	s6 =	sadd.s32 @!p0 s3, s7;
	s7 =	simm.s32 @!p0 $0x108  }
0x21: {  	s3 =	sadd.s32 s3, s9;
	s6 =	sadd.s32 @!p0 $0x88, s6;
	s7 =	simm.s32 @p2 $0x1082  }
0x22: {  	[simem:s7], [sflag:s8] =	dma.local @!p0 [hbm:s6], $0xF7A  }
0x23: {  	s9 =	sor.u32 $0xD0000000, s2;
	s6 =	simm.s32 $0x108;
	_ =	swait.ge @!p0 [sflag:s8], $0x0  }
0x24: {  	s3 =	sadd.s32 $0x88, s3;
	s6 =	simm.s32 @!p1 $0x1082;
	[sflag:s4] =	ssyncset.s32 $0xFFFFF086  }
0x25: {  	[simem:s6], [sflag:s4] =	dma.local [hbm:s3], $0xF7A  }
0x26: {  	[smem:$0x3F9B] =	sst s1;
	(tag) =	ssettag s2;
	_ =	strace s9  }
0x27: {  	s1 =	sld [smem:$0x3FAB]  }
0x28: {  	s2 =	sld [smem:$0x3FAC]  }
0x29: {  	s4 =	sld [smem:$0x3FAE]  }
0x2a: {  	p0 =	seq.s32 s5, $0x0;
	s5 =	sld [smem:$0x3FAF]  }
0x2b: {  	s6 =	sld [smem:$0x3FB0]  }
0x2c: {  	s7 =	sld [smem:$0x3FB1]  }
0x2d: {  	s3 =	simm.s32 $0x108;
	s8 =	sld [smem:$0x3FB2]  }
0x2e: {  	s3 =	simm.s32 @!p0 $0x1082;
	s9 =	sld [smem:$0x3FB3]  }
0x2f: {  	lr =	sadd.s32 s0, s3;
	s0 =	sld [smem:$0x3FAA]  }
0x30: {  	s3 =	sld [smem:$0x3FAD]  }
0x31: {  	[smem:$0x3FB6] =	sst s10  }
0x32: {  	s10 =	sld [smem:$0x3FB4];
	_ =	sdelay $0x3  }
0x33: {  	p0 =	seq.s32 s10, $0x1;
	s10 =	sld [smem:$0x3FB6];
	_ =	sdelay $0x3  }
0x34: {  	[smem:$0x3FB6] =	sst s10  }
0x35: {  	s10 =	sld [smem:$0x3FB5];
	_ =	sdelay $0x3  }
0x36: {  	p1 =	seq.s32 s10, $0x1;
	s10 =	sld [smem:$0x3FB6];
	_ =	sdelay $0x3  }
0x37: {  	[smem:$0x3FB6] =	sst s10  }
0x38: {  	s10 =	sld [smem:$0x3FB7]  }
0x39: {  	_ = 	snop;
	(pc) =	sbr.ind lr, $3  }
0x3a: {  	_ = 	snop  }
0x3b: {  	_ = 	snop  }
0x3c: {  	p2 =	seq.s32 s10, $0x1;
	s10 =	sld [smem:$0x3FB6]  }
0x3d: {  	_ =	shalt  }
0x3e: {  	_ =	shalt  }
0x3f: {  	_ =	shalt  }
0x40: {  	_ =	shalt  }
0x41: {  	_ =	shalt  }
0x42: {  	_ =	shalt  }
0x43: {  	_ =	shalt  }
0x44: {  	_ =	shalt  }
0x45: {  	_ =	shalt  }
0x46: {  	_ =	shalt  }
0x47: {  	_ =	shalt  }
0x48: {  	_ =	shalt  }
0x49: {  	_ =	shalt  }
0x4a: {  	_ =	shalt  }
0x4b: {  	_ =	shalt  }
0x4c: {  	_ =	shalt  }
0x4d: {  	_ =	shalt  }
0x4e: {  	_ =	shalt  }
0x4f: {  	_ =	shalt  }
0x50: {  	_ =	shalt  }
0x51: {  	_ =	shalt  }
0x52: {  	_ =	shalt  }
0x53: {  	_ =	shalt  }
0x54: {  	_ =	shalt  }
0x55: {  	_ =	shalt  }
0x56: {  	_ =	shalt  }
0x57: {  	_ =	shalt  }
0x58: {  	_ =	shalt  }
0x59: {  	_ =	shalt  }
0x5a: {  	_ =	shalt  }
0x5b: {  	_ =	shalt  }
0x5c: {  	_ =	shalt  }
0x5d: {  	_ =	shalt  }
0x5e: {  	_ =	shalt  }
0x5f: {  	_ =	shalt  }
0x60: {  	_ =	shalt  }
0x61: {  	_ =	shalt  }
0x62: {  	_ =	shalt  }
0x63: {  	_ =	shalt  }
0x64: {  	_ =	shalt  }
0x65: {  	_ =	shalt  }
0x66: {  	_ =	shalt  }
0x67: {  	_ =	shalt  }
0x68: {  	_ =	shalt  }
0x69: {  	_ =	shalt  }
0x6a: {  	_ =	shalt  }
0x6b: {  	_ =	shalt  }
0x6c: {  	_ =	shalt  }
0x6d: {  	_ =	shalt  }
0x6e: {  	_ =	shalt  }
0x6f: {  	_ =	shalt  }
0x70: {  	_ =	shalt  }
0x71: {  	_ =	shalt  }
0x72: {  	_ =	shalt  }
0x73: {  	_ =	shalt  }
0x74: {  	_ =	shalt  }
0x75: {  	_ =	shalt  }
0x76: {  	_ =	shalt  }
0x77: {  	_ =	shalt  }
0x78: {  	_ =	shalt  }
0x79: {  	_ =	shalt  }
0x7a: {  	_ =	shalt  }
0x7b: {  	_ =	shalt  }
0x7c: {  	_ =	shalt  }
0x7d: {  	_ =	shalt  }
0x7e: {  	_ =	shalt  }
0x7f: {  	_ =	shalt  }
0x80: {  	_ =	shalt  }
0x81: {  	_ =	shalt  }
0x82: {  	_ =	shalt  }
0x83: {  	_ =	shalt  }
0x84: {  	_ =	shalt  }
0x85: {  	_ =	shalt  }
0x86: {  	_ =	shalt  }
0x87: {  	_ =	shalt  }
.Lfunc_end0:
.L_simem_size_0:
called_computation_lowered:
.L_overlay_start_0:
0x88: {  	s2 =	sld [smem:$0x3FD9]  }
0x89: {  	s3 =	sld [smem:$0x3FFE];
	_ =	sdelay $0x1  }
0x8a: {  	s1 =	srdreg.scid  }
0x8b: {  	s0 =	sand.u32 $0x1, s1  }
0x8c: {  	s17 =	sshll.u32 s0, $0xA;
	s2 =	sadd.s32 s3, s2  }
0x8d: {  	s2 =	sadd.s32 s2, s17  }
0x8e: {  	[smem:$0x3FC2] =	sst s2  }
0x8f: {  	_ = 	snop  }
0x90: {  	s2 =	sld [smem:$0x3FD0];
	(tm) =	ssettm $0x1  }
0x91: {  	s18 =	sld [smem:$0x3FFB];
	_ =	sdelay $0x3  }
0x92: {  	_ =	strace s18  }
0x93: {  	s3 =	sld [smem:$0x3FFC];
	_ =	sdelay $0x3  }
0x94: {  	_ =	strace s3  }
0x95: {  	s3 =	sld [smem:$0x3FFD];
	_ =	sdelay $0x3  }
0x96: {  	_ =	strace s3  }
0x97: {  	_ =	strace $0x8FFFFFFF  }
0x98: {  	s19 =	sld [smem:$0x3FDB];
	_ =	sdelay $0x1  }
0x99: {  	s4 =	simm.s32 $_scs_section_size  }
0x9a: {  	s5 =	simm.s32 $_size__tile_overlayer_lowered;
	s6 =	simm.s32 $_tile_overlayer_lowered  }
0x9b: {  	s22 =	simm.s32 $0x1BFF;
	s21 =	sshll.u32 s6, $0x1;
	s3 =	sadd.s32 s4, s19  }
0x9c: {  	s7 =	simm.s32 $0x0;
	s20 =	sshll.u32 s5, $0x1;
	s5 =	sadd.s32 s21, s3  }
0x9d: {  	[timem:s7], [sflag:s22] =	dma.local [hbm:s5], s20  }
0x9e: {  	_ =	swait.ge [sflag:s22], s20  }
0x9f: {  	s4 =	ssub.s32 $0x0, s20;
	[sflag:s22] =	ssyncset.done $0x0  }
0xa0: {  	[sflag:s22] =	ssyncadd.s32 s4;
	_ =	sdelay $0x1  }
0xa1: {  	s23 =	simm.s32 $0x1B8B  }
0xa2: {  	_ =	swait.ge [sflag:s23], $0x1  }
0xa3: {  	[sflag:s23] =	ssyncset.done $0x0  }
0xa4: {  	s25 =	simm.s32 $0x1B8E;
	s24 =	sld [smem:$0x3FFE];
	[sflag:s23] =	ssyncadd.s32 $0xFFFFFFFF  }
0xa5: {  	s26 =	simm.s32 $execute0_lowered;
	[smem:$0x3FD2] =	sst s25  }
0xa6: {  	s5 =	sshll.u32 s26, $0x1;
	_ =	strace $0x80000046;
	[dreg:$0x1] =	wrdreg $0xFFFFFFFF  }
0xa7: {  	s28 =	simm.s32 $_size_execute0_lowered;
	s3 =	sadd.s32 s3, s5;
	[dreg:$0x0] =	wrdreg $0x0  }
0xa8: {  	s5 =	sshll.u32 s28, $0x1;
	[dreg:$0x2] =	wrdreg s3  }
0xa9: {  	[dreg:$0x3] =	wrdreg s5  }
0xaa: {  	[dreg:$0x4] =	wrdreg $0xC0  }
0xab: {  	_ =	task [dreg:s7], $0x5FFFF  }
0xac: {  	[dreg:$0x1] =	wrdreg $0xFFFFFFFF  }
0xad: {  	[dreg:$0x0] =	wrdreg $0x60  }
0xae: {  	[dreg:$0x2] =	wrdreg s2  }
0xaf: {  	[dreg:$0x3] =	wrdreg s24  }
0xb0: {  	[dreg:$0x4] =	wrdreg $0x12200  }
0xb1: {  	[dreg:$0x5] =	wrdreg $0x9  }
0xb2: {  	_ =	task.clear_ibuf [dreg:s7], $0x6FFFF;
	_ =	strace $0x90000046  }
0xb3: {  	s29 =	simm.s32 $0x9;
	_ =	strace $0x80000048  }
0xb4: {  	_ =	swait.ge [sflag:s29], $0x1  }
0xb5: {  	[sflag:s29] =	ssyncadd.s32 $0xFFFFFFFF  }
0xb6: {  	_ =	strace $0x90000048  }
0xb7: {  	_ =	sfence  }
0xb8: {  	s30 =	sld [smem:$0x0];
	_ =	sdelay $0x2  }
0xb9: {  	s31 =	sshll.u32 s1, $0xD;
	s1 =	sshrl.u32 s1, $0x2  }
0xba: {  	s3 =	sand.u32 $0x4000, s31;
	s1 =	sadd.s32 s1, s30  }
0xbb: {  	s0 =	sor.u32 s3, s0;
	s1 =	sshll.u32 s1, $0x11  }
0xbc: {  	s0 =	sor.u32 s1, s0  }
0xbd: {  	s0 =	sadd.s32 $0x8F2B, s0  }
0xbe: {  	[sflag:s0] =	ssyncadd.remote.s32 $0x1  }
0xbf: {  	_ =	sfence.sel $0xFFFF  }
0xc0: {  	[dreg:$0x0] =	wrdreg $0xFFFFFFFF;
	(pc) =	sbr.abs _section_cstart, $3  }
0xc1: {  	[dreg:$0x1] =	wrdreg $0xFFFFFFFF  }
0xc2: {  	_ =	task.clear_ibuf [dreg:s7], $0x2FFFF;
	_ =	strace $0x9FFFFFFF  }
0xc3: {  	(tm) =	ssettm $0x7FFFFFFF  }
tec
execute0_lowered:
.L_overlay_start_1:
0x0: {  	(tag) =	ssettag $0x1  }
0x1: {  	s10 =	rddreg [dreg:$0x0]  }
0x2: {  	s0 =	rddreg [dreg:$0x1];
	s9 =	stileid.u32  }
0x3: {  	s1 =	srdreg.scid;
	s6 =	smul.u32 $0x2800, s9  }
0x4: {  	s3 =	rddreg [dreg:$0x2];
	s4 =	simm.s32 $0x0;
	s20 =	smul.u32 $0xA000, s9  }
0x5: {  	s1 =	sand.u32 $0x1, s1;
	s5 =	sshll.u32 s9, $0x1;
	s23 =	smul.u32 $0x4E20, s9  }
0x6: {  	s28 =	simm.s32 $0x500;
	s2 =	smul.u32 $0x28000, s1;
	s5 =	sor.u32 s1, s5  }
0x7: {  	[smem:$0x7FF] =	sst s4;
	s7 =	ssub.s32 $0x2, s1;
	s5 =	smul.u32 $0x2710, s5  }
0x8: {  	_ =	strace $0x80000047;
	s1 =	smul.u32 $0x2710, s1;
	s8 =	sshrl.u32 s7, $0x1  }
0x9: {  	s2 =	sadd.s32 s6, s2;
	s14 =	ssub.s32 s7, s8;
	s5 =	sshrl.u32 s5, $0x3  }
0xa: {  	s1 =	sadd.s32 s1, s23;
	s2 =	sshrl.u32 s2, $0x3;
	s15 =	sadd.s32 s10, s5  }
0xb: {  	s0 =	sadd.s32 s2, s0;
	s2 =	smax.u32 s14, $0x1;
	[dreg:$0xd] =	wrdreg s15  }
0xc: {  	s29 =	sadd.s32 $0x2D0, s1;
	s5 =	sadd.s32 $0x9C40, s15;
	[dreg:$0x18] =	wrdreg s2  }
0xd: {  	s30 =	sadd.s32 $0x4E4D0, s1;
	s16 =	sadd.s32 $0xA, s15;
	[dreg:$0xe] =	wrdreg s5  }
0xe: {  	s31 =	sadd.s32 $0x280, s1;
	s17 =	sadd.s32 $0x9C4A, s15;
	[dreg:$0xf] =	wrdreg s16  }
0xf: {  	s12 =	sadd.s32 $0x4E480, s1;
	s18 =	sadd.s32 $0x14, s15;
	[dreg:$0x10] =	wrdreg s17  }
0x10: {  	s9 =	sshrl.u32 s31, $0x3;
	s19 =	sadd.s32 $0x9C54, s15;
	[dreg:$0x11] =	wrdreg s18  }
0x11: {  	s13 =	sshrl.u32 s12, $0x3;
	s21 =	sadd.s32 $0x1E, s15;
	[dreg:$0x12] =	wrdreg s19  }
0x12: {  	s14 =	sadd.s32 $0x230, s1;
	s22 =	sadd.s32 $0x9C5E, s15;
	[dreg:$0x13] =	wrdreg s21  }
0x13: {  	s12 =	simm.s32 $0x1;
	s24 =	sadd.s32 $0x28, s15;
	[dreg:$0x14] =	wrdreg s22  }
0x14: {  	s8 =	sadd.s32 $0x9C68, s15;
	s0 =	sadd.s32 $0x1E00, s0;
	[dreg:$0x15] =	wrdreg s24  }
0x15: {  	s2 =	sshrl.u32 s29, $0x3;
	s11 =	sadd.s32 s9, s10;
	[dreg:$0x16] =	wrdreg s8  }
0x16: {  	s15 =	sadd.s32 $0x4E430, s1;
	s9 =	simm.s32 $0x6;
	[dreg:$0x17] =	wrdreg s0  }
0x17: {  	s0 =	sadd.s32 s6, s3;
	s5 =	sshrl.u32 s20, $0x2;
	s2 =	sadd.s32 s2, s10  }
0x18: {  	[dreg:$0x6] =	wrdreg s11;
	s19 =	sadd.s32 $0x1E0, s1;
	s21 =	sadd.s32 $0x4E3E0, s1  }
0x19: {  	s22 =	sadd.s32 $0x4E390, s1;
	s1 =	sadd.s32 $0x190, s1;
	[dreg:$0x4] =	wrdreg s2  }
0x1a: {  	s17 =	sshrl.u32 s15, $0x3;
	s2 =	sadd.s32 s13, s10;
	[smem:$0x7FB] =	sst s1  }
0x1b: {  	s15 =	simm.s32 $0x2;
	s18 =	sadd.s32 s17, s10;
	[dreg:$0x7] =	wrdreg s2  }
0x1c: {  	s6 =	simm.s32 $0x0;
	s0 =	sshrl.u32 s0, $0x3;
	[dreg:$0x9] =	wrdreg s18  }
0x1d: {  	s8 =	sadd.s32 s5, s3;
	s20 =	sshrl.u32 s19, $0x3;
	[smem:$0x7FC] =	sst s0  }
0x1e: {  	s24 =	sshrl.u32 s22, $0x3;
	s25 =	sadd.s32 $0x500, s8;
	[dreg:$0x19] =	wrdreg s8  }
0x1f: {  	s13 =	simm.s32 $0x50;
	s26 =	sadd.s32 $0xA00, s8;
	[dreg:$0x1a] =	wrdreg s25  }
0x20: {  	s19 =	simm.s32 $0x5;
	s5 =	sadd.s32 $0xF00, s8;
	[dreg:$0x1b] =	wrdreg s26  }
0x21: {  	s22 =	simm.s32 $0xC;
	s2 =	sadd.s32 s20, s10;
	[dreg:$0x1c] =	wrdreg s5  }
0x22: {  	s17 =	simm.s32 $0xD;
	s29 =	sadd.s32 $0x1900, s8;
	[dreg:$0xa] =	wrdreg s2  }
0x23: {  	s31 =	sadd.s32 $0x2300, s8;
	s18 =	simm.s32 $0x4;
	[dreg:$0x1e] =	wrdreg s29  }
0x24: {  	s20 =	simm.s32 $0xB;
	s25 =	sadd.s32 $0x1400, s8;
	[smem:$0x7FD] =	sst s31  }
0x25: {  	s5 =	sshrl.u32 s30, $0x3;
	s26 =	sadd.s32 s24, s10;
	[dreg:$0x1d] =	wrdreg s25  }
0x26: {  	s30 =	sadd.s32 $0x1E00, s8;
	s24 =	simm.s32 $0xE;
	[dreg:$0xc] =	wrdreg s26  }
0x27: {  	s7 =	sadd.s32 s5, s10;
	s5 =	sshrl.u32 s14, $0x3;
	[dreg:$0x1f] =	wrdreg s30  }
0x28: {  	s25 =	simm.s32 $0xA;
	s26 =	simm.s32 $0xF;
	[dreg:$0x5] =	wrdreg s7  }
0x29: {  	s16 =	sadd.s32 s5, s10;
	s5 =	sshrl.u32 s21, $0x3;
	s21 =	simm.s32 $0x7  }
0x2a: {  	vm0 =	vcmask $0x1F00;
	v0 =	vimm.f32 $0.0e+00;
	v2 =	vimm.f32 $1.000000000e+00;
	[dreg:$0x8] =	wrdreg s16;
	s23 =	sadd.s32 s5, s10;
	s16 =	simm.s32 $0x3  }
0x2b: {  	v1 =	vsel vm0, $0x3F800000, v0;
	v2 =	vsel vm0, $0x0, v2;
	s5 =	simm.s32 $0x9;
	[dreg:$0xb] =	wrdreg s23;
	s23 =	simm.s32 $0x8  }
.LBB2_1:
0x2c: {  	[smem:$0x7FA] =	sst s6;
	s2 =	simm.s32 $0x40;
	s29 =	simm.s32 $0x0  }
.LBB2_2:
0x2d: {  	p0 =	sne.s32 s2, $0x13C0;
	[tilespmem:s29+$0xA00] =	vst v0;
	s30 =	smov.u32 s2;
	s2 =	sadd.s32 $0x40, s2  }
.Ltmp0:
0x2e: {  	[tilespmem:s29+$0x0] =	vst v1;
	(pc) =	sbr.rel @p0 .LBB2_2-.Ltmp0, $2  }
0x2f: {  	[tilespmem:s29+$0x500] =	vst v2;
	_ =	sdelay $0x2  }
0x30: {  	s29 =	sshra.s32 s30, $0x2  }
0x31: {  	[tilespmem:s29+$0xA00] =	vst v0  }
0x32: {  	[tilespmem:s29+$0x0] =	vst v1  }
0x33: {  	[tilespmem:s29+$0x500] =	vst v2;
	s0 =	rddreg [dreg:$0x19];
	s1 =	simm.s32 $0xA00;
	s2 =	simm.s32 $0x10  }
0x34: {  	[spmem:s0] =	stream.linear.scatter [tilespmem:s1], [sflag:$0x10], $0x500, $0x38;
	[tilespmem:$0x3A20] =	vst v63  }
0x35: {  	_ =	swait.ge [sflag:s2], $0x500  }
0x36: {  	[sflag:s2] =	ssyncset.done $0x0  }
0x37: {  	s31 =	rddreg [dreg:$0x1a];
	[sflag:s2] =	ssyncadd.s32 $0xFFFFFB00  }
0x38: {  	[spmem:s31] =	stream.linear.scatter [tilespmem:s1], [sflag:$0x10], $0x500, $0x38;
	[tilespmem:$0x3A20] =	vst v63  }
0x39: {  	_ =	swait.ge [sflag:s2], $0x500  }
0x3a: {  	[sflag:s2] =	ssyncset.done $0x0  }
0x3b: {  	s6 =	rddreg [dreg:$0x1b];
	[sflag:s2] =	ssyncadd.s32 $0xFFFFFB00  }
0x3c: {  	[spmem:s6] =	stream.linear.scatter [tilespmem:s1], [sflag:$0x10], $0x500, $0x38;
	[tilespmem:$0x3A20] =	vst v63  }
0x3d: {  	_ =	swait.ge [sflag:s2], $0x500  }
0x3e: {  	[sflag:s2] =	ssyncset.done $0x0  }
0x3f: {  	s7 =	rddreg [dreg:$0x1c];
	[sflag:s2] =	ssyncadd.s32 $0xFFFFFB00  }
0x40: {  	[spmem:s7] =	stream.linear.scatter [tilespmem:s1], [sflag:$0x10], $0x500, $0x38;
	[tilespmem:$0x3A20] =	vst v63  }
0x41: {  	_ =	swait.ge [sflag:s2], $0x500  }
0x42: {  	[sflag:s2] =	ssyncset.done $0x0  }
0x43: {  	s8 =	rddreg [dreg:$0x1d];
	[sflag:s2] =	ssyncadd.s32 $0xFFFFFB00  }
0x44: {  	[spmem:s8] =	stream.linear.scatter [tilespmem:s1], [sflag:$0x10], $0x500, $0x38;
	[tilespmem:$0x3A20] =	vst v63  }
0x45: {  	_ =	swait.ge [sflag:s2], $0x500  }
0x46: {  	[sflag:s2] =	ssyncset.done $0x0  }
0x47: {  	s10 =	rddreg [dreg:$0x1e];
	[sflag:s2] =	ssyncadd.s32 $0xFFFFFB00  }
0x48: {  	[spmem:s10] =	stream.linear.scatter [tilespmem:s1], [sflag:$0x10], $0x500, $0x38;
	[tilespmem:$0x3A20] =	vst v63  }
0x49: {  	_ =	swait.ge [sflag:s2], $0x500  }
0x4a: {  	[sflag:s2] =	ssyncset.done $0x0  }
0x4b: {  	s11 =	rddreg [dreg:$0x1f];
	[sflag:s2] =	ssyncadd.s32 $0xFFFFFB00  }
0x4c: {  	[spmem:s11] =	stream.linear.scatter [tilespmem:s1], [sflag:$0x10], $0x500, $0x38;
	[tilespmem:$0x3A20] =	vst v63  }
0x4d: {  	_ =	swait.ge [sflag:s2], $0x500  }
0x4e: {  	s14 =	sld [smem:$0x7FD]  }
0x4f: {  	[sflag:s2] =	ssyncset.done $0x0  }
0x50: {  	[sflag:s2] =	ssyncadd.s32 $0xFFFFFB00  }
0x51: {  	[spmem:s14] =	stream.linear.scatter [tilespmem:s1], [sflag:$0x10], $0x500, $0x38;
	[tilespmem:$0x3A20] =	vst v63  }
0x52: {  	_ =	swait.ge [sflag:s2], $0x500  }
0x53: {  	[sflag:s2] =	ssyncset.done $0x0  }
0x54: {  	[sflag:s2] =	ssyncadd.s32 $0xFFFFFB00  }
0x55: {  	[bflag:$0x0] =	sbarrier.arrive $0xFFFF  }
0x56: {  	s1 =	simm.s32 $0xF00;
	s2 =	simm.s32 $0x0;
	s31 =	rddreg [dreg:$0xd]  }
0x57: {  	[tilespmem:s1], [sflag:$0x1] =	stream.linear.gather [hbm4b:s31+s2], $0x50, $0x38;
	[tilespmem:$0x3A20] =	vst v63  }
0x58: {  	s6 =	rddreg [dreg:$0xe];
	s31 =	simm.s32 $0x1090  }
0x59: {  	[tilespmem:s31], [sflag:$0x1] =	stream.linear.gather [hbm4b:s6+s2], $0x50, $0x38;
	[tilespmem:$0x3A20] =	vst v63  }
0x5a: {  	s30 =	simm.s32 $0xF50;
	s7 =	rddreg [dreg:$0xf]  }
0x5b: {  	[tilespmem:s30], [sflag:$0x2] =	stream.linear.gather [hbm4b:s7+s2], $0x50, $0x38;
	[tilespmem:$0x3A20] =	vst v63  }
0x5c: {  	s14 =	simm.s32 $0x10E0;
	s8 =	rddreg [dreg:$0x10]  }
0x5d: {  	[tilespmem:s14], [sflag:$0x2] =	stream.linear.gather [hbm4b:s8+s2], $0x50, $0x38;
	[tilespmem:$0x3A20] =	vst v63  }
0x5e: {  	s10 =	rddreg [dreg:$0x11];
	s6 =	simm.s32 $0xFA0  }
0x5f: {  	[tilespmem:s6], [sflag:$0x3] =	stream.linear.gather [hbm4b:s10+s2], $0x50, $0x38;
	[tilespmem:$0x3A20] =	vst v63  }
0x60: {  	s11 =	rddreg [dreg:$0x12];
	s7 =	simm.s32 $0x1130  }
0x61: {  	[tilespmem:s7], [sflag:$0x3] =	stream.linear.gather [hbm4b:s11+s2], $0x50, $0x38;
	[tilespmem:$0x3A20] =	vst v63  }
0x62: {  	s8 =	rddreg [dreg:$0x13];
	s11 =	simm.s32 $0xFF0  }
0x63: {  	[tilespmem:s11], [sflag:$0x4] =	stream.linear.gather [hbm4b:s8+s2], $0x50, $0x38;
	[tilespmem:$0x3A20] =	vst v63  }
0x64: {  	s10 =	rddreg [dreg:$0x14];
	s8 =	simm.s32 $0x1180  }
0x65: {  	[tilespmem:s8], [sflag:$0x4] =	stream.linear.gather [hbm4b:s10+s2], $0x50, $0x38;
	[tilespmem:$0x3A20] =	vst v63  }
0x66: {  	s0 =	rddreg [dreg:$0x15];
	s10 =	simm.s32 $0x1040  }
0x67: {  	[tilespmem:s10], [sflag:$0x5] =	stream.linear.gather [hbm4b:s0+s2], $0x50, $0x38;
	[tilespmem:$0x3A20] =	vst v63  }
0x68: {  	s0 =	rddreg [dreg:$0x16];
	s10 =	simm.s32 $0x11D0  }
0x69: {  	[tilespmem:s10], [sflag:$0x5] =	stream.linear.gather [hbm4b:s0+s2], $0x50, $0x38;
	[tilespmem:$0x3A20] =	vst v63  }
0x6a: {  	_ =	swait.ge [sflag:s12], $0x50  }
0x6b: {  	[sflag:s12] =	ssyncset.done $0x0  }
0x6c: {  	[sflag:s12] =	ssyncadd.s32 $0xFFFFFFB0  }
0x6d: {  	_ =	swait.ge [sflag:s12], $0x50  }
0x6e: {  	[sflag:s12] =	ssyncset.done $0x0  }
0x6f: {  	[sflag:s12] =	ssyncadd.s32 $0xFFFFFFB0  }
0x70: {  	[spmem:s3] =	stream.indirect.scatter.add.f32 [tilespmem:s4], [sflag:$0x6], $0x10, s1, s13, $0xb8;
	[tilespmem:$0x3A20] =	vst v63  }
0x71: {  	_ = 	snop  }
0x72: {  	[spmem:s3] =	stream.indirect.scatter.add.f32 [tilespmem:s28], [sflag:$0xB], $0x10, s31, s13, $0xb8;
	[tilespmem:$0x3A20] =	vst v63  }
0x73: {  	_ =	swait.ge [sflag:s15], $0x50  }
0x74: {  	[sflag:s15] =	ssyncset.done $0x0  }
0x75: {  	[sflag:s15] =	ssyncadd.s32 $0xFFFFFFB0  }
0x76: {  	_ =	swait.ge [sflag:s15], $0x50  }
0x77: {  	[sflag:s15] =	ssyncset.done $0x0  }
0x78: {  	[sflag:s15] =	ssyncadd.s32 $0xFFFFFFB0  }
0x79: {  	[spmem:s3] =	stream.indirect.scatter.add.f32 [tilespmem:s4], [sflag:$0x7], $0x10, s30, s13, $0xb8;
	[tilespmem:$0x3A20] =	vst v63  }
0x7a: {  	_ = 	snop  }
0x7b: {  	[spmem:s3] =	stream.indirect.scatter.add.f32 [tilespmem:s28], [sflag:$0xC], $0x10, s14, s13, $0xb8;
	[tilespmem:$0x3A20] =	vst v63  }
0x7c: {  	_ =	swait.ge [sflag:s16], $0x50  }
0x7d: {  	[sflag:s16] =	ssyncset.done $0x0  }
0x7e: {  	[sflag:s16] =	ssyncadd.s32 $0xFFFFFFB0  }
0x7f: {  	_ =	swait.ge [sflag:s16], $0x50  }
0x80: {  	[sflag:s16] =	ssyncset.done $0x0  }
0x81: {  	[sflag:s16] =	ssyncadd.s32 $0xFFFFFFB0  }
0x82: {  	[spmem:s3] =	stream.indirect.scatter.add.f32 [tilespmem:s4], [sflag:$0x8], $0x10, s6, s13, $0xb8;
	[tilespmem:$0x3A20] =	vst v63  }
0x83: {  	_ = 	snop  }
0x84: {  	[spmem:s3] =	stream.indirect.scatter.add.f32 [tilespmem:s28], [sflag:$0xD], $0x10, s7, s13, $0xb8;
	[tilespmem:$0x3A20] =	vst v63  }
0x85: {  	_ =	swait.ge [sflag:s18], $0x50  }
0x86: {  	[sflag:s18] =	ssyncset.done $0x0  }
0x87: {  	[sflag:s18] =	ssyncadd.s32 $0xFFFFFFB0  }
0x88: {  	_ =	swait.ge [sflag:s18], $0x50  }
0x89: {  	[sflag:s18] =	ssyncset.done $0x0  }
0x8a: {  	[sflag:s18] =	ssyncadd.s32 $0xFFFFFFB0  }
0x8b: {  	[spmem:s3] =	stream.indirect.scatter.add.f32 [tilespmem:s4], [sflag:$0x9], $0x10, s11, s13, $0xb8;
	[tilespmem:$0x3A20] =	vst v63  }
0x8c: {  	_ = 	snop  }
0x8d: {  	[spmem:s3] =	stream.indirect.scatter.add.f32 [tilespmem:s28], [sflag:$0xE], $0x10, s8, s13, $0xb8;
	[tilespmem:$0x3A20] =	vst v63  }
0x8e: {  	_ =	swait.ge [sflag:s19], $0x50  }
0x8f: {  	[sflag:s19] =	ssyncset.done $0x0  }
0x90: {  	[sflag:s19] =	ssyncadd.s32 $0xFFFFFFB0  }
0x91: {  	_ =	swait.ge [sflag:s19], $0x50  }
0x92: {  	[sflag:s19] =	ssyncset.done $0x0  }
0x93: {  	s29 =	simm.s32 $0x1040;
	[sflag:s19] =	ssyncadd.s32 $0xFFFFFFB0  }
0x94: {  	[spmem:s3] =	stream.indirect.scatter.add.f32 [tilespmem:s4], [sflag:$0xA], $0x10, s29, s13, $0xb8;
	[tilespmem:$0x3A20] =	vst v63  }
0x95: {  	_ = 	snop  }
0x96: {  	[spmem:s3] =	stream.indirect.scatter.add.f32 [tilespmem:s28], [sflag:$0xF], $0x10, s10, s13, $0xb8;
	[tilespmem:$0x3A20] =	vst v63  }
0x97: {  	_ =	swait.ge [sflag:s9], $0x500  }
0x98: {  	[sflag:s9] =	ssyncset.done $0x0  }
0x99: {  	[sflag:s9] =	ssyncadd.s32 $0xFFFFFB00  }
0x9a: {  	_ =	swait.ge [sflag:s20], $0x500  }
0x9b: {  	s0 =	sld [smem:$0x7FB]  }
0x9c: {  	[sflag:s20] =	ssyncset.done $0x0  }
0x9d: {  	[sflag:s20] =	ssyncadd.s32 $0xFFFFFB00  }
0x9e: {  	s20 =	rddreg [dreg:$0x0];
	s10 =	sshrl.u32 s0, $0x3  }
0x9f: {  	s29 =	rddreg [dreg:$0xc];
	s2 =	sadd.s32 s20, s10  }
0xa0: {  	[tilespmem:s1], [sflag:$0x1] =	stream.linear.gather [hbm4b:s2+s4], $0x50, $0x38;
	[tilespmem:$0x3A20] =	vst v63  }
0xa1: {  	s9 =	sadd.s32 $0x0, s29  }
0xa2: {  	[tilespmem:s31], [sflag:$0x1] =	stream.linear.gather [hbm4b:s9+s4], $0x50, $0x38;
	[tilespmem:$0x3A20] =	vst v63  }
0xa3: {  	_ =	swait.ge [sflag:s21], $0x500  }
0xa4: {  	[sflag:s21] =	ssyncset.done $0x0  }
0xa5: {  	[sflag:s21] =	ssyncadd.s32 $0xFFFFFB00  }
0xa6: {  	_ =	swait.ge [sflag:s22], $0x500  }
0xa7: {  	s10 =	rddreg [dreg:$0xa];
	[sflag:s22] =	ssyncset.done $0x0  }
0xa8: {  	s29 =	rddreg [dreg:$0xb];
	[sflag:s22] =	ssyncadd.s32 $0xFFFFFB00;
	s2 =	sadd.s32 $0x0, s10  }
0xa9: {  	[tilespmem:s30], [sflag:$0x2] =	stream.linear.gather [hbm4b:s2+s4], $0x50, $0x38;
	[tilespmem:$0x3A20] =	vst v63  }
0xaa: {  	s20 =	sadd.s32 $0x0, s29  }
0xab: {  	[tilespmem:s14], [sflag:$0x2] =	stream.linear.gather [hbm4b:s20+s4], $0x50, $0x38;
	[tilespmem:$0x3A20] =	vst v63  }
0xac: {  	_ =	swait.ge [sflag:s23], $0x500  }
0xad: {  	[sflag:s23] =	ssyncset.done $0x0  }
0xae: {  	[sflag:s23] =	ssyncadd.s32 $0xFFFFFB00  }
0xaf: {  	_ =	swait.ge [sflag:s17], $0x500  }
0xb0: {  	s21 =	rddreg [dreg:$0x8];
	[sflag:s17] =	ssyncset.done $0x0  }
0xb1: {  	s29 =	rddreg [dreg:$0x9];
	[sflag:s17] =	ssyncadd.s32 $0xFFFFFB00;
	s2 =	sadd.s32 $0x0, s21  }
0xb2: {  	[tilespmem:s6], [sflag:$0x3] =	stream.linear.gather [hbm4b:s2+s4], $0x50, $0x38;
	[tilespmem:$0x3A20] =	vst v63  }
0xb3: {  	s22 =	sadd.s32 $0x0, s29  }
0xb4: {  	[tilespmem:s7], [sflag:$0x3] =	stream.linear.gather [hbm4b:s22+s4], $0x50, $0x38;
	[tilespmem:$0x3A20] =	vst v63  }
0xb5: {  	_ =	swait.ge [sflag:s5], $0x500  }
0xb6: {  	[sflag:s5] =	ssyncset.done $0x0  }
0xb7: {  	[sflag:s5] =	ssyncadd.s32 $0xFFFFFB00  }
0xb8: {  	_ =	swait.ge [sflag:s24], $0x500  }
0xb9: {  	s23 =	rddreg [dreg:$0x6];
	[sflag:s24] =	ssyncset.done $0x0  }
0xba: {  	s29 =	rddreg [dreg:$0x7];
	[sflag:s24] =	ssyncadd.s32 $0xFFFFFB00;
	s2 =	sadd.s32 $0x0, s23  }
0xbb: {  	[tilespmem:s11], [sflag:$0x4] =	stream.linear.gather [hbm4b:s2+s4], $0x50, $0x38;
	[tilespmem:$0x3A20] =	vst v63  }
0xbc: {  	s24 =	sadd.s32 $0x0, s29  }
0xbd: {  	[tilespmem:s8], [sflag:$0x4] =	stream.linear.gather [hbm4b:s24+s4], $0x50, $0x38;
	[tilespmem:$0x3A20] =	vst v63  }
0xbe: {  	_ =	swait.ge [sflag:s25], $0x500  }
0xbf: {  	[sflag:s25] =	ssyncset.done $0x0  }
0xc0: {  	s31 =	simm.s32 $0x1040;
	[sflag:s25] =	ssyncadd.s32 $0xFFFFFB00  }
0xc1: {  	s21 =	simm.s32 $0x6;
	s17 =	simm.s32 $0xD;
	_ =	swait.ge [sflag:s26], $0x500  }
0xc2: {  	s22 =	simm.s32 $0xB;
	s29 =	simm.s32 $0x32;
	s25 =	rddreg [dreg:$0x4]  }
0xc3: {  	s23 =	simm.s32 $0x7;
	[sflag:s26] =	ssyncset.done $0x0;
	s30 =	rddreg [dreg:$0x5]  }
0xc4: {  	[sflag:s26] =	ssyncadd.s32 $0xFFFFFB00;
	s2 =	sadd.s32 $0x0, s25;
	s30 =	sadd.s32 $0x0, s30  }
0xc5: {  	[tilespmem:s31], [sflag:$0x5] =	stream.linear.gather [hbm4b:s2+s4], $0x50, $0x38;
	[tilespmem:$0x3A20] =	vst v63  }
0xc6: {  	s26 =	simm.s32 $0x8;
	s25 =	simm.s32 $0xC;
	s2 =	sadd.s32 $0x190, s0  }
.LBB2_4:
0xc7: {  	s0 =	simm.s32 $0x11D0  }
0xc8: {  	[tilespmem:s0], [sflag:$0x5] =	stream.linear.gather [hbm4b:s30+s4], $0x50, $0x38;
	[tilespmem:$0x3A20] =	vst v63  }
0xc9: {  	_ =	swait.ge [sflag:s12], $0x50  }
0xca: {  	[sflag:s12] =	ssyncset.done $0x0  }
0xcb: {  	[sflag:s12] =	ssyncadd.s32 $0xFFFFFFB0  }
0xcc: {  	_ =	swait.ge [sflag:s12], $0x50  }
0xcd: {  	[sflag:s12] =	ssyncset.done $0x0  }
0xce: {  	s1 =	simm.s32 $0xF00;
	[sflag:s12] =	ssyncadd.s32 $0xFFFFFFB0  }
0xcf: {  	[spmem:s3] =	stream.indirect.scatter.add.f32 [tilespmem:s4], [sflag:$0x6], $0x10, s1, s13, $0xb8;
	[tilespmem:$0x3A20] =	vst v63  }
0xd0: {  	s14 =	simm.s32 $0x1090  }
0xd1: {  	[spmem:s3] =	stream.indirect.scatter.add.f32 [tilespmem:s28], [sflag:$0xB], $0x10, s14, s13, $0xb8;
	[tilespmem:$0x3A20] =	vst v63  }
0xd2: {  	_ =	swait.ge [sflag:s15], $0x50  }
0xd3: {  	[sflag:s15] =	ssyncset.done $0x0  }
0xd4: {  	[sflag:s15] =	ssyncadd.s32 $0xFFFFFFB0  }
0xd5: {  	_ =	swait.ge [sflag:s15], $0x50  }
0xd6: {  	[sflag:s15] =	ssyncset.done $0x0  }
0xd7: {  	s7 =	simm.s32 $0xF50;
	[sflag:s15] =	ssyncadd.s32 $0xFFFFFFB0  }
0xd8: {  	[spmem:s3] =	stream.indirect.scatter.add.f32 [tilespmem:s4], [sflag:$0x7], $0x10, s7, s13, $0xb8;
	[tilespmem:$0x3A20] =	vst v63  }
0xd9: {  	s20 =	simm.s32 $0x10E0  }
0xda: {  	[spmem:s3] =	stream.indirect.scatter.add.f32 [tilespmem:s28], [sflag:$0xC], $0x10, s20, s13, $0xb8;
	[tilespmem:$0x3A20] =	vst v63  }
0xdb: {  	_ =	swait.ge [sflag:s16], $0x50  }
0xdc: {  	[sflag:s16] =	ssyncset.done $0x0  }
0xdd: {  	[sflag:s16] =	ssyncadd.s32 $0xFFFFFFB0  }
0xde: {  	_ =	swait.ge [sflag:s16], $0x50  }
0xdf: {  	[sflag:s16] =	ssyncset.done $0x0  }
0xe0: {  	s6 =	simm.s32 $0xFA0;
	[sflag:s16] =	ssyncadd.s32 $0xFFFFFFB0  }
0xe1: {  	[spmem:s3] =	stream.indirect.scatter.add.f32 [tilespmem:s4], [sflag:$0x8], $0x10, s6, s13, $0xb8;
	[tilespmem:$0x3A20] =	vst v63  }
0xe2: {  	s8 =	simm.s32 $0x1130  }
0xe3: {  	[spmem:s3] =	stream.indirect.scatter.add.f32 [tilespmem:s28], [sflag:$0xD], $0x10, s8, s13, $0xb8;
	[tilespmem:$0x3A20] =	vst v63  }
0xe4: {  	_ =	swait.ge [sflag:s18], $0x50  }
0xe5: {  	[sflag:s18] =	ssyncset.done $0x0  }
0xe6: {  	[sflag:s18] =	ssyncadd.s32 $0xFFFFFFB0  }
0xe7: {  	_ =	swait.ge [sflag:s18], $0x50  }
0xe8: {  	[sflag:s18] =	ssyncset.done $0x0  }
0xe9: {  	s11 =	simm.s32 $0xFF0;
	[sflag:s18] =	ssyncadd.s32 $0xFFFFFFB0  }
0xea: {  	[spmem:s3] =	stream.indirect.scatter.add.f32 [tilespmem:s4], [sflag:$0x9], $0x10, s11, s13, $0xb8;
	[tilespmem:$0x3A20] =	vst v63  }
0xeb: {  	s9 =	simm.s32 $0x1180  }
0xec: {  	[spmem:s3] =	stream.indirect.scatter.add.f32 [tilespmem:s28], [sflag:$0xE], $0x10, s9, s13, $0xb8;
	[tilespmem:$0x3A20] =	vst v63  }
0xed: {  	_ =	swait.ge [sflag:s19], $0x50  }
0xee: {  	[sflag:s19] =	ssyncset.done $0x0  }
0xef: {  	[sflag:s19] =	ssyncadd.s32 $0xFFFFFFB0  }
0xf0: {  	_ =	swait.ge [sflag:s19], $0x50  }
0xf1: {  	[sflag:s19] =	ssyncset.done $0x0  }
0xf2: {  	s10 =	simm.s32 $0x1040;
	[sflag:s19] =	ssyncadd.s32 $0xFFFFFFB0  }
0xf3: {  	[spmem:s3] =	stream.indirect.scatter.add.f32 [tilespmem:s4], [sflag:$0xA], $0x10, s10, s13, $0xb8;
	[tilespmem:$0x3A20] =	vst v63  }
0xf4: {  	_ = 	snop  }
0xf5: {  	[spmem:s3] =	stream.indirect.scatter.add.f32 [tilespmem:s28], [sflag:$0xF], $0x10, s0, s13, $0xb8;
	[tilespmem:$0x3A20] =	vst v63  }
0xf6: {  	_ =	swait.ge [sflag:s21], $0x500  }
0xf7: {  	[sflag:s21] =	ssyncset.done $0x0  }
0xf8: {  	[sflag:s21] =	ssyncadd.s32 $0xFFFFFB00  }
0xf9: {  	_ =	swait.ge [sflag:s22], $0x500  }
0xfa: {  	[sflag:s22] =	ssyncset.done $0x0  }
0xfb: {  	[sflag:s22] =	ssyncadd.s32 $0xFFFFFB00  }
0xfc: {  	s31 =	sshrl.u32 s2, $0x3;
	s5 =	rddreg [dreg:$0x0]  }
0xfd: {  	s30 =	smov.u32 s29;
	s0 =	rddreg [dreg:$0xc];
	s31 =	sadd.s32 s5, s31  }
0xfe: {  	[tilespmem:s1], [sflag:$0x1] =	stream.linear.gather [hbm4b:s31+s4], $0x50, $0x38;
	[tilespmem:$0x3A20] =	vst v63  }
0xff: {  	s0 =	sadd.s32 s30, s0  }
0x100: {  	[tilespmem:s14], [sflag:$0x1] =	stream.linear.gather [hbm4b:s0+s4], $0x50, $0x38;
	[tilespmem:$0x3A20] =	vst v63  }
0x101: {  	_ =	swait.ge [sflag:s23], $0x500  }
0x102: {  	[sflag:s23] =	ssyncset.done $0x0  }
0x103: {  	[sflag:s23] =	ssyncadd.s32 $0xFFFFFB00  }
0x104: {  	_ =	swait.ge [sflag:s25], $0x500  }
0x105: {  	s1 =	rddreg [dreg:$0xa];
	[sflag:s25] =	ssyncset.done $0x0  }
0x106: {  	s14 =	rddreg [dreg:$0xb];
	[sflag:s25] =	ssyncadd.s32 $0xFFFFFB00;
	s0 =	sadd.s32 s30, s1  }
0x107: {  	[tilespmem:s7], [sflag:$0x2] =	stream.linear.gather [hbm4b:s0+s4], $0x50, $0x38;
	[tilespmem:$0x3A20] =	vst v63  }
0x108: {  	s31 =	sadd.s32 s30, s14  }
0x109: {  	[tilespmem:s20], [sflag:$0x2] =	stream.linear.gather [hbm4b:s31+s4], $0x50, $0x38;
	[tilespmem:$0x3A20] =	vst v63  }
0x10a: {  	_ =	swait.ge [sflag:s26], $0x500  }
0x10b: {  	[sflag:s26] =	ssyncset.done $0x0  }
0x10c: {  	[sflag:s26] =	ssyncadd.s32 $0xFFFFFB00  }
0x10d: {  	_ =	swait.ge [sflag:s17], $0x500  }
0x10e: {  	s7 =	rddreg [dreg:$0x8];
	[sflag:s17] =	ssyncset.done $0x0  }
0x10f: {  	s20 =	rddreg [dreg:$0x9];
	[sflag:s17] =	ssyncadd.s32 $0xFFFFFB00;
	s0 =	sadd.s32 s30, s7  }
0x110: {  	[tilespmem:s6], [sflag:$0x3] =	stream.linear.gather [hbm4b:s0+s4], $0x50, $0x38;
	[tilespmem:$0x3A20] =	vst v63  }
0x111: {  	s31 =	simm.s32 $0x9;
	s6 =	sadd.s32 s30, s20  }
0x112: {  	[tilespmem:s8], [sflag:$0x3] =	stream.linear.gather [hbm4b:s6+s4], $0x50, $0x38;
	[tilespmem:$0x3A20] =	vst v63  }
0x113: {  	_ =	swait.ge [sflag:s31], $0x500  }
0x114: {  	[sflag:s31] =	ssyncset.done $0x0  }
0x115: {  	s0 =	simm.s32 $0xE;
	[sflag:s31] =	ssyncadd.s32 $0xFFFFFB00  }
0x116: {  	p0 =	sne.s32 s29, $0x47E;
	_ =	swait.ge [sflag:s0], $0x500  }
0x117: {  	s24 =	simm.s32 $0xF00;
	s8 =	rddreg [dreg:$0x6];
	[sflag:s0] =	ssyncset.done $0x0  }
0x118: {  	s31 =	rddreg [dreg:$0x7];
	[sflag:s0] =	ssyncadd.s32 $0xFFFFFB00;
	s0 =	sadd.s32 s30, s8  }
0x119: {  	[tilespmem:s11], [sflag:$0x4] =	stream.linear.gather [hbm4b:s0+s4], $0x50, $0x38;
	[tilespmem:$0x3A20] =	vst v63  }
0x11a: {  	s2 =	sadd.s32 $0x190, s2;
	s11 =	sadd.s32 s30, s31;
	s31 =	simm.s32 $0xA  }
0x11b: {  	[tilespmem:s9], [sflag:$0x4] =	stream.linear.gather [hbm4b:s11+s4], $0x50, $0x38;
	[tilespmem:$0x3A20] =	vst v63  }
0x11c: {  	s29 =	sadd.s32 $0x32, s29;
	s5 =	simm.s32 $0x1090;
	_ =	swait.ge [sflag:s31], $0x500  }
0x11d: {  	s1 =	simm.s32 $0xF50;
	s14 =	simm.s32 $0x10E0;
	[sflag:s31] =	ssyncset.done $0x0  }
0x11e: {  	s7 =	simm.s32 $0xFA0;
	s0 =	simm.s32 $0xF;
	[sflag:s31] =	ssyncadd.s32 $0xFFFFFB00  }
.Ltmp1:
0x11f: {  	s20 =	simm.s32 $0x1130;
	_ =	swait.ge [sflag:s0], $0x500;
	(pc) =	sbr.rel @p0 .LBB2_4-.Ltmp1, $4  }
0x120: {  	s6 =	simm.s32 $0x1180;
	s11 =	rddreg [dreg:$0x4];
	[sflag:s0] =	ssyncset.done $0x0  }
0x121: {  	s8 =	simm.s32 $0xFF0;
	s31 =	rddreg [dreg:$0x5];
	[sflag:s0] =	ssyncadd.s32 $0xFFFFFB00  }
0x122: {  	s0 =	sadd.s32 s30, s11;
	s11 =	simm.s32 $0x1040;
	s30 =	sadd.s32 s30, s31  }
0x123: {  	[tilespmem:s10], [sflag:$0x5] =	stream.linear.gather [hbm4b:s0+s4], $0x50, $0x38;
	[tilespmem:$0x3A20] =	vst v63  }
0x124: {  	s0 =	simm.s32 $0x11D0  }
0x125: {  	[tilespmem:s0], [sflag:$0x5] =	stream.linear.gather [hbm4b:s30+s4], $0x50, $0x38;
	[tilespmem:$0x3A20] =	vst v63  }
0x126: {  	_ =	swait.ge [sflag:s12], $0x50  }
0x127: {  	[sflag:s12] =	ssyncset.done $0x0  }
0x128: {  	[sflag:s12] =	ssyncadd.s32 $0xFFFFFFB0  }
0x129: {  	_ =	swait.ge [sflag:s12], $0x50  }
0x12a: {  	[sflag:s12] =	ssyncset.done $0x0  }
0x12b: {  	[sflag:s12] =	ssyncadd.s32 $0xFFFFFFB0  }
0x12c: {  	[spmem:s3] =	stream.indirect.scatter.add.f32 [tilespmem:s4], [sflag:$0x6], $0x10, s24, s13, $0xb8;
	[tilespmem:$0x3A20] =	vst v63  }
0x12d: {  	_ = 	snop  }
0x12e: {  	[spmem:s3] =	stream.indirect.scatter.add.f32 [tilespmem:s28], [sflag:$0xB], $0x10, s5, s13, $0xb8;
	[tilespmem:$0x3A20] =	vst v63  }
0x12f: {  	_ =	swait.ge [sflag:s15], $0x50  }
0x130: {  	[sflag:s15] =	ssyncset.done $0x0  }
0x131: {  	[sflag:s15] =	ssyncadd.s32 $0xFFFFFFB0  }
0x132: {  	_ =	swait.ge [sflag:s15], $0x50  }
0x133: {  	[sflag:s15] =	ssyncset.done $0x0  }
0x134: {  	[sflag:s15] =	ssyncadd.s32 $0xFFFFFFB0  }
0x135: {  	[spmem:s3] =	stream.indirect.scatter.add.f32 [tilespmem:s4], [sflag:$0x7], $0x10, s1, s13, $0xb8;
	[tilespmem:$0x3A20] =	vst v63  }
0x136: {  	_ = 	snop  }
0x137: {  	[spmem:s3] =	stream.indirect.scatter.add.f32 [tilespmem:s28], [sflag:$0xC], $0x10, s14, s13, $0xb8;
	[tilespmem:$0x3A20] =	vst v63  }
0x138: {  	_ =	swait.ge [sflag:s16], $0x50  }
0x139: {  	[sflag:s16] =	ssyncset.done $0x0  }
0x13a: {  	[sflag:s16] =	ssyncadd.s32 $0xFFFFFFB0  }
0x13b: {  	_ =	swait.ge [sflag:s16], $0x50  }
0x13c: {  	[sflag:s16] =	ssyncset.done $0x0  }
0x13d: {  	[sflag:s16] =	ssyncadd.s32 $0xFFFFFFB0  }
0x13e: {  	[spmem:s3] =	stream.indirect.scatter.add.f32 [tilespmem:s4], [sflag:$0x8], $0x10, s7, s13, $0xb8;
	[tilespmem:$0x3A20] =	vst v63  }
0x13f: {  	_ = 	snop  }
0x140: {  	[spmem:s3] =	stream.indirect.scatter.add.f32 [tilespmem:s28], [sflag:$0xD], $0x10, s20, s13, $0xb8;
	[tilespmem:$0x3A20] =	vst v63  }
0x141: {  	_ =	swait.ge [sflag:s18], $0x50  }
0x142: {  	[sflag:s18] =	ssyncset.done $0x0  }
0x143: {  	[sflag:s18] =	ssyncadd.s32 $0xFFFFFFB0  }
0x144: {  	_ =	swait.ge [sflag:s18], $0x50  }
0x145: {  	[sflag:s18] =	ssyncset.done $0x0  }
0x146: {  	[sflag:s18] =	ssyncadd.s32 $0xFFFFFFB0  }
0x147: {  	[spmem:s3] =	stream.indirect.scatter.add.f32 [tilespmem:s4], [sflag:$0x9], $0x10, s8, s13, $0xb8;
	[tilespmem:$0x3A20] =	vst v63  }
0x148: {  	_ = 	snop  }
0x149: {  	[spmem:s3] =	stream.indirect.scatter.add.f32 [tilespmem:s28], [sflag:$0xE], $0x10, s6, s13, $0xb8;
	[tilespmem:$0x3A20] =	vst v63  }
0x14a: {  	_ =	swait.ge [sflag:s19], $0x50  }
0x14b: {  	[sflag:s19] =	ssyncset.done $0x0  }
0x14c: {  	[sflag:s19] =	ssyncadd.s32 $0xFFFFFFB0  }
0x14d: {  	_ =	swait.ge [sflag:s19], $0x50  }
0x14e: {  	[sflag:s19] =	ssyncset.done $0x0  }
0x14f: {  	[sflag:s19] =	ssyncadd.s32 $0xFFFFFFB0  }
0x150: {  	[spmem:s3] =	stream.indirect.scatter.add.f32 [tilespmem:s4], [sflag:$0xA], $0x10, s11, s13, $0xb8;
	[tilespmem:$0x3A20] =	vst v63  }
0x151: {  	_ = 	snop  }
0x152: {  	[spmem:s3] =	stream.indirect.scatter.add.f32 [tilespmem:s28], [sflag:$0xF], $0x10, s0, s13, $0xb8;
	[tilespmem:$0x3A20] =	vst v63  }
0x153: {  	_ =	swait.ge [sflag:s21], $0x500  }
0x154: {  	[sflag:s21] =	ssyncset.done $0x0  }
0x155: {  	[sflag:s21] =	ssyncadd.s32 $0xFFFFFB00  }
0x156: {  	_ =	swait.ge [sflag:s22], $0x500  }
0x157: {  	[sflag:s22] =	ssyncset.done $0x0  }
0x158: {  	[sflag:s22] =	ssyncadd.s32 $0xFFFFFB00  }
0x159: {  	_ =	swait.ge [sflag:s23], $0x500  }
0x15a: {  	[sflag:s23] =	ssyncset.done $0x0  }
0x15b: {  	[sflag:s23] =	ssyncadd.s32 $0xFFFFFB00  }
0x15c: {  	_ =	swait.ge [sflag:s25], $0x500  }
0x15d: {  	[sflag:s25] =	ssyncset.done $0x0  }
0x15e: {  	[sflag:s25] =	ssyncadd.s32 $0xFFFFFB00  }
0x15f: {  	_ =	swait.ge [sflag:s26], $0x500  }
0x160: {  	[sflag:s26] =	ssyncset.done $0x0  }
0x161: {  	[sflag:s26] =	ssyncadd.s32 $0xFFFFFB00  }
0x162: {  	_ =	swait.ge [sflag:s17], $0x500  }
0x163: {  	[sflag:s17] =	ssyncset.done $0x0  }
0x164: {  	s22 =	simm.s32 $0x9;
	[sflag:s17] =	ssyncadd.s32 $0xFFFFFB00  }
0x165: {  	_ =	swait.ge [sflag:s22], $0x500  }
0x166: {  	[sflag:s22] =	ssyncset.done $0x0  }
0x167: {  	s23 =	simm.s32 $0xE;
	[sflag:s22] =	ssyncadd.s32 $0xFFFFFB00  }
0x168: {  	_ =	swait.ge [sflag:s23], $0x500  }
0x169: {  	[sflag:s23] =	ssyncset.done $0x0  }
0x16a: {  	s24 =	simm.s32 $0xA;
	[sflag:s23] =	ssyncadd.s32 $0xFFFFFB00  }
0x16b: {  	_ =	swait.ge [sflag:s24], $0x500  }
0x16c: {  	[sflag:s24] =	ssyncset.done $0x0  }
0x16d: {  	s25 =	simm.s32 $0xF;
	[sflag:s24] =	ssyncadd.s32 $0xFFFFFB00  }
0x16e: {  	_ =	swait.ge [sflag:s25], $0x500  }
0x16f: {  	[sflag:s25] =	ssyncset.done $0x0  }
0x170: {  	[sflag:s25] =	ssyncadd.s32 $0xFFFFFB00  }
0x171: {  	[bflag:$0x0] =	sbarrier.arrive $0xFFFF  }
0x172: {  	s26 =	stileid.u32;
	s29 =	sld [smem:$0x7FC]  }
0x173: {  	s0 =	sshll.u32 s26, $0x6  }
0x174: {  	s0 =	sor.u32 $0x1C10, s0;
	s2 =	rddreg [dreg:$0x17]  }
0x175: {  	[hbm:s2], [sflag:s0] =	dma.local [spmem:s29], $0x500  }
0x176: {  	s29 =	simm.s32 $0x10  }
0x177: {  	_ =	swait.ge [sflag:s29], $0x500  }
0x178: {  	s30 =	sld [smem:$0x7FA];
	_ =	sdelay $0x2  }
0x179: {  	s31 =	rddreg [dreg:$0x18];
	s6 =	sadd.s32 $0x1, s30  }
0x17a: {  	p0 =	sne.s32 s6, s31  }
.Ltmp2:
0x17b: {  	_ = 	snop;
	(pc) =	sbr.rel @p0 .LBB2_1-.Ltmp2, $4  }
0x17c: {  	s9 =	simm.s32 $0x6;
	s5 =	simm.s32 $0x9;
	s20 =	simm.s32 $0xB  }
0x17d: {  	s21 =	simm.s32 $0x7;
	s26 =	simm.s32 $0xF;
	s17 =	simm.s32 $0xD  }
0x17e: {  	s22 =	simm.s32 $0xC;
	s23 =	simm.s32 $0x8;
	[sflag:s29] =	ssyncset.done $0x0  }
0x17f: {  	s24 =	simm.s32 $0xE;
	s25 =	simm.s32 $0xA;
	[sflag:s29] =	ssyncadd.s32 $0xFFFFFB00  }
0x180: {  	_ =	sfence.sel $0x180000  }
0x181: {  	[bflag:$0x0] =	sbarrier.arrive $0xFFFF  }
0x182: {  	_ =	strace $0x90000047  }
0x183: {  	s0 =	stileid.u32;
	[bflag:$0x2] =	sbarrier.arrive $0xFFFF  }
0x184: {  	p0 =	sne.s32 s0, $0x0;
	s0 =	rddreg [dreg:$0x3]  }
0x185: {  	s0 =	sadd.s32 @!p0 $0x100000, s0  }
0x186: {  	[sflag:s0] =	ssyncadd.tile.s32 @!p0 $0x1;
	_ =	shalt  }
.Lfunc_end2:
_tile_overlayer_lowered:
.L_overlay_start_2:
0x187: {  	(tag) =	ssettag $0x2  }
0x188: {  	s0 =	rddreg [dreg:$0x0];
	s2 =	stileid.u32  }
0x189: {  	s1 =	rddreg [dreg:$0x1];
	p0 =	sne.s32 s2, $0x0  }
0x18a: {  	s3 =	rddreg [dreg:$0x2];
	[bflag:$0x3] =	sbarrier.arrive $0xFFFF;
	s2 =	simm.s32 @!p0 $0x1C10  }
0x18b: {  	[timem:s3], [sflag:s2] =	dma.local @!p0 [hbm:s0], s1  }
0x18c: {  	s0 =	simm.s32 @!p0 $0x10  }
0x18d: {  	_ =	swait.ge @!p0 [sflag:s0], s1  }
0x18e: {  	s1 =	ssub.s32 @!p0 $0x0, s1;
	[sflag:s0] =	ssyncset.done @!p0 $0x0  }
0x18f: {  	[sflag:s0] =	ssyncadd.s32 @!p0 s1  }
0x190: {  	[bflag:$0x3] =	sbarrier.arrive $0xFFFF  }
0x191: {  	_ =	shalt  }

</sc_bundles>
